<compile_context>
chip_gen: v7x
topology: tpu7x:2x2x1
jax: 0.10.2.dev20260603
libtpu: 0.0.44.dev20260713+nightly
codegen_flags: <defaults>
</compile_context>

<pallas_src>
import functools

import jax
import jax.numpy as jnp
from jax import lax
from jax.experimental import pallas as pl
from jax.experimental.pallas import tpu as pltpu
from jax.experimental.pallas import tpu_sc as plsc

_LANES = 16
_NB = 16
_NBUF = 4


@functools.lru_cache(maxsize=None)
def _build_sc_embed(S, B, V, D):
    info = plsc.get_sparse_core_info()
    NC, NS = info.num_cores, info.num_subcores
    NW = NC * NS
    assert S % NW == 0 and B % _NB == 0 and D % _LANES == 0
    n_pass = S // NW
    n_chunk = B // _NB
    n_total = n_pass * n_chunk
    assert n_total % _NBUF == 0 and (n_chunk & (n_chunk - 1)) == 0
    chunk_shift = n_chunk.bit_length() - 1
    n_grp = D // _LANES
    mesh = plsc.VectorSubcoreMesh(core_axis_name="c", subcore_axis_name="s")

    @functools.partial(
        pl.kernel,
        mesh=mesh,
        out_type=jax.ShapeDtypeStruct((B, S, D), jnp.float32),
        scratch_types=(
            [pltpu.VMEM((n_total * _NB,), jnp.int32)]
            + [pltpu.VMEM((_NB, D), jnp.float32) for _ in range(_NBUF)]
            + [pltpu.VMEM((n_pass * D,), jnp.float32)]
            + [pltpu.SemaphoreType.DMA for _ in range(2 * _NBUF)]
        ),
    )
    def k(ids_hbm, tok_hbm, pos_hbm, out_hbm, idx_all, *scr):
        rows = scr[:_NBUF]
        pos_v = scr[_NBUF]
        gsem = scr[_NBUF + 1:2 * _NBUF + 1]
        ssem = scr[2 * _NBUF + 1:]
        wid = lax.axis_index("s") * NC + lax.axis_index("c")

        for p in range(n_pass):
            pltpu.sync_copy(ids_hbm.at[wid + NW * p],
                            idx_all.at[pl.ds(p * B, B)])
            pltpu.sync_copy(pos_hbm.at[wid + NW * p],
                            pos_v.at[pl.ds(p * D, D)])

        def ivec(kc):
            return idx_all[pl.ds(kc * _NB, _NB)]

        def out_slc(kc):
            p = lax.shift_right_logical(kc, chunk_shift)
            b0 = (kc - lax.shift_left(p, chunk_shift)) * _NB
            return out_hbm.at[pl.ds(b0, _NB), wid + NW * p]

        def body(kc, b):
            n2 = (b + 2) % _NBUF
            pltpu.make_async_copy(
                tok_hbm.at[ivec(kc)], rows[b], gsem[b]).wait()

            @pl.when(kc >= _NBUF - 2)
            def _():
                pltpu.make_async_copy(
                    rows[n2], out_slc(kc - (_NBUF - 2)), ssem[n2]).wait()

            @pl.when(kc + 2 < n_total)
            def _():
                pltpu.async_copy(
                    tok_hbm.at[ivec(kc + 2)], rows[n2], gsem[n2])

            poff = lax.shift_right_logical(kc, chunk_shift) * D

            def col_body(j, b=b, poff=poff):
                c0 = j * _LANES
                pv = pos_v[pl.ds(poff + c0, _LANES)]
                for r in range(_NB):
                    rows[b][r, pl.ds(c0, _LANES)] += pv

            plsc.parallel_loop(0, n_grp, unroll=4)(col_body)
            pltpu.async_copy(rows[b], out_slc(kc), ssem[b])

        pltpu.async_copy(tok_hbm.at[ivec(0)], rows[0], gsem[0])
        pltpu.async_copy(tok_hbm.at[ivec(1)], rows[1], gsem[1])

        def outer(t, carry):
            for b in range(_NBUF):
                body(t * _NBUF + b, b)
            return carry

        lax.fori_loop(0, n_total // _NBUF, outer, 0)

        for kc_d in range(n_total - (_NBUF - 2), n_total):
            pltpu.make_async_copy(
                rows[kc_d % _NBUF], out_slc(kc_d),
                ssem[kc_d % _NBUF]).wait()

    return k


def kernel(input_ids, token_table, pos_table):
    if input_ids.ndim == 1:
        input_ids = input_ids[None, :]
    B, S = input_ids.shape
    V, D = token_table.shape
    ids_t = input_ids.astype(jnp.int32).T
    return _build_sc_embed(S, B, V, D)(ids_t, token_table, pos_table)

# --- scband reference (transcript-rebuilt; emitter-appended) ---
"""Pipeline reference for scband-siglip-text-embeddings-11527692222674 (READ-ONLY COPY).

The authoritative reference and input builder live on the scoring server;
editing this copy changes nothing except your own understanding.
"""

import jax, jax.numpy as jnp
import numpy as np

VOCAB = 250000
HID = 1152
MAX_POS = 64

def setup_inputs(seed: int = 0) -> dict:
    key = jax.random.key(seed)
    k1, k2, k3 = jax.random.split(key, 3)
    input_ids = jax.random.randint(k1, (1024, 64), 0, VOCAB, dtype=jnp.int64)
    token_table = jax.random.normal(k2, (VOCAB, HID), dtype=jnp.float32) * 0.02
    pos_table = jax.random.normal(k3, (MAX_POS, HID), dtype=jnp.float32) * 0.02
    return {"input_ids": input_ids, "token_table": token_table, "pos_table": pos_table}

def reference(input_ids, token_table, pos_table):
    # handle possible 1-D input like the torch module
    if input_ids.ndim == 1:
        input_ids = input_ids[None, :]
    seq_length = input_ids.shape[1]
    position_ids = jnp.arange(MAX_POS)[None, :seq_length]
    token_embeds = jnp.take(token_table, input_ids, axis=0)          # [B, S, H] gather
    position_embeds = jnp.take(pos_table, position_ids, axis=0)     # [1, S, H] gather
    embeddings = token_embeds + position_embeds
    return embeddings

if __name__ == "__main__":
    import jax
    _d = setup_inputs()
    print(jax.jit(kernel)(*tuple(_d.values())))

</pallas_src>

<mosaic_0001>
#map = affine_map<(d0, d1) -> (0, 0)>
#map1 = affine_map<(d0, d1) -> (0, 0, 0)>
module attributes {stable_mosaic.version = 14 : i64} {
  func.func @k(%arg0: i32, %arg1: i32, %arg2: memref<64x1024xi32, #tpu.memory_space<hbm>>, %arg3: memref<250000x1152xf32, #tpu.memory_space<hbm>>, %arg4: memref<64x1152xf32, #tpu.memory_space<hbm>>, %arg5: memref<1024x64x1152xf32, #tpu.memory_space<hbm>>, %arg6: memref<2048xi32, #tpu.memory_space<vmem>>, %arg7: memref<16x1152xf32, #tpu.memory_space<vmem>>, %arg8: memref<16x1152xf32, #tpu.memory_space<vmem>>, %arg9: memref<16x1152xf32, #tpu.memory_space<vmem>>, %arg10: memref<16x1152xf32, #tpu.memory_space<vmem>>, %arg11: memref<2304xf32, #tpu.memory_space<vmem>>, %arg12: memref<!tpu.dma_semaphore, #tpu.memory_space<semaphore_mem>>, %arg13: memref<!tpu.dma_semaphore, #tpu.memory_space<semaphore_mem>>, %arg14: memref<!tpu.dma_semaphore, #tpu.memory_space<semaphore_mem>>, %arg15: memref<!tpu.dma_semaphore, #tpu.memory_space<semaphore_mem>>, %arg16: memref<!tpu.dma_semaphore, #tpu.memory_space<semaphore_mem>>, %arg17: memref<!tpu.dma_semaphore, #tpu.memory_space<semaphore_mem>>, %arg18: memref<!tpu.dma_semaphore, #tpu.memory_space<semaphore_mem>>, %arg19: memref<!tpu.dma_semaphore, #tpu.memory_space<semaphore_mem>>) attributes {dimension_semantics = [#tpu.dimension_semantics<core_parallel>, #tpu.dimension_semantics<subcore_parallel>], iteration_bounds = array<i64: 2, 16>, scalar_prefetch = 0 : i64, scratch_operands = 14 : i64, tpu.core_type = #tpu.core_type<sc_vector_subcore>, window_params = [{transform_indices = #map}, {transform_indices = #map}, {transform_indices = #map}, {transform_indices = #map1}]} {
    %mul3A = arith.constant 2 : i32
    %mul3A_0 = arith.muli %arg1, %mul3A : i32
    %add3A = arith.addi %mul3A_0, %arg0 : i32
    %add3A_1 = arith.constant 0 : i32
    %add3A_2 = arith.addi %add3A, %add3A_1 : i32
    "tpu.region"() ({
      %run_scoped3A = tpu.sem_alloc : memref<!tpu.dma_semaphore, #tpu.memory_space<semaphore_mem>>
      %dma_start3A_56 = arith.constant 0 : i32
      %dma_start3A_57 = tpu.memref_slice %arg6[%dma_start3A_56] : memref<2048xi32, #tpu.memory_space<vmem>> -> memref<1024xi32, #tpu.memory_space<vmem>>
      %dma_start3A_58 = arith.constant 0 : i32
      %dma_start3A_59 = tpu.memref_slice %arg2[%add3A_2, %dma_start3A_58] : memref<64x1024xi32, #tpu.memory_space<hbm>> -> memref<1x1024xi32, #tpu.memory_space<hbm>>
      %dma_start3A_60 = tpu.memref_squeeze %dma_start3A_59 : memref<1x1024xi32, #tpu.memory_space<hbm>> -> memref<1024xi32, #tpu.memory_space<hbm>>
      %dma_start3A_61 = arith.constant 0 : i32
      %dma_start3A_62 = tpu.memref_slice %arg6[%dma_start3A_61] : memref<2048xi32, #tpu.memory_space<vmem>> -> memref<1024xi32, #tpu.memory_space<vmem>>
      %dma_start3A_63 = arith.constant 0 : i32
      %dma_start3A_64 = tpu.memref_slice %arg2[%add3A_2, %dma_start3A_63] : memref<64x1024xi32, #tpu.memory_space<hbm>> -> memref<1x1024xi32, #tpu.memory_space<hbm>>
      %dma_start3A_65 = tpu.memref_squeeze %dma_start3A_64 : memref<1x1024xi32, #tpu.memory_space<hbm>> -> memref<1024xi32, #tpu.memory_space<hbm>>
      tpu.enqueue_dma source(%dma_start3A_65 : memref<1024xi32, #tpu.memory_space<hbm>>) target(%dma_start3A_62 : memref<1024xi32, #tpu.memory_space<vmem>>) target_semaphore(%run_scoped3A : memref<!tpu.dma_semaphore, #tpu.memory_space<semaphore_mem>>)
      %dma_wait3A_66 = arith.constant 0 : i32
      %dma_wait3A_67 = tpu.memref_slice %arg6[%dma_wait3A_66] : memref<2048xi32, #tpu.memory_space<vmem>> -> memref<1024xi32, #tpu.memory_space<vmem>>
      %dma_wait3A_68 = arith.constant 0 : i32
      %dma_wait3A_69 = tpu.memref_slice %arg2[%add3A_2, %dma_wait3A_68] : memref<64x1024xi32, #tpu.memory_space<hbm>> -> memref<1x1024xi32, #tpu.memory_space<hbm>>
      %dma_wait3A_70 = tpu.memref_squeeze %dma_wait3A_69 : memref<1x1024xi32, #tpu.memory_space<hbm>> -> memref<1024xi32, #tpu.memory_space<hbm>>
      %dma_wait3A_71 = arith.constant 0 : i32
      %dma_wait3A_72 = tpu.memref_slice %arg6[%dma_wait3A_71] : memref<2048xi32, #tpu.memory_space<vmem>> -> memref<1024xi32, #tpu.memory_space<vmem>>
      %dma_wait3A_73 = arith.constant 0 : i32
      %dma_wait3A_74 = tpu.memref_slice %arg2[%add3A_2, %dma_wait3A_73] : memref<64x1024xi32, #tpu.memory_space<hbm>> -> memref<1x1024xi32, #tpu.memory_space<hbm>>
      %dma_wait3A_75 = tpu.memref_squeeze %dma_wait3A_74 : memref<1x1024xi32, #tpu.memory_space<hbm>> -> memref<1024xi32, #tpu.memory_space<hbm>>
      tpu.wait_dma2 semaphore(%run_scoped3A : memref<!tpu.dma_semaphore, #tpu.memory_space<semaphore_mem>>) src(%dma_wait3A_75 : memref<1024xi32, #tpu.memory_space<hbm>>) dst(%dma_wait3A_72 : memref<1024xi32, #tpu.memory_space<vmem>>)
      tpu.yield
    }) : () -> ()
    %add3A_3 = arith.constant 0 : i32
    %add3A_4 = arith.addi %add3A, %add3A_3 : i32
    "tpu.region"() ({
      %run_scoped3A = tpu.sem_alloc : memref<!tpu.dma_semaphore, #tpu.memory_space<semaphore_mem>>
      %dma_start3A_56 = arith.constant 0 : i32
      %dma_start3A_57 = tpu.memref_slice %arg11[%dma_start3A_56] : memref<2304xf32, #tpu.memory_space<vmem>> -> memref<1152xf32, #tpu.memory_space<vmem>>
      %dma_start3A_58 = arith.constant 0 : i32
      %dma_start3A_59 = tpu.memref_slice %arg4[%add3A_4, %dma_start3A_58] : memref<64x1152xf32, #tpu.memory_space<hbm>> -> memref<1x1152xf32, #tpu.memory_space<hbm>>
      %dma_start3A_60 = tpu.memref_squeeze %dma_start3A_59 : memref<1x1152xf32, #tpu.memory_space<hbm>> -> memref<1152xf32, #tpu.memory_space<hbm>>
      %dma_start3A_61 = arith.constant 0 : i32
      %dma_start3A_62 = tpu.memref_slice %arg11[%dma_start3A_61] : memref<2304xf32, #tpu.memory_space<vmem>> -> memref<1152xf32, #tpu.memory_space<vmem>>
      %dma_start3A_63 = arith.constant 0 : i32
      %dma_start3A_64 = tpu.memref_slice %arg4[%add3A_4, %dma_start3A_63] : memref<64x1152xf32, #tpu.memory_space<hbm>> -> memref<1x1152xf32, #tpu.memory_space<hbm>>
      %dma_start3A_65 = tpu.memref_squeeze %dma_start3A_64 : memref<1x1152xf32, #tpu.memory_space<hbm>> -> memref<1152xf32, #tpu.memory_space<hbm>>
      tpu.enqueue_dma source(%dma_start3A_65 : memref<1152xf32, #tpu.memory_space<hbm>>) target(%dma_start3A_62 : memref<1152xf32, #tpu.memory_space<vmem>>) target_semaphore(%run_scoped3A : memref<!tpu.dma_semaphore, #tpu.memory_space<semaphore_mem>>)
      %dma_wait3A_66 = arith.constant 0 : i32
      %dma_wait3A_67 = tpu.memref_slice %arg11[%dma_wait3A_66] : memref<2304xf32, #tpu.memory_space<vmem>> -> memref<1152xf32, #tpu.memory_space<vmem>>
      %dma_wait3A_68 = arith.constant 0 : i32
      %dma_wait3A_69 = tpu.memref_slice %arg4[%add3A_4, %dma_wait3A_68] : memref<64x1152xf32, #tpu.memory_space<hbm>> -> memref<1x1152xf32, #tpu.memory_space<hbm>>
      %dma_wait3A_70 = tpu.memref_squeeze %dma_wait3A_69 : memref<1x1152xf32, #tpu.memory_space<hbm>> -> memref<1152xf32, #tpu.memory_space<hbm>>
      %dma_wait3A_71 = arith.constant 0 : i32
      %dma_wait3A_72 = tpu.memref_slice %arg11[%dma_wait3A_71] : memref<2304xf32, #tpu.memory_space<vmem>> -> memref<1152xf32, #tpu.memory_space<vmem>>
      %dma_wait3A_73 = arith.constant 0 : i32
      %dma_wait3A_74 = tpu.memref_slice %arg4[%add3A_4, %dma_wait3A_73] : memref<64x1152xf32, #tpu.memory_space<hbm>> -> memref<1x1152xf32, #tpu.memory_space<hbm>>
      %dma_wait3A_75 = tpu.memref_squeeze %dma_wait3A_74 : memref<1x1152xf32, #tpu.memory_space<hbm>> -> memref<1152xf32, #tpu.memory_space<hbm>>
      tpu.wait_dma2 semaphore(%run_scoped3A : memref<!tpu.dma_semaphore, #tpu.memory_space<semaphore_mem>>) src(%dma_wait3A_75 : memref<1152xf32, #tpu.memory_space<hbm>>) dst(%dma_wait3A_72 : memref<1152xf32, #tpu.memory_space<vmem>>)
      tpu.yield
    }) : () -> ()
    %add3A_5 = arith.constant 32 : i32
    %add3A_6 = arith.addi %add3A, %add3A_5 : i32
    "tpu.region"() ({
      %run_scoped3A = tpu.sem_alloc : memref<!tpu.dma_semaphore, #tpu.memory_space<semaphore_mem>>
      %dma_start3A_56 = arith.constant 1024 : i32
      %dma_start3A_57 = tpu.memref_slice %arg6[%dma_start3A_56] : memref<2048xi32, #tpu.memory_space<vmem>> -> memref<1024xi32, #tpu.memory_space<vmem>>
      %dma_start3A_58 = arith.constant 0 : i32
      %dma_start3A_59 = tpu.memref_slice %arg2[%add3A_6, %dma_start3A_58] : memref<64x1024xi32, #tpu.memory_space<hbm>> -> memref<1x1024xi32, #tpu.memory_space<hbm>>
      %dma_start3A_60 = tpu.memref_squeeze %dma_start3A_59 : memref<1x1024xi32, #tpu.memory_space<hbm>> -> memref<1024xi32, #tpu.memory_space<hbm>>
      %dma_start3A_61 = arith.constant 1024 : i32
      %dma_start3A_62 = tpu.memref_slice %arg6[%dma_start3A_61] : memref<2048xi32, #tpu.memory_space<vmem>> -> memref<1024xi32, #tpu.memory_space<vmem>>
      %dma_start3A_63 = arith.constant 0 : i32
      %dma_start3A_64 = tpu.memref_slice %arg2[%add3A_6, %dma_start3A_63] : memref<64x1024xi32, #tpu.memory_space<hbm>> -> memref<1x1024xi32, #tpu.memory_space<hbm>>
      %dma_start3A_65 = tpu.memref_squeeze %dma_start3A_64 : memref<1x1024xi32, #tpu.memory_space<hbm>> -> memref<1024xi32, #tpu.memory_space<hbm>>
      tpu.enqueue_dma source(%dma_start3A_65 : memref<1024xi32, #tpu.memory_space<hbm>>) target(%dma_start3A_62 : memref<1024xi32, #tpu.memory_space<vmem>>) target_semaphore(%run_scoped3A : memref<!tpu.dma_semaphore, #tpu.memory_space<semaphore_mem>>)
      %dma_wait3A_66 = arith.constant 1024 : i32
      %dma_wait3A_67 = tpu.memref_slice %arg6[%dma_wait3A_66] : memref<2048xi32, #tpu.memory_space<vmem>> -> memref<1024xi32, #tpu.memory_space<vmem>>
      %dma_wait3A_68 = arith.constant 0 : i32
      %dma_wait3A_69 = tpu.memref_slice %arg2[%add3A_6, %dma_wait3A_68] : memref<64x1024xi32, #tpu.memory_space<hbm>> -> memref<1x1024xi32, #tpu.memory_space<hbm>>
      %dma_wait3A_70 = tpu.memref_squeeze %dma_wait3A_69 : memref<1x1024xi32, #tpu.memory_space<hbm>> -> memref<1024xi32, #tpu.memory_space<hbm>>
      %dma_wait3A_71 = arith.constant 1024 : i32
      %dma_wait3A_72 = tpu.memref_slice %arg6[%dma_wait3A_71] : memref<2048xi32, #tpu.memory_space<vmem>> -> memref<1024xi32, #tpu.memory_space<vmem>>
      %dma_wait3A_73 = arith.constant 0 : i32
      %dma_wait3A_74 = tpu.memref_slice %arg2[%add3A_6, %dma_wait3A_73] : memref<64x1024xi32, #tpu.memory_space<hbm>> -> memref<1x1024xi32, #tpu.memory_space<hbm>>
      %dma_wait3A_75 = tpu.memref_squeeze %dma_wait3A_74 : memref<1x1024xi32, #tpu.memory_space<hbm>> -> memref<1024xi32, #tpu.memory_space<hbm>>
      tpu.wait_dma2 semaphore(%run_scoped3A : memref<!tpu.dma_semaphore, #tpu.memory_space<semaphore_mem>>) src(%dma_wait3A_75 : memref<1024xi32, #tpu.memory_space<hbm>>) dst(%dma_wait3A_72 : memref<1024xi32, #tpu.memory_space<vmem>>)
      tpu.yield
    }) : () -> ()
    %add3A_7 = arith.constant 32 : i32
    %add3A_8 = arith.addi %add3A, %add3A_7 : i32
    "tpu.region"() ({
      %run_scoped3A = tpu.sem_alloc : memref<!tpu.dma_semaphore, #tpu.memory_space<semaphore_mem>>
      %dma_start3A_56 = arith.constant 1152 : i32
      %dma_start3A_57 = tpu.memref_slice %arg11[%dma_start3A_56] : memref<2304xf32, #tpu.memory_space<vmem>> -> memref<1152xf32, #tpu.memory_space<vmem>>
      %dma_start3A_58 = arith.constant 0 : i32
      %dma_start3A_59 = tpu.memref_slice %arg4[%add3A_8, %dma_start3A_58] : memref<64x1152xf32, #tpu.memory_space<hbm>> -> memref<1x1152xf32, #tpu.memory_space<hbm>>
      %dma_start3A_60 = tpu.memref_squeeze %dma_start3A_59 : memref<1x1152xf32, #tpu.memory_space<hbm>> -> memref<1152xf32, #tpu.memory_space<hbm>>
      %dma_start3A_61 = arith.constant 1152 : i32
      %dma_start3A_62 = tpu.memref_slice %arg11[%dma_start3A_61] : memref<2304xf32, #tpu.memory_space<vmem>> -> memref<1152xf32, #tpu.memory_space<vmem>>
      %dma_start3A_63 = arith.constant 0 : i32
      %dma_start3A_64 = tpu.memref_slice %arg4[%add3A_8, %dma_start3A_63] : memref<64x1152xf32, #tpu.memory_space<hbm>> -> memref<1x1152xf32, #tpu.memory_space<hbm>>
      %dma_start3A_65 = tpu.memref_squeeze %dma_start3A_64 : memref<1x1152xf32, #tpu.memory_space<hbm>> -> memref<1152xf32, #tpu.memory_space<hbm>>
      tpu.enqueue_dma source(%dma_start3A_65 : memref<1152xf32, #tpu.memory_space<hbm>>) target(%dma_start3A_62 : memref<1152xf32, #tpu.memory_space<vmem>>) target_semaphore(%run_scoped3A : memref<!tpu.dma_semaphore, #tpu.memory_space<semaphore_mem>>)
      %dma_wait3A_66 = arith.constant 1152 : i32
      %dma_wait3A_67 = tpu.memref_slice %arg11[%dma_wait3A_66] : memref<2304xf32, #tpu.memory_space<vmem>> -> memref<1152xf32, #tpu.memory_space<vmem>>
      %dma_wait3A_68 = arith.constant 0 : i32
      %dma_wait3A_69 = tpu.memref_slice %arg4[%add3A_8, %dma_wait3A_68] : memref<64x1152xf32, #tpu.memory_space<hbm>> -> memref<1x1152xf32, #tpu.memory_space<hbm>>
      %dma_wait3A_70 = tpu.memref_squeeze %dma_wait3A_69 : memref<1x1152xf32, #tpu.memory_space<hbm>> -> memref<1152xf32, #tpu.memory_space<hbm>>
      %dma_wait3A_71 = arith.constant 1152 : i32
      %dma_wait3A_72 = tpu.memref_slice %arg11[%dma_wait3A_71] : memref<2304xf32, #tpu.memory_space<vmem>> -> memref<1152xf32, #tpu.memory_space<vmem>>
      %dma_wait3A_73 = arith.constant 0 : i32
      %dma_wait3A_74 = tpu.memref_slice %arg4[%add3A_8, %dma_wait3A_73] : memref<64x1152xf32, #tpu.memory_space<hbm>> -> memref<1x1152xf32, #tpu.memory_space<hbm>>
      %dma_wait3A_75 = tpu.memref_squeeze %dma_wait3A_74 : memref<1x1152xf32, #tpu.memory_space<hbm>> -> memref<1152xf32, #tpu.memory_space<hbm>>
      tpu.wait_dma2 semaphore(%run_scoped3A : memref<!tpu.dma_semaphore, #tpu.memory_space<semaphore_mem>>) src(%dma_wait3A_75 : memref<1152xf32, #tpu.memory_space<hbm>>) dst(%dma_wait3A_72 : memref<1152xf32, #tpu.memory_space<vmem>>)
      tpu.yield
    }) : () -> ()
    %get3A = arith.constant 0 : index
    %get3A_9 = tpu.vector_load %arg6[%get3A] {strides = array<i32>} : memref<2048xi32, #tpu.memory_space<vmem>>, vector<16xi32>,
    %get3A_10 = vector.shape_cast %get3A_9 : vector<16xi32> to vector<16xi32>
    %dma_start3A = arith.constant 0 : i32
    %dma_start3A_11 = arith.constant 0 : i32
    %dma_start3A_12 = tpu.memref_slice %arg3[%dma_start3A, %dma_start3A_11] : memref<250000x1152xf32, #tpu.memory_space<hbm>> -> memref<250000x1152xf32, #tpu.memory_space<hbm>>
    tpu.enqueue_indirect_dma source(%dma_start3A_12 : memref<250000x1152xf32, #tpu.memory_space<hbm>>) target(%arg7 : memref<16x1152xf32, #tpu.memory_space<vmem>>) offsets(%get3A_10 : vector<16xi32>) semaphore(%arg12 : memref<!tpu.dma_semaphore, #tpu.memory_space<semaphore_mem>>)
    %get3A_13 = arith.constant 16 : index
    %get3A_14 = tpu.vector_load %arg6[%get3A_13] {strides = array<i32>} : memref<2048xi32, #tpu.memory_space<vmem>>, vector<16xi32>,
    %get3A_15 = vector.shape_cast %get3A_14 : vector<16xi32> to vector<16xi32>
    %dma_start3A_16 = arith.constant 0 : i32
    %dma_start3A_17 = arith.constant 0 : i32
    %dma_start3A_18 = tpu.memref_slice %arg3[%dma_start3A_16, %dma_start3A_17] : memref<250000x1152xf32, #tpu.memory_space<hbm>> -> memref<250000x1152xf32, #tpu.memory_space<hbm>>
    tpu.enqueue_indirect_dma source(%dma_start3A_18 : memref<250000x1152xf32, #tpu.memory_space<hbm>>) target(%arg8 : memref<16x1152xf32, #tpu.memory_space<vmem>>) offsets(%get3A_15 : vector<16xi32>) semaphore(%arg13 : memref<!tpu.dma_semaphore, #tpu.memory_space<semaphore_mem>>)
    %scan3A = arith.constant 0 : i32
    %scan3A_19 = arith.constant 0 : i32
    %scan3A_20 = arith.constant 32 : i32
    %scan3A_21 = arith.addi %scan3A_19, %scan3A_20 : i32
    %scan3A_22 = arith.constant 1 : i32
    scf.for %scan3A_56 = %scan3A_19 to %scan3A_21 step %scan3A_22  : i32 {
      %mul3A_57 = arith.constant 4 : i32
      %mul3A_58 = arith.muli %scan3A_56, %mul3A_57 : i32
      %add3A_59 = arith.constant 0 : i32
      %add3A_60 = arith.addi %mul3A_58, %add3A_59 : i32
      %mul3A_61 = arith.constant 16 : i32
      %mul3A_62 = arith.muli %add3A_60, %mul3A_61 : i32
      %get3A_63 = arith.index_cast %mul3A_62 : i32 to index
      %get3A_64 = tpu.vector_load %arg6[%get3A_63] {strides = array<i32>} : memref<2048xi32, #tpu.memory_space<vmem>>, vector<16xi32>,
      %get3A_65 = vector.shape_cast %get3A_64 : vector<16xi32> to vector<16xi32>
      %dma_wait3A_66 = arith.constant 0 : i32
      %dma_wait3A_67 = arith.constant 0 : i32
      %dma_wait3A_68 = tpu.memref_slice %arg3[%dma_wait3A_66, %dma_wait3A_67] : memref<250000x1152xf32, #tpu.memory_space<hbm>> -> memref<250000x1152xf32, #tpu.memory_space<hbm>>
      tpu.wait_indirect_dma semaphore(%arg12 : memref<!tpu.dma_semaphore, #tpu.memory_space<semaphore_mem>>) src(%dma_wait3A_68 : memref<250000x1152xf32, #tpu.memory_space<hbm>>) dst(%arg7 : memref<16x1152xf32, #tpu.memory_space<vmem>>)
      %ge3A = arith.constant 2 : i32
      %ge3A_69 = arith.cmpi sge, %add3A_60, %ge3A : i32
      %convert_element_type3A = arith.extui %ge3A_69 : i1 to i32
      %cond3A = arith.constant 0 : i32
      %cond3A_70 = arith.cmpi ne, %convert_element_type3A, %cond3A : i32
      scf.if %cond3A_70 {
        %sub3A_240 = arith.constant 2 : i32
        %sub3A_241 = arith.subi %add3A_60, %sub3A_240 : i32
        %shift_right_logical3A_242 = arith.constant 6 : i32
        %shift_right_logical3A_243 = arith.shrui %sub3A_241, %shift_right_logical3A_242 : i32
        %shift_left3A_244 = arith.constant 6 : i32
        %shift_left3A_245 = arith.shli %shift_right_logical3A_243, %shift_left3A_244 : i32
        %sub3A_246 = arith.subi %sub3A_241, %shift_left3A_245 : i32
        %mul3A_247 = arith.constant 16 : i32
        %mul3A_248 = arith.muli %sub3A_246, %mul3A_247 : i32
        %mul3A_249 = arith.constant 32 : i32
        %mul3A_250 = arith.muli %mul3A_249, %shift_right_logical3A_243 : i32
        %add3A_251 = arith.addi %add3A, %mul3A_250 : i32
        %dma_wait3A_252 = arith.constant 0 : i32
        %dma_wait3A_253 = tpu.memref_slice %arg5[%mul3A_248, %add3A_251, %dma_wait3A_252] : memref<1024x64x1152xf32, #tpu.memory_space<hbm>> -> memref<16x1x1152xf32, #tpu.memory_space<hbm>>
        %dma_wait3A_254 = tpu.memref_squeeze %dma_wait3A_253 : memref<16x1x1152xf32, #tpu.memory_space<hbm>> -> memref<16x1152xf32, #tpu.memory_space<hbm>>
        %dma_wait3A_255 = arith.constant 0 : i32
        %dma_wait3A_256 = tpu.memref_slice %arg5[%mul3A_248, %add3A_251, %dma_wait3A_255] : memref<1024x64x1152xf32, #tpu.memory_space<hbm>> -> memref<16x1x1152xf32, #tpu.memory_space<hbm>>
        %dma_wait3A_257 = tpu.memref_squeeze %dma_wait3A_256 : memref<16x1x1152xf32, #tpu.memory_space<hbm>> -> memref<16x1152xf32, #tpu.memory_space<hbm>>
        tpu.wait_dma2 semaphore(%arg18 : memref<!tpu.dma_semaphore, #tpu.memory_space<semaphore_mem>>) src(%arg9 : memref<16x1152xf32, #tpu.memory_space<vmem>>) dst(%dma_wait3A_257 : memref<16x1152xf32, #tpu.memory_space<hbm>>)
      } else {
      }
      %add3A_71 = arith.constant 2 : i32
      %add3A_72 = arith.addi %add3A_60, %add3A_71 : i32
      %lt3A = arith.constant 128 : i32
      %lt3A_73 = arith.cmpi slt, %add3A_72, %lt3A : i32
      %convert_element_type3A_74 = arith.extui %lt3A_73 : i1 to i32
      %cond3A_75 = arith.constant 0 : i32
      %cond3A_76 = arith.cmpi ne, %convert_element_type3A_74, %cond3A_75 : i32
      scf.if %cond3A_76 {
        %add3A_240 = arith.constant 2 : i32
        %add3A_241 = arith.addi %add3A_60, %add3A_240 : i32
        %mul3A_242 = arith.constant 16 : i32
        %mul3A_243 = arith.muli %add3A_241, %mul3A_242 : i32
        %get3A_244 = arith.index_cast %mul3A_243 : i32 to index
        %get3A_245 = tpu.vector_load %arg6[%get3A_244] {strides = array<i32>} : memref<2048xi32, #tpu.memory_space<vmem>>, vector<16xi32>,
        %get3A_246 = vector.shape_cast %get3A_245 : vector<16xi32> to vector<16xi32>
        %dma_start3A_247 = arith.constant 0 : i32
        %dma_start3A_248 = arith.constant 0 : i32
        %dma_start3A_249 = tpu.memref_slice %arg3[%dma_start3A_247, %dma_start3A_248] : memref<250000x1152xf32, #tpu.memory_space<hbm>> -> memref<250000x1152xf32, #tpu.memory_space<hbm>>
        tpu.enqueue_indirect_dma source(%dma_start3A_249 : memref<250000x1152xf32, #tpu.memory_space<hbm>>) target(%arg9 : memref<16x1152xf32, #tpu.memory_space<vmem>>) offsets(%get3A_246 : vector<16xi32>) semaphore(%arg14 : memref<!tpu.dma_semaphore, #tpu.memory_space<semaphore_mem>>)
      } else {
      }
      %shift_right_logical3A_77 = arith.constant 6 : i32
      %shift_right_logical3A_78 = arith.shrui %add3A_60, %shift_right_logical3A_77 : i32
      %mul3A_79 = arith.constant 1152 : i32
      %mul3A_80 = arith.muli %shift_right_logical3A_78, %mul3A_79 : i32
      %parallel_loop3A = arith.constant 0 : i32
      %parallel_loop3A_81 = arith.constant 72 : i32
      %parallel_loop3A_82 = arith.constant 1 : i32
      scf.for %parallel_loop3A_240 = %parallel_loop3A to %parallel_loop3A_81 step %parallel_loop3A_82  : i32 {
        %parallel_loop3A_241 = arith.constant 16 : i32
        %parallel_loop3A_242 = arith.muli %parallel_loop3A_240, %parallel_loop3A_241 : i32
        %parallel_loop3A_243 = arith.addi %mul3A_80, %parallel_loop3A_242 : i32
        %parallel_loop3A_244 = arith.index_cast %parallel_loop3A_243 : i32 to index
        %parallel_loop3A_245 = tpu.vector_load %arg11[%parallel_loop3A_244] {strides = array<i32>} : memref<2304xf32, #tpu.memory_space<vmem>>, vector<16xf32>,
        %parallel_loop3A_246 = vector.shape_cast %parallel_loop3A_245 : vector<16xf32> to vector<16xf32>
        %parallel_loop3A_247 = arith.constant 0 : i32
        %parallel_loop3A_248 = arith.index_cast %parallel_loop3A_247 : i32 to index
        %parallel_loop3A_249 = arith.index_cast %parallel_loop3A_242 : i32 to index
        %parallel_loop3A_250 = tpu.vector_load %arg7[%parallel_loop3A_248, %parallel_loop3A_249] {strides = array<i32>} : memref<16x1152xf32, #tpu.memory_space<vmem>>, vector<1x16xf32>,
        %parallel_loop3A_251 = vector.shape_cast %parallel_loop3A_250 : vector<1x16xf32> to vector<16xf32>
        %parallel_loop3A_252 = arith.addf %parallel_loop3A_251, %parallel_loop3A_246 : vector<16xf32>
        %parallel_loop3A_253 = arith.constant 0 : i32
        %parallel_loop3A_254 = arith.index_cast %parallel_loop3A_253 : i32 to index
        %parallel_loop3A_255 = arith.index_cast %parallel_loop3A_242 : i32 to index
        %parallel_loop3A_256 = tpu.vector_load %arg7[%parallel_loop3A_254, %parallel_loop3A_255] {strides = array<i32>} : memref<16x1152xf32, #tpu.memory_space<vmem>>, vector<1x16xf32>,
        %parallel_loop3A_257 = vector.shape_cast %parallel_loop3A_256 : vector<1x16xf32> to vector<16xf32>
        %parallel_loop3A_258 = vector.shape_cast %parallel_loop3A_252 : vector<16xf32> to vector<1x16xf32>
        tpu.vector_store %arg7[%parallel_loop3A_254, %parallel_loop3A_255], %parallel_loop3A_258 {strides = array<i32>} : memref<16x1152xf32, #tpu.memory_space<vmem>>, vector<1x16xf32>,
        %parallel_loop3A_259 = arith.constant 1 : i32
        %parallel_loop3A_260 = arith.index_cast %parallel_loop3A_259 : i32 to index
        %parallel_loop3A_261 = arith.index_cast %parallel_loop3A_242 : i32 to index
        %parallel_loop3A_262 = tpu.vector_load %arg7[%parallel_loop3A_260, %parallel_loop3A_261] {strides = array<i32>} : memref<16x1152xf32, #tpu.memory_space<vmem>>, vector<1x16xf32>,
        %parallel_loop3A_263 = vector.shape_cast %parallel_loop3A_262 : vector<1x16xf32> to vector<16xf32>
        %parallel_loop3A_264 = arith.addf %parallel_loop3A_263, %parallel_loop3A_246 : vector<16xf32>
        %parallel_loop3A_265 = arith.constant 1 : i32
        %parallel_loop3A_266 = arith.index_cast %parallel_loop3A_265 : i32 to index
        %parallel_loop3A_267 = arith.index_cast %parallel_loop3A_242 : i32 to index
        %parallel_loop3A_268 = tpu.vector_load %arg7[%parallel_loop3A_266, %parallel_loop3A_267] {strides = array<i32>} : memref<16x1152xf32, #tpu.memory_space<vmem>>, vector<1x16xf32>,
        %parallel_loop3A_269 = vector.shape_cast %parallel_loop3A_268 : vector<1x16xf32> to vector<16xf32>
        %parallel_loop3A_270 = vector.shape_cast %parallel_loop3A_264 : vector<16xf32> to vector<1x16xf32>
        tpu.vector_store %arg7[%parallel_loop3A_266, %parallel_loop3A_267], %parallel_loop3A_270 {strides = array<i32>} : memref<16x1152xf32, #tpu.memory_space<vmem>>, vector<1x16xf32>,
        %parallel_loop3A_271 = arith.constant 2 : i32
        %parallel_loop3A_272 = arith.index_cast %parallel_loop3A_271 : i32 to index
        %parallel_loop3A_273 = arith.index_cast %parallel_loop3A_242 : i32 to index
        %parallel_loop3A_274 = tpu.vector_load %arg7[%parallel_loop3A_272, %parallel_loop3A_273] {strides = array<i32>} : memref<16x1152xf32, #tpu.memory_space<vmem>>, vector<1x16xf32>,
        %parallel_loop3A_275 = vector.shape_cast %parallel_loop3A_274 : vector<1x16xf32> to vector<16xf32>
        %parallel_loop3A_276 = arith.addf %parallel_loop3A_275, %parallel_loop3A_246 : vector<16xf32>
        %parallel_loop3A_277 = arith.constant 2 : i32
        %parallel_loop3A_278 = arith.index_cast %parallel_loop3A_277 : i32 to index
        %parallel_loop3A_279 = arith.index_cast %parallel_loop3A_242 : i32 to index
        %parallel_loop3A_280 = tpu.vector_load %arg7[%parallel_loop3A_278, %parallel_loop3A_279] {strides = array<i32>} : memref<16x1152xf32, #tpu.memory_space<vmem>>, vector<1x16xf32>,
        %parallel_loop3A_281 = vector.shape_cast %parallel_loop3A_280 : vector<1x16xf32> to vector<16xf32>
        %parallel_loop3A_282 = vector.shape_cast %parallel_loop3A_276 : vector<16xf32> to vector<1x16xf32>
        tpu.vector_store %arg7[%parallel_loop3A_278, %parallel_loop3A_279], %parallel_loop3A_282 {strides = array<i32>} : memref<16x1152xf32, #tpu.memory_space<vmem>>, vector<1x16xf32>,
        %parallel_loop3A_283 = arith.constant 3 : i32
        %parallel_loop3A_284 = arith.index_cast %parallel_loop3A_283 : i32 to index
        %parallel_loop3A_285 = arith.index_cast %parallel_loop3A_242 : i32 to index
        %parallel_loop3A_286 = tpu.vector_load %arg7[%parallel_loop3A_284, %parallel_loop3A_285] {strides = array<i32>} : memref<16x1152xf32, #tpu.memory_space<vmem>>, vector<1x16xf32>,
        %parallel_loop3A_287 = vector.shape_cast %parallel_loop3A_286 : vector<1x16xf32> to vector<16xf32>
        %parallel_loop3A_288 = arith.addf %parallel_loop3A_287, %parallel_loop3A_246 : vector<16xf32>
        %parallel_loop3A_289 = arith.constant 3 : i32
        %parallel_loop3A_290 = arith.index_cast %parallel_loop3A_289 : i32 to index
        %parallel_loop3A_291 = arith.index_cast %parallel_loop3A_242 : i32 to index
        %parallel_loop3A_292 = tpu.vector_load %arg7[%parallel_loop3A_290, %parallel_loop3A_291] {strides = array<i32>} : memref<16x1152xf32, #tpu.memory_space<vmem>>, vector<1x16xf32>,
        %parallel_loop3A_293 = vector.shape_cast %parallel_loop3A_292 : vector<1x16xf32> to vector<16xf32>
        %parallel_loop3A_294 = vector.shape_cast %parallel_loop3A_288 : vector<16xf32> to vector<1x16xf32>
        tpu.vector_store %arg7[%parallel_loop3A_290, %parallel_loop3A_291], %parallel_loop3A_294 {strides = array<i32>} : memref<16x1152xf32, #tpu.memory_space<vmem>>, vector<1x16xf32>,
        %parallel_loop3A_295 = arith.constant 4 : i32
        %parallel_loop3A_296 = arith.index_cast %parallel_loop3A_295 : i32 to index
        %parallel_loop3A_297 = arith.index_cast %parallel_loop3A_242 : i32 to index
        %parallel_loop3A_298 = tpu.vector_load %arg7[%parallel_loop3A_296, %parallel_loop3A_297] {strides = array<i32>} : memref<16x1152xf32, #tpu.memory_space<vmem>>, vector<1x16xf32>,
        %parallel_loop3A_299 = vector.shape_cast %parallel_loop3A_298 : vector<1x16xf32> to vector<16xf32>
        %parallel_loop3A_300 = arith.addf %parallel_loop3A_299, %parallel_loop3A_246 : vector<16xf32>
        %parallel_loop3A_301 = arith.constant 4 : i32
        %parallel_loop3A_302 = arith.index_cast %parallel_loop3A_301 : i32 to index
        %parallel_loop3A_303 = arith.index_cast %parallel_loop3A_242 : i32 to index
        %parallel_loop3A_304 = tpu.vector_load %arg7[%parallel_loop3A_302, %parallel_loop3A_303] {strides = array<i32>} : memref<16x1152xf32, #tpu.memory_space<vmem>>, vector<1x16xf32>,
        %parallel_loop3A_305 = vector.shape_cast %parallel_loop3A_304 : vector<1x16xf32> to vector<16xf32>
        %parallel_loop3A_306 = vector.shape_cast %parallel_loop3A_300 : vector<16xf32> to vector<1x16xf32>
        tpu.vector_store %arg7[%parallel_loop3A_302, %parallel_loop3A_303], %parallel_loop3A_306 {strides = array<i32>} : memref<16x1152xf32, #tpu.memory_space<vmem>>, vector<1x16xf32>,
        %parallel_loop3A_307 = arith.constant 5 : i32
        %parallel_loop3A_308 = arith.index_cast %parallel_loop3A_307 : i32 to index
        %parallel_loop3A_309 = arith.index_cast %parallel_loop3A_242 : i32 to index
        %parallel_loop3A_310 = tpu.vector_load %arg7[%parallel_loop3A_308, %parallel_loop3A_309] {strides = array<i32>} : memref<16x1152xf32, #tpu.memory_space<vmem>>, vector<1x16xf32>,
        %parallel_loop3A_311 = vector.shape_cast %parallel_loop3A_310 : vector<1x16xf32> to vector<16xf32>
        %parallel_loop3A_312 = arith.addf %parallel_loop3A_311, %parallel_loop3A_246 : vector<16xf32>
        %parallel_loop3A_313 = arith.constant 5 : i32
        %parallel_loop3A_314 = arith.index_cast %parallel_loop3A_313 : i32 to index
        %parallel_loop3A_315 = arith.index_cast %parallel_loop3A_242 : i32 to index
        %parallel_loop3A_316 = tpu.vector_load %arg7[%parallel_loop3A_314, %parallel_loop3A_315] {strides = array<i32>} : memref<16x1152xf32, #tpu.memory_space<vmem>>, vector<1x16xf32>,
        %parallel_loop3A_317 = vector.shape_cast %parallel_loop3A_316 : vector<1x16xf32> to vector<16xf32>
        %parallel_loop3A_318 = vector.shape_cast %parallel_loop3A_312 : vector<16xf32> to vector<1x16xf32>
        tpu.vector_store %arg7[%parallel_loop3A_314, %parallel_loop3A_315], %parallel_loop3A_318 {strides = array<i32>} : memref<16x1152xf32, #tpu.memory_space<vmem>>, vector<1x16xf32>,
        %parallel_loop3A_319 = arith.constant 6 : i32
        %parallel_loop3A_320 = arith.index_cast %parallel_loop3A_319 : i32 to index
        %parallel_loop3A_321 = arith.index_cast %parallel_loop3A_242 : i32 to index
        %parallel_loop3A_322 = tpu.vector_load %arg7[%parallel_loop3A_320, %parallel_loop3A_321] {strides = array<i32>} : memref<16x1152xf32, #tpu.memory_space<vmem>>, vector<1x16xf32>,
        %parallel_loop3A_323 = vector.shape_cast %parallel_loop3A_322 : vector<1x16xf32> to vector<16xf32>
        %parallel_loop3A_324 = arith.addf %parallel_loop3A_323, %parallel_loop3A_246 : vector<16xf32>
        %parallel_loop3A_325 = arith.constant 6 : i32
        %parallel_loop3A_326 = arith.index_cast %parallel_loop3A_325 : i32 to index
        %parallel_loop3A_327 = arith.index_cast %parallel_loop3A_242 : i32 to index
        %parallel_loop3A_328 = tpu.vector_load %arg7[%parallel_loop3A_326, %parallel_loop3A_327] {strides = array<i32>} : memref<16x1152xf32, #tpu.memory_space<vmem>>, vector<1x16xf32>,
        %parallel_loop3A_329 = vector.shape_cast %parallel_loop3A_328 : vector<1x16xf32> to vector<16xf32>
        %parallel_loop3A_330 = vector.shape_cast %parallel_loop3A_324 : vector<16xf32> to vector<1x16xf32>
        tpu.vector_store %arg7[%parallel_loop3A_326, %parallel_loop3A_327], %parallel_loop3A_330 {strides = array<i32>} : memref<16x1152xf32, #tpu.memory_space<vmem>>, vector<1x16xf32>,
        %parallel_loop3A_331 = arith.constant 7 : i32
        %parallel_loop3A_332 = arith.index_cast %parallel_loop3A_331 : i32 to index
        %parallel_loop3A_333 = arith.index_cast %parallel_loop3A_242 : i32 to index
        %parallel_loop3A_334 = tpu.vector_load %arg7[%parallel_loop3A_332, %parallel_loop3A_333] {strides = array<i32>} : memref<16x1152xf32, #tpu.memory_space<vmem>>, vector<1x16xf32>,
        %parallel_loop3A_335 = vector.shape_cast %parallel_loop3A_334 : vector<1x16xf32> to vector<16xf32>
        %parallel_loop3A_336 = arith.addf %parallel_loop3A_335, %parallel_loop3A_246 : vector<16xf32>
        %parallel_loop3A_337 = arith.constant 7 : i32
        %parallel_loop3A_338 = arith.index_cast %parallel_loop3A_337 : i32 to index
        %parallel_loop3A_339 = arith.index_cast %parallel_loop3A_242 : i32 to index
        %parallel_loop3A_340 = tpu.vector_load %arg7[%parallel_loop3A_338, %parallel_loop3A_339] {strides = array<i32>} : memref<16x1152xf32, #tpu.memory_space<vmem>>, vector<1x16xf32>,
        %parallel_loop3A_341 = vector.shape_cast %parallel_loop3A_340 : vector<1x16xf32> to vector<16xf32>
        %parallel_loop3A_342 = vector.shape_cast %parallel_loop3A_336 : vector<16xf32> to vector<1x16xf32>
        tpu.vector_store %arg7[%parallel_loop3A_338, %parallel_loop3A_339], %parallel_loop3A_342 {strides = array<i32>} : memref<16x1152xf32, #tpu.memory_space<vmem>>, vector<1x16xf32>,
        %parallel_loop3A_343 = arith.constant 8 : i32
        %parallel_loop3A_344 = arith.index_cast %parallel_loop3A_343 : i32 to index
        %parallel_loop3A_345 = arith.index_cast %parallel_loop3A_242 : i32 to index
        %parallel_loop3A_346 = tpu.vector_load %arg7[%parallel_loop3A_344, %parallel_loop3A_345] {strides = array<i32>} : memref<16x1152xf32, #tpu.memory_space<vmem>>, vector<1x16xf32>,
        %parallel_loop3A_347 = vector.shape_cast %parallel_loop3A_346 : vector<1x16xf32> to vector<16xf32>
        %parallel_loop3A_348 = arith.addf %parallel_loop3A_347, %parallel_loop3A_246 : vector<16xf32>
        %parallel_loop3A_349 = arith.constant 8 : i32
        %parallel_loop3A_350 = arith.index_cast %parallel_loop3A_349 : i32 to index
        %parallel_loop3A_351 = arith.index_cast %parallel_loop3A_242 : i32 to index
        %parallel_loop3A_352 = tpu.vector_load %arg7[%parallel_loop3A_350, %parallel_loop3A_351] {strides = array<i32>} : memref<16x1152xf32, #tpu.memory_space<vmem>>, vector<1x16xf32>,
        %parallel_loop3A_353 = vector.shape_cast %parallel_loop3A_352 : vector<1x16xf32> to vector<16xf32>
        %parallel_loop3A_354 = vector.shape_cast %parallel_loop3A_348 : vector<16xf32> to vector<1x16xf32>
        tpu.vector_store %arg7[%parallel_loop3A_350, %parallel_loop3A_351], %parallel_loop3A_354 {strides = array<i32>} : memref<16x1152xf32, #tpu.memory_space<vmem>>, vector<1x16xf32>,
        %parallel_loop3A_355 = arith.constant 9 : i32
        %parallel_loop3A_356 = arith.index_cast %parallel_loop3A_355 : i32 to index
        %parallel_loop3A_357 = arith.index_cast %parallel_loop3A_242 : i32 to index
        %parallel_loop3A_358 = tpu.vector_load %arg7[%parallel_loop3A_356, %parallel_loop3A_357] {strides = array<i32>} : memref<16x1152xf32, #tpu.memory_space<vmem>>, vector<1x16xf32>,
        %parallel_loop3A_359 = vector.shape_cast %parallel_loop3A_358 : vector<1x16xf32> to vector<16xf32>
        %parallel_loop3A_360 = arith.addf %parallel_loop3A_359, %parallel_loop3A_246 : vector<16xf32>
        %parallel_loop3A_361 = arith.constant 9 : i32
        %parallel_loop3A_362 = arith.index_cast %parallel_loop3A_361 : i32 to index
        %parallel_loop3A_363 = arith.index_cast %parallel_loop3A_242 : i32 to index
        %parallel_loop3A_364 = tpu.vector_load %arg7[%parallel_loop3A_362, %parallel_loop3A_363] {strides = array<i32>} : memref<16x1152xf32, #tpu.memory_space<vmem>>, vector<1x16xf32>,
        %parallel_loop3A_365 = vector.shape_cast %parallel_loop3A_364 : vector<1x16xf32> to vector<16xf32>
        %parallel_loop3A_366 = vector.shape_cast %parallel_loop3A_360 : vector<16xf32> to vector<1x16xf32>
        tpu.vector_store %arg7[%parallel_loop3A_362, %parallel_loop3A_363], %parallel_loop3A_366 {strides = array<i32>} : memref<16x1152xf32, #tpu.memory_space<vmem>>, vector<1x16xf32>,
        %parallel_loop3A_367 = arith.constant 10 : i32
        %parallel_loop3A_368 = arith.index_cast %parallel_loop3A_367 : i32 to index
        %parallel_loop3A_369 = arith.index_cast %parallel_loop3A_242 : i32 to index
        %parallel_loop3A_370 = tpu.vector_load %arg7[%parallel_loop3A_368, %parallel_loop3A_369] {strides = array<i32>} : memref<16x1152xf32, #tpu.memory_space<vmem>>, vector<1x16xf32>,
        %parallel_loop3A_371 = vector.shape_cast %parallel_loop3A_370 : vector<1x16xf32> to vector<16xf32>
        %parallel_loop3A_372 = arith.addf %parallel_loop3A_371, %parallel_loop3A_246 : vector<16xf32>
        %parallel_loop3A_373 = arith.constant 10 : i32
        %parallel_loop3A_374 = arith.index_cast %parallel_loop3A_373 : i32 to index
        %parallel_loop3A_375 = arith.index_cast %parallel_loop3A_242 : i32 to index
        %parallel_loop3A_376 = tpu.vector_load %arg7[%parallel_loop3A_374, %parallel_loop3A_375] {strides = array<i32>} : memref<16x1152xf32, #tpu.memory_space<vmem>>, vector<1x16xf32>,
        %parallel_loop3A_377 = vector.shape_cast %parallel_loop3A_376 : vector<1x16xf32> to vector<16xf32>
        %parallel_loop3A_378 = vector.shape_cast %parallel_loop3A_372 : vector<16xf32> to vector<1x16xf32>
        tpu.vector_store %arg7[%parallel_loop3A_374, %parallel_loop3A_375], %parallel_loop3A_378 {strides = array<i32>} : memref<16x1152xf32, #tpu.memory_space<vmem>>, vector<1x16xf32>,
        %parallel_loop3A_379 = arith.constant 11 : i32
        %parallel_loop3A_380 = arith.index_cast %parallel_loop3A_379 : i32 to index
        %parallel_loop3A_381 = arith.index_cast %parallel_loop3A_242 : i32 to index
        %parallel_loop3A_382 = tpu.vector_load %arg7[%parallel_loop3A_380, %parallel_loop3A_381] {strides = array<i32>} : memref<16x1152xf32, #tpu.memory_space<vmem>>, vector<1x16xf32>,
        %parallel_loop3A_383 = vector.shape_cast %parallel_loop3A_382 : vector<1x16xf32> to vector<16xf32>
        %parallel_loop3A_384 = arith.addf %parallel_loop3A_383, %parallel_loop3A_246 : vector<16xf32>
        %parallel_loop3A_385 = arith.constant 11 : i32
        %parallel_loop3A_386 = arith.index_cast %parallel_loop3A_385 : i32 to index
        %parallel_loop3A_387 = arith.index_cast %parallel_loop3A_242 : i32 to index
        %parallel_loop3A_388 = tpu.vector_load %arg7[%parallel_loop3A_386, %parallel_loop3A_387] {strides = array<i32>} : memref<16x1152xf32, #tpu.memory_space<vmem>>, vector<1x16xf32>,
        %parallel_loop3A_389 = vector.shape_cast %parallel_loop3A_388 : vector<1x16xf32> to vector<16xf32>
        %parallel_loop3A_390 = vector.shape_cast %parallel_loop3A_384 : vector<16xf32> to vector<1x16xf32>
        tpu.vector_store %arg7[%parallel_loop3A_386, %parallel_loop3A_387], %parallel_loop3A_390 {strides = array<i32>} : memref<16x1152xf32, #tpu.memory_space<vmem>>, vector<1x16xf32>,
        %parallel_loop3A_391 = arith.constant 12 : i32
        %parallel_loop3A_392 = arith.index_cast %parallel_loop3A_391 : i32 to index
        %parallel_loop3A_393 = arith.index_cast %parallel_loop3A_242 : i32 to index
        %parallel_loop3A_394 = tpu.vector_load %arg7[%parallel_loop3A_392, %parallel_loop3A_393] {strides = array<i32>} : memref<16x1152xf32, #tpu.memory_space<vmem>>, vector<1x16xf32>,
        %parallel_loop3A_395 = vector.shape_cast %parallel_loop3A_394 : vector<1x16xf32> to vector<16xf32>
        %parallel_loop3A_396 = arith.addf %parallel_loop3A_395, %parallel_loop3A_246 : vector<16xf32>
        %parallel_loop3A_397 = arith.constant 12 : i32
        %parallel_loop3A_398 = arith.index_cast %parallel_loop3A_397 : i32 to index
        %parallel_loop3A_399 = arith.index_cast %parallel_loop3A_242 : i32 to index
        %parallel_loop3A_400 = tpu.vector_load %arg7[%parallel_loop3A_398, %parallel_loop3A_399] {strides = array<i32>} : memref<16x1152xf32, #tpu.memory_space<vmem>>, vector<1x16xf32>,
        %parallel_loop3A_401 = vector.shape_cast %parallel_loop3A_400 : vector<1x16xf32> to vector<16xf32>
        %parallel_loop3A_402 = vector.shape_cast %parallel_loop3A_396 : vector<16xf32> to vector<1x16xf32>
        tpu.vector_store %arg7[%parallel_loop3A_398, %parallel_loop3A_399], %parallel_loop3A_402 {strides = array<i32>} : memref<16x1152xf32, #tpu.memory_space<vmem>>, vector<1x16xf32>,
        %parallel_loop3A_403 = arith.constant 13 : i32
        %parallel_loop3A_404 = arith.index_cast %parallel_loop3A_403 : i32 to index
        %parallel_loop3A_405 = arith.index_cast %parallel_loop3A_242 : i32 to index
        %parallel_loop3A_406 = tpu.vector_load %arg7[%parallel_loop3A_404, %parallel_loop3A_405] {strides = array<i32>} : memref<16x1152xf32, #tpu.memory_space<vmem>>, vector<1x16xf32>,
        %parallel_loop3A_407 = vector.shape_cast %parallel_loop3A_406 : vector<1x16xf32> to vector<16xf32>
        %parallel_loop3A_408 = arith.addf %parallel_loop3A_407, %parallel_loop3A_246 : vector<16xf32>
        %parallel_loop3A_409 = arith.constant 13 : i32
        %parallel_loop3A_410 = arith.index_cast %parallel_loop3A_409 : i32 to index
        %parallel_loop3A_411 = arith.index_cast %parallel_loop3A_242 : i32 to index
        %parallel_loop3A_412 = tpu.vector_load %arg7[%parallel_loop3A_410, %parallel_loop3A_411] {strides = array<i32>} : memref<16x1152xf32, #tpu.memory_space<vmem>>, vector<1x16xf32>,
        %parallel_loop3A_413 = vector.shape_cast %parallel_loop3A_412 : vector<1x16xf32> to vector<16xf32>
        %parallel_loop3A_414 = vector.shape_cast %parallel_loop3A_408 : vector<16xf32> to vector<1x16xf32>
        tpu.vector_store %arg7[%parallel_loop3A_410, %parallel_loop3A_411], %parallel_loop3A_414 {strides = array<i32>} : memref<16x1152xf32, #tpu.memory_space<vmem>>, vector<1x16xf32>,
        %parallel_loop3A_415 = arith.constant 14 : i32
        %parallel_loop3A_416 = arith.index_cast %parallel_loop3A_415 : i32 to index
        %parallel_loop3A_417 = arith.index_cast %parallel_loop3A_242 : i32 to index
        %parallel_loop3A_418 = tpu.vector_load %arg7[%parallel_loop3A_416, %parallel_loop3A_417] {strides = array<i32>} : memref<16x1152xf32, #tpu.memory_space<vmem>>, vector<1x16xf32>,
        %parallel_loop3A_419 = vector.shape_cast %parallel_loop3A_418 : vector<1x16xf32> to vector<16xf32>
        %parallel_loop3A_420 = arith.addf %parallel_loop3A_419, %parallel_loop3A_246 : vector<16xf32>
        %parallel_loop3A_421 = arith.constant 14 : i32
        %parallel_loop3A_422 = arith.index_cast %parallel_loop3A_421 : i32 to index
        %parallel_loop3A_423 = arith.index_cast %parallel_loop3A_242 : i32 to index
        %parallel_loop3A_424 = tpu.vector_load %arg7[%parallel_loop3A_422, %parallel_loop3A_423] {strides = array<i32>} : memref<16x1152xf32, #tpu.memory_space<vmem>>, vector<1x16xf32>,
        %parallel_loop3A_425 = vector.shape_cast %parallel_loop3A_424 : vector<1x16xf32> to vector<16xf32>
        %parallel_loop3A_426 = vector.shape_cast %parallel_loop3A_420 : vector<16xf32> to vector<1x16xf32>
        tpu.vector_store %arg7[%parallel_loop3A_422, %parallel_loop3A_423], %parallel_loop3A_426 {strides = array<i32>} : memref<16x1152xf32, #tpu.memory_space<vmem>>, vector<1x16xf32>,
        %parallel_loop3A_427 = arith.constant 15 : i32
        %parallel_loop3A_428 = arith.index_cast %parallel_loop3A_427 : i32 to index
        %parallel_loop3A_429 = arith.index_cast %parallel_loop3A_242 : i32 to index
        %parallel_loop3A_430 = tpu.vector_load %arg7[%parallel_loop3A_428, %parallel_loop3A_429] {strides = array<i32>} : memref<16x1152xf32, #tpu.memory_space<vmem>>, vector<1x16xf32>,
        %parallel_loop3A_431 = vector.shape_cast %parallel_loop3A_430 : vector<1x16xf32> to vector<16xf32>
        %parallel_loop3A_432 = arith.addf %parallel_loop3A_431, %parallel_loop3A_246 : vector<16xf32>
        %parallel_loop3A_433 = arith.constant 15 : i32
        %parallel_loop3A_434 = arith.index_cast %parallel_loop3A_433 : i32 to index
        %parallel_loop3A_435 = arith.index_cast %parallel_loop3A_242 : i32 to index
        %parallel_loop3A_436 = tpu.vector_load %arg7[%parallel_loop3A_434, %parallel_loop3A_435] {strides = array<i32>} : memref<16x1152xf32, #tpu.memory_space<vmem>>, vector<1x16xf32>,
        %parallel_loop3A_437 = vector.shape_cast %parallel_loop3A_436 : vector<1x16xf32> to vector<16xf32>
        %parallel_loop3A_438 = vector.shape_cast %parallel_loop3A_432 : vector<16xf32> to vector<1x16xf32>
        tpu.vector_store %arg7[%parallel_loop3A_434, %parallel_loop3A_435], %parallel_loop3A_438 {strides = array<i32>} : memref<16x1152xf32, #tpu.memory_space<vmem>>, vector<1x16xf32>,
      } {sc.loop_unroll_factor = 4 : i64, sc.parallel_access}
      %shift_right_logical3A_83 = arith.constant 6 : i32
      %shift_right_logical3A_84 = arith.shrui %add3A_60, %shift_right_logical3A_83 : i32
      %shift_left3A_85 = arith.constant 6 : i32
      %shift_left3A_86 = arith.shli %shift_right_logical3A_84, %shift_left3A_85 : i32
      %sub3A_87 = arith.subi %add3A_60, %shift_left3A_86 : i32
      %mul3A_88 = arith.constant 16 : i32
      %mul3A_89 = arith.muli %sub3A_87, %mul3A_88 : i32
      %mul3A_90 = arith.constant 32 : i32
      %mul3A_91 = arith.muli %mul3A_90, %shift_right_logical3A_84 : i32
      %add3A_92 = arith.addi %add3A, %mul3A_91 : i32
      %dma_start3A_93 = arith.constant 0 : i32
      %dma_start3A_94 = tpu.memref_slice %arg5[%mul3A_89, %add3A_92, %dma_start3A_93] : memref<1024x64x1152xf32, #tpu.memory_space<hbm>> -> memref<16x1x1152xf32, #tpu.memory_space<hbm>>
      %dma_start3A_95 = tpu.memref_squeeze %dma_start3A_94 : memref<16x1x1152xf32, #tpu.memory_space<hbm>> -> memref<16x1152xf32, #tpu.memory_space<hbm>>
      %dma_start3A_96 = arith.constant 0 : i32
      %dma_start3A_97 = tpu.memref_slice %arg5[%mul3A_89, %add3A_92, %dma_start3A_96] : memref<1024x64x1152xf32, #tpu.memory_space<hbm>> -> memref<16x1x1152xf32, #tpu.memory_space<hbm>>
      %dma_start3A_98 = tpu.memref_squeeze %dma_start3A_97 : memref<16x1x1152xf32, #tpu.memory_space<hbm>> -> memref<16x1152xf32, #tpu.memory_space<hbm>>
      tpu.enqueue_dma source(%arg7 : memref<16x1152xf32, #tpu.memory_space<vmem>>) target(%dma_start3A_98 : memref<16x1152xf32, #tpu.memory_space<hbm>>) target_semaphore(%arg16 : memref<!tpu.dma_semaphore, #tpu.memory_space<semaphore_mem>>)
      %mul3A_99 = arith.constant 4 : i32
      %mul3A_100 = arith.muli %scan3A_56, %mul3A_99 : i32
      %add3A_101 = arith.constant 1 : i32
      %add3A_102 = arith.addi %mul3A_100, %add3A_101 : i32
      %mul3A_103 = arith.constant 16 : i32
      %mul3A_104 = arith.muli %add3A_102, %mul3A_103 : i32
      %get3A_105 = arith.index_cast %mul3A_104 : i32 to index
      %get3A_106 = tpu.vector_load %arg6[%get3A_105] {strides = array<i32>} : memref<2048xi32, #tpu.memory_space<vmem>>, vector<16xi32>,
      %get3A_107 = vector.shape_cast %get3A_106 : vector<16xi32> to vector<16xi32>
      %dma_wait3A_108 = arith.constant 0 : i32
      %dma_wait3A_109 = arith.constant 0 : i32
      %dma_wait3A_110 = tpu.memref_slice %arg3[%dma_wait3A_108, %dma_wait3A_109] : memref<250000x1152xf32, #tpu.memory_space<hbm>> -> memref<250000x1152xf32, #tpu.memory_space<hbm>>
      tpu.wait_indirect_dma semaphore(%arg13 : memref<!tpu.dma_semaphore, #tpu.memory_space<semaphore_mem>>) src(%dma_wait3A_110 : memref<250000x1152xf32, #tpu.memory_space<hbm>>) dst(%arg8 : memref<16x1152xf32, #tpu.memory_space<vmem>>)
      %ge3A_111 = arith.constant 2 : i32
      %ge3A_112 = arith.cmpi sge, %add3A_102, %ge3A_111 : i32
      %convert_element_type3A_113 = arith.extui %ge3A_112 : i1 to i32
      %cond3A_114 = arith.constant 0 : i32
      %cond3A_115 = arith.cmpi ne, %convert_element_type3A_113, %cond3A_114 : i32
      scf.if %cond3A_115 {
        %sub3A_240 = arith.constant 2 : i32
        %sub3A_241 = arith.subi %add3A_102, %sub3A_240 : i32
        %shift_right_logical3A_242 = arith.constant 6 : i32
        %shift_right_logical3A_243 = arith.shrui %sub3A_241, %shift_right_logical3A_242 : i32
        %shift_left3A_244 = arith.constant 6 : i32
        %shift_left3A_245 = arith.shli %shift_right_logical3A_243, %shift_left3A_244 : i32
        %sub3A_246 = arith.subi %sub3A_241, %shift_left3A_245 : i32
        %mul3A_247 = arith.constant 16 : i32
        %mul3A_248 = arith.muli %sub3A_246, %mul3A_247 : i32
        %mul3A_249 = arith.constant 32 : i32
        %mul3A_250 = arith.muli %mul3A_249, %shift_right_logical3A_243 : i32
        %add3A_251 = arith.addi %add3A, %mul3A_250 : i32
        %dma_wait3A_252 = arith.constant 0 : i32
        %dma_wait3A_253 = tpu.memref_slice %arg5[%mul3A_248, %add3A_251, %dma_wait3A_252] : memref<1024x64x1152xf32, #tpu.memory_space<hbm>> -> memref<16x1x1152xf32, #tpu.memory_space<hbm>>
        %dma_wait3A_254 = tpu.memref_squeeze %dma_wait3A_253 : memref<16x1x1152xf32, #tpu.memory_space<hbm>> -> memref<16x1152xf32, #tpu.memory_space<hbm>>
        %dma_wait3A_255 = arith.constant 0 : i32
        %dma_wait3A_256 = tpu.memref_slice %arg5[%mul3A_248, %add3A_251, %dma_wait3A_255] : memref<1024x64x1152xf32, #tpu.memory_space<hbm>> -> memref<16x1x1152xf32, #tpu.memory_space<hbm>>
        %dma_wait3A_257 = tpu.memref_squeeze %dma_wait3A_256 : memref<16x1x1152xf32, #tpu.memory_space<hbm>> -> memref<16x1152xf32, #tpu.memory_space<hbm>>
        tpu.wait_dma2 semaphore(%arg19 : memref<!tpu.dma_semaphore, #tpu.memory_space<semaphore_mem>>) src(%arg10 : memref<16x1152xf32, #tpu.memory_space<vmem>>) dst(%dma_wait3A_257 : memref<16x1152xf32, #tpu.memory_space<hbm>>)
      } else {
      }
      %add3A_116 = arith.constant 2 : i32
      %add3A_117 = arith.addi %add3A_102, %add3A_116 : i32
      %lt3A_118 = arith.constant 128 : i32
      %lt3A_119 = arith.cmpi slt, %add3A_117, %lt3A_118 : i32
      %convert_element_type3A_120 = arith.extui %lt3A_119 : i1 to i32
      %cond3A_121 = arith.constant 0 : i32
      %cond3A_122 = arith.cmpi ne, %convert_element_type3A_120, %cond3A_121 : i32
      scf.if %cond3A_122 {
        %add3A_240 = arith.constant 2 : i32
        %add3A_241 = arith.addi %add3A_102, %add3A_240 : i32
        %mul3A_242 = arith.constant 16 : i32
        %mul3A_243 = arith.muli %add3A_241, %mul3A_242 : i32
        %get3A_244 = arith.index_cast %mul3A_243 : i32 to index
        %get3A_245 = tpu.vector_load %arg6[%get3A_244] {strides = array<i32>} : memref<2048xi32, #tpu.memory_space<vmem>>, vector<16xi32>,
        %get3A_246 = vector.shape_cast %get3A_245 : vector<16xi32> to vector<16xi32>
        %dma_start3A_247 = arith.constant 0 : i32
        %dma_start3A_248 = arith.constant 0 : i32
        %dma_start3A_249 = tpu.memref_slice %arg3[%dma_start3A_247, %dma_start3A_248] : memref<250000x1152xf32, #tpu.memory_space<hbm>> -> memref<250000x1152xf32, #tpu.memory_space<hbm>>
        tpu.enqueue_indirect_dma source(%dma_start3A_249 : memref<250000x1152xf32, #tpu.memory_space<hbm>>) target(%arg10 : memref<16x1152xf32, #tpu.memory_space<vmem>>) offsets(%get3A_246 : vector<16xi32>) semaphore(%arg15 : memref<!tpu.dma_semaphore, #tpu.memory_space<semaphore_mem>>)
      } else {
      }
      %shift_right_logical3A_123 = arith.constant 6 : i32
      %shift_right_logical3A_124 = arith.shrui %add3A_102, %shift_right_logical3A_123 : i32
      %mul3A_125 = arith.constant 1152 : i32
      %mul3A_126 = arith.muli %shift_right_logical3A_124, %mul3A_125 : i32
      %parallel_loop3A_127 = arith.constant 0 : i32
      %parallel_loop3A_128 = arith.constant 72 : i32
      %parallel_loop3A_129 = arith.constant 1 : i32
      scf.for %parallel_loop3A_240 = %parallel_loop3A_127 to %parallel_loop3A_128 step %parallel_loop3A_129  : i32 {
        %parallel_loop3A_241 = arith.constant 16 : i32
        %parallel_loop3A_242 = arith.muli %parallel_loop3A_240, %parallel_loop3A_241 : i32
        %parallel_loop3A_243 = arith.addi %mul3A_126, %parallel_loop3A_242 : i32
        %parallel_loop3A_244 = arith.index_cast %parallel_loop3A_243 : i32 to index
        %parallel_loop3A_245 = tpu.vector_load %arg11[%parallel_loop3A_244] {strides = array<i32>} : memref<2304xf32, #tpu.memory_space<vmem>>, vector<16xf32>,
        %parallel_loop3A_246 = vector.shape_cast %parallel_loop3A_245 : vector<16xf32> to vector<16xf32>
        %parallel_loop3A_247 = arith.constant 0 : i32
        %parallel_loop3A_248 = arith.index_cast %parallel_loop3A_247 : i32 to index
        %parallel_loop3A_249 = arith.index_cast %parallel_loop3A_242 : i32 to index
        %parallel_loop3A_250 = tpu.vector_load %arg8[%parallel_loop3A_248, %parallel_loop3A_249] {strides = array<i32>} : memref<16x1152xf32, #tpu.memory_space<vmem>>, vector<1x16xf32>,
        %parallel_loop3A_251 = vector.shape_cast %parallel_loop3A_250 : vector<1x16xf32> to vector<16xf32>
        %parallel_loop3A_252 = arith.addf %parallel_loop3A_251, %parallel_loop3A_246 : vector<16xf32>
        %parallel_loop3A_253 = arith.constant 0 : i32
        %parallel_loop3A_254 = arith.index_cast %parallel_loop3A_253 : i32 to index
        %parallel_loop3A_255 = arith.index_cast %parallel_loop3A_242 : i32 to index
        %parallel_loop3A_256 = tpu.vector_load %arg8[%parallel_loop3A_254, %parallel_loop3A_255] {strides = array<i32>} : memref<16x1152xf32, #tpu.memory_space<vmem>>, vector<1x16xf32>,
        %parallel_loop3A_257 = vector.shape_cast %parallel_loop3A_256 : vector<1x16xf32> to vector<16xf32>
        %parallel_loop3A_258 = vector.shape_cast %parallel_loop3A_252 : vector<16xf32> to vector<1x16xf32>
        tpu.vector_store %arg8[%parallel_loop3A_254, %parallel_loop3A_255], %parallel_loop3A_258 {strides = array<i32>} : memref<16x1152xf32, #tpu.memory_space<vmem>>, vector<1x16xf32>,
        %parallel_loop3A_259 = arith.constant 1 : i32
        %parallel_loop3A_260 = arith.index_cast %parallel_loop3A_259 : i32 to index
        %parallel_loop3A_261 = arith.index_cast %parallel_loop3A_242 : i32 to index
        %parallel_loop3A_262 = tpu.vector_load %arg8[%parallel_loop3A_260, %parallel_loop3A_261] {strides = array<i32>} : memref<16x1152xf32, #tpu.memory_space<vmem>>, vector<1x16xf32>,
        %parallel_loop3A_263 = vector.shape_cast %parallel_loop3A_262 : vector<1x16xf32> to vector<16xf32>
        %parallel_loop3A_264 = arith.addf %parallel_loop3A_263, %parallel_loop3A_246 : vector<16xf32>
        %parallel_loop3A_265 = arith.constant 1 : i32
        %parallel_loop3A_266 = arith.index_cast %parallel_loop3A_265 : i32 to index
        %parallel_loop3A_267 = arith.index_cast %parallel_loop3A_242 : i32 to index
        %parallel_loop3A_268 = tpu.vector_load %arg8[%parallel_loop3A_266, %parallel_loop3A_267] {strides = array<i32>} : memref<16x1152xf32, #tpu.memory_space<vmem>>, vector<1x16xf32>,
        %parallel_loop3A_269 = vector.shape_cast %parallel_loop3A_268 : vector<1x16xf32> to vector<16xf32>
        %parallel_loop3A_270 = vector.shape_cast %parallel_loop3A_264 : vector<16xf32> to vector<1x16xf32>
        tpu.vector_store %arg8[%parallel_loop3A_266, %parallel_loop3A_267], %parallel_loop3A_270 {strides = array<i32>} : memref<16x1152xf32, #tpu.memory_space<vmem>>, vector<1x16xf32>,
        %parallel_loop3A_271 = arith.constant 2 : i32
        %parallel_loop3A_272 = arith.index_cast %parallel_loop3A_271 : i32 to index
        %parallel_loop3A_273 = arith.index_cast %parallel_loop3A_242 : i32 to index
        %parallel_loop3A_274 = tpu.vector_load %arg8[%parallel_loop3A_272, %parallel_loop3A_273] {strides = array<i32>} : memref<16x1152xf32, #tpu.memory_space<vmem>>, vector<1x16xf32>,
        %parallel_loop3A_275 = vector.shape_cast %parallel_loop3A_274 : vector<1x16xf32> to vector<16xf32>
        %parallel_loop3A_276 = arith.addf %parallel_loop3A_275, %parallel_loop3A_246 : vector<16xf32>
        %parallel_loop3A_277 = arith.constant 2 : i32
        %parallel_loop3A_278 = arith.index_cast %parallel_loop3A_277 : i32 to index
        %parallel_loop3A_279 = arith.index_cast %parallel_loop3A_242 : i32 to index
        %parallel_loop3A_280 = tpu.vector_load %arg8[%parallel_loop3A_278, %parallel_loop3A_279] {strides = array<i32>} : memref<16x1152xf32, #tpu.memory_space<vmem>>, vector<1x16xf32>,
        %parallel_loop3A_281 = vector.shape_cast %parallel_loop3A_280 : vector<1x16xf32> to vector<16xf32>
        %parallel_loop3A_282 = vector.shape_cast %parallel_loop3A_276 : vector<16xf32> to vector<1x16xf32>
        tpu.vector_store %arg8[%parallel_loop3A_278, %parallel_loop3A_279], %parallel_loop3A_282 {strides = array<i32>} : memref<16x1152xf32, #tpu.memory_space<vmem>>, vector<1x16xf32>,
        %parallel_loop3A_283 = arith.constant 3 : i32
        %parallel_loop3A_284 = arith.index_cast %parallel_loop3A_283 : i32 to index
        %parallel_loop3A_285 = arith.index_cast %parallel_loop3A_242 : i32 to index
        %parallel_loop3A_286 = tpu.vector_load %arg8[%parallel_loop3A_284, %parallel_loop3A_285] {strides = array<i32>} : memref<16x1152xf32, #tpu.memory_space<vmem>>, vector<1x16xf32>,
        %parallel_loop3A_287 = vector.shape_cast %parallel_loop3A_286 : vector<1x16xf32> to vector<16xf32>
        %parallel_loop3A_288 = arith.addf %parallel_loop3A_287, %parallel_loop3A_246 : vector<16xf32>
        %parallel_loop3A_289 = arith.constant 3 : i32
        %parallel_loop3A_290 = arith.index_cast %parallel_loop3A_289 : i32 to index
        %parallel_loop3A_291 = arith.index_cast %parallel_loop3A_242 : i32 to index
        %parallel_loop3A_292 = tpu.vector_load %arg8[%parallel_loop3A_290, %parallel_loop3A_291] {strides = array<i32>} : memref<16x1152xf32, #tpu.memory_space<vmem>>, vector<1x16xf32>,
        %parallel_loop3A_293 = vector.shape_cast %parallel_loop3A_292 : vector<1x16xf32> to vector<16xf32>
        %parallel_loop3A_294 = vector.shape_cast %parallel_loop3A_288 : vector<16xf32> to vector<1x16xf32>
        tpu.vector_store %arg8[%parallel_loop3A_290, %parallel_loop3A_291], %parallel_loop3A_294 {strides = array<i32>} : memref<16x1152xf32, #tpu.memory_space<vmem>>, vector<1x16xf32>,
        %parallel_loop3A_295 = arith.constant 4 : i32
        %parallel_loop3A_296 = arith.index_cast %parallel_loop3A_295 : i32 to index
        %parallel_loop3A_297 = arith.index_cast %parallel_loop3A_242 : i32 to index
        %parallel_loop3A_298 = tpu.vector_load %arg8[%parallel_loop3A_296, %parallel_loop3A_297] {strides = array<i32>} : memref<16x1152xf32, #tpu.memory_space<vmem>>, vector<1x16xf32>,
        %parallel_loop3A_299 = vector.shape_cast %parallel_loop3A_298 : vector<1x16xf32> to vector<16xf32>
        %parallel_loop3A_300 = arith.addf %parallel_loop3A_299, %parallel_loop3A_246 : vector<16xf32>
        %parallel_loop3A_301 = arith.constant 4 : i32
        %parallel_loop3A_302 = arith.index_cast %parallel_loop3A_301 : i32 to index
        %parallel_loop3A_303 = arith.index_cast %parallel_loop3A_242 : i32 to index
        %parallel_loop3A_304 = tpu.vector_load %arg8[%parallel_loop3A_302, %parallel_loop3A_303] {strides = array<i32>} : memref<16x1152xf32, #tpu.memory_space<vmem>>, vector<1x16xf32>,
        %parallel_loop3A_305 = vector.shape_cast %parallel_loop3A_304 : vector<1x16xf32> to vector<16xf32>
        %parallel_loop3A_306 = vector.shape_cast %parallel_loop3A_300 : vector<16xf32> to vector<1x16xf32>
        tpu.vector_store %arg8[%parallel_loop3A_302, %parallel_loop3A_303], %parallel_loop3A_306 {strides = array<i32>} : memref<16x1152xf32, #tpu.memory_space<vmem>>, vector<1x16xf32>,
        %parallel_loop3A_307 = arith.constant 5 : i32
        %parallel_loop3A_308 = arith.index_cast %parallel_loop3A_307 : i32 to index
        %parallel_loop3A_309 = arith.index_cast %parallel_loop3A_242 : i32 to index
        %parallel_loop3A_310 = tpu.vector_load %arg8[%parallel_loop3A_308, %parallel_loop3A_309] {strides = array<i32>} : memref<16x1152xf32, #tpu.memory_space<vmem>>, vector<1x16xf32>,
        %parallel_loop3A_311 = vector.shape_cast %parallel_loop3A_310 : vector<1x16xf32> to vector<16xf32>
        %parallel_loop3A_312 = arith.addf %parallel_loop3A_311, %parallel_loop3A_246 : vector<16xf32>
        %parallel_loop3A_313 = arith.constant 5 : i32
        %parallel_loop3A_314 = arith.index_cast %parallel_loop3A_313 : i32 to index
        %parallel_loop3A_315 = arith.index_cast %parallel_loop3A_242 : i32 to index
        %parallel_loop3A_316 = tpu.vector_load %arg8[%parallel_loop3A_314, %parallel_loop3A_315] {strides = array<i32>} : memref<16x1152xf32, #tpu.memory_space<vmem>>, vector<1x16xf32>,
        %parallel_loop3A_317 = vector.shape_cast %parallel_loop3A_316 : vector<1x16xf32> to vector<16xf32>
        %parallel_loop3A_318 = vector.shape_cast %parallel_loop3A_312 : vector<16xf32> to vector<1x16xf32>
        tpu.vector_store %arg8[%parallel_loop3A_314, %parallel_loop3A_315], %parallel_loop3A_318 {strides = array<i32>} : memref<16x1152xf32, #tpu.memory_space<vmem>>, vector<1x16xf32>,
        %parallel_loop3A_319 = arith.constant 6 : i32
        %parallel_loop3A_320 = arith.index_cast %parallel_loop3A_319 : i32 to index
        %parallel_loop3A_321 = arith.index_cast %parallel_loop3A_242 : i32 to index
        %parallel_loop3A_322 = tpu.vector_load %arg8[%parallel_loop3A_320, %parallel_loop3A_321] {strides = array<i32>} : memref<16x1152xf32, #tpu.memory_space<vmem>>, vector<1x16xf32>,
        %parallel_loop3A_323 = vector.shape_cast %parallel_loop3A_322 : vector<1x16xf32> to vector<16xf32>
        %parallel_loop3A_324 = arith.addf %parallel_loop3A_323, %parallel_loop3A_246 : vector<16xf32>
        %parallel_loop3A_325 = arith.constant 6 : i32
        %parallel_loop3A_326 = arith.index_cast %parallel_loop3A_325 : i32 to index
        %parallel_loop3A_327 = arith.index_cast %parallel_loop3A_242 : i32 to index
        %parallel_loop3A_328 = tpu.vector_load %arg8[%parallel_loop3A_326, %parallel_loop3A_327] {strides = array<i32>} : memref<16x1152xf32, #tpu.memory_space<vmem>>, vector<1x16xf32>,
        %parallel_loop3A_329 = vector.shape_cast %parallel_loop3A_328 : vector<1x16xf32> to vector<16xf32>
        %parallel_loop3A_330 = vector.shape_cast %parallel_loop3A_324 : vector<16xf32> to vector<1x16xf32>
        tpu.vector_store %arg8[%parallel_loop3A_326, %parallel_loop3A_327], %parallel_loop3A_330 {strides = array<i32>} : memref<16x1152xf32, #tpu.memory_space<vmem>>, vector<1x16xf32>,
        %parallel_loop3A_331 = arith.constant 7 : i32
        %parallel_loop3A_332 = arith.index_cast %parallel_loop3A_331 : i32 to index
        %parallel_loop3A_333 = arith.index_cast %parallel_loop3A_242 : i32 to index
        %parallel_loop3A_334 = tpu.vector_load %arg8[%parallel_loop3A_332, %parallel_loop3A_333] {strides = array<i32>} : memref<16x1152xf32, #tpu.memory_space<vmem>>, vector<1x16xf32>,
        %parallel_loop3A_335 = vector.shape_cast %parallel_loop3A_334 : vector<1x16xf32> to vector<16xf32>
        %parallel_loop3A_336 = arith.addf %parallel_loop3A_335, %parallel_loop3A_246 : vector<16xf32>
        %parallel_loop3A_337 = arith.constant 7 : i32
        %parallel_loop3A_338 = arith.index_cast %parallel_loop3A_337 : i32 to index
        %parallel_loop3A_339 = arith.index_cast %parallel_loop3A_242 : i32 to index
        %parallel_loop3A_340 = tpu.vector_load %arg8[%parallel_loop3A_338, %parallel_loop3A_339] {strides = array<i32>} : memref<16x1152xf32, #tpu.memory_space<vmem>>, vector<1x16xf32>,
        %parallel_loop3A_341 = vector.shape_cast %parallel_loop3A_340 : vector<1x16xf32> to vector<16xf32>
        %parallel_loop3A_342 = vector.shape_cast %parallel_loop3A_336 : vector<16xf32> to vector<1x16xf32>
        tpu.vector_store %arg8[%parallel_loop3A_338, %parallel_loop3A_339], %parallel_loop3A_342 {strides = array<i32>} : memref<16x1152xf32, #tpu.memory_space<vmem>>, vector<1x16xf32>,
        %parallel_loop3A_343 = arith.constant 8 : i32
        %parallel_loop3A_344 = arith.index_cast %parallel_loop3A_343 : i32 to index
        %parallel_loop3A_345 = arith.index_cast %parallel_loop3A_242 : i32 to index
        %parallel_loop3A_346 = tpu.vector_load %arg8[%parallel_loop3A_344, %parallel_loop3A_345] {strides = array<i32>} : memref<16x1152xf32, #tpu.memory_space<vmem>>, vector<1x16xf32>,
        %parallel_loop3A_347 = vector.shape_cast %parallel_loop3A_346 : vector<1x16xf32> to vector<16xf32>
        %parallel_loop3A_348 = arith.addf %parallel_loop3A_347, %parallel_loop3A_246 : vector<16xf32>
        %parallel_loop3A_349 = arith.constant 8 : i32
        %parallel_loop3A_350 = arith.index_cast %parallel_loop3A_349 : i32 to index
        %parallel_loop3A_351 = arith.index_cast %parallel_loop3A_242 : i32 to index
        %parallel_loop3A_352 = tpu.vector_load %arg8[%parallel_loop3A_350, %parallel_loop3A_351] {strides = array<i32>} : memref<16x1152xf32, #tpu.memory_space<vmem>>, vector<1x16xf32>,
        %parallel_loop3A_353 = vector.shape_cast %parallel_loop3A_352 : vector<1x16xf32> to vector<16xf32>
        %parallel_loop3A_354 = vector.shape_cast %parallel_loop3A_348 : vector<16xf32> to vector<1x16xf32>
        tpu.vector_store %arg8[%parallel_loop3A_350, %parallel_loop3A_351], %parallel_loop3A_354 {strides = array<i32>} : memref<16x1152xf32, #tpu.memory_space<vmem>>, vector<1x16xf32>,
        %parallel_loop3A_355 = arith.constant 9 : i32
        %parallel_loop3A_356 = arith.index_cast %parallel_loop3A_355 : i32 to index
        %parallel_loop3A_357 = arith.index_cast %parallel_loop3A_242 : i32 to index
        %parallel_loop3A_358 = tpu.vector_load %arg8[%parallel_loop3A_356, %parallel_loop3A_357] {strides = array<i32>} : memref<16x1152xf32, #tpu.memory_space<vmem>>, vector<1x16xf32>,
        %parallel_loop3A_359 = vector.shape_cast %parallel_loop3A_358 : vector<1x16xf32> to vector<16xf32>
        %parallel_loop3A_360 = arith.addf %parallel_loop3A_359, %parallel_loop3A_246 : vector<16xf32>
        %parallel_loop3A_361 = arith.constant 9 : i32
        %parallel_loop3A_362 = arith.index_cast %parallel_loop3A_361 : i32 to index
        %parallel_loop3A_363 = arith.index_cast %parallel_loop3A_242 : i32 to index
        %parallel_loop3A_364 = tpu.vector_load %arg8[%parallel_loop3A_362, %parallel_loop3A_363] {strides = array<i32>} : memref<16x1152xf32, #tpu.memory_space<vmem>>, vector<1x16xf32>,
        %parallel_loop3A_365 = vector.shape_cast %parallel_loop3A_364 : vector<1x16xf32> to vector<16xf32>
        %parallel_loop3A_366 = vector.shape_cast %parallel_loop3A_360 : vector<16xf32> to vector<1x16xf32>
        tpu.vector_store %arg8[%parallel_loop3A_362, %parallel_loop3A_363], %parallel_loop3A_366 {strides = array<i32>} : memref<16x1152xf32, #tpu.memory_space<vmem>>, vector<1x16xf32>,
        %parallel_loop3A_367 = arith.constant 10 : i32
        %parallel_loop3A_368 = arith.index_cast %parallel_loop3A_367 : i32 to index
        %parallel_loop3A_369 = arith.index_cast %parallel_loop3A_242 : i32 to index
        %parallel_loop3A_370 = tpu.vector_load %arg8[%parallel_loop3A_368, %parallel_loop3A_369] {strides = array<i32>} : memref<16x1152xf32, #tpu.memory_space<vmem>>, vector<1x16xf32>,
        %parallel_loop3A_371 = vector.shape_cast %parallel_loop3A_370 : vector<1x16xf32> to vector<16xf32>
        %parallel_loop3A_372 = arith.addf %parallel_loop3A_371, %parallel_loop3A_246 : vector<16xf32>
        %parallel_loop3A_373 = arith.constant 10 : i32
        %parallel_loop3A_374 = arith.index_cast %parallel_loop3A_373 : i32 to index
        %parallel_loop3A_375 = arith.index_cast %parallel_loop3A_242 : i32 to index
        %parallel_loop3A_376 = tpu.vector_load %arg8[%parallel_loop3A_374, %parallel_loop3A_375] {strides = array<i32>} : memref<16x1152xf32, #tpu.memory_space<vmem>>, vector<1x16xf32>,
        %parallel_loop3A_377 = vector.shape_cast %parallel_loop3A_376 : vector<1x16xf32> to vector<16xf32>
        %parallel_loop3A_378 = vector.shape_cast %parallel_loop3A_372 : vector<16xf32> to vector<1x16xf32>
        tpu.vector_store %arg8[%parallel_loop3A_374, %parallel_loop3A_375], %parallel_loop3A_378 {strides = array<i32>} : memref<16x1152xf32, #tpu.memory_space<vmem>>, vector<1x16xf32>,
        %parallel_loop3A_379 = arith.constant 11 : i32
        %parallel_loop3A_380 = arith.index_cast %parallel_loop3A_379 : i32 to index
        %parallel_loop3A_381 = arith.index_cast %parallel_loop3A_242 : i32 to index
        %parallel_loop3A_382 = tpu.vector_load %arg8[%parallel_loop3A_380, %parallel_loop3A_381] {strides = array<i32>} : memref<16x1152xf32, #tpu.memory_space<vmem>>, vector<1x16xf32>,
        %parallel_loop3A_383 = vector.shape_cast %parallel_loop3A_382 : vector<1x16xf32> to vector<16xf32>
        %parallel_loop3A_384 = arith.addf %parallel_loop3A_383, %parallel_loop3A_246 : vector<16xf32>
        %parallel_loop3A_385 = arith.constant 11 : i32
        %parallel_loop3A_386 = arith.index_cast %parallel_loop3A_385 : i32 to index
        %parallel_loop3A_387 = arith.index_cast %parallel_loop3A_242 : i32 to index
        %parallel_loop3A_388 = tpu.vector_load %arg8[%parallel_loop3A_386, %parallel_loop3A_387] {strides = array<i32>} : memref<16x1152xf32, #tpu.memory_space<vmem>>, vector<1x16xf32>,
        %parallel_loop3A_389 = vector.shape_cast %parallel_loop3A_388 : vector<1x16xf32> to vector<16xf32>
        %parallel_loop3A_390 = vector.shape_cast %parallel_loop3A_384 : vector<16xf32> to vector<1x16xf32>
        tpu.vector_store %arg8[%parallel_loop3A_386, %parallel_loop3A_387], %parallel_loop3A_390 {strides = array<i32>} : memref<16x1152xf32, #tpu.memory_space<vmem>>, vector<1x16xf32>,
        %parallel_loop3A_391 = arith.constant 12 : i32
        %parallel_loop3A_392 = arith.index_cast %parallel_loop3A_391 : i32 to index
        %parallel_loop3A_393 = arith.index_cast %parallel_loop3A_242 : i32 to index
        %parallel_loop3A_394 = tpu.vector_load %arg8[%parallel_loop3A_392, %parallel_loop3A_393] {strides = array<i32>} : memref<16x1152xf32, #tpu.memory_space<vmem>>, vector<1x16xf32>,
        %parallel_loop3A_395 = vector.shape_cast %parallel_loop3A_394 : vector<1x16xf32> to vector<16xf32>
        %parallel_loop3A_396 = arith.addf %parallel_loop3A_395, %parallel_loop3A_246 : vector<16xf32>
        %parallel_loop3A_397 = arith.constant 12 : i32
        %parallel_loop3A_398 = arith.index_cast %parallel_loop3A_397 : i32 to index
        %parallel_loop3A_399 = arith.index_cast %parallel_loop3A_242 : i32 to index
        %parallel_loop3A_400 = tpu.vector_load %arg8[%parallel_loop3A_398, %parallel_loop3A_399] {strides = array<i32>} : memref<16x1152xf32, #tpu.memory_space<vmem>>, vector<1x16xf32>,
        %parallel_loop3A_401 = vector.shape_cast %parallel_loop3A_400 : vector<1x16xf32> to vector<16xf32>
        %parallel_loop3A_402 = vector.shape_cast %parallel_loop3A_396 : vector<16xf32> to vector<1x16xf32>
        tpu.vector_store %arg8[%parallel_loop3A_398, %parallel_loop3A_399], %parallel_loop3A_402 {strides = array<i32>} : memref<16x1152xf32, #tpu.memory_space<vmem>>, vector<1x16xf32>,
        %parallel_loop3A_403 = arith.constant 13 : i32
        %parallel_loop3A_404 = arith.index_cast %parallel_loop3A_403 : i32 to index
        %parallel_loop3A_405 = arith.index_cast %parallel_loop3A_242 : i32 to index
        %parallel_loop3A_406 = tpu.vector_load %arg8[%parallel_loop3A_404, %parallel_loop3A_405] {strides = array<i32>} : memref<16x1152xf32, #tpu.memory_space<vmem>>, vector<1x16xf32>,
        %parallel_loop3A_407 = vector.shape_cast %parallel_loop3A_406 : vector<1x16xf32> to vector<16xf32>
        %parallel_loop3A_408 = arith.addf %parallel_loop3A_407, %parallel_loop3A_246 : vector<16xf32>
        %parallel_loop3A_409 = arith.constant 13 : i32
        %parallel_loop3A_410 = arith.index_cast %parallel_loop3A_409 : i32 to index
        %parallel_loop3A_411 = arith.index_cast %parallel_loop3A_242 : i32 to index
        %parallel_loop3A_412 = tpu.vector_load %arg8[%parallel_loop3A_410, %parallel_loop3A_411] {strides = array<i32>} : memref<16x1152xf32, #tpu.memory_space<vmem>>, vector<1x16xf32>,
        %parallel_loop3A_413 = vector.shape_cast %parallel_loop3A_412 : vector<1x16xf32> to vector<16xf32>
        %parallel_loop3A_414 = vector.shape_cast %parallel_loop3A_408 : vector<16xf32> to vector<1x16xf32>
        tpu.vector_store %arg8[%parallel_loop3A_410, %parallel_loop3A_411], %parallel_loop3A_414 {strides = array<i32>} : memref<16x1152xf32, #tpu.memory_space<vmem>>, vector<1x16xf32>,
        %parallel_loop3A_415 = arith.constant 14 : i32
        %parallel_loop3A_416 = arith.index_cast %parallel_loop3A_415 : i32 to index
        %parallel_loop3A_417 = arith.index_cast %parallel_loop3A_242 : i32 to index
        %parallel_loop3A_418 = tpu.vector_load %arg8[%parallel_loop3A_416, %parallel_loop3A_417] {strides = array<i32>} : memref<16x1152xf32, #tpu.memory_space<vmem>>, vector<1x16xf32>,
        %parallel_loop3A_419 = vector.shape_cast %parallel_loop3A_418 : vector<1x16xf32> to vector<16xf32>
        %parallel_loop3A_420 = arith.addf %parallel_loop3A_419, %parallel_loop3A_246 : vector<16xf32>
        %parallel_loop3A_421 = arith.constant 14 : i32
        %parallel_loop3A_422 = arith.index_cast %parallel_loop3A_421 : i32 to index
        %parallel_loop3A_423 = arith.index_cast %parallel_loop3A_242 : i32 to index
        %parallel_loop3A_424 = tpu.vector_load %arg8[%parallel_loop3A_422, %parallel_loop3A_423] {strides = array<i32>} : memref<16x1152xf32, #tpu.memory_space<vmem>>, vector<1x16xf32>,
        %parallel_loop3A_425 = vector.shape_cast %parallel_loop3A_424 : vector<1x16xf32> to vector<16xf32>
        %parallel_loop3A_426 = vector.shape_cast %parallel_loop3A_420 : vector<16xf32> to vector<1x16xf32>
        tpu.vector_store %arg8[%parallel_loop3A_422, %parallel_loop3A_423], %parallel_loop3A_426 {strides = array<i32>} : memref<16x1152xf32, #tpu.memory_space<vmem>>, vector<1x16xf32>,
        %parallel_loop3A_427 = arith.constant 15 : i32
        %parallel_loop3A_428 = arith.index_cast %parallel_loop3A_427 : i32 to index
        %parallel_loop3A_429 = arith.index_cast %parallel_loop3A_242 : i32 to index
        %parallel_loop3A_430 = tpu.vector_load %arg8[%parallel_loop3A_428, %parallel_loop3A_429] {strides = array<i32>} : memref<16x1152xf32, #tpu.memory_space<vmem>>, vector<1x16xf32>,
        %parallel_loop3A_431 = vector.shape_cast %parallel_loop3A_430 : vector<1x16xf32> to vector<16xf32>
        %parallel_loop3A_432 = arith.addf %parallel_loop3A_431, %parallel_loop3A_246 : vector<16xf32>
        %parallel_loop3A_433 = arith.constant 15 : i32
        %parallel_loop3A_434 = arith.index_cast %parallel_loop3A_433 : i32 to index
        %parallel_loop3A_435 = arith.index_cast %parallel_loop3A_242 : i32 to index
        %parallel_loop3A_436 = tpu.vector_load %arg8[%parallel_loop3A_434, %parallel_loop3A_435] {strides = array<i32>} : memref<16x1152xf32, #tpu.memory_space<vmem>>, vector<1x16xf32>,
        %parallel_loop3A_437 = vector.shape_cast %parallel_loop3A_436 : vector<1x16xf32> to vector<16xf32>
        %parallel_loop3A_438 = vector.shape_cast %parallel_loop3A_432 : vector<16xf32> to vector<1x16xf32>
        tpu.vector_store %arg8[%parallel_loop3A_434, %parallel_loop3A_435], %parallel_loop3A_438 {strides = array<i32>} : memref<16x1152xf32, #tpu.memory_space<vmem>>, vector<1x16xf32>,
      } {sc.loop_unroll_factor = 4 : i64, sc.parallel_access}
      %shift_right_logical3A_130 = arith.constant 6 : i32
      %shift_right_logical3A_131 = arith.shrui %add3A_102, %shift_right_logical3A_130 : i32
      %shift_left3A_132 = arith.constant 6 : i32
      %shift_left3A_133 = arith.shli %shift_right_logical3A_131, %shift_left3A_132 : i32
      %sub3A_134 = arith.subi %add3A_102, %shift_left3A_133 : i32
      %mul3A_135 = arith.constant 16 : i32
      %mul3A_136 = arith.muli %sub3A_134, %mul3A_135 : i32
      %mul3A_137 = arith.constant 32 : i32
      %mul3A_138 = arith.muli %mul3A_137, %shift_right_logical3A_131 : i32
      %add3A_139 = arith.addi %add3A, %mul3A_138 : i32
      %dma_start3A_140 = arith.constant 0 : i32
      %dma_start3A_141 = tpu.memref_slice %arg5[%mul3A_136, %add3A_139, %dma_start3A_140] : memref<1024x64x1152xf32, #tpu.memory_space<hbm>> -> memref<16x1x1152xf32, #tpu.memory_space<hbm>>
      %dma_start3A_142 = tpu.memref_squeeze %dma_start3A_141 : memref<16x1x1152xf32, #tpu.memory_space<hbm>> -> memref<16x1152xf32, #tpu.memory_space<hbm>>
      %dma_start3A_143 = arith.constant 0 : i32
      %dma_start3A_144 = tpu.memref_slice %arg5[%mul3A_136, %add3A_139, %dma_start3A_143] : memref<1024x64x1152xf32, #tpu.memory_space<hbm>> -> memref<16x1x1152xf32, #tpu.memory_space<hbm>>
      %dma_start3A_145 = tpu.memref_squeeze %dma_start3A_144 : memref<16x1x1152xf32, #tpu.memory_space<hbm>> -> memref<16x1152xf32, #tpu.memory_space<hbm>>
      tpu.enqueue_dma source(%arg8 : memref<16x1152xf32, #tpu.memory_space<vmem>>) target(%dma_start3A_145 : memref<16x1152xf32, #tpu.memory_space<hbm>>) target_semaphore(%arg17 : memref<!tpu.dma_semaphore, #tpu.memory_space<semaphore_mem>>)
      %mul3A_146 = arith.constant 4 : i32
      %mul3A_147 = arith.muli %scan3A_56, %mul3A_146 : i32
      %add3A_148 = arith.constant 2 : i32
      %add3A_149 = arith.addi %mul3A_147, %add3A_148 : i32
      %mul3A_150 = arith.constant 16 : i32
      %mul3A_151 = arith.muli %add3A_149, %mul3A_150 : i32
      %get3A_152 = arith.index_cast %mul3A_151 : i32 to index
      %get3A_153 = tpu.vector_load %arg6[%get3A_152] {strides = array<i32>} : memref<2048xi32, #tpu.memory_space<vmem>>, vector<16xi32>,
      %get3A_154 = vector.shape_cast %get3A_153 : vector<16xi32> to vector<16xi32>
      %dma_wait3A_155 = arith.constant 0 : i32
      %dma_wait3A_156 = arith.constant 0 : i32
      %dma_wait3A_157 = tpu.memref_slice %arg3[%dma_wait3A_155, %dma_wait3A_156] : memref<250000x1152xf32, #tpu.memory_space<hbm>> -> memref<250000x1152xf32, #tpu.memory_space<hbm>>
      tpu.wait_indirect_dma semaphore(%arg14 : memref<!tpu.dma_semaphore, #tpu.memory_space<semaphore_mem>>) src(%dma_wait3A_157 : memref<250000x1152xf32, #tpu.memory_space<hbm>>) dst(%arg9 : memref<16x1152xf32, #tpu.memory_space<vmem>>)
      %ge3A_158 = arith.constant 2 : i32
      %ge3A_159 = arith.cmpi sge, %add3A_149, %ge3A_158 : i32
      %convert_element_type3A_160 = arith.extui %ge3A_159 : i1 to i32
      %cond3A_161 = arith.constant 0 : i32
      %cond3A_162 = arith.cmpi ne, %convert_element_type3A_160, %cond3A_161 : i32
      scf.if %cond3A_162 {
        %sub3A_240 = arith.constant 2 : i32
        %sub3A_241 = arith.subi %add3A_149, %sub3A_240 : i32
        %shift_right_logical3A_242 = arith.constant 6 : i32
        %shift_right_logical3A_243 = arith.shrui %sub3A_241, %shift_right_logical3A_242 : i32
        %shift_left3A_244 = arith.constant 6 : i32
        %shift_left3A_245 = arith.shli %shift_right_logical3A_243, %shift_left3A_244 : i32
        %sub3A_246 = arith.subi %sub3A_241, %shift_left3A_245 : i32
        %mul3A_247 = arith.constant 16 : i32
        %mul3A_248 = arith.muli %sub3A_246, %mul3A_247 : i32
        %mul3A_249 = arith.constant 32 : i32
        %mul3A_250 = arith.muli %mul3A_249, %shift_right_logical3A_243 : i32
        %add3A_251 = arith.addi %add3A, %mul3A_250 : i32
        %dma_wait3A_252 = arith.constant 0 : i32
        %dma_wait3A_253 = tpu.memref_slice %arg5[%mul3A_248, %add3A_251, %dma_wait3A_252] : memref<1024x64x1152xf32, #tpu.memory_space<hbm>> -> memref<16x1x1152xf32, #tpu.memory_space<hbm>>
        %dma_wait3A_254 = tpu.memref_squeeze %dma_wait3A_253 : memref<16x1x1152xf32, #tpu.memory_space<hbm>> -> memref<16x1152xf32, #tpu.memory_space<hbm>>
        %dma_wait3A_255 = arith.constant 0 : i32
        %dma_wait3A_256 = tpu.memref_slice %arg5[%mul3A_248, %add3A_251, %dma_wait3A_255] : memref<1024x64x1152xf32, #tpu.memory_space<hbm>> -> memref<16x1x1152xf32, #tpu.memory_space<hbm>>
        %dma_wait3A_257 = tpu.memref_squeeze %dma_wait3A_256 : memref<16x1x1152xf32, #tpu.memory_space<hbm>> -> memref<16x1152xf32, #tpu.memory_space<hbm>>
        tpu.wait_dma2 semaphore(%arg16 : memref<!tpu.dma_semaphore, #tpu.memory_space<semaphore_mem>>) src(%arg7 : memref<16x1152xf32, #tpu.memory_space<vmem>>) dst(%dma_wait3A_257 : memref<16x1152xf32, #tpu.memory_space<hbm>>)
      } else {
      }
      %add3A_163 = arith.constant 2 : i32
      %add3A_164 = arith.addi %add3A_149, %add3A_163 : i32
      %lt3A_165 = arith.constant 128 : i32
      %lt3A_166 = arith.cmpi slt, %add3A_164, %lt3A_165 : i32
      %convert_element_type3A_167 = arith.extui %lt3A_166 : i1 to i32
      %cond3A_168 = arith.constant 0 : i32
      %cond3A_169 = arith.cmpi ne, %convert_element_type3A_167, %cond3A_168 : i32
      scf.if %cond3A_169 {
        %add3A_240 = arith.constant 2 : i32
        %add3A_241 = arith.addi %add3A_149, %add3A_240 : i32
        %mul3A_242 = arith.constant 16 : i32
        %mul3A_243 = arith.muli %add3A_241, %mul3A_242 : i32
        %get3A_244 = arith.index_cast %mul3A_243 : i32 to index
        %get3A_245 = tpu.vector_load %arg6[%get3A_244] {strides = array<i32>} : memref<2048xi32, #tpu.memory_space<vmem>>, vector<16xi32>,
        %get3A_246 = vector.shape_cast %get3A_245 : vector<16xi32> to vector<16xi32>
        %dma_start3A_247 = arith.constant 0 : i32
        %dma_start3A_248 = arith.constant 0 : i32
        %dma_start3A_249 = tpu.memref_slice %arg3[%dma_start3A_247, %dma_start3A_248] : memref<250000x1152xf32, #tpu.memory_space<hbm>> -> memref<250000x1152xf32, #tpu.memory_space<hbm>>
        tpu.enqueue_indirect_dma source(%dma_start3A_249 : memref<250000x1152xf32, #tpu.memory_space<hbm>>) target(%arg7 : memref<16x1152xf32, #tpu.memory_space<vmem>>) offsets(%get3A_246 : vector<16xi32>) semaphore(%arg12 : memref<!tpu.dma_semaphore, #tpu.memory_space<semaphore_mem>>)
      } else {
      }
      %shift_right_logical3A_170 = arith.constant 6 : i32
      %shift_right_logical3A_171 = arith.shrui %add3A_149, %shift_right_logical3A_170 : i32
      %mul3A_172 = arith.constant 1152 : i32
      %mul3A_173 = arith.muli %shift_right_logical3A_171, %mul3A_172 : i32
      %parallel_loop3A_174 = arith.constant 0 : i32
      %parallel_loop3A_175 = arith.constant 72 : i32
      %parallel_loop3A_176 = arith.constant 1 : i32
      scf.for %parallel_loop3A_240 = %parallel_loop3A_174 to %parallel_loop3A_175 step %parallel_loop3A_176  : i32 {
        %parallel_loop3A_241 = arith.constant 16 : i32
        %parallel_loop3A_242 = arith.muli %parallel_loop3A_240, %parallel_loop3A_241 : i32
        %parallel_loop3A_243 = arith.addi %mul3A_173, %parallel_loop3A_242 : i32
        %parallel_loop3A_244 = arith.index_cast %parallel_loop3A_243 : i32 to index
        %parallel_loop3A_245 = tpu.vector_load %arg11[%parallel_loop3A_244] {strides = array<i32>} : memref<2304xf32, #tpu.memory_space<vmem>>, vector<16xf32>,
        %parallel_loop3A_246 = vector.shape_cast %parallel_loop3A_245 : vector<16xf32> to vector<16xf32>
        %parallel_loop3A_247 = arith.constant 0 : i32
        %parallel_loop3A_248 = arith.index_cast %parallel_loop3A_247 : i32 to index
        %parallel_loop3A_249 = arith.index_cast %parallel_loop3A_242 : i32 to index
        %parallel_loop3A_250 = tpu.vector_load %arg9[%parallel_loop3A_248, %parallel_loop3A_249] {strides = array<i32>} : memref<16x1152xf32, #tpu.memory_space<vmem>>, vector<1x16xf32>,
        %parallel_loop3A_251 = vector.shape_cast %parallel_loop3A_250 : vector<1x16xf32> to vector<16xf32>
        %parallel_loop3A_252 = arith.addf %parallel_loop3A_251, %parallel_loop3A_246 : vector<16xf32>
        %parallel_loop3A_253 = arith.constant 0 : i32
        %parallel_loop3A_254 = arith.index_cast %parallel_loop3A_253 : i32 to index
        %parallel_loop3A_255 = arith.index_cast %parallel_loop3A_242 : i32 to index
        %parallel_loop3A_256 = tpu.vector_load %arg9[%parallel_loop3A_254, %parallel_loop3A_255] {strides = array<i32>} : memref<16x1152xf32, #tpu.memory_space<vmem>>, vector<1x16xf32>,
        %parallel_loop3A_257 = vector.shape_cast %parallel_loop3A_256 : vector<1x16xf32> to vector<16xf32>
        %parallel_loop3A_258 = vector.shape_cast %parallel_loop3A_252 : vector<16xf32> to vector<1x16xf32>
        tpu.vector_store %arg9[%parallel_loop3A_254, %parallel_loop3A_255], %parallel_loop3A_258 {strides = array<i32>} : memref<16x1152xf32, #tpu.memory_space<vmem>>, vector<1x16xf32>,
        %parallel_loop3A_259 = arith.constant 1 : i32
        %parallel_loop3A_260 = arith.index_cast %parallel_loop3A_259 : i32 to index
        %parallel_loop3A_261 = arith.index_cast %parallel_loop3A_242 : i32 to index
        %parallel_loop3A_262 = tpu.vector_load %arg9[%parallel_loop3A_260, %parallel_loop3A_261] {strides = array<i32>} : memref<16x1152xf32, #tpu.memory_space<vmem>>, vector<1x16xf32>,
        %parallel_loop3A_263 = vector.shape_cast %parallel_loop3A_262 : vector<1x16xf32> to vector<16xf32>
        %parallel_loop3A_264 = arith.addf %parallel_loop3A_263, %parallel_loop3A_246 : vector<16xf32>
        %parallel_loop3A_265 = arith.constant 1 : i32
        %parallel_loop3A_266 = arith.index_cast %parallel_loop3A_265 : i32 to index
        %parallel_loop3A_267 = arith.index_cast %parallel_loop3A_242 : i32 to index
        %parallel_loop3A_268 = tpu.vector_load %arg9[%parallel_loop3A_266, %parallel_loop3A_267] {strides = array<i32>} : memref<16x1152xf32, #tpu.memory_space<vmem>>, vector<1x16xf32>,
        %parallel_loop3A_269 = vector.shape_cast %parallel_loop3A_268 : vector<1x16xf32> to vector<16xf32>
        %parallel_loop3A_270 = vector.shape_cast %parallel_loop3A_264 : vector<16xf32> to vector<1x16xf32>
        tpu.vector_store %arg9[%parallel_loop3A_266, %parallel_loop3A_267], %parallel_loop3A_270 {strides = array<i32>} : memref<16x1152xf32, #tpu.memory_space<vmem>>, vector<1x16xf32>,
        %parallel_loop3A_271 = arith.constant 2 : i32
        %parallel_loop3A_272 = arith.index_cast %parallel_loop3A_271 : i32 to index
        %parallel_loop3A_273 = arith.index_cast %parallel_loop3A_242 : i32 to index
        %parallel_loop3A_274 = tpu.vector_load %arg9[%parallel_loop3A_272, %parallel_loop3A_273] {strides = array<i32>} : memref<16x1152xf32, #tpu.memory_space<vmem>>, vector<1x16xf32>,
        %parallel_loop3A_275 = vector.shape_cast %parallel_loop3A_274 : vector<1x16xf32> to vector<16xf32>
        %parallel_loop3A_276 = arith.addf %parallel_loop3A_275, %parallel_loop3A_246 : vector<16xf32>
        %parallel_loop3A_277 = arith.constant 2 : i32
        %parallel_loop3A_278 = arith.index_cast %parallel_loop3A_277 : i32 to index
        %parallel_loop3A_279 = arith.index_cast %parallel_loop3A_242 : i32 to index
        %parallel_loop3A_280 = tpu.vector_load %arg9[%parallel_loop3A_278, %parallel_loop3A_279] {strides = array<i32>} : memref<16x1152xf32, #tpu.memory_space<vmem>>, vector<1x16xf32>,
        %parallel_loop3A_281 = vector.shape_cast %parallel_loop3A_280 : vector<1x16xf32> to vector<16xf32>
        %parallel_loop3A_282 = vector.shape_cast %parallel_loop3A_276 : vector<16xf32> to vector<1x16xf32>
        tpu.vector_store %arg9[%parallel_loop3A_278, %parallel_loop3A_279], %parallel_loop3A_282 {strides = array<i32>} : memref<16x1152xf32, #tpu.memory_space<vmem>>, vector<1x16xf32>,
        %parallel_loop3A_283 = arith.constant 3 : i32
        %parallel_loop3A_284 = arith.index_cast %parallel_loop3A_283 : i32 to index
        %parallel_loop3A_285 = arith.index_cast %parallel_loop3A_242 : i32 to index
        %parallel_loop3A_286 = tpu.vector_load %arg9[%parallel_loop3A_284, %parallel_loop3A_285] {strides = array<i32>} : memref<16x1152xf32, #tpu.memory_space<vmem>>, vector<1x16xf32>,
        %parallel_loop3A_287 = vector.shape_cast %parallel_loop3A_286 : vector<1x16xf32> to vector<16xf32>
        %parallel_loop3A_288 = arith.addf %parallel_loop3A_287, %parallel_loop3A_246 : vector<16xf32>
        %parallel_loop3A_289 = arith.constant 3 : i32
        %parallel_loop3A_290 = arith.index_cast %parallel_loop3A_289 : i32 to index
        %parallel_loop3A_291 = arith.index_cast %parallel_loop3A_242 : i32 to index
        %parallel_loop3A_292 = tpu.vector_load %arg9[%parallel_loop3A_290, %parallel_loop3A_291] {strides = array<i32>} : memref<16x1152xf32, #tpu.memory_space<vmem>>, vector<1x16xf32>,
        %parallel_loop3A_293 = vector.shape_cast %parallel_loop3A_292 : vector<1x16xf32> to vector<16xf32>
        %parallel_loop3A_294 = vector.shape_cast %parallel_loop3A_288 : vector<16xf32> to vector<1x16xf32>
        tpu.vector_store %arg9[%parallel_loop3A_290, %parallel_loop3A_291], %parallel_loop3A_294 {strides = array<i32>} : memref<16x1152xf32, #tpu.memory_space<vmem>>, vector<1x16xf32>,
        %parallel_loop3A_295 = arith.constant 4 : i32
        %parallel_loop3A_296 = arith.index_cast %parallel_loop3A_295 : i32 to index
        %parallel_loop3A_297 = arith.index_cast %parallel_loop3A_242 : i32 to index
        %parallel_loop3A_298 = tpu.vector_load %arg9[%parallel_loop3A_296, %parallel_loop3A_297] {strides = array<i32>} : memref<16x1152xf32, #tpu.memory_space<vmem>>, vector<1x16xf32>,
        %parallel_loop3A_299 = vector.shape_cast %parallel_loop3A_298 : vector<1x16xf32> to vector<16xf32>
        %parallel_loop3A_300 = arith.addf %parallel_loop3A_299, %parallel_loop3A_246 : vector<16xf32>
        %parallel_loop3A_301 = arith.constant 4 : i32
        %parallel_loop3A_302 = arith.index_cast %parallel_loop3A_301 : i32 to index
        %parallel_loop3A_303 = arith.index_cast %parallel_loop3A_242 : i32 to index
        %parallel_loop3A_304 = tpu.vector_load %arg9[%parallel_loop3A_302, %parallel_loop3A_303] {strides = array<i32>} : memref<16x1152xf32, #tpu.memory_space<vmem>>, vector<1x16xf32>,
        %parallel_loop3A_305 = vector.shape_cast %parallel_loop3A_304 : vector<1x16xf32> to vector<16xf32>
        %parallel_loop3A_306 = vector.shape_cast %parallel_loop3A_300 : vector<16xf32> to vector<1x16xf32>
        tpu.vector_store %arg9[%parallel_loop3A_302, %parallel_loop3A_303], %parallel_loop3A_306 {strides = array<i32>} : memref<16x1152xf32, #tpu.memory_space<vmem>>, vector<1x16xf32>,
        %parallel_loop3A_307 = arith.constant 5 : i32
        %parallel_loop3A_308 = arith.index_cast %parallel_loop3A_307 : i32 to index
        %parallel_loop3A_309 = arith.index_cast %parallel_loop3A_242 : i32 to index
        %parallel_loop3A_310 = tpu.vector_load %arg9[%parallel_loop3A_308, %parallel_loop3A_309] {strides = array<i32>} : memref<16x1152xf32, #tpu.memory_space<vmem>>, vector<1x16xf32>,
        %parallel_loop3A_311 = vector.shape_cast %parallel_loop3A_310 : vector<1x16xf32> to vector<16xf32>
        %parallel_loop3A_312 = arith.addf %parallel_loop3A_311, %parallel_loop3A_246 : vector<16xf32>
        %parallel_loop3A_313 = arith.constant 5 : i32
        %parallel_loop3A_314 = arith.index_cast %parallel_loop3A_313 : i32 to index
        %parallel_loop3A_315 = arith.index_cast %parallel_loop3A_242 : i32 to index
        %parallel_loop3A_316 = tpu.vector_load %arg9[%parallel_loop3A_314, %parallel_loop3A_315] {strides = array<i32>} : memref<16x1152xf32, #tpu.memory_space<vmem>>, vector<1x16xf32>,
        %parallel_loop3A_317 = vector.shape_cast %parallel_loop3A_316 : vector<1x16xf32> to vector<16xf32>
        %parallel_loop3A_318 = vector.shape_cast %parallel_loop3A_312 : vector<16xf32> to vector<1x16xf32>
        tpu.vector_store %arg9[%parallel_loop3A_314, %parallel_loop3A_315], %parallel_loop3A_318 {strides = array<i32>} : memref<16x1152xf32, #tpu.memory_space<vmem>>, vector<1x16xf32>,
        %parallel_loop3A_319 = arith.constant 6 : i32
        %parallel_loop3A_320 = arith.index_cast %parallel_loop3A_319 : i32 to index
        %parallel_loop3A_321 = arith.index_cast %parallel_loop3A_242 : i32 to index
        %parallel_loop3A_322 = tpu.vector_load %arg9[%parallel_loop3A_320, %parallel_loop3A_321] {strides = array<i32>} : memref<16x1152xf32, #tpu.memory_space<vmem>>, vector<1x16xf32>,
        %parallel_loop3A_323 = vector.shape_cast %parallel_loop3A_322 : vector<1x16xf32> to vector<16xf32>
        %parallel_loop3A_324 = arith.addf %parallel_loop3A_323, %parallel_loop3A_246 : vector<16xf32>
        %parallel_loop3A_325 = arith.constant 6 : i32
        %parallel_loop3A_326 = arith.index_cast %parallel_loop3A_325 : i32 to index
        %parallel_loop3A_327 = arith.index_cast %parallel_loop3A_242 : i32 to index
        %parallel_loop3A_328 = tpu.vector_load %arg9[%parallel_loop3A_326, %parallel_loop3A_327] {strides = array<i32>} : memref<16x1152xf32, #tpu.memory_space<vmem>>, vector<1x16xf32>,
        %parallel_loop3A_329 = vector.shape_cast %parallel_loop3A_328 : vector<1x16xf32> to vector<16xf32>
        %parallel_loop3A_330 = vector.shape_cast %parallel_loop3A_324 : vector<16xf32> to vector<1x16xf32>
        tpu.vector_store %arg9[%parallel_loop3A_326, %parallel_loop3A_327], %parallel_loop3A_330 {strides = array<i32>} : memref<16x1152xf32, #tpu.memory_space<vmem>>, vector<1x16xf32>,
        %parallel_loop3A_331 = arith.constant 7 : i32
        %parallel_loop3A_332 = arith.index_cast %parallel_loop3A_331 : i32 to index
        %parallel_loop3A_333 = arith.index_cast %parallel_loop3A_242 : i32 to index
        %parallel_loop3A_334 = tpu.vector_load %arg9[%parallel_loop3A_332, %parallel_loop3A_333] {strides = array<i32>} : memref<16x1152xf32, #tpu.memory_space<vmem>>, vector<1x16xf32>,
        %parallel_loop3A_335 = vector.shape_cast %parallel_loop3A_334 : vector<1x16xf32> to vector<16xf32>
        %parallel_loop3A_336 = arith.addf %parallel_loop3A_335, %parallel_loop3A_246 : vector<16xf32>
        %parallel_loop3A_337 = arith.constant 7 : i32
        %parallel_loop3A_338 = arith.index_cast %parallel_loop3A_337 : i32 to index
        %parallel_loop3A_339 = arith.index_cast %parallel_loop3A_242 : i32 to index
        %parallel_loop3A_340 = tpu.vector_load %arg9[%parallel_loop3A_338, %parallel_loop3A_339] {strides = array<i32>} : memref<16x1152xf32, #tpu.memory_space<vmem>>, vector<1x16xf32>,
        %parallel_loop3A_341 = vector.shape_cast %parallel_loop3A_340 : vector<1x16xf32> to vector<16xf32>
        %parallel_loop3A_342 = vector.shape_cast %parallel_loop3A_336 : vector<16xf32> to vector<1x16xf32>
        tpu.vector_store %arg9[%parallel_loop3A_338, %parallel_loop3A_339], %parallel_loop3A_342 {strides = array<i32>} : memref<16x1152xf32, #tpu.memory_space<vmem>>, vector<1x16xf32>,
        %parallel_loop3A_343 = arith.constant 8 : i32
        %parallel_loop3A_344 = arith.index_cast %parallel_loop3A_343 : i32 to index
        %parallel_loop3A_345 = arith.index_cast %parallel_loop3A_242 : i32 to index
        %parallel_loop3A_346 = tpu.vector_load %arg9[%parallel_loop3A_344, %parallel_loop3A_345] {strides = array<i32>} : memref<16x1152xf32, #tpu.memory_space<vmem>>, vector<1x16xf32>,
        %parallel_loop3A_347 = vector.shape_cast %parallel_loop3A_346 : vector<1x16xf32> to vector<16xf32>
        %parallel_loop3A_348 = arith.addf %parallel_loop3A_347, %parallel_loop3A_246 : vector<16xf32>
        %parallel_loop3A_349 = arith.constant 8 : i32
        %parallel_loop3A_350 = arith.index_cast %parallel_loop3A_349 : i32 to index
        %parallel_loop3A_351 = arith.index_cast %parallel_loop3A_242 : i32 to index
        %parallel_loop3A_352 = tpu.vector_load %arg9[%parallel_loop3A_350, %parallel_loop3A_351] {strides = array<i32>} : memref<16x1152xf32, #tpu.memory_space<vmem>>, vector<1x16xf32>,
        %parallel_loop3A_353 = vector.shape_cast %parallel_loop3A_352 : vector<1x16xf32> to vector<16xf32>
        %parallel_loop3A_354 = vector.shape_cast %parallel_loop3A_348 : vector<16xf32> to vector<1x16xf32>
        tpu.vector_store %arg9[%parallel_loop3A_350, %parallel_loop3A_351], %parallel_loop3A_354 {strides = array<i32>} : memref<16x1152xf32, #tpu.memory_space<vmem>>, vector<1x16xf32>,
        %parallel_loop3A_355 = arith.constant 9 : i32
        %parallel_loop3A_356 = arith.index_cast %parallel_loop3A_355 : i32 to index
        %parallel_loop3A_357 = arith.index_cast %parallel_loop3A_242 : i32 to index
        %parallel_loop3A_358 = tpu.vector_load %arg9[%parallel_loop3A_356, %parallel_loop3A_357] {strides = array<i32>} : memref<16x1152xf32, #tpu.memory_space<vmem>>, vector<1x16xf32>,
        %parallel_loop3A_359 = vector.shape_cast %parallel_loop3A_358 : vector<1x16xf32> to vector<16xf32>
        %parallel_loop3A_360 = arith.addf %parallel_loop3A_359, %parallel_loop3A_246 : vector<16xf32>
        %parallel_loop3A_361 = arith.constant 9 : i32
        %parallel_loop3A_362 = arith.index_cast %parallel_loop3A_361 : i32 to index
        %parallel_loop3A_363 = arith.index_cast %parallel_loop3A_242 : i32 to index
        %parallel_loop3A_364 = tpu.vector_load %arg9[%parallel_loop3A_362, %parallel_loop3A_363] {strides = array<i32>} : memref<16x1152xf32, #tpu.memory_space<vmem>>, vector<1x16xf32>,
        %parallel_loop3A_365 = vector.shape_cast %parallel_loop3A_364 : vector<1x16xf32> to vector<16xf32>
        %parallel_loop3A_366 = vector.shape_cast %parallel_loop3A_360 : vector<16xf32> to vector<1x16xf32>
        tpu.vector_store %arg9[%parallel_loop3A_362, %parallel_loop3A_363], %parallel_loop3A_366 {strides = array<i32>} : memref<16x1152xf32, #tpu.memory_space<vmem>>, vector<1x16xf32>,
        %parallel_loop3A_367 = arith.constant 10 : i32
        %parallel_loop3A_368 = arith.index_cast %parallel_loop3A_367 : i32 to index
        %parallel_loop3A_369 = arith.index_cast %parallel_loop3A_242 : i32 to index
        %parallel_loop3A_370 = tpu.vector_load %arg9[%parallel_loop3A_368, %parallel_loop3A_369] {strides = array<i32>} : memref<16x1152xf32, #tpu.memory_space<vmem>>, vector<1x16xf32>,
        %parallel_loop3A_371 = vector.shape_cast %parallel_loop3A_370 : vector<1x16xf32> to vector<16xf32>
        %parallel_loop3A_372 = arith.addf %parallel_loop3A_371, %parallel_loop3A_246 : vector<16xf32>
        %parallel_loop3A_373 = arith.constant 10 : i32
        %parallel_loop3A_374 = arith.index_cast %parallel_loop3A_373 : i32 to index
        %parallel_loop3A_375 = arith.index_cast %parallel_loop3A_242 : i32 to index
        %parallel_loop3A_376 = tpu.vector_load %arg9[%parallel_loop3A_374, %parallel_loop3A_375] {strides = array<i32>} : memref<16x1152xf32, #tpu.memory_space<vmem>>, vector<1x16xf32>,
        %parallel_loop3A_377 = vector.shape_cast %parallel_loop3A_376 : vector<1x16xf32> to vector<16xf32>
        %parallel_loop3A_378 = vector.shape_cast %parallel_loop3A_372 : vector<16xf32> to vector<1x16xf32>
        tpu.vector_store %arg9[%parallel_loop3A_374, %parallel_loop3A_375], %parallel_loop3A_378 {strides = array<i32>} : memref<16x1152xf32, #tpu.memory_space<vmem>>, vector<1x16xf32>,
        %parallel_loop3A_379 = arith.constant 11 : i32
        %parallel_loop3A_380 = arith.index_cast %parallel_loop3A_379 : i32 to index
        %parallel_loop3A_381 = arith.index_cast %parallel_loop3A_242 : i32 to index
        %parallel_loop3A_382 = tpu.vector_load %arg9[%parallel_loop3A_380, %parallel_loop3A_381] {strides = array<i32>} : memref<16x1152xf32, #tpu.memory_space<vmem>>, vector<1x16xf32>,
        %parallel_loop3A_383 = vector.shape_cast %parallel_loop3A_382 : vector<1x16xf32> to vector<16xf32>
        %parallel_loop3A_384 = arith.addf %parallel_loop3A_383, %parallel_loop3A_246 : vector<16xf32>
        %parallel_loop3A_385 = arith.constant 11 : i32
        %parallel_loop3A_386 = arith.index_cast %parallel_loop3A_385 : i32 to index
        %parallel_loop3A_387 = arith.index_cast %parallel_loop3A_242 : i32 to index
        %parallel_loop3A_388 = tpu.vector_load %arg9[%parallel_loop3A_386, %parallel_loop3A_387] {strides = array<i32>} : memref<16x1152xf32, #tpu.memory_space<vmem>>, vector<1x16xf32>,
        %parallel_loop3A_389 = vector.shape_cast %parallel_loop3A_388 : vector<1x16xf32> to vector<16xf32>
        %parallel_loop3A_390 = vector.shape_cast %parallel_loop3A_384 : vector<16xf32> to vector<1x16xf32>
        tpu.vector_store %arg9[%parallel_loop3A_386, %parallel_loop3A_387], %parallel_loop3A_390 {strides = array<i32>} : memref<16x1152xf32, #tpu.memory_space<vmem>>, vector<1x16xf32>,
        %parallel_loop3A_391 = arith.constant 12 : i32
        %parallel_loop3A_392 = arith.index_cast %parallel_loop3A_391 : i32 to index
        %parallel_loop3A_393 = arith.index_cast %parallel_loop3A_242 : i32 to index
        %parallel_loop3A_394 = tpu.vector_load %arg9[%parallel_loop3A_392, %parallel_loop3A_393] {strides = array<i32>} : memref<16x1152xf32, #tpu.memory_space<vmem>>, vector<1x16xf32>,
        %parallel_loop3A_395 = vector.shape_cast %parallel_loop3A_394 : vector<1x16xf32> to vector<16xf32>
        %parallel_loop3A_396 = arith.addf %parallel_loop3A_395, %parallel_loop3A_246 : vector<16xf32>
        %parallel_loop3A_397 = arith.constant 12 : i32
        %parallel_loop3A_398 = arith.index_cast %parallel_loop3A_397 : i32 to index
        %parallel_loop3A_399 = arith.index_cast %parallel_loop3A_242 : i32 to index
        %parallel_loop3A_400 = tpu.vector_load %arg9[%parallel_loop3A_398, %parallel_loop3A_399] {strides = array<i32>} : memref<16x1152xf32, #tpu.memory_space<vmem>>, vector<1x16xf32>,
        %parallel_loop3A_401 = vector.shape_cast %parallel_loop3A_400 : vector<1x16xf32> to vector<16xf32>
        %parallel_loop3A_402 = vector.shape_cast %parallel_loop3A_396 : vector<16xf32> to vector<1x16xf32>
        tpu.vector_store %arg9[%parallel_loop3A_398, %parallel_loop3A_399], %parallel_loop3A_402 {strides = array<i32>} : memref<16x1152xf32, #tpu.memory_space<vmem>>, vector<1x16xf32>,
        %parallel_loop3A_403 = arith.constant 13 : i32
        %parallel_loop3A_404 = arith.index_cast %parallel_loop3A_403 : i32 to index
        %parallel_loop3A_405 = arith.index_cast %parallel_loop3A_242 : i32 to index
        %parallel_loop3A_406 = tpu.vector_load %arg9[%parallel_loop3A_404, %parallel_loop3A_405] {strides = array<i32>} : memref<16x1152xf32, #tpu.memory_space<vmem>>, vector<1x16xf32>,
        %parallel_loop3A_407 = vector.shape_cast %parallel_loop3A_406 : vector<1x16xf32> to vector<16xf32>
        %parallel_loop3A_408 = arith.addf %parallel_loop3A_407, %parallel_loop3A_246 : vector<16xf32>
        %parallel_loop3A_409 = arith.constant 13 : i32
        %parallel_loop3A_410 = arith.index_cast %parallel_loop3A_409 : i32 to index
        %parallel_loop3A_411 = arith.index_cast %parallel_loop3A_242 : i32 to index
        %parallel_loop3A_412 = tpu.vector_load %arg9[%parallel_loop3A_410, %parallel_loop3A_411] {strides = array<i32>} : memref<16x1152xf32, #tpu.memory_space<vmem>>, vector<1x16xf32>,
        %parallel_loop3A_413 = vector.shape_cast %parallel_loop3A_412 : vector<1x16xf32> to vector<16xf32>
        %parallel_loop3A_414 = vector.shape_cast %parallel_loop3A_408 : vector<16xf32> to vector<1x16xf32>
        tpu.vector_store %arg9[%parallel_loop3A_410, %parallel_loop3A_411], %parallel_loop3A_414 {strides = array<i32>} : memref<16x1152xf32, #tpu.memory_space<vmem>>, vector<1x16xf32>,
        %parallel_loop3A_415 = arith.constant 14 : i32
        %parallel_loop3A_416 = arith.index_cast %parallel_loop3A_415 : i32 to index
        %parallel_loop3A_417 = arith.index_cast %parallel_loop3A_242 : i32 to index
        %parallel_loop3A_418 = tpu.vector_load %arg9[%parallel_loop3A_416, %parallel_loop3A_417] {strides = array<i32>} : memref<16x1152xf32, #tpu.memory_space<vmem>>, vector<1x16xf32>,
        %parallel_loop3A_419 = vector.shape_cast %parallel_loop3A_418 : vector<1x16xf32> to vector<16xf32>
        %parallel_loop3A_420 = arith.addf %parallel_loop3A_419, %parallel_loop3A_246 : vector<16xf32>
        %parallel_loop3A_421 = arith.constant 14 : i32
        %parallel_loop3A_422 = arith.index_cast %parallel_loop3A_421 : i32 to index
        %parallel_loop3A_423 = arith.index_cast %parallel_loop3A_242 : i32 to index
        %parallel_loop3A_424 = tpu.vector_load %arg9[%parallel_loop3A_422, %parallel_loop3A_423] {strides = array<i32>} : memref<16x1152xf32, #tpu.memory_space<vmem>>, vector<1x16xf32>,
        %parallel_loop3A_425 = vector.shape_cast %parallel_loop3A_424 : vector<1x16xf32> to vector<16xf32>
        %parallel_loop3A_426 = vector.shape_cast %parallel_loop3A_420 : vector<16xf32> to vector<1x16xf32>
        tpu.vector_store %arg9[%parallel_loop3A_422, %parallel_loop3A_423], %parallel_loop3A_426 {strides = array<i32>} : memref<16x1152xf32, #tpu.memory_space<vmem>>, vector<1x16xf32>,
        %parallel_loop3A_427 = arith.constant 15 : i32
        %parallel_loop3A_428 = arith.index_cast %parallel_loop3A_427 : i32 to index
        %parallel_loop3A_429 = arith.index_cast %parallel_loop3A_242 : i32 to index
        %parallel_loop3A_430 = tpu.vector_load %arg9[%parallel_loop3A_428, %parallel_loop3A_429] {strides = array<i32>} : memref<16x1152xf32, #tpu.memory_space<vmem>>, vector<1x16xf32>,
        %parallel_loop3A_431 = vector.shape_cast %parallel_loop3A_430 : vector<1x16xf32> to vector<16xf32>
        %parallel_loop3A_432 = arith.addf %parallel_loop3A_431, %parallel_loop3A_246 : vector<16xf32>
        %parallel_loop3A_433 = arith.constant 15 : i32
        %parallel_loop3A_434 = arith.index_cast %parallel_loop3A_433 : i32 to index
        %parallel_loop3A_435 = arith.index_cast %parallel_loop3A_242 : i32 to index
        %parallel_loop3A_436 = tpu.vector_load %arg9[%parallel_loop3A_434, %parallel_loop3A_435] {strides = array<i32>} : memref<16x1152xf32, #tpu.memory_space<vmem>>, vector<1x16xf32>,
        %parallel_loop3A_437 = vector.shape_cast %parallel_loop3A_436 : vector<1x16xf32> to vector<16xf32>
        %parallel_loop3A_438 = vector.shape_cast %parallel_loop3A_432 : vector<16xf32> to vector<1x16xf32>
        tpu.vector_store %arg9[%parallel_loop3A_434, %parallel_loop3A_435], %parallel_loop3A_438 {strides = array<i32>} : memref<16x1152xf32, #tpu.memory_space<vmem>>, vector<1x16xf32>,
      } {sc.loop_unroll_factor = 4 : i64, sc.parallel_access}
      %shift_right_logical3A_177 = arith.constant 6 : i32
      %shift_right_logical3A_178 = arith.shrui %add3A_149, %shift_right_logical3A_177 : i32
      %shift_left3A_179 = arith.constant 6 : i32
      %shift_left3A_180 = arith.shli %shift_right_logical3A_178, %shift_left3A_179 : i32
      %sub3A_181 = arith.subi %add3A_149, %shift_left3A_180 : i32
      %mul3A_182 = arith.constant 16 : i32
      %mul3A_183 = arith.muli %sub3A_181, %mul3A_182 : i32
      %mul3A_184 = arith.constant 32 : i32
      %mul3A_185 = arith.muli %mul3A_184, %shift_right_logical3A_178 : i32
      %add3A_186 = arith.addi %add3A, %mul3A_185 : i32
      %dma_start3A_187 = arith.constant 0 : i32
      %dma_start3A_188 = tpu.memref_slice %arg5[%mul3A_183, %add3A_186, %dma_start3A_187] : memref<1024x64x1152xf32, #tpu.memory_space<hbm>> -> memref<16x1x1152xf32, #tpu.memory_space<hbm>>
      %dma_start3A_189 = tpu.memref_squeeze %dma_start3A_188 : memref<16x1x1152xf32, #tpu.memory_space<hbm>> -> memref<16x1152xf32, #tpu.memory_space<hbm>>
      %dma_start3A_190 = arith.constant 0 : i32
      %dma_start3A_191 = tpu.memref_slice %arg5[%mul3A_183, %add3A_186, %dma_start3A_190] : memref<1024x64x1152xf32, #tpu.memory_space<hbm>> -> memref<16x1x1152xf32, #tpu.memory_space<hbm>>
      %dma_start3A_192 = tpu.memref_squeeze %dma_start3A_191 : memref<16x1x1152xf32, #tpu.memory_space<hbm>> -> memref<16x1152xf32, #tpu.memory_space<hbm>>
      tpu.enqueue_dma source(%arg9 : memref<16x1152xf32, #tpu.memory_space<vmem>>) target(%dma_start3A_192 : memref<16x1152xf32, #tpu.memory_space<hbm>>) target_semaphore(%arg18 : memref<!tpu.dma_semaphore, #tpu.memory_space<semaphore_mem>>)
      %mul3A_193 = arith.constant 4 : i32
      %mul3A_194 = arith.muli %scan3A_56, %mul3A_193 : i32
      %add3A_195 = arith.constant 3 : i32
      %add3A_196 = arith.addi %mul3A_194, %add3A_195 : i32
      %mul3A_197 = arith.constant 16 : i32
      %mul3A_198 = arith.muli %add3A_196, %mul3A_197 : i32
      %get3A_199 = arith.index_cast %mul3A_198 : i32 to index
      %get3A_200 = tpu.vector_load %arg6[%get3A_199] {strides = array<i32>} : memref<2048xi32, #tpu.memory_space<vmem>>, vector<16xi32>,
      %get3A_201 = vector.shape_cast %get3A_200 : vector<16xi32> to vector<16xi32>
      %dma_wait3A_202 = arith.constant 0 : i32
      %dma_wait3A_203 = arith.constant 0 : i32
      %dma_wait3A_204 = tpu.memref_slice %arg3[%dma_wait3A_202, %dma_wait3A_203] : memref<250000x1152xf32, #tpu.memory_space<hbm>> -> memref<250000x1152xf32, #tpu.memory_space<hbm>>
      tpu.wait_indirect_dma semaphore(%arg15 : memref<!tpu.dma_semaphore, #tpu.memory_space<semaphore_mem>>) src(%dma_wait3A_204 : memref<250000x1152xf32, #tpu.memory_space<hbm>>) dst(%arg10 : memref<16x1152xf32, #tpu.memory_space<vmem>>)
      %ge3A_205 = arith.constant 2 : i32
      %ge3A_206 = arith.cmpi sge, %add3A_196, %ge3A_205 : i32
      %convert_element_type3A_207 = arith.extui %ge3A_206 : i1 to i32
      %cond3A_208 = arith.constant 0 : i32
      %cond3A_209 = arith.cmpi ne, %convert_element_type3A_207, %cond3A_208 : i32
      scf.if %cond3A_209 {
        %sub3A_240 = arith.constant 2 : i32
        %sub3A_241 = arith.subi %add3A_196, %sub3A_240 : i32
        %shift_right_logical3A_242 = arith.constant 6 : i32
        %shift_right_logical3A_243 = arith.shrui %sub3A_241, %shift_right_logical3A_242 : i32
        %shift_left3A_244 = arith.constant 6 : i32
        %shift_left3A_245 = arith.shli %shift_right_logical3A_243, %shift_left3A_244 : i32
        %sub3A_246 = arith.subi %sub3A_241, %shift_left3A_245 : i32
        %mul3A_247 = arith.constant 16 : i32
        %mul3A_248 = arith.muli %sub3A_246, %mul3A_247 : i32
        %mul3A_249 = arith.constant 32 : i32
        %mul3A_250 = arith.muli %mul3A_249, %shift_right_logical3A_243 : i32
        %add3A_251 = arith.addi %add3A, %mul3A_250 : i32
        %dma_wait3A_252 = arith.constant 0 : i32
        %dma_wait3A_253 = tpu.memref_slice %arg5[%mul3A_248, %add3A_251, %dma_wait3A_252] : memref<1024x64x1152xf32, #tpu.memory_space<hbm>> -> memref<16x1x1152xf32, #tpu.memory_space<hbm>>
        %dma_wait3A_254 = tpu.memref_squeeze %dma_wait3A_253 : memref<16x1x1152xf32, #tpu.memory_space<hbm>> -> memref<16x1152xf32, #tpu.memory_space<hbm>>
        %dma_wait3A_255 = arith.constant 0 : i32
        %dma_wait3A_256 = tpu.memref_slice %arg5[%mul3A_248, %add3A_251, %dma_wait3A_255] : memref<1024x64x1152xf32, #tpu.memory_space<hbm>> -> memref<16x1x1152xf32, #tpu.memory_space<hbm>>
        %dma_wait3A_257 = tpu.memref_squeeze %dma_wait3A_256 : memref<16x1x1152xf32, #tpu.memory_space<hbm>> -> memref<16x1152xf32, #tpu.memory_space<hbm>>
        tpu.wait_dma2 semaphore(%arg17 : memref<!tpu.dma_semaphore, #tpu.memory_space<semaphore_mem>>) src(%arg8 : memref<16x1152xf32, #tpu.memory_space<vmem>>) dst(%dma_wait3A_257 : memref<16x1152xf32, #tpu.memory_space<hbm>>)
      } else {
      }
      %add3A_210 = arith.constant 2 : i32
      %add3A_211 = arith.addi %add3A_196, %add3A_210 : i32
      %lt3A_212 = arith.constant 128 : i32
      %lt3A_213 = arith.cmpi slt, %add3A_211, %lt3A_212 : i32
      %convert_element_type3A_214 = arith.extui %lt3A_213 : i1 to i32
      %cond3A_215 = arith.constant 0 : i32
      %cond3A_216 = arith.cmpi ne, %convert_element_type3A_214, %cond3A_215 : i32
      scf.if %cond3A_216 {
        %add3A_240 = arith.constant 2 : i32
        %add3A_241 = arith.addi %add3A_196, %add3A_240 : i32
        %mul3A_242 = arith.constant 16 : i32
        %mul3A_243 = arith.muli %add3A_241, %mul3A_242 : i32
        %get3A_244 = arith.index_cast %mul3A_243 : i32 to index
        %get3A_245 = tpu.vector_load %arg6[%get3A_244] {strides = array<i32>} : memref<2048xi32, #tpu.memory_space<vmem>>, vector<16xi32>,
        %get3A_246 = vector.shape_cast %get3A_245 : vector<16xi32> to vector<16xi32>
        %dma_start3A_247 = arith.constant 0 : i32
        %dma_start3A_248 = arith.constant 0 : i32
        %dma_start3A_249 = tpu.memref_slice %arg3[%dma_start3A_247, %dma_start3A_248] : memref<250000x1152xf32, #tpu.memory_space<hbm>> -> memref<250000x1152xf32, #tpu.memory_space<hbm>>
        tpu.enqueue_indirect_dma source(%dma_start3A_249 : memref<250000x1152xf32, #tpu.memory_space<hbm>>) target(%arg8 : memref<16x1152xf32, #tpu.memory_space<vmem>>) offsets(%get3A_246 : vector<16xi32>) semaphore(%arg13 : memref<!tpu.dma_semaphore, #tpu.memory_space<semaphore_mem>>)
      } else {
      }
      %shift_right_logical3A_217 = arith.constant 6 : i32
      %shift_right_logical3A_218 = arith.shrui %add3A_196, %shift_right_logical3A_217 : i32
      %mul3A_219 = arith.constant 1152 : i32
      %mul3A_220 = arith.muli %shift_right_logical3A_218, %mul3A_219 : i32
      %parallel_loop3A_221 = arith.constant 0 : i32
      %parallel_loop3A_222 = arith.constant 72 : i32
      %parallel_loop3A_223 = arith.constant 1 : i32
      scf.for %parallel_loop3A_240 = %parallel_loop3A_221 to %parallel_loop3A_222 step %parallel_loop3A_223  : i32 {
        %parallel_loop3A_241 = arith.constant 16 : i32
        %parallel_loop3A_242 = arith.muli %parallel_loop3A_240, %parallel_loop3A_241 : i32
        %parallel_loop3A_243 = arith.addi %mul3A_220, %parallel_loop3A_242 : i32
        %parallel_loop3A_244 = arith.index_cast %parallel_loop3A_243 : i32 to index
        %parallel_loop3A_245 = tpu.vector_load %arg11[%parallel_loop3A_244] {strides = array<i32>} : memref<2304xf32, #tpu.memory_space<vmem>>, vector<16xf32>,
        %parallel_loop3A_246 = vector.shape_cast %parallel_loop3A_245 : vector<16xf32> to vector<16xf32>
        %parallel_loop3A_247 = arith.constant 0 : i32
        %parallel_loop3A_248 = arith.index_cast %parallel_loop3A_247 : i32 to index
        %parallel_loop3A_249 = arith.index_cast %parallel_loop3A_242 : i32 to index
        %parallel_loop3A_250 = tpu.vector_load %arg10[%parallel_loop3A_248, %parallel_loop3A_249] {strides = array<i32>} : memref<16x1152xf32, #tpu.memory_space<vmem>>, vector<1x16xf32>,
        %parallel_loop3A_251 = vector.shape_cast %parallel_loop3A_250 : vector<1x16xf32> to vector<16xf32>
        %parallel_loop3A_252 = arith.addf %parallel_loop3A_251, %parallel_loop3A_246 : vector<16xf32>
        %parallel_loop3A_253 = arith.constant 0 : i32
        %parallel_loop3A_254 = arith.index_cast %parallel_loop3A_253 : i32 to index
        %parallel_loop3A_255 = arith.index_cast %parallel_loop3A_242 : i32 to index
        %parallel_loop3A_256 = tpu.vector_load %arg10[%parallel_loop3A_254, %parallel_loop3A_255] {strides = array<i32>} : memref<16x1152xf32, #tpu.memory_space<vmem>>, vector<1x16xf32>,
        %parallel_loop3A_257 = vector.shape_cast %parallel_loop3A_256 : vector<1x16xf32> to vector<16xf32>
        %parallel_loop3A_258 = vector.shape_cast %parallel_loop3A_252 : vector<16xf32> to vector<1x16xf32>
        tpu.vector_store %arg10[%parallel_loop3A_254, %parallel_loop3A_255], %parallel_loop3A_258 {strides = array<i32>} : memref<16x1152xf32, #tpu.memory_space<vmem>>, vector<1x16xf32>,
        %parallel_loop3A_259 = arith.constant 1 : i32
        %parallel_loop3A_260 = arith.index_cast %parallel_loop3A_259 : i32 to index
        %parallel_loop3A_261 = arith.index_cast %parallel_loop3A_242 : i32 to index
        %parallel_loop3A_262 = tpu.vector_load %arg10[%parallel_loop3A_260, %parallel_loop3A_261] {strides = array<i32>} : memref<16x1152xf32, #tpu.memory_space<vmem>>, vector<1x16xf32>,
        %parallel_loop3A_263 = vector.shape_cast %parallel_loop3A_262 : vector<1x16xf32> to vector<16xf32>
        %parallel_loop3A_264 = arith.addf %parallel_loop3A_263, %parallel_loop3A_246 : vector<16xf32>
        %parallel_loop3A_265 = arith.constant 1 : i32
        %parallel_loop3A_266 = arith.index_cast %parallel_loop3A_265 : i32 to index
        %parallel_loop3A_267 = arith.index_cast %parallel_loop3A_242 : i32 to index
        %parallel_loop3A_268 = tpu.vector_load %arg10[%parallel_loop3A_266, %parallel_loop3A_267] {strides = array<i32>} : memref<16x1152xf32, #tpu.memory_space<vmem>>, vector<1x16xf32>,
        %parallel_loop3A_269 = vector.shape_cast %parallel_loop3A_268 : vector<1x16xf32> to vector<16xf32>
        %parallel_loop3A_270 = vector.shape_cast %parallel_loop3A_264 : vector<16xf32> to vector<1x16xf32>
        tpu.vector_store %arg10[%parallel_loop3A_266, %parallel_loop3A_267], %parallel_loop3A_270 {strides = array<i32>} : memref<16x1152xf32, #tpu.memory_space<vmem>>, vector<1x16xf32>,
        %parallel_loop3A_271 = arith.constant 2 : i32
        %parallel_loop3A_272 = arith.index_cast %parallel_loop3A_271 : i32 to index
        %parallel_loop3A_273 = arith.index_cast %parallel_loop3A_242 : i32 to index
        %parallel_loop3A_274 = tpu.vector_load %arg10[%parallel_loop3A_272, %parallel_loop3A_273] {strides = array<i32>} : memref<16x1152xf32, #tpu.memory_space<vmem>>, vector<1x16xf32>,
        %parallel_loop3A_275 = vector.shape_cast %parallel_loop3A_274 : vector<1x16xf32> to vector<16xf32>
        %parallel_loop3A_276 = arith.addf %parallel_loop3A_275, %parallel_loop3A_246 : vector<16xf32>
        %parallel_loop3A_277 = arith.constant 2 : i32
        %parallel_loop3A_278 = arith.index_cast %parallel_loop3A_277 : i32 to index
        %parallel_loop3A_279 = arith.index_cast %parallel_loop3A_242 : i32 to index
        %parallel_loop3A_280 = tpu.vector_load %arg10[%parallel_loop3A_278, %parallel_loop3A_279] {strides = array<i32>} : memref<16x1152xf32, #tpu.memory_space<vmem>>, vector<1x16xf32>,
        %parallel_loop3A_281 = vector.shape_cast %parallel_loop3A_280 : vector<1x16xf32> to vector<16xf32>
        %parallel_loop3A_282 = vector.shape_cast %parallel_loop3A_276 : vector<16xf32> to vector<1x16xf32>
        tpu.vector_store %arg10[%parallel_loop3A_278, %parallel_loop3A_279], %parallel_loop3A_282 {strides = array<i32>} : memref<16x1152xf32, #tpu.memory_space<vmem>>, vector<1x16xf32>,
        %parallel_loop3A_283 = arith.constant 3 : i32
        %parallel_loop3A_284 = arith.index_cast %parallel_loop3A_283 : i32 to index
        %parallel_loop3A_285 = arith.index_cast %parallel_loop3A_242 : i32 to index
        %parallel_loop3A_286 = tpu.vector_load %arg10[%parallel_loop3A_284, %parallel_loop3A_285] {strides = array<i32>} : memref<16x1152xf32, #tpu.memory_space<vmem>>, vector<1x16xf32>,
        %parallel_loop3A_287 = vector.shape_cast %parallel_loop3A_286 : vector<1x16xf32> to vector<16xf32>
        %parallel_loop3A_288 = arith.addf %parallel_loop3A_287, %parallel_loop3A_246 : vector<16xf32>
        %parallel_loop3A_289 = arith.constant 3 : i32
        %parallel_loop3A_290 = arith.index_cast %parallel_loop3A_289 : i32 to index
        %parallel_loop3A_291 = arith.index_cast %parallel_loop3A_242 : i32 to index
        %parallel_loop3A_292 = tpu.vector_load %arg10[%parallel_loop3A_290, %parallel_loop3A_291] {strides = array<i32>} : memref<16x1152xf32, #tpu.memory_space<vmem>>, vector<1x16xf32>,
        %parallel_loop3A_293 = vector.shape_cast %parallel_loop3A_292 : vector<1x16xf32> to vector<16xf32>
        %parallel_loop3A_294 = vector.shape_cast %parallel_loop3A_288 : vector<16xf32> to vector<1x16xf32>
        tpu.vector_store %arg10[%parallel_loop3A_290, %parallel_loop3A_291], %parallel_loop3A_294 {strides = array<i32>} : memref<16x1152xf32, #tpu.memory_space<vmem>>, vector<1x16xf32>,
        %parallel_loop3A_295 = arith.constant 4 : i32
        %parallel_loop3A_296 = arith.index_cast %parallel_loop3A_295 : i32 to index
        %parallel_loop3A_297 = arith.index_cast %parallel_loop3A_242 : i32 to index
        %parallel_loop3A_298 = tpu.vector_load %arg10[%parallel_loop3A_296, %parallel_loop3A_297] {strides = array<i32>} : memref<16x1152xf32, #tpu.memory_space<vmem>>, vector<1x16xf32>,
        %parallel_loop3A_299 = vector.shape_cast %parallel_loop3A_298 : vector<1x16xf32> to vector<16xf32>
        %parallel_loop3A_300 = arith.addf %parallel_loop3A_299, %parallel_loop3A_246 : vector<16xf32>
        %parallel_loop3A_301 = arith.constant 4 : i32
        %parallel_loop3A_302 = arith.index_cast %parallel_loop3A_301 : i32 to index
        %parallel_loop3A_303 = arith.index_cast %parallel_loop3A_242 : i32 to index
        %parallel_loop3A_304 = tpu.vector_load %arg10[%parallel_loop3A_302, %parallel_loop3A_303] {strides = array<i32>} : memref<16x1152xf32, #tpu.memory_space<vmem>>, vector<1x16xf32>,
        %parallel_loop3A_305 = vector.shape_cast %parallel_loop3A_304 : vector<1x16xf32> to vector<16xf32>
        %parallel_loop3A_306 = vector.shape_cast %parallel_loop3A_300 : vector<16xf32> to vector<1x16xf32>
        tpu.vector_store %arg10[%parallel_loop3A_302, %parallel_loop3A_303], %parallel_loop3A_306 {strides = array<i32>} : memref<16x1152xf32, #tpu.memory_space<vmem>>, vector<1x16xf32>,
        %parallel_loop3A_307 = arith.constant 5 : i32
        %parallel_loop3A_308 = arith.index_cast %parallel_loop3A_307 : i32 to index
        %parallel_loop3A_309 = arith.index_cast %parallel_loop3A_242 : i32 to index
        %parallel_loop3A_310 = tpu.vector_load %arg10[%parallel_loop3A_308, %parallel_loop3A_309] {strides = array<i32>} : memref<16x1152xf32, #tpu.memory_space<vmem>>, vector<1x16xf32>,
        %parallel_loop3A_311 = vector.shape_cast %parallel_loop3A_310 : vector<1x16xf32> to vector<16xf32>
        %parallel_loop3A_312 = arith.addf %parallel_loop3A_311, %parallel_loop3A_246 : vector<16xf32>
        %parallel_loop3A_313 = arith.constant 5 : i32
        %parallel_loop3A_314 = arith.index_cast %parallel_loop3A_313 : i32 to index
        %parallel_loop3A_315 = arith.index_cast %parallel_loop3A_242 : i32 to index
        %parallel_loop3A_316 = tpu.vector_load %arg10[%parallel_loop3A_314, %parallel_loop3A_315] {strides = array<i32>} : memref<16x1152xf32, #tpu.memory_space<vmem>>, vector<1x16xf32>,
        %parallel_loop3A_317 = vector.shape_cast %parallel_loop3A_316 : vector<1x16xf32> to vector<16xf32>
        %parallel_loop3A_318 = vector.shape_cast %parallel_loop3A_312 : vector<16xf32> to vector<1x16xf32>
        tpu.vector_store %arg10[%parallel_loop3A_314, %parallel_loop3A_315], %parallel_loop3A_318 {strides = array<i32>} : memref<16x1152xf32, #tpu.memory_space<vmem>>, vector<1x16xf32>,
        %parallel_loop3A_319 = arith.constant 6 : i32
        %parallel_loop3A_320 = arith.index_cast %parallel_loop3A_319 : i32 to index
        %parallel_loop3A_321 = arith.index_cast %parallel_loop3A_242 : i32 to index
        %parallel_loop3A_322 = tpu.vector_load %arg10[%parallel_loop3A_320, %parallel_loop3A_321] {strides = array<i32>} : memref<16x1152xf32, #tpu.memory_space<vmem>>, vector<1x16xf32>,
        %parallel_loop3A_323 = vector.shape_cast %parallel_loop3A_322 : vector<1x16xf32> to vector<16xf32>
        %parallel_loop3A_324 = arith.addf %parallel_loop3A_323, %parallel_loop3A_246 : vector<16xf32>
        %parallel_loop3A_325 = arith.constant 6 : i32
        %parallel_loop3A_326 = arith.index_cast %parallel_loop3A_325 : i32 to index
        %parallel_loop3A_327 = arith.index_cast %parallel_loop3A_242 : i32 to index
        %parallel_loop3A_328 = tpu.vector_load %arg10[%parallel_loop3A_326, %parallel_loop3A_327] {strides = array<i32>} : memref<16x1152xf32, #tpu.memory_space<vmem>>, vector<1x16xf32>,
        %parallel_loop3A_329 = vector.shape_cast %parallel_loop3A_328 : vector<1x16xf32> to vector<16xf32>
        %parallel_loop3A_330 = vector.shape_cast %parallel_loop3A_324 : vector<16xf32> to vector<1x16xf32>
        tpu.vector_store %arg10[%parallel_loop3A_326, %parallel_loop3A_327], %parallel_loop3A_330 {strides = array<i32>} : memref<16x1152xf32, #tpu.memory_space<vmem>>, vector<1x16xf32>,
        %parallel_loop3A_331 = arith.constant 7 : i32
        %parallel_loop3A_332 = arith.index_cast %parallel_loop3A_331 : i32 to index
        %parallel_loop3A_333 = arith.index_cast %parallel_loop3A_242 : i32 to index
        %parallel_loop3A_334 = tpu.vector_load %arg10[%parallel_loop3A_332, %parallel_loop3A_333] {strides = array<i32>} : memref<16x1152xf32, #tpu.memory_space<vmem>>, vector<1x16xf32>,
        %parallel_loop3A_335 = vector.shape_cast %parallel_loop3A_334 : vector<1x16xf32> to vector<16xf32>
        %parallel_loop3A_336 = arith.addf %parallel_loop3A_335, %parallel_loop3A_246 : vector<16xf32>
        %parallel_loop3A_337 = arith.constant 7 : i32
        %parallel_loop3A_338 = arith.index_cast %parallel_loop3A_337 : i32 to index
        %parallel_loop3A_339 = arith.index_cast %parallel_loop3A_242 : i32 to index
        %parallel_loop3A_340 = tpu.vector_load %arg10[%parallel_loop3A_338, %parallel_loop3A_339] {strides = array<i32>} : memref<16x1152xf32, #tpu.memory_space<vmem>>, vector<1x16xf32>,
        %parallel_loop3A_341 = vector.shape_cast %parallel_loop3A_340 : vector<1x16xf32> to vector<16xf32>
        %parallel_loop3A_342 = vector.shape_cast %parallel_loop3A_336 : vector<16xf32> to vector<1x16xf32>
        tpu.vector_store %arg10[%parallel_loop3A_338, %parallel_loop3A_339], %parallel_loop3A_342 {strides = array<i32>} : memref<16x1152xf32, #tpu.memory_space<vmem>>, vector<1x16xf32>,
        %parallel_loop3A_343 = arith.constant 8 : i32
        %parallel_loop3A_344 = arith.index_cast %parallel_loop3A_343 : i32 to index
        %parallel_loop3A_345 = arith.index_cast %parallel_loop3A_242 : i32 to index
        %parallel_loop3A_346 = tpu.vector_load %arg10[%parallel_loop3A_344, %parallel_loop3A_345] {strides = array<i32>} : memref<16x1152xf32, #tpu.memory_space<vmem>>, vector<1x16xf32>,
        %parallel_loop3A_347 = vector.shape_cast %parallel_loop3A_346 : vector<1x16xf32> to vector<16xf32>
        %parallel_loop3A_348 = arith.addf %parallel_loop3A_347, %parallel_loop3A_246 : vector<16xf32>
        %parallel_loop3A_349 = arith.constant 8 : i32
        %parallel_loop3A_350 = arith.index_cast %parallel_loop3A_349 : i32 to index
        %parallel_loop3A_351 = arith.index_cast %parallel_loop3A_242 : i32 to index
        %parallel_loop3A_352 = tpu.vector_load %arg10[%parallel_loop3A_350, %parallel_loop3A_351] {strides = array<i32>} : memref<16x1152xf32, #tpu.memory_space<vmem>>, vector<1x16xf32>,
        %parallel_loop3A_353 = vector.shape_cast %parallel_loop3A_352 : vector<1x16xf32> to vector<16xf32>
        %parallel_loop3A_354 = vector.shape_cast %parallel_loop3A_348 : vector<16xf32> to vector<1x16xf32>
        tpu.vector_store %arg10[%parallel_loop3A_350, %parallel_loop3A_351], %parallel_loop3A_354 {strides = array<i32>} : memref<16x1152xf32, #tpu.memory_space<vmem>>, vector<1x16xf32>,
        %parallel_loop3A_355 = arith.constant 9 : i32
        %parallel_loop3A_356 = arith.index_cast %parallel_loop3A_355 : i32 to index
        %parallel_loop3A_357 = arith.index_cast %parallel_loop3A_242 : i32 to index
        %parallel_loop3A_358 = tpu.vector_load %arg10[%parallel_loop3A_356, %parallel_loop3A_357] {strides = array<i32>} : memref<16x1152xf32, #tpu.memory_space<vmem>>, vector<1x16xf32>,
        %parallel_loop3A_359 = vector.shape_cast %parallel_loop3A_358 : vector<1x16xf32> to vector<16xf32>
        %parallel_loop3A_360 = arith.addf %parallel_loop3A_359, %parallel_loop3A_246 : vector<16xf32>
        %parallel_loop3A_361 = arith.constant 9 : i32
        %parallel_loop3A_362 = arith.index_cast %parallel_loop3A_361 : i32 to index
        %parallel_loop3A_363 = arith.index_cast %parallel_loop3A_242 : i32 to index
        %parallel_loop3A_364 = tpu.vector_load %arg10[%parallel_loop3A_362, %parallel_loop3A_363] {strides = array<i32>} : memref<16x1152xf32, #tpu.memory_space<vmem>>, vector<1x16xf32>,
        %parallel_loop3A_365 = vector.shape_cast %parallel_loop3A_364 : vector<1x16xf32> to vector<16xf32>
        %parallel_loop3A_366 = vector.shape_cast %parallel_loop3A_360 : vector<16xf32> to vector<1x16xf32>
        tpu.vector_store %arg10[%parallel_loop3A_362, %parallel_loop3A_363], %parallel_loop3A_366 {strides = array<i32>} : memref<16x1152xf32, #tpu.memory_space<vmem>>, vector<1x16xf32>,
        %parallel_loop3A_367 = arith.constant 10 : i32
        %parallel_loop3A_368 = arith.index_cast %parallel_loop3A_367 : i32 to index
        %parallel_loop3A_369 = arith.index_cast %parallel_loop3A_242 : i32 to index
        %parallel_loop3A_370 = tpu.vector_load %arg10[%parallel_loop3A_368, %parallel_loop3A_369] {strides = array<i32>} : memref<16x1152xf32, #tpu.memory_space<vmem>>, vector<1x16xf32>,
        %parallel_loop3A_371 = vector.shape_cast %parallel_loop3A_370 : vector<1x16xf32> to vector<16xf32>
        %parallel_loop3A_372 = arith.addf %parallel_loop3A_371, %parallel_loop3A_246 : vector<16xf32>
        %parallel_loop3A_373 = arith.constant 10 : i32
        %parallel_loop3A_374 = arith.index_cast %parallel_loop3A_373 : i32 to index
        %parallel_loop3A_375 = arith.index_cast %parallel_loop3A_242 : i32 to index
        %parallel_loop3A_376 = tpu.vector_load %arg10[%parallel_loop3A_374, %parallel_loop3A_375] {strides = array<i32>} : memref<16x1152xf32, #tpu.memory_space<vmem>>, vector<1x16xf32>,
        %parallel_loop3A_377 = vector.shape_cast %parallel_loop3A_376 : vector<1x16xf32> to vector<16xf32>
        %parallel_loop3A_378 = vector.shape_cast %parallel_loop3A_372 : vector<16xf32> to vector<1x16xf32>
        tpu.vector_store %arg10[%parallel_loop3A_374, %parallel_loop3A_375], %parallel_loop3A_378 {strides = array<i32>} : memref<16x1152xf32, #tpu.memory_space<vmem>>, vector<1x16xf32>,
        %parallel_loop3A_379 = arith.constant 11 : i32
        %parallel_loop3A_380 = arith.index_cast %parallel_loop3A_379 : i32 to index
        %parallel_loop3A_381 = arith.index_cast %parallel_loop3A_242 : i32 to index
        %parallel_loop3A_382 = tpu.vector_load %arg10[%parallel_loop3A_380, %parallel_loop3A_381] {strides = array<i32>} : memref<16x1152xf32, #tpu.memory_space<vmem>>, vector<1x16xf32>,
        %parallel_loop3A_383 = vector.shape_cast %parallel_loop3A_382 : vector<1x16xf32> to vector<16xf32>
        %parallel_loop3A_384 = arith.addf %parallel_loop3A_383, %parallel_loop3A_246 : vector<16xf32>
        %parallel_loop3A_385 = arith.constant 11 : i32
        %parallel_loop3A_386 = arith.index_cast %parallel_loop3A_385 : i32 to index
        %parallel_loop3A_387 = arith.index_cast %parallel_loop3A_242 : i32 to index
        %parallel_loop3A_388 = tpu.vector_load %arg10[%parallel_loop3A_386, %parallel_loop3A_387] {strides = array<i32>} : memref<16x1152xf32, #tpu.memory_space<vmem>>, vector<1x16xf32>,
        %parallel_loop3A_389 = vector.shape_cast %parallel_loop3A_388 : vector<1x16xf32> to vector<16xf32>
        %parallel_loop3A_390 = vector.shape_cast %parallel_loop3A_384 : vector<16xf32> to vector<1x16xf32>
        tpu.vector_store %arg10[%parallel_loop3A_386, %parallel_loop3A_387], %parallel_loop3A_390 {strides = array<i32>} : memref<16x1152xf32, #tpu.memory_space<vmem>>, vector<1x16xf32>,
        %parallel_loop3A_391 = arith.constant 12 : i32
        %parallel_loop3A_392 = arith.index_cast %parallel_loop3A_391 : i32 to index
        %parallel_loop3A_393 = arith.index_cast %parallel_loop3A_242 : i32 to index
        %parallel_loop3A_394 = tpu.vector_load %arg10[%parallel_loop3A_392, %parallel_loop3A_393] {strides = array<i32>} : memref<16x1152xf32, #tpu.memory_space<vmem>>, vector<1x16xf32>,
        %parallel_loop3A_395 = vector.shape_cast %parallel_loop3A_394 : vector<1x16xf32> to vector<16xf32>
        %parallel_loop3A_396 = arith.addf %parallel_loop3A_395, %parallel_loop3A_246 : vector<16xf32>
        %parallel_loop3A_397 = arith.constant 12 : i32
        %parallel_loop3A_398 = arith.index_cast %parallel_loop3A_397 : i32 to index
        %parallel_loop3A_399 = arith.index_cast %parallel_loop3A_242 : i32 to index
        %parallel_loop3A_400 = tpu.vector_load %arg10[%parallel_loop3A_398, %parallel_loop3A_399] {strides = array<i32>} : memref<16x1152xf32, #tpu.memory_space<vmem>>, vector<1x16xf32>,
        %parallel_loop3A_401 = vector.shape_cast %parallel_loop3A_400 : vector<1x16xf32> to vector<16xf32>
        %parallel_loop3A_402 = vector.shape_cast %parallel_loop3A_396 : vector<16xf32> to vector<1x16xf32>
        tpu.vector_store %arg10[%parallel_loop3A_398, %parallel_loop3A_399], %parallel_loop3A_402 {strides = array<i32>} : memref<16x1152xf32, #tpu.memory_space<vmem>>, vector<1x16xf32>,
        %parallel_loop3A_403 = arith.constant 13 : i32
        %parallel_loop3A_404 = arith.index_cast %parallel_loop3A_403 : i32 to index
        %parallel_loop3A_405 = arith.index_cast %parallel_loop3A_242 : i32 to index
        %parallel_loop3A_406 = tpu.vector_load %arg10[%parallel_loop3A_404, %parallel_loop3A_405] {strides = array<i32>} : memref<16x1152xf32, #tpu.memory_space<vmem>>, vector<1x16xf32>,
        %parallel_loop3A_407 = vector.shape_cast %parallel_loop3A_406 : vector<1x16xf32> to vector<16xf32>
        %parallel_loop3A_408 = arith.addf %parallel_loop3A_407, %parallel_loop3A_246 : vector<16xf32>
        %parallel_loop3A_409 = arith.constant 13 : i32
        %parallel_loop3A_410 = arith.index_cast %parallel_loop3A_409 : i32 to index
        %parallel_loop3A_411 = arith.index_cast %parallel_loop3A_242 : i32 to index
        %parallel_loop3A_412 = tpu.vector_load %arg10[%parallel_loop3A_410, %parallel_loop3A_411] {strides = array<i32>} : memref<16x1152xf32, #tpu.memory_space<vmem>>, vector<1x16xf32>,
        %parallel_loop3A_413 = vector.shape_cast %parallel_loop3A_412 : vector<1x16xf32> to vector<16xf32>
        %parallel_loop3A_414 = vector.shape_cast %parallel_loop3A_408 : vector<16xf32> to vector<1x16xf32>
        tpu.vector_store %arg10[%parallel_loop3A_410, %parallel_loop3A_411], %parallel_loop3A_414 {strides = array<i32>} : memref<16x1152xf32, #tpu.memory_space<vmem>>, vector<1x16xf32>,
        %parallel_loop3A_415 = arith.constant 14 : i32
        %parallel_loop3A_416 = arith.index_cast %parallel_loop3A_415 : i32 to index
        %parallel_loop3A_417 = arith.index_cast %parallel_loop3A_242 : i32 to index
        %parallel_loop3A_418 = tpu.vector_load %arg10[%parallel_loop3A_416, %parallel_loop3A_417] {strides = array<i32>} : memref<16x1152xf32, #tpu.memory_space<vmem>>, vector<1x16xf32>,
        %parallel_loop3A_419 = vector.shape_cast %parallel_loop3A_418 : vector<1x16xf32> to vector<16xf32>
        %parallel_loop3A_420 = arith.addf %parallel_loop3A_419, %parallel_loop3A_246 : vector<16xf32>
        %parallel_loop3A_421 = arith.constant 14 : i32
        %parallel_loop3A_422 = arith.index_cast %parallel_loop3A_421 : i32 to index
        %parallel_loop3A_423 = arith.index_cast %parallel_loop3A_242 : i32 to index
        %parallel_loop3A_424 = tpu.vector_load %arg10[%parallel_loop3A_422, %parallel_loop3A_423] {strides = array<i32>} : memref<16x1152xf32, #tpu.memory_space<vmem>>, vector<1x16xf32>,
        %parallel_loop3A_425 = vector.shape_cast %parallel_loop3A_424 : vector<1x16xf32> to vector<16xf32>
        %parallel_loop3A_426 = vector.shape_cast %parallel_loop3A_420 : vector<16xf32> to vector<1x16xf32>
        tpu.vector_store %arg10[%parallel_loop3A_422, %parallel_loop3A_423], %parallel_loop3A_426 {strides = array<i32>} : memref<16x1152xf32, #tpu.memory_space<vmem>>, vector<1x16xf32>,
        %parallel_loop3A_427 = arith.constant 15 : i32
        %parallel_loop3A_428 = arith.index_cast %parallel_loop3A_427 : i32 to index
        %parallel_loop3A_429 = arith.index_cast %parallel_loop3A_242 : i32 to index
        %parallel_loop3A_430 = tpu.vector_load %arg10[%parallel_loop3A_428, %parallel_loop3A_429] {strides = array<i32>} : memref<16x1152xf32, #tpu.memory_space<vmem>>, vector<1x16xf32>,
        %parallel_loop3A_431 = vector.shape_cast %parallel_loop3A_430 : vector<1x16xf32> to vector<16xf32>
        %parallel_loop3A_432 = arith.addf %parallel_loop3A_431, %parallel_loop3A_246 : vector<16xf32>
        %parallel_loop3A_433 = arith.constant 15 : i32
        %parallel_loop3A_434 = arith.index_cast %parallel_loop3A_433 : i32 to index
        %parallel_loop3A_435 = arith.index_cast %parallel_loop3A_242 : i32 to index
        %parallel_loop3A_436 = tpu.vector_load %arg10[%parallel_loop3A_434, %parallel_loop3A_435] {strides = array<i32>} : memref<16x1152xf32, #tpu.memory_space<vmem>>, vector<1x16xf32>,
        %parallel_loop3A_437 = vector.shape_cast %parallel_loop3A_436 : vector<1x16xf32> to vector<16xf32>
        %parallel_loop3A_438 = vector.shape_cast %parallel_loop3A_432 : vector<16xf32> to vector<1x16xf32>
        tpu.vector_store %arg10[%parallel_loop3A_434, %parallel_loop3A_435], %parallel_loop3A_438 {strides = array<i32>} : memref<16x1152xf32, #tpu.memory_space<vmem>>, vector<1x16xf32>,
      } {sc.loop_unroll_factor = 4 : i64, sc.parallel_access}
      %shift_right_logical3A_224 = arith.constant 6 : i32
      %shift_right_logical3A_225 = arith.shrui %add3A_196, %shift_right_logical3A_224 : i32
      %shift_left3A_226 = arith.constant 6 : i32
      %shift_left3A_227 = arith.shli %shift_right_logical3A_225, %shift_left3A_226 : i32
      %sub3A_228 = arith.subi %add3A_196, %shift_left3A_227 : i32
      %mul3A_229 = arith.constant 16 : i32
      %mul3A_230 = arith.muli %sub3A_228, %mul3A_229 : i32
      %mul3A_231 = arith.constant 32 : i32
      %mul3A_232 = arith.muli %mul3A_231, %shift_right_logical3A_225 : i32
      %add3A_233 = arith.addi %add3A, %mul3A_232 : i32
      %dma_start3A_234 = arith.constant 0 : i32
      %dma_start3A_235 = tpu.memref_slice %arg5[%mul3A_230, %add3A_233, %dma_start3A_234] : memref<1024x64x1152xf32, #tpu.memory_space<hbm>> -> memref<16x1x1152xf32, #tpu.memory_space<hbm>>
      %dma_start3A_236 = tpu.memref_squeeze %dma_start3A_235 : memref<16x1x1152xf32, #tpu.memory_space<hbm>> -> memref<16x1152xf32, #tpu.memory_space<hbm>>
      %dma_start3A_237 = arith.constant 0 : i32
      %dma_start3A_238 = tpu.memref_slice %arg5[%mul3A_230, %add3A_233, %dma_start3A_237] : memref<1024x64x1152xf32, #tpu.memory_space<hbm>> -> memref<16x1x1152xf32, #tpu.memory_space<hbm>>
      %dma_start3A_239 = tpu.memref_squeeze %dma_start3A_238 : memref<16x1x1152xf32, #tpu.memory_space<hbm>> -> memref<16x1152xf32, #tpu.memory_space<hbm>>
      tpu.enqueue_dma source(%arg10 : memref<16x1152xf32, #tpu.memory_space<vmem>>) target(%dma_start3A_239 : memref<16x1152xf32, #tpu.memory_space<hbm>>) target_semaphore(%arg19 : memref<!tpu.dma_semaphore, #tpu.memory_space<semaphore_mem>>)
    }
    %scan3A_23 = arith.constant 32 : i32
    %shift_right_logical3A = arith.constant 126 : i32
    %shift_right_logical3A_24 = arith.constant 6 : i32
    %shift_right_logical3A_25 = arith.shrui %shift_right_logical3A, %shift_right_logical3A_24 : i32
    %shift_left3A = arith.constant 6 : i32
    %shift_left3A_26 = arith.shli %shift_right_logical3A_25, %shift_left3A : i32
    %sub3A = arith.constant 126 : i32
    %sub3A_27 = arith.subi %sub3A, %shift_left3A_26 : i32
    %mul3A_28 = arith.constant 16 : i32
    %mul3A_29 = arith.muli %sub3A_27, %mul3A_28 : i32
    %mul3A_30 = arith.constant 32 : i32
    %mul3A_31 = arith.muli %mul3A_30, %shift_right_logical3A_25 : i32
    %add3A_32 = arith.addi %add3A, %mul3A_31 : i32
    %dma_wait3A = arith.constant 0 : i32
    %dma_wait3A_33 = tpu.memref_slice %arg5[%mul3A_29, %add3A_32, %dma_wait3A] : memref<1024x64x1152xf32, #tpu.memory_space<hbm>> -> memref<16x1x1152xf32, #tpu.memory_space<hbm>>
    %dma_wait3A_34 = tpu.memref_squeeze %dma_wait3A_33 : memref<16x1x1152xf32, #tpu.memory_space<hbm>> -> memref<16x1152xf32, #tpu.memory_space<hbm>>
    %dma_wait3A_35 = arith.constant 0 : i32
    %dma_wait3A_36 = tpu.memref_slice %arg5[%mul3A_29, %add3A_32, %dma_wait3A_35] : memref<1024x64x1152xf32, #tpu.memory_space<hbm>> -> memref<16x1x1152xf32, #tpu.memory_space<hbm>>
    %dma_wait3A_37 = tpu.memref_squeeze %dma_wait3A_36 : memref<16x1x1152xf32, #tpu.memory_space<hbm>> -> memref<16x1152xf32, #tpu.memory_space<hbm>>
    tpu.wait_dma2 semaphore(%arg18 : memref<!tpu.dma_semaphore, #tpu.memory_space<semaphore_mem>>) src(%arg9 : memref<16x1152xf32, #tpu.memory_space<vmem>>) dst(%dma_wait3A_37 : memref<16x1152xf32, #tpu.memory_space<hbm>>)
    %shift_right_logical3A_38 = arith.constant 127 : i32
    %shift_right_logical3A_39 = arith.constant 6 : i32
    %shift_right_logical3A_40 = arith.shrui %shift_right_logical3A_38, %shift_right_logical3A_39 : i32
    %shift_left3A_41 = arith.constant 6 : i32
    %shift_left3A_42 = arith.shli %shift_right_logical3A_40, %shift_left3A_41 : i32
    %sub3A_43 = arith.constant 127 : i32
    %sub3A_44 = arith.subi %sub3A_43, %shift_left3A_42 : i32
    %mul3A_45 = arith.constant 16 : i32
    %mul3A_46 = arith.muli %sub3A_44, %mul3A_45 : i32
    %mul3A_47 = arith.constant 32 : i32
    %mul3A_48 = arith.muli %mul3A_47, %shift_right_logical3A_40 : i32
    %add3A_49 = arith.addi %add3A, %mul3A_48 : i32
    %dma_wait3A_50 = arith.constant 0 : i32
    %dma_wait3A_51 = tpu.memref_slice %arg5[%mul3A_46, %add3A_49, %dma_wait3A_50] : memref<1024x64x1152xf32, #tpu.memory_space<hbm>> -> memref<16x1x1152xf32, #tpu.memory_space<hbm>>
    %dma_wait3A_52 = tpu.memref_squeeze %dma_wait3A_51 : memref<16x1x1152xf32, #tpu.memory_space<hbm>> -> memref<16x1152xf32, #tpu.memory_space<hbm>>
    %dma_wait3A_53 = arith.constant 0 : i32
    %dma_wait3A_54 = tpu.memref_slice %arg5[%mul3A_46, %add3A_49, %dma_wait3A_53] : memref<1024x64x1152xf32, #tpu.memory_space<hbm>> -> memref<16x1x1152xf32, #tpu.memory_space<hbm>>
    %dma_wait3A_55 = tpu.memref_squeeze %dma_wait3A_54 : memref<16x1x1152xf32, #tpu.memory_space<hbm>> -> memref<16x1152xf32, #tpu.memory_space<hbm>>
    tpu.wait_dma2 semaphore(%arg19 : memref<!tpu.dma_semaphore, #tpu.memory_space<semaphore_mem>>) src(%arg10 : memref<16x1152xf32, #tpu.memory_space<vmem>>) dst(%dma_wait3A_55 : memref<16x1152xf32, #tpu.memory_space<hbm>>)
    return
  }
}

</mosaic_0001>

<sc_bundles>
// kernel: kernel.3.cloned.1.call-start
scs
__scs_entry_jumppad:
0x0: {  	(pc) =	sbr.rel $0x88, $3  }
0x1: {  	(tag) =	ssettag $0x0;
	lr =	simm.s32 $0x1  }
0x2: {  	[smem:$0x3F9E] =	sst lr;
	_ =	strace $0xD0000000  }
0x3: {  	_ = 	snop  }
0x4: {  	_ = 	snop  }
0x5: {  	_ = 	snop  }
0x6: {  	_ = 	snop  }
0x7: {  	_ = 	snop  }
__scs_overlays_trampoline_lowered:
0x8: {  	[smem:$0x3FAD] =	sst s0  }
0x9: {  	[smem:$0x3FAE] =	sst s1  }
0xa: {  	[smem:$0x3FAF] =	sst s2  }
0xb: {  	[smem:$0x3FB0] =	sst s3  }
0xc: {  	[smem:$0x3FB1] =	sst s4  }
0xd: {  	[smem:$0x3FB2] =	sst s5  }
0xe: {  	[smem:$0x3FB3] =	sst s6  }
0xf: {  	[smem:$0x3FB4] =	sst s7  }
0x10: {  	[smem:$0x3FB5] =	sst s8  }
0x11: {  	[smem:$0x3FB6] =	sst s9;
	s0 =	simm.s32 @!p0 $0x0  }
0x12: {  	s1 =	sld [smem:$0x3F9C];
	s0 =	simm.s32 @p0 $0x1  }
0x13: {  	[smem:$0x3FB7] =	sst s0;
	s0 =	simm.s32 @!p1 $0x0  }
0x14: {  	s2 =	sld [smem:$0x3F9B];
	s0 =	simm.s32 @p1 $0x1  }
0x15: {  	[smem:$0x3FB8] =	sst s0;
	s0 =	simm.s32 @!p2 $0x0  }
0x16: {  	s3 =	sld [smem:$0x3FDB];
	s0 =	simm.s32 @p2 $0x1  }
0x17: {  	s4 =	simm.s32 $0x1BF5;
	[smem:$0x3FBA] =	sst s0  }
0x18: {  	s0 =	sld [smem:$0x3F9D];
	_ =	swait.ge [sflag:s4], $0x0  }
0x19: {  	s7 =	sld [smem:$0x3F9E]  }
0x1a: {  	s8 =	sadd.s32 $0xFFFFE003, lr  }
0x1b: {  	s9 =	sadd.s32 $0xFFFFFEF7, lr;
	s5 =	simm.s32 $0xFFFFFFFF;
	p2 =	slt.u32 s8, $0xFFFFF086  }
0x1c: {  	p1 =	slt.u32 s9, $0xF7A;
	s5 =	simm.s32 @!p2 $0x0  }
0x1d: {  	s5 =	simm.s32 @p1 $0x1;
	p0 =	seq.s32 s7, s2  }
0x1e: {  	s7 =	smul.u32 @!p0 $0xF7A, s2;
	p2 =	seq.s32 @!p0 s5, $0x0  }
0x1f: {  	s9 =	smul.u32 $0xF7A, s1;
	s8 =	simm.s32 @!p0 $0x1BF5;
	p2 =	por !p2, p0  }
0x20: {  	[sflag:s8] =	ssyncset.s32 @!p0 $0xFFFFF086;
	s6 =	sadd.s32 @!p0 s3, s7;
	s7 =	simm.s32 @!p0 $0x108  }
0x21: {  	s3 =	sadd.s32 s3, s9;
	s6 =	sadd.s32 @!p0 $0x88, s6;
	s7 =	simm.s32 @p2 $0x1082  }
0x22: {  	[simem:s7], [sflag:s8] =	dma.local @!p0 [hbm:s6], $0xF7A  }
0x23: {  	s9 =	sor.u32 $0xD0000000, s2;
	s6 =	simm.s32 $0x108;
	_ =	swait.ge @!p0 [sflag:s8], $0x0  }
0x24: {  	s3 =	sadd.s32 $0x88, s3;
	s6 =	simm.s32 @!p1 $0x1082;
	[sflag:s4] =	ssyncset.s32 $0xFFFFF086  }
0x25: {  	[simem:s6], [sflag:s4] =	dma.local [hbm:s3], $0xF7A  }
0x26: {  	[smem:$0x3F9E] =	sst s1;
	(tag) =	ssettag s2;
	_ =	strace s9  }
0x27: {  	s1 =	sld [smem:$0x3FAE]  }
0x28: {  	s2 =	sld [smem:$0x3FAF]  }
0x29: {  	s4 =	sld [smem:$0x3FB1]  }
0x2a: {  	p0 =	seq.s32 s5, $0x0;
	s5 =	sld [smem:$0x3FB2]  }
0x2b: {  	s6 =	sld [smem:$0x3FB3]  }
0x2c: {  	s7 =	sld [smem:$0x3FB4]  }
0x2d: {  	s3 =	simm.s32 $0x108;
	s8 =	sld [smem:$0x3FB5]  }
0x2e: {  	s3 =	simm.s32 @!p0 $0x1082;
	s9 =	sld [smem:$0x3FB6]  }
0x2f: {  	lr =	sadd.s32 s0, s3;
	s0 =	sld [smem:$0x3FAD]  }
0x30: {  	s3 =	sld [smem:$0x3FB0]  }
0x31: {  	[smem:$0x3FB9] =	sst s10  }
0x32: {  	s10 =	sld [smem:$0x3FB7];
	_ =	sdelay $0x3  }
0x33: {  	p0 =	seq.s32 s10, $0x1;
	s10 =	sld [smem:$0x3FB9];
	_ =	sdelay $0x3  }
0x34: {  	[smem:$0x3FB9] =	sst s10  }
0x35: {  	s10 =	sld [smem:$0x3FB8];
	_ =	sdelay $0x3  }
0x36: {  	p1 =	seq.s32 s10, $0x1;
	s10 =	sld [smem:$0x3FB9];
	_ =	sdelay $0x3  }
0x37: {  	[smem:$0x3FB9] =	sst s10  }
0x38: {  	s10 =	sld [smem:$0x3FBA]  }
0x39: {  	_ = 	snop;
	(pc) =	sbr.ind lr, $3  }
0x3a: {  	_ = 	snop  }
0x3b: {  	_ = 	snop  }
0x3c: {  	p2 =	seq.s32 s10, $0x1;
	s10 =	sld [smem:$0x3FB9]  }
0x3d: {  	_ =	shalt  }
0x3e: {  	_ =	shalt  }
0x3f: {  	_ =	shalt  }
0x40: {  	_ =	shalt  }
0x41: {  	_ =	shalt  }
0x42: {  	_ =	shalt  }
0x43: {  	_ =	shalt  }
0x44: {  	_ =	shalt  }
0x45: {  	_ =	shalt  }
0x46: {  	_ =	shalt  }
0x47: {  	_ =	shalt  }
0x48: {  	_ =	shalt  }
0x49: {  	_ =	shalt  }
0x4a: {  	_ =	shalt  }
0x4b: {  	_ =	shalt  }
0x4c: {  	_ =	shalt  }
0x4d: {  	_ =	shalt  }
0x4e: {  	_ =	shalt  }
0x4f: {  	_ =	shalt  }
0x50: {  	_ =	shalt  }
0x51: {  	_ =	shalt  }
0x52: {  	_ =	shalt  }
0x53: {  	_ =	shalt  }
0x54: {  	_ =	shalt  }
0x55: {  	_ =	shalt  }
0x56: {  	_ =	shalt  }
0x57: {  	_ =	shalt  }
0x58: {  	_ =	shalt  }
0x59: {  	_ =	shalt  }
0x5a: {  	_ =	shalt  }
0x5b: {  	_ =	shalt  }
0x5c: {  	_ =	shalt  }
0x5d: {  	_ =	shalt  }
0x5e: {  	_ =	shalt  }
0x5f: {  	_ =	shalt  }
0x60: {  	_ =	shalt  }
0x61: {  	_ =	shalt  }
0x62: {  	_ =	shalt  }
0x63: {  	_ =	shalt  }
0x64: {  	_ =	shalt  }
0x65: {  	_ =	shalt  }
0x66: {  	_ =	shalt  }
0x67: {  	_ =	shalt  }
0x68: {  	_ =	shalt  }
0x69: {  	_ =	shalt  }
0x6a: {  	_ =	shalt  }
0x6b: {  	_ =	shalt  }
0x6c: {  	_ =	shalt  }
0x6d: {  	_ =	shalt  }
0x6e: {  	_ =	shalt  }
0x6f: {  	_ =	shalt  }
0x70: {  	_ =	shalt  }
0x71: {  	_ =	shalt  }
0x72: {  	_ =	shalt  }
0x73: {  	_ =	shalt  }
0x74: {  	_ =	shalt  }
0x75: {  	_ =	shalt  }
0x76: {  	_ =	shalt  }
0x77: {  	_ =	shalt  }
0x78: {  	_ =	shalt  }
0x79: {  	_ =	shalt  }
0x7a: {  	_ =	shalt  }
0x7b: {  	_ =	shalt  }
0x7c: {  	_ =	shalt  }
0x7d: {  	_ =	shalt  }
0x7e: {  	_ =	shalt  }
0x7f: {  	_ =	shalt  }
0x80: {  	_ =	shalt  }
0x81: {  	_ =	shalt  }
0x82: {  	_ =	shalt  }
0x83: {  	_ =	shalt  }
0x84: {  	_ =	shalt  }
0x85: {  	_ =	shalt  }
0x86: {  	_ =	shalt  }
0x87: {  	_ =	shalt  }
.Lfunc_end0:
.L_simem_size_0:
called_computation_lowered:
.L_overlay_start_0:
0x88: {  	s2 =	sld [smem:$0x3FD9]  }
0x89: {  	s3 =	sld [smem:$0x3FFE];
	_ =	sdelay $0x1  }
0x8a: {  	s1 =	srdreg.scid  }
0x8b: {  	s0 =	sand.u32 $0x1, s1  }
0x8c: {  	s18 =	sshll.u32 s0, $0xA;
	s2 =	sadd.s32 s3, s2  }
0x8d: {  	s2 =	sadd.s32 s2, s18  }
0x8e: {  	[smem:$0x3FC5] =	sst s2  }
0x8f: {  	_ = 	snop  }
0x90: {  	s2 =	sld [smem:$0x3FC9]  }
0x91: {  	s19 =	sld [smem:$0x3FC8]  }
0x92: {  	s4 =	sld [smem:$0x3FC7]  }
0x93: {  	s5 =	sld [smem:$0x3FD0];
	(tm) =	ssettm $0x1  }
0x94: {  	s6 =	sld [smem:$0x3FFB];
	_ =	sdelay $0x3  }
0x95: {  	_ =	strace s6  }
0x96: {  	s6 =	sld [smem:$0x3FFC];
	_ =	sdelay $0x3  }
0x97: {  	_ =	strace s6  }
0x98: {  	s6 =	sld [smem:$0x3FFD];
	_ =	sdelay $0x3  }
0x99: {  	_ =	strace s6  }
0x9a: {  	_ =	strace $0x8FFFFFFF  }
0x9b: {  	s20 =	sld [smem:$0x3FDB];
	_ =	sdelay $0x1  }
0x9c: {  	s7 =	simm.s32 $_scs_section_size  }
0x9d: {  	s8 =	simm.s32 $_size__tile_overlayer_lowered;
	s9 =	simm.s32 $_tile_overlayer_lowered  }
0x9e: {  	s23 =	simm.s32 $0x1BFF;
	s22 =	sshll.u32 s9, $0x1;
	s6 =	sadd.s32 s7, s20  }
0x9f: {  	s10 =	simm.s32 $0x0;
	s21 =	sshll.u32 s8, $0x1;
	s8 =	sadd.s32 s22, s6  }
0xa0: {  	[timem:s10], [sflag:s23] =	dma.local [hbm:s8], s21  }
0xa1: {  	_ =	swait.ge [sflag:s23], s21  }
0xa2: {  	s7 =	ssub.s32 $0x0, s21;
	[sflag:s23] =	ssyncset.done $0x0  }
0xa3: {  	[sflag:s23] =	ssyncadd.s32 s7;
	_ =	sdelay $0x1  }
0xa4: {  	s24 =	simm.s32 $0x1B8B  }
0xa5: {  	_ =	swait.ge [sflag:s24], $0x1  }
0xa6: {  	[sflag:s24] =	ssyncset.done $0x0  }
0xa7: {  	s25 =	simm.s32 $0x1B8E;
	[sflag:s24] =	ssyncadd.s32 $0xFFFFFFFF  }
0xa8: {  	s26 =	simm.s32 $execute0_lowered;
	[smem:$0x3FD2] =	sst s25  }
0xa9: {  	s7 =	sshll.u32 s26, $0x1;
	_ =	strace $0x80000046;
	[dreg:$0x1] =	wrdreg $0xFFFFFFFF  }
0xaa: {  	s28 =	simm.s32 $_size_execute0_lowered;
	s6 =	sadd.s32 s6, s7;
	[dreg:$0x0] =	wrdreg $0x0  }
0xab: {  	s7 =	sshll.u32 s28, $0x1;
	[dreg:$0x2] =	wrdreg s6  }
0xac: {  	[dreg:$0x3] =	wrdreg s7  }
0xad: {  	[dreg:$0x4] =	wrdreg $0xC0  }
0xae: {  	_ =	task [dreg:s10], $0x5FFFF  }
0xaf: {  	[dreg:$0x1] =	wrdreg $0xFFFFFFFF  }
0xb0: {  	[dreg:$0x0] =	wrdreg $0x60  }
0xb1: {  	[dreg:$0x2] =	wrdreg s2  }
0xb2: {  	[dreg:$0x3] =	wrdreg s19  }
0xb3: {  	[dreg:$0x4] =	wrdreg s4  }
0xb4: {  	[dreg:$0x5] =	wrdreg s5  }
0xb5: {  	[dreg:$0x6] =	wrdreg $0x9  }
0xb6: {  	_ =	task.clear_ibuf [dreg:s10], $0x7FFFF;
	_ =	strace $0x90000046  }
0xb7: {  	s29 =	simm.s32 $0x9;
	_ =	strace $0x80000048  }
0xb8: {  	_ =	swait.ge [sflag:s29], $0x1  }
0xb9: {  	[sflag:s29] =	ssyncadd.s32 $0xFFFFFFFF  }
0xba: {  	_ =	strace $0x90000048  }
0xbb: {  	_ =	sfence  }
0xbc: {  	s30 =	sld [smem:$0x0];
	_ =	sdelay $0x2  }
0xbd: {  	s31 =	sshll.u32 s1, $0xD;
	s1 =	sshrl.u32 s1, $0x2  }
0xbe: {  	s3 =	sand.u32 $0x4000, s31;
	s1 =	sadd.s32 s1, s30  }
0xbf: {  	s0 =	sor.u32 s3, s0;
	s1 =	sshll.u32 s1, $0x11  }
0xc0: {  	s0 =	sor.u32 s1, s0  }
0xc1: {  	s0 =	sadd.s32 $0x8F2B, s0  }
0xc2: {  	[sflag:s0] =	ssyncadd.remote.s32 $0x1  }
0xc3: {  	_ =	sfence.sel $0xFFFF  }
0xc4: {  	[dreg:$0x0] =	wrdreg $0xFFFFFFFF;
	(pc) =	sbr.abs _section_cstart, $3  }
0xc5: {  	[dreg:$0x1] =	wrdreg $0xFFFFFFFF  }
0xc6: {  	_ =	task.clear_ibuf [dreg:s10], $0x2FFFF;
	_ =	strace $0x9FFFFFFF  }
0xc7: {  	(tm) =	ssettm $0x7FFFFFFF  }
tec
execute0_lowered:
.L_overlay_start_1:
0x0: {  	(tag) =	ssettag $0x1  }
0x1: {  	s0 =	rddreg [dreg:$0x0]  }
0x2: {  	s7 =	rddreg [dreg:$0x1]  }
0x3: {  	s1 =	rddreg [dreg:$0x2];
	s3 =	simm.s32 $0x0;
	s2 =	srdreg.scid  }
0x4: {  	s4 =	stileid.u32;
	[smem:$0x7FF] =	sst s3;
	s2 =	sand.u32 $0x1, s2  }
0x5: {  	s19 =	sshll.u32 s4, $0x1;
	s4 =	sshrl.u32 s4, $0x2;
	s26 =	sadd.s32 $0x100, s7  }
0x6: {  	s28 =	sadd.s32 $0x200, s7;
	_ =	strace $0x80000047;
	[smem:$0x7F3] =	sst s19  }
0x7: {  	s29 =	sadd.s32 $0x300, s7;
	s30 =	sadd.s32 $0x400, s7;
	[smem:$0x7F9] =	sst s26  }
0x8: {  	s3 =	sor.u32 s2, s19;
	s2 =	ssub.s32 $0x2, s2;
	[smem:$0x7FA] =	sst s28  }
0x9: {  	s6 =	sshll.u32 s4, $0xD;
	s20 =	smul.u32 $0x2400, s4;
	[smem:$0x7FB] =	sst s29  }
0xa: {  	s4 =	sor.u32 $0x4, s4;
	[smem:$0x7FC] =	sst s30;
	s3 =	sshll.u32 s3, $0x7  }
0xb: {  	s5 =	sshrl.u32 s2, $0x1;
	s21 =	smul.u32 $0x2400, s4;
	s8 =	sand.u32 $0x380, s3  }
0xc: {  	s4 =	sshll.u32 s4, $0xD;
	s2 =	ssub.s32 s2, s5;
	s3 =	sor.u32 s6, s8  }
0xd: {  	s22 =	sor.u32 s20, s8;
	s4 =	sor.u32 s4, s8;
	[smem:$0x7F5] =	sst s8  }
0xe: {  	s5 =	sor.u32 s21, s8;
	s31 =	smax.u32 s2, $0x1;
	s3 =	sshrl.u32 s3, $0x3  }
0xf: {  	s23 =	sshrl.u32 s4, $0x3;
	[smem:$0x7FD] =	sst s31;
	s3 =	sadd.s32 s0, s3  }
0x10: {  	s24 =	sshrl.u32 s5, $0x3;
	s0 =	sadd.s32 s0, s23;
	[smem:$0x7F4] =	sst s3  }
0x11: {  	v2 =	vlaneseq.u32;
	s25 =	sadd.s32 s1, s24;
	s3 =	sshrl.u32 s22, $0x3;
	[smem:$0x7F7] =	sst s0  }
0x12: {  	vm0 =	vmmov $0xffff;
	vm1 =	vmmov $0xff;
	v1 =	vshrl.u32 v2, $0x3;
	[smem:$0x7F8] =	sst s25;
	s3 =	sadd.s32 s1, s3  }
0x13: {  	v0 =	vand.u32 $0x7, v2;
	v2 =	vor.u32 $0x8, v2;
	v1 =	vmul.u32 $0x8, v1;
	s2 =	simm.s32 $0x0;
	[smem:$0x7F6] =	sst s3  }
.LBB2_1:
0x14: {  	s0 =	sld [smem:$0x7F4]  }
0x15: {  	[smem:$0x7F2] =	sst s2;
	s1 =	simm.s32 $0x0  }
0x16: {  	s29 =	simm.s32 $0x80;
	s3 =	simm.s32 $0x400;
	s4 =	simm.s32 $0x9  }
0x17: {  	[tilespmem:s1], [sflag:$0x9] =	stream.strided.gather [hbm4b:s0+s29], $0x400, s3, s29, $0x38;
	[tilespmem:$0x13100] =	vst v63  }
0x18: {  	_ =	swait.ge [sflag:s4], $0x400  }
0x19: {  	s30 =	sld [smem:$0x7F6]  }
0x1a: {  	[sflag:s4] =	ssyncset.done $0x0  }
0x1b: {  	s5 =	simm.s32 $0x12800;
	[sflag:s4] =	ssyncadd.s32 $0xFFFFFC00  }
0x1c: {  	[tilespmem:s5], [sflag:$0x9] =	stream.strided.gather [hbm4b:s30+s29], $0x480, s3, s29, $0x38;
	[tilespmem:$0x13100] =	vst v63  }
0x1d: {  	_ =	swait.ge [sflag:s4], $0x480  }
0x1e: {  	s31 =	sld [smem:$0x7F7]  }
0x1f: {  	[sflag:s4] =	ssyncset.done $0x0  }
0x20: {  	[sflag:s4] =	ssyncadd.s32 $0xFFFFFB80  }
0x21: {  	[tilespmem:s3], [sflag:$0x9] =	stream.strided.gather [hbm4b:s31+s29], $0x400, s3, s29, $0x38;
	[tilespmem:$0x13100] =	vst v63  }
0x22: {  	_ =	swait.ge [sflag:s4], $0x400  }
0x23: {  	s5 =	sld [smem:$0x7F8]  }
0x24: {  	[sflag:s4] =	ssyncset.done $0x0  }
0x25: {  	s6 =	simm.s32 $0x12C80;
	[sflag:s4] =	ssyncadd.s32 $0xFFFFFC00  }
0x26: {  	[tilespmem:s6], [sflag:$0x9] =	stream.strided.gather [hbm4b:s5+s29], $0x480, s3, s29, $0x38;
	[tilespmem:$0x13100] =	vst v63  }
0x27: {  	_ =	swait.ge [sflag:s4], $0x480  }
0x28: {  	[sflag:s4] =	ssyncset.done $0x0  }
0x29: {  	[sflag:s4] =	ssyncadd.s32 $0xFFFFFB80  }
0x2a: {  	v3 =	vld [tilespmem:$0x0];
	_ =	sdelay $0x4  }
0x2b: {  	v4 =	vshrl.u32 v3, $0x3  }
0x2c: {  	v4 =	vmul.u32 $0x48, v4  }
0x2d: {  	v3 =	vand.u32 $0x7, v3  }
0x2e: {  	v3 =	vor.u32 v3, v4  }
0x2f: {  	v4 =	vperm.xlane v3, v0;
	_ =	sdelay $0x1  }
0x30: {  	v4 =	vadd.s32 v1, v4;
	_ =	sdelay $0x2  }
0x31: {  	s9 =	sld [smem:$0x7F9]  }
0x32: {  	s8 =	simm.s32 $0x800;
	s7 =	rddreg [dreg:$0x1]  }
0x33: {  	[tilespmem:s8], [sflag:$0x1] =	stream.indirect_vreg.gather [hbm4b:s7+s1], $0x80, v4, vm0, $0xb8;
	[tilespmem:$0x13100] =	vst v63  }
0x34: {  	s10 =	simm.s32 $0x1000;
	s11 =	sld [smem:$0x7FA]  }
0x35: {  	[tilespmem:s10], [sflag:$0x1] =	stream.indirect_vreg.gather [hbm4b:s9+s1], $0x80, v4, vm0, $0xb8;
	[tilespmem:$0x13100] =	vst v63  }
0x36: {  	s12 =	simm.s32 $0x1800;
	s13 =	sld [smem:$0x7FB];
	v3 =	vperm.xlane v3, v2  }
0x37: {  	[tilespmem:s12], [sflag:$0x1] =	stream.indirect_vreg.gather [hbm4b:s11+s1], $0x80, v4, vm0, $0xb8;
	[tilespmem:$0x13100] =	vst v63  }
0x38: {  	s14 =	simm.s32 $0x2000;
	s15 =	sld [smem:$0x7FC];
	v3 =	vadd.s32 v1, v3  }
0x39: {  	[tilespmem:s14], [sflag:$0x1] =	stream.indirect_vreg.gather [hbm4b:s13+s1], $0x80, v4, vm0, $0xb8;
	[tilespmem:$0x13100] =	vst v63  }
0x3a: {  	s6 =	simm.s32 $0x2800  }
0x3b: {  	[tilespmem:s6], [sflag:$0x1] =	stream.indirect_vreg.gather [hbm4b:s15+s1], $0x80, v4, vm1, $0xb8;
	[tilespmem:$0x13100] =	vst v63  }
0x3c: {  	s16 =	simm.s32 $0x2C00  }
0x3d: {  	[tilespmem:s16], [sflag:$0x1] =	stream.indirect_vreg.gather [hbm4b:s7+s1], $0x80, v3, vm0, $0xb8;
	[tilespmem:$0x13100] =	vst v63  }
0x3e: {  	s17 =	simm.s32 $0x3400  }
0x3f: {  	[tilespmem:s17], [sflag:$0x1] =	stream.indirect_vreg.gather [hbm4b:s9+s1], $0x80, v3, vm0, $0xb8;
	[tilespmem:$0x13100] =	vst v63  }
0x40: {  	s18 =	simm.s32 $0x3C00  }
0x41: {  	[tilespmem:s18], [sflag:$0x1] =	stream.indirect_vreg.gather [hbm4b:s11+s1], $0x80, v3, vm0, $0xb8;
	[tilespmem:$0x13100] =	vst v63  }
0x42: {  	s19 =	simm.s32 $0x4400  }
0x43: {  	[tilespmem:s19], [sflag:$0x1] =	stream.indirect_vreg.gather [hbm4b:s13+s1], $0x80, v3, vm0, $0xb8;
	[tilespmem:$0x13100] =	vst v63  }
0x44: {  	s20 =	simm.s32 $0x4C00  }
0x45: {  	[tilespmem:s20], [sflag:$0x1] =	stream.indirect_vreg.gather [hbm4b:s15+s1], $0x80, v3, vm1, $0xb8;
	[tilespmem:$0x13100] =	vst v63  }
0x46: {  	v3 =	vld [tilespmem:$0x10];
	_ =	sdelay $0x4  }
0x47: {  	v63 =	vshrl.u32 v3, $0x3  }
0x48: {  	v4 =	vmul.u32 $0x48, v63  }
0x49: {  	v3 =	vand.u32 $0x7, v3  }
0x4a: {  	v3 =	vor.u32 v3, v4  }
0x4b: {  	v4 =	vperm.xlane v3, v0;
	_ =	sdelay $0x1  }
0x4c: {  	v4 =	vadd.s32 v1, v4;
	_ =	sdelay $0x3  }
0x4d: {  	s21 =	simm.s32 $0x5000  }
0x4e: {  	[tilespmem:s21], [sflag:$0x2] =	stream.indirect_vreg.gather [hbm4b:s7+s1], $0x80, v4, vm0, $0xb8;
	[tilespmem:$0x13100] =	vst v63  }
0x4f: {  	s22 =	simm.s32 $0x5800  }
0x50: {  	[tilespmem:s22], [sflag:$0x2] =	stream.indirect_vreg.gather [hbm4b:s9+s1], $0x80, v4, vm0, $0xb8;
	[tilespmem:$0x13100] =	vst v63  }
0x51: {  	s23 =	simm.s32 $0x6000;
	v3 =	vperm.xlane v3, v2  }
0x52: {  	[tilespmem:s23], [sflag:$0x2] =	stream.indirect_vreg.gather [hbm4b:s11+s1], $0x80, v4, vm0, $0xb8;
	[tilespmem:$0x13100] =	vst v63  }
0x53: {  	s24 =	simm.s32 $0x6800;
	v3 =	vadd.s32 v1, v3  }
0x54: {  	[tilespmem:s24], [sflag:$0x2] =	stream.indirect_vreg.gather [hbm4b:s13+s1], $0x80, v4, vm0, $0xb8;
	[tilespmem:$0x13100] =	vst v63  }
0x55: {  	s25 =	simm.s32 $0x7000  }
0x56: {  	[tilespmem:s25], [sflag:$0x2] =	stream.indirect_vreg.gather [hbm4b:s15+s1], $0x80, v4, vm1, $0xb8;
	[tilespmem:$0x13100] =	vst v63  }
0x57: {  	s26 =	simm.s32 $0x7400  }
0x58: {  	[tilespmem:s26], [sflag:$0x2] =	stream.indirect_vreg.gather [hbm4b:s7+s1], $0x80, v3, vm0, $0xb8;
	[tilespmem:$0x13100] =	vst v63  }
0x59: {  	s28 =	simm.s32 $0x7C00  }
0x5a: {  	[tilespmem:s28], [sflag:$0x2] =	stream.indirect_vreg.gather [hbm4b:s9+s1], $0x80, v3, vm0, $0xb8;
	[tilespmem:$0x13100] =	vst v63  }
0x5b: {  	s29 =	simm.s32 $0x8400  }
0x5c: {  	[tilespmem:s29], [sflag:$0x2] =	stream.indirect_vreg.gather [hbm4b:s11+s1], $0x80, v3, vm0, $0xb8;
	[tilespmem:$0x13100] =	vst v63  }
0x5d: {  	s30 =	simm.s32 $0x8C00  }
0x5e: {  	[tilespmem:s30], [sflag:$0x2] =	stream.indirect_vreg.gather [hbm4b:s13+s1], $0x80, v3, vm0, $0xb8;
	[tilespmem:$0x13100] =	vst v63  }
0x5f: {  	s31 =	simm.s32 $0x9400;
	s7 =	simm.s32 $0x0  }
0x60: {  	[tilespmem:s31], [sflag:$0x2] =	stream.indirect_vreg.gather [hbm4b:s15+s1], $0x80, v3, vm1, $0xb8;
	[tilespmem:$0x13100] =	vst v63  }
.LBB2_2:
0x61: {  	s0 =	simm.s32 $0x1  }
0x62: {  	_ =	swait.ge [sflag:s0], $0x4800  }
0x63: {  	p0 =	seq.s32 s7, $0x0;
	[sflag:s0] =	ssyncset.done $0x0  }
0x64: {  	[sflag:s0] =	ssyncadd.s32 $0xFFFFB800;
	s0 =	simm.s32 @!p0 $0x7  }
0x65: {  	s1 =	sshll.u32 s7, $0x2;
	_ =	swait.ge @!p0 [sflag:s0], $0x4800  }
0x66: {  	[smem:$0x7ED] =	sst s1;
	s1 =	sor.u32 $0x2, s1  }
0x67: {  	[sflag:s0] =	ssyncset.done @!p0 $0x0;
	[smem:$0x7EE] =	sst s1;
	s1 =	sshll.u32 s1, $0x4  }
0x68: {  	[sflag:s0] =	ssyncadd.s32 @!p0 $0xFFFFB800;
	s20 =	sand.u32 $0x3FFFFFF0, s1  }
0x69: {  	v3 =	vld [tilespmem:s20+$0x0];
	_ =	sdelay $0x4  }
0x6a: {  	v4 =	vshrl.u32 v3, $0x3  }
0x6b: {  	v4 =	vmul.u32 $0x48, v4  }
0x6c: {  	v3 =	vand.u32 $0x7, v3  }
0x6d: {  	v3 =	vor.u32 v3, v4  }
0x6e: {  	v4 =	vperm.xlane v3, v0;
	_ =	sdelay $0x1  }
0x6f: {  	v4 =	vadd.s32 v1, v4;
	_ =	sdelay $0x2  }
0x70: {  	s23 =	sld [smem:$0x7F9]  }
0x71: {  	s21 =	simm.s32 $0x0;
	s2 =	simm.s32 $0x9800;
	s22 =	rddreg [dreg:$0x1]  }
0x72: {  	[tilespmem:s2], [sflag:$0x3] =	stream.indirect_vreg.gather [hbm4b:s22+s21], $0x80, v4, vm0, $0xb8;
	[tilespmem:$0x13100] =	vst v63  }
0x73: {  	s3 =	simm.s32 $0xA000;
	s24 =	sld [smem:$0x7FA]  }
0x74: {  	[tilespmem:s3], [sflag:$0x3] =	stream.indirect_vreg.gather [hbm4b:s23+s21], $0x80, v4, vm0, $0xb8;
	[tilespmem:$0x13100] =	vst v63  }
0x75: {  	s4 =	simm.s32 $0xA800;
	s25 =	sld [smem:$0x7FB];
	v3 =	vperm.xlane v3, v2  }
0x76: {  	[tilespmem:s4], [sflag:$0x3] =	stream.indirect_vreg.gather [hbm4b:s24+s21], $0x80, v4, vm0, $0xb8;
	[tilespmem:$0x13100] =	vst v63  }
0x77: {  	s5 =	simm.s32 $0xB000;
	s26 =	sld [smem:$0x7FC];
	v3 =	vadd.s32 v1, v3  }
0x78: {  	[tilespmem:s5], [sflag:$0x3] =	stream.indirect_vreg.gather [hbm4b:s25+s21], $0x80, v4, vm0, $0xb8;
	[tilespmem:$0x13100] =	vst v63  }
0x79: {  	s6 =	simm.s32 $0xB800  }
0x7a: {  	[tilespmem:s6], [sflag:$0x3] =	stream.indirect_vreg.gather [hbm4b:s26+s21], $0x80, v4, vm1, $0xb8;
	[tilespmem:$0x13100] =	vst v63  }
0x7b: {  	s30 =	simm.s32 $0xBC00;
	s8 =	simm.s32 $0xC400  }
0x7c: {  	[tilespmem:s30], [sflag:$0x3] =	stream.indirect_vreg.gather [hbm4b:s22+s21], $0x80, v3, vm0, $0xb8;
	[tilespmem:$0x13100] =	vst v63  }
0x7d: {  	s9 =	simm.s32 $0xCC00;
	s10 =	sshrl.u32 s7, $0x4;
	[smem:$0x7EF] =	sst s7  }
0x7e: {  	[tilespmem:s8], [sflag:$0x3] =	stream.indirect_vreg.gather [hbm4b:s23+s21], $0x80, v3, vm0, $0xb8;
	[tilespmem:$0x13100] =	vst v63  }
0x7f: {  	s11 =	simm.s32 $0xD400;
	[smem:$0x7F0] =	sst s10;
	s10 =	smul.u32 $0x480, s10  }
0x80: {  	[tilespmem:s9], [sflag:$0x3] =	stream.indirect_vreg.gather [hbm4b:s24+s21], $0x80, v3, vm0, $0xb8;
	[tilespmem:$0x13100] =	vst v63  }
0x81: {  	s7 =	sand.u32 $0x3C00, s21;
	s13 =	sadd.s32 $0x0, s10;
	s9 =	sand.u32 $0x40, s21  }
0x82: {  	s14 =	sadd.s32 $0x800, s7;
	s0 =	sand.u32 $0xF80, s13;
	s4 =	sor.u32 $0x30, s9  }
0x83: {  	[tilespmem:s11], [sflag:$0x3] =	stream.indirect_vreg.gather [hbm4b:s25+s21], $0x80, v3, vm0, $0xb8;
	[tilespmem:$0x13100] =	vst v63  }
0x84: {  	s12 =	simm.s32 $0xDC00;
	s16 =	sadd.s32 $0x12800, s0;
	s15 =	sor.u32 s4, s14  }
0x85: {  	[tilespmem:s12], [sflag:$0x3] =	stream.indirect_vreg.gather [hbm4b:s26+s21], $0x80, v3, vm1, $0xb8;
	[tilespmem:$0x13100] =	vst v63  }
0x86: {  	s0 =	sor.u32 s4, s16;
	v3 =	vld [tilespmem:s15+$0x0]  }
0x87: {  	v14 =	vld [tilespmem:s0+$0x0]  }
0x88: {  	v4 =	vld [tilespmem:s15+$0x80]  }
0x89: {  	v5 =	vld [tilespmem:s15+$0x100]  }
0x8a: {  	v6 =	vld [tilespmem:s15+$0x180];
	_ =	sdelay $0x1  }
0x8b: {  	p1 =	por $0x0, $0x0;
	s0 =	simm.s32 $0x1;
	v3 =	vadd.f32 v3, v14  }
0x8c: {  	s8 =	sor.u32 $0x10, s9;
	s17 =	sor.u32 s9, s16;
	s0 =	simm.s32 @!p1 $0x0;
	v4 =	vadd.f32 v4, v14  }
0x8d: {  	s18 =	sor.u32 s8, s16;
	v12 =	vld [tilespmem:s17+$0x0];
	s0 =	sshll.u32 s0, $0x6;
	[tilespmem:s15+$0x0] =	vst v3;
	v3 =	vadd.f32 v5, v14  }
0x8e: {  	s11 =	sor.u32 s9, s14;
	v11 =	vld [tilespmem:s18+$0x0];
	s0 =	sadd.s32 $0x0, s0;
	[tilespmem:s15+$0x80] =	vst v4;
	v4 =	vadd.f32 v6, v14  }
0x8f: {  	s19 =	sadd.s32 $0x30, s0;
	v5 =	vld [tilespmem:s11+$0x80];
	[tilespmem:s15+$0x100] =	vst v3  }
0x90: {  	s20 =	sor.u32 $0x200, s19;
	v3 =	vld [tilespmem:s11+$0x0];
	[tilespmem:s15+$0x180] =	vst v4  }
0x91: {  	v4 =	vld [tilespmem:s20+$0x800]  }
0x92: {  	v6 =	vld [tilespmem:s11+$0x100]  }
0x93: {  	s21 =	sor.u32 s8, s14;
	v7 =	vld [tilespmem:s11+$0x180]  }
0x94: {  	v8 =	vld [tilespmem:s21+$0x0];
	v5 =	vadd.f32 v5, v12  }
0x95: {  	v9 =	vld [tilespmem:s21+$0x80];
	v3 =	vadd.f32 v3, v12  }
0x96: {  	s29 =	sor.u32 $0x20, s9;
	v10 =	vld [tilespmem:s21+$0x100];
	[tilespmem:s11+$0x80] =	vst v5;
	v4 =	vadd.f32 v4, v14  }
0x97: {  	s5 =	sor.u32 s29, s16;
	v13 =	vld [tilespmem:s21+$0x180];
	v6 =	vadd.f32 v6, v12;
	[tilespmem:s11+$0x0] =	vst v3  }
0x98: {  	s22 =	sor.u32 $0x280, s19;
	v3 =	vld [tilespmem:s5+$0x0];
	[tilespmem:s20+$0x800] =	vst v4;
	v4 =	vadd.f32 v7, v12  }
0x99: {  	s2 =	sor.u32 s29, s14;
	[tilespmem:s11+$0x100] =	vst v6;
	v6 =	vadd.f32 v8, v11;
	v5 =	vld [tilespmem:s22+$0x800]  }
0x9a: {  	v7 =	vld [tilespmem:s2+$0x0];
	[tilespmem:s11+$0x180] =	vst v4;
	v4 =	vadd.f32 v9, v11  }
0x9b: {  	v8 =	vadd.f32 v10, v11;
	[tilespmem:s21+$0x0] =	vst v6;
	v6 =	vld [tilespmem:s2+$0x80]  }
0x9c: {  	v9 =	vadd.f32 v13, v11;
	[tilespmem:s21+$0x80] =	vst v4;
	v4 =	vld [tilespmem:s2+$0x100]  }
0x9d: {  	s23 =	sadd.s32 $0x10, s0;
	s24 =	sor.u32 $0x200, s0;
	v10 =	vld [tilespmem:s2+$0x180];
	[tilespmem:s21+$0x100] =	vst v8  }
0x9e: {  	s12 =	sor.u32 $0x200, s23;
	v8 =	vld [tilespmem:s24+$0x800];
	[tilespmem:s21+$0x180] =	vst v9;
	v5 =	vadd.f32 v5, v14  }
0x9f: {  	v7 =	vadd.f32 v7, v3;
	v9 =	vld [tilespmem:s12+$0x800]  }
0xa0: {  	s25 =	sor.u32 $0x300, s19;
	[tilespmem:s22+$0x800] =	vst v5;
	v5 =	vadd.f32 v6, v3  }
0xa1: {  	[tilespmem:s2+$0x0] =	vst v7;
	v6 =	vld [tilespmem:s25+$0x800];
	v4 =	vadd.f32 v4, v3  }
0xa2: {  	[tilespmem:s2+$0x80] =	vst v5;
	v5 =	vadd.f32 v10, v3  }
0xa3: {  	s3 =	sadd.s32 $0x20, s0;
	[tilespmem:s2+$0x100] =	vst v4;
	v4 =	vadd.f32 v8, v12  }
0xa4: {  	s13 =	sor.u32 $0x200, s3;
	[tilespmem:s2+$0x180] =	vst v5;
	v5 =	vadd.f32 v9, v11  }
0xa5: {  	s26 =	sor.u32 $0x280, s0;
	v7 =	vld [tilespmem:s13+$0x800];
	[tilespmem:s24+$0x800] =	vst v4  }
0xa6: {  	s30 =	sor.u32 $0x280, s23;
	v4 =	vadd.f32 v6, v14;
	v6 =	vld [tilespmem:s26+$0x800];
	[tilespmem:s12+$0x800] =	vst v5  }
0xa7: {  	v5 =	vld [tilespmem:s30+$0x800];
	_ =	sdelay $0x2  }
0xa8: {  	v7 =	vadd.f32 v7, v3  }
0xa9: {  	s1 =	sor.u32 $0x380, s19;
	[tilespmem:s25+$0x800] =	vst v4;
	v6 =	vadd.f32 v6, v12  }
0xaa: {  	s12 =	sor.u32 $0x280, s3;
	v4 =	vld [tilespmem:s1+$0x800];
	[tilespmem:s13+$0x800] =	vst v7;
	v5 =	vadd.f32 v5, v11  }
0xab: {  	s15 =	sor.u32 $0x300, s0;
	v7 =	vld [tilespmem:s12+$0x800];
	[tilespmem:s26+$0x800] =	vst v6  }
0xac: {  	s14 =	sor.u32 $0x300, s23;
	v6 =	vld [tilespmem:s15+$0x800];
	[tilespmem:s30+$0x800] =	vst v5  }
0xad: {  	v5 =	vld [tilespmem:s14+$0x800];
	_ =	sdelay $0x1  }
0xae: {  	v4 =	vadd.f32 v4, v14  }
0xaf: {  	s11 =	sadd.s32 $0x2C00, s7;
	v7 =	vadd.f32 v7, v3  }
0xb0: {  	s16 =	sor.u32 $0x300, s3;
	s19 =	sor.u32 $0x380, s23;
	s17 =	sor.u32 s4, s11;
	[tilespmem:s1+$0x800] =	vst v4;
	v6 =	vadd.f32 v6, v12  }
0xb1: {  	s23 =	sadd.s32 $0x40, s10;
	s21 =	simm.s32 $0x200;
	s22 =	simm.s32 $0x40;
	v4 =	vld [tilespmem:s17+$0x0];
	[tilespmem:s12+$0x800] =	vst v7;
	v5 =	vadd.f32 v5, v11  }
0xb2: {  	s20 =	sor.u32 $0x380, s0;
	s18 =	sand.u32 $0x3C00, s21;
	v7 =	vld [tilespmem:s16+$0x800];
	[tilespmem:s15+$0x800] =	vst v6;
	s15 =	sand.u32 $0x40, s22  }
0xb3: {  	s6 =	sadd.s32 $0x800, s18;
	s24 =	sand.u32 $0xF80, s23;
	v6 =	vld [tilespmem:s20+$0x800];
	[tilespmem:s14+$0x800] =	vst v5;
	s0 =	sor.u32 $0x30, s15  }
0xb4: {  	s1 =	sadd.s32 $0x12800, s24;
	v5 =	vld [tilespmem:s19+$0x800];
	s14 =	sor.u32 s0, s6  }
0xb5: {  	s25 =	sor.u32 s0, s1;
	v9 =	vld [tilespmem:s14+$0x0]  }
0xb6: {  	v4 =	vadd.f32 v4, v14;
	v13 =	vld [tilespmem:s25+$0x0]  }
0xb7: {  	v10 =	vld [tilespmem:s14+$0x100]  }
0xb8: {  	s2 =	sadd.s32 $0x2C80, s7;
	[tilespmem:s17+$0x0] =	vst v4;
	v15 =	vld [tilespmem:s14+$0x180];
	v4 =	vadd.f32 v7, v3  }
0xb9: {  	p1 =	por !p1, !p1;
	s13 =	sor.u32 s4, s2;
	v7 =	vld [tilespmem:s14+$0x80];
	v6 =	vadd.f32 v6, v12  }
0xba: {  	s21 =	sor.u32 $0x380, s3;
	s3 =	simm.s32 $0x1;
	s26 =	sor.u32 s15, s1;
	v8 =	vld [tilespmem:s13+$0x0];
	[tilespmem:s16+$0x800] =	vst v4;
	v5 =	vadd.f32 v5, v11  }
0xbb: {  	s23 =	sor.u32 s8, s11;
	s3 =	simm.s32 @!p1 $0x0;
	s5 =	sor.u32 $0x10, s15;
	v4 =	vld [tilespmem:s26+$0x0];
	[tilespmem:s20+$0x800] =	vst v6  }
0xbc: {  	s22 =	sor.u32 s9, s11;
	s30 =	sor.u32 s5, s1;
	s17 =	sor.u32 $0x20, s15;
	v16 =	vld [tilespmem:s21+$0x800];
	v6 =	vadd.f32 v9, v13;
	[tilespmem:s19+$0x800] =	vst v5  }
0xbd: {  	s16 =	simm.s32 $0x80;
	v9 =	vadd.f32 v10, v13;
	v5 =	vld [tilespmem:s30+$0x0];
	s19 =	sadd.s32 $0x80, s10;
	[dreg:$0x5] =	wrdreg s10  }
0xbe: {  	s1 =	sor.u32 s17, s1;
	v7 =	vadd.f32 v7, v13;
	s10 =	sand.u32 $0x40, s16;
	s20 =	sand.u32 $0xF80, s19;
	v17 =	vld [tilespmem:s22+$0x0];
	[tilespmem:s14+$0x0] =	vst v6  }
0xbf: {  	s3 =	sshll.u32 s3, $0x6;
	v8 =	vadd.f32 v8, v14;
	v6 =	vld [tilespmem:s1+$0x0];
	s30 =	sor.u32 $0x30, s10;
	s16 =	sadd.s32 $0x12800, s20;
	[tilespmem:s14+$0x100] =	vst v9  }
0xc0: {  	s1 =	sadd.s32 $0x200, s3;
	v10 =	vld [tilespmem:s23+$0x0];
	s31 =	sor.u32 $0x10, s10;
	[tilespmem:s14+$0x80] =	vst v7;
	v7 =	vadd.f32 v15, v13;
	s24 =	sor.u32 s30, s16  }
0xc1: {  	[tilespmem:s13+$0x0] =	vst v8;
	s12 =	sadd.s32 $0x30, s1;
	s26 =	sor.u32 s31, s16;
	v9 =	vld [tilespmem:s24+$0x0]  }
0xc2: {  	v8 =	vld [tilespmem:s26+$0x0];
	[tilespmem:s14+$0x180] =	vst v7;
	s14 =	sor.u32 $0x200, s12  }
0xc3: {  	s3 =	sadd.s32 $0x2D00, s7;
	s25 =	sor.u32 s10, s16;
	v16 =	vadd.f32 v16, v3;
	v15 =	vld [tilespmem:s14+$0x800]  }
0xc4: {  	s20 =	sor.u32 s4, s3;
	v7 =	vld [tilespmem:s25+$0x0];
	v17 =	vadd.f32 v17, v12  }
0xc5: {  	s11 =	sor.u32 s29, s11;
	[tilespmem:s21+$0x800] =	vst v16;
	v16 =	vld [tilespmem:s20+$0x0];
	v10 =	vadd.f32 v10, v11  }
0xc6: {  	[tilespmem:s22+$0x0] =	vst v17;
	v17 =	vld [tilespmem:s11+$0x0];
	s22 =	sor.u32 s9, s2  }
0xc7: {  	[tilespmem:s23+$0x0] =	vst v10;
	s23 =	sor.u32 s8, s2;
	v10 =	vld [tilespmem:s22+$0x0]  }
0xc8: {  	s24 =	sor.u32 s15, s6;
	v18 =	vld [tilespmem:s23+$0x0];
	v15 =	vadd.f32 v15, v13  }
0xc9: {  	v20 =	vld [tilespmem:s24+$0x80]  }
0xca: {  	s25 =	sor.u32 $0x280, s12;
	v16 =	vadd.f32 v16, v14;
	[tilespmem:s14+$0x800] =	vst v15;
	v15 =	vld [tilespmem:s24+$0x0]  }
0xcb: {  	v19 =	vld [tilespmem:s25+$0x800];
	v17 =	vadd.f32 v17, v3  }
0xcc: {  	s26 =	sor.u32 s5, s6;
	v21 =	vld [tilespmem:s24+$0x100];
	[tilespmem:s20+$0x0] =	vst v16;
	v10 =	vadd.f32 v10, v12  }
0xcd: {  	v22 =	vld [tilespmem:s26+$0x80];
	[tilespmem:s11+$0x0] =	vst v17;
	v17 =	vadd.f32 v18, v11  }
0xce: {  	v16 =	vld [tilespmem:s24+$0x180];
	[tilespmem:s22+$0x0] =	vst v10  }
0xcf: {  	s28 =	sor.u32 $0x20, s10;
	v18 =	vld [tilespmem:s26+$0x0];
	[tilespmem:s23+$0x0] =	vst v17;
	v15 =	vadd.f32 v15, v4  }
0xd0: {  	v17 =	vld [tilespmem:s26+$0x100];
	v10 =	vadd.f32 v19, v13;
	[smem:$0x7F1] =	sst s28  }
0xd1: {  	s13 =	sor.u32 s28, s16;
	v19 =	vadd.f32 v20, v4;
	[tilespmem:s24+$0x0] =	vst v15;
	v42 =	vld [tilespmem:s26+$0x180]  }
0xd2: {  	s16 =	sor.u32 $0x300, s12;
	v15 =	vadd.f32 v21, v4;
	[tilespmem:s25+$0x800] =	vst v10;
	v10 =	vld [tilespmem:s13+$0x0];
	s13 =	sadd.s32 $0x2D80, s7  }
0xd3: {  	v16 =	vadd.f32 v16, v4;
	[tilespmem:s24+$0x80] =	vst v19;
	v19 =	vld [tilespmem:s16+$0x800];
	s19 =	sor.u32 s4, s13  }
0xd4: {  	s20 =	sor.u32 s17, s6;
	v18 =	vadd.f32 v18, v5;
	[tilespmem:s24+$0x100] =	vst v15;
	v15 =	vld [tilespmem:s19+$0x0]  }
0xd5: {  	v43 =	vadd.f32 v22, v5;
	[tilespmem:s24+$0x180] =	vst v16;
	v16 =	vld [tilespmem:s20+$0x0]  }
0xd6: {  	[tilespmem:s26+$0x0] =	vst v18;
	v18 =	vld [tilespmem:s20+$0x80];
	v17 =	vadd.f32 v17, v5  }
0xd7: {  	[tilespmem:s26+$0x80] =	vst v43;
	v44 =	vld [tilespmem:s20+$0x100];
	v20 =	vadd.f32 v42, v5  }
0xd8: {  	s21 =	sor.u32 $0x200, s1;
	s6 =	sadd.s32 $0x10, s1;
	[tilespmem:s26+$0x100] =	vst v17;
	v17 =	vld [tilespmem:s20+$0x180];
	v19 =	vadd.f32 v19, v13  }
0xd9: {  	s25 =	sor.u32 $0x200, s6;
	v45 =	vld [tilespmem:s21+$0x800];
	[tilespmem:s26+$0x180] =	vst v20;
	v15 =	vadd.f32 v15, v14  }
0xda: {  	s12 =	sor.u32 $0x380, s12;
	s14 =	sadd.s32 $0x2E00, s7;
	v16 =	vadd.f32 v16, v6;
	[tilespmem:s16+$0x800] =	vst v19;
	v19 =	vld [tilespmem:s25+$0x800]  }
0xdb: {  	s26 =	sor.u32 s4, s14;
	[tilespmem:s19+$0x0] =	vst v15;
	v15 =	vadd.f32 v18, v6;
	v18 =	vld [tilespmem:s12+$0x800]  }
0xdc: {  	s2 =	sor.u32 s29, s2;
	v21 =	vadd.f32 v44, v6;
	[tilespmem:s20+$0x0] =	vst v16;
	v16 =	vld [tilespmem:s26+$0x0]  }
0xdd: {  	s23 =	sor.u32 s9, s3;
	v17 =	vadd.f32 v17, v6;
	[tilespmem:s20+$0x80] =	vst v15;
	v15 =	vld [tilespmem:s2+$0x0]  }
0xde: {  	v46 =	vld [tilespmem:s23+$0x0];
	s24 =	sor.u32 s8, s3;
	[tilespmem:s20+$0x100] =	vst v21;
	v20 =	vadd.f32 v45, v4;
	s16 =	sadd.s32 $0x20, s1  }
0xdf: {  	s19 =	sor.u32 $0x200, s16;
	[tilespmem:s20+$0x180] =	vst v17;
	v17 =	vld [tilespmem:s24+$0x0];
	v19 =	vadd.f32 v19, v5  }
0xe0: {  	[tilespmem:s21+$0x800] =	vst v20;
	s20 =	sor.u32 $0x280, s1;
	v47 =	vld [tilespmem:s19+$0x800];
	v18 =	vadd.f32 v18, v13  }
0xe1: {  	s11 =	sadd.s32 $0x2C00, s18;
	s21 =	sor.u32 $0x280, s6;
	[tilespmem:s25+$0x800] =	vst v19;
	v16 =	vadd.f32 v16, v14;
	v19 =	vld [tilespmem:s20+$0x800]  }
0xe2: {  	s25 =	sor.u32 s0, s11;
	[tilespmem:s12+$0x800] =	vst v18;
	v15 =	vadd.f32 v15, v3;
	v18 =	vld [tilespmem:s21+$0x800];
	s12 =	sadd.s32 $0x2E80, s7  }
0xe3: {  	[tilespmem:s26+$0x0] =	vst v16;
	v16 =	vadd.f32 v46, v12;
	v48 =	vld [tilespmem:s25+$0x0];
	s22 =	sor.u32 s4, s12  }
0xe4: {  	v17 =	vadd.f32 v17, v11;
	s26 =	sor.u32 s29, s3;
	[tilespmem:s2+$0x0] =	vst v15;
	v15 =	vld [tilespmem:s22+$0x0]  }
0xe5: {  	v20 =	vadd.f32 v47, v6;
	[tilespmem:s23+$0x0] =	vst v16;
	v16 =	vld [tilespmem:s26+$0x0];
	s23 =	sor.u32 s9, s13  }
0xe6: {  	[tilespmem:s24+$0x0] =	vst v17;
	s24 =	sor.u32 s8, s13;
	v17 =	vld [tilespmem:s23+$0x0];
	v19 =	vadd.f32 v19, v4  }
0xe7: {  	[tilespmem:s19+$0x800] =	vst v20;
	v49 =	vld [tilespmem:s24+$0x0];
	s19 =	sor.u32 $0x280, s16;
	v18 =	vadd.f32 v18, v5  }
0xe8: {  	[tilespmem:s20+$0x800] =	vst v19;
	v19 =	vld [tilespmem:s19+$0x800];
	v21 =	vadd.f32 v48, v13;
	s20 =	sor.u32 $0x300, s1  }
0xe9: {  	s2 =	sadd.s32 $0x2C80, s18;
	[tilespmem:s21+$0x800] =	vst v18;
	v15 =	vadd.f32 v15, v14;
	v18 =	vld [tilespmem:s20+$0x800];
	s21 =	sor.u32 $0x300, s6  }
0xea: {  	s3 =	sadd.s32 $0x2F00, s7;
	[tilespmem:s25+$0x0] =	vst v21;
	v16 =	vadd.f32 v16, v3;
	v50 =	vld [tilespmem:s21+$0x800];
	s25 =	sor.u32 s0, s2  }
0xeb: {  	[tilespmem:s22+$0x0] =	vst v15;
	v15 =	vadd.f32 v17, v12;
	v17 =	vld [tilespmem:s25+$0x0];
	s22 =	sor.u32 s4, s3  }
0xec: {  	s13 =	sor.u32 s29, s13;
	v20 =	vadd.f32 v49, v11;
	[tilespmem:s26+$0x0] =	vst v16;
	v16 =	vld [tilespmem:s22+$0x0]  }
0xed: {  	[tilespmem:s23+$0x0] =	vst v15;
	v15 =	vld [tilespmem:s13+$0x0];
	v19 =	vadd.f32 v19, v6;
	s23 =	sor.u32 s9, s14  }
0xee: {  	[tilespmem:s24+$0x0] =	vst v20;
	s24 =	sor.u32 s8, s14;
	v51 =	vld [tilespmem:s23+$0x0];
	v18 =	vadd.f32 v18, v4  }
0xef: {  	[tilespmem:s19+$0x800] =	vst v19;
	v19 =	vld [tilespmem:s24+$0x0];
	v21 =	vadd.f32 v50, v5;
	s19 =	sor.u32 $0x300, s16  }
0xf0: {  	[tilespmem:s20+$0x800] =	vst v18;
	s20 =	sor.u32 $0x380, s1;
	v18 =	vld [tilespmem:s19+$0x800];
	v17 =	vadd.f32 v17, v13  }
0xf1: {  	[tilespmem:s21+$0x800] =	vst v21;
	s21 =	sor.u32 $0x380, s6;
	v16 =	vadd.f32 v16, v14;
	v52 =	vld [tilespmem:s20+$0x800];
	s6 =	sadd.s32 $0x2D00, s18  }
0xf2: {  	s1 =	sadd.s32 $0x2F80, s7;
	[tilespmem:s25+$0x0] =	vst v17;
	v15 =	vadd.f32 v15, v3;
	v17 =	vld [tilespmem:s21+$0x800];
	s25 =	sor.u32 s0, s6  }
0xf3: {  	s26 =	sor.u32 s4, s1;
	[tilespmem:s22+$0x0] =	vst v16;
	v16 =	vadd.f32 v51, v12;
	v53 =	vld [tilespmem:s25+$0x0]  }
0xf4: {  	[tilespmem:s13+$0x0] =	vst v15;
	s13 =	sor.u32 s29, s14;
	v15 =	vld [tilespmem:s26+$0x0];
	v19 =	vadd.f32 v19, v11  }
0xf5: {  	[tilespmem:s23+$0x0] =	vst v16;
	v16 =	vld [tilespmem:s13+$0x0];
	v18 =	vadd.f32 v18, v6;
	s23 =	sor.u32 s9, s12  }
0xf6: {  	[tilespmem:s24+$0x0] =	vst v19;
	v19 =	vld [tilespmem:s23+$0x0];
	v21 =	vadd.f32 v52, v4;
	s24 =	sor.u32 s8, s12  }
0xf7: {  	s16 =	sor.u32 $0x380, s16;
	[tilespmem:s19+$0x800] =	vst v18;
	v18 =	vld [tilespmem:s24+$0x0];
	v17 =	vadd.f32 v17, v5  }
0xf8: {  	s19 =	sor.u32 s15, s11;
	[tilespmem:s20+$0x800] =	vst v21;
	v54 =	vld [tilespmem:s16+$0x800];
	v20 =	vadd.f32 v53, v13;
	s20 =	simm.s32 $0x400  }
0xf9: {  	s4 =	sadd.s32 $0x2D80, s18;
	[tilespmem:s21+$0x800] =	vst v17;
	v14 =	vadd.f32 v15, v14;
	v15 =	vld [tilespmem:s19+$0x0];
	s7 =	sand.u32 $0x3C00, s20;
	s21 =	sor.u32 s5, s11  }
0xfa: {  	[tilespmem:s25+$0x0] =	vst v20;
	v16 =	vadd.f32 v16, v3;
	v17 =	vld [tilespmem:s21+$0x0];
	s14 =	sadd.s32 $0x800, s7;
	s25 =	sor.u32 s0, s4  }
0xfb: {  	[tilespmem:s26+$0x0] =	vst v14;
	v14 =	vadd.f32 v19, v12;
	v19 =	vld [tilespmem:s25+$0x0];
	s26 =	sor.u32 s30, s14  }
0xfc: {  	[tilespmem:s13+$0x0] =	vst v16;
	v16 =	vadd.f32 v18, v11;
	v18 =	vld [tilespmem:s26+$0x0]  }
0xfd: {  	v55 =	vld [tilespmem:s26+$0x80];
	[tilespmem:s23+$0x0] =	vst v14;
	v14 =	vadd.f32 v54, v6  }
0xfe: {  	[tilespmem:s24+$0x0] =	vst v16;
	v15 =	vadd.f32 v15, v4;
	v16 =	vld [tilespmem:s26+$0x100]  }
0xff: {  	s12 =	sor.u32 s29, s12;
	[tilespmem:s16+$0x800] =	vst v14;
	v14 =	vadd.f32 v17, v5;
	v17 =	vld [tilespmem:s26+$0x180]  }
0x100: {  	[tilespmem:s19+$0x0] =	vst v15;
	v15 =	vld [tilespmem:s12+$0x0];
	v19 =	vadd.f32 v19, v13;
	s19 =	sor.u32 s9, s3  }
0x101: {  	p1 =	por !p1, !p1;
	s20 =	sor.u32 s8, s3;
	s13 =	simm.s32 $0x1;
	[tilespmem:s21+$0x0] =	vst v14;
	v14 =	vld [tilespmem:s19+$0x0];
	v18 =	vadd.f32 v18, v9  }
0x102: {  	s13 =	simm.s32 @!p1 $0x0;
	s21 =	sor.u32 s17, s11;
	v20 =	vadd.f32 v55, v9;
	s11 =	sadd.s32 $0x2E00, s18;
	[tilespmem:s25+$0x0] =	vst v19;
	v19 =	vld [tilespmem:s20+$0x0]  }
0x103: {  	s13 =	sshll.u32 s13, $0x6;
	v56 =	vld [tilespmem:s21+$0x0];
	s23 =	sor.u32 s0, s11;
	[tilespmem:s26+$0x0] =	vst v18;
	v16 =	vadd.f32 v16, v9  }
0x104: {  	s24 =	sor.u32 s15, s2;
	s13 =	sadd.s32 $0x400, s13;
	v18 =	vld [tilespmem:s23+$0x0];
	[tilespmem:s26+$0x80] =	vst v20;
	v17 =	vadd.f32 v17, v9  }
0x105: {  	s16 =	sadd.s32 $0x30, s13;
	v57 =	vld [tilespmem:s24+$0x0];
	s25 =	sor.u32 s5, s2;
	v15 =	vadd.f32 v15, v3;
	[tilespmem:s26+$0x100] =	vst v16  }
0x106: {  	s22 =	sor.u32 $0x200, s16;
	v16 =	vld [tilespmem:s25+$0x0];
	[tilespmem:s26+$0x180] =	vst v17;
	v14 =	vadd.f32 v14, v12  }
0x107: {  	s26 =	sor.u32 s10, s14;
	[tilespmem:s12+$0x0] =	vst v15;
	v15 =	vadd.f32 v19, v11;
	v17 =	vld [tilespmem:s22+$0x800]  }
0x108: {  	v19 =	vld [tilespmem:s26+$0x0];
	[tilespmem:s19+$0x0] =	vst v14;
	v14 =	vadd.f32 v56, v6  }
0x109: {  	v18 =	vadd.f32 v18, v13;
	[tilespmem:s20+$0x0] =	vst v15;
	v15 =	vld [tilespmem:s26+$0x80]  }
0x10a: {  	v58 =	vld [tilespmem:s26+$0x100];
	s12 =	sadd.s32 $0x2E80, s18;
	[tilespmem:s21+$0x0] =	vst v14;
	v14 =	vadd.f32 v57, v4  }
0x10b: {  	[tilespmem:s23+$0x0] =	vst v18;
	v16 =	vadd.f32 v16, v5;
	v18 =	vld [tilespmem:s26+$0x180];
	s23 =	sor.u32 s0, s12  }
0x10c: {  	s21 =	sor.u32 s31, s14;
	[tilespmem:s24+$0x0] =	vst v14;
	v14 =	vld [tilespmem:s23+$0x0];
	v17 =	vadd.f32 v17, v9  }
0x10d: {  	[tilespmem:s25+$0x0] =	vst v16;
	v16 =	vadd.f32 v19, v7;
	v19 =	vld [tilespmem:s21+$0x0]  }
0x10e: {  	[tilespmem:s22+$0x800] =	vst v17;
	v15 =	vadd.f32 v15, v7;
	v17 =	vld [tilespmem:s21+$0x80]  }
0x10f: {  	v59 =	vld [tilespmem:s21+$0x100];
	[tilespmem:s26+$0x0] =	vst v16;
	v16 =	vadd.f32 v58, v7  }
0x110: {  	s25 =	sor.u32 $0x280, s16;
	[tilespmem:s26+$0x80] =	vst v15;
	v15 =	vadd.f32 v18, v7;
	v18 =	vld [tilespmem:s21+$0x180]  }
0x111: {  	s14 =	sor.u32 s28, s14;
	[tilespmem:s26+$0x100] =	vst v16;
	v16 =	vld [tilespmem:s25+$0x800];
	v14 =	vadd.f32 v14, v13  }
0x112: {  	[tilespmem:s26+$0x180] =	vst v15;
	v15 =	vadd.f32 v19, v8;
	v19 =	vld [tilespmem:s14+$0x0]  }
0x113: {  	[tilespmem:s23+$0x0] =	vst v14;
	v14 =	vadd.f32 v17, v8;
	v17 =	vld [tilespmem:s14+$0x80]  }
0x114: {  	s19 =	sadd.s32 $0x2F00, s18;
	v60 =	vld [tilespmem:s14+$0x100];
	[tilespmem:s21+$0x0] =	vst v15;
	v15 =	vadd.f32 v59, v8  }
0x115: {  	s23 =	sor.u32 s0, s19;
	[tilespmem:s21+$0x80] =	vst v14;
	v14 =	vadd.f32 v18, v8;
	v18 =	vld [tilespmem:s14+$0x180]  }
0x116: {  	s20 =	sadd.s32 $0x10, s13;
	s24 =	sor.u32 $0x200, s13;
	v16 =	vadd.f32 v16, v9;
	[tilespmem:s21+$0x100] =	vst v15;
	v15 =	vld [tilespmem:s23+$0x0]  }
0x117: {  	[tilespmem:s21+$0x180] =	vst v14;
	v14 =	vadd.f32 v19, v10;
	v19 =	vld [tilespmem:s24+$0x800];
	s21 =	sor.u32 $0x200, s20  }
0x118: {  	s22 =	sor.u32 s17, s2;
	[tilespmem:s25+$0x800] =	vst v16;
	v16 =	vld [tilespmem:s21+$0x800];
	v17 =	vadd.f32 v17, v10  }
0x119: {  	v61 =	vld [tilespmem:s22+$0x0];
	s25 =	sor.u32 $0x300, s16;
	[tilespmem:s14+$0x0] =	vst v14;
	v14 =	vadd.f32 v60, v10  }
0x11a: {  	s26 =	sor.u32 s15, s6;
	[tilespmem:s14+$0x80] =	vst v17;
	v17 =	vadd.f32 v18, v10;
	v18 =	vld [tilespmem:s25+$0x800]  }
0x11b: {  	s28 =	sor.u32 s5, s6;
	s2 =	sadd.s32 $0x20, s13;
	[tilespmem:s14+$0x100] =	vst v14;
	v14 =	vld [tilespmem:s26+$0x0];
	v15 =	vadd.f32 v15, v13  }
0x11c: {  	[tilespmem:s14+$0x180] =	vst v17;
	v17 =	vadd.f32 v19, v7;
	s14 =	sadd.s32 $0x2F80, s18;
	v19 =	vld [tilespmem:s28+$0x0];
	s18 =	sor.u32 $0x200, s2  }
0x11d: {  	[tilespmem:s23+$0x0] =	vst v15;
	v15 =	vadd.f32 v16, v8;
	v16 =	vld [tilespmem:s18+$0x800];
	s0 =	sor.u32 s0, s14  }
0x11e: {  	s23 =	sor.u32 $0x280, s13;
	[tilespmem:s24+$0x800] =	vst v17;
	v17 =	vadd.f32 v61, v6;
	v62 =	vld [tilespmem:s0+$0x0]  }
0x11f: {  	[tilespmem:s21+$0x800] =	vst v15;
	v15 =	vld [tilespmem:s23+$0x800];
	v18 =	vadd.f32 v18, v9;
	s21 =	sor.u32 $0x280, s20  }
0x120: {  	s6 =	sor.u32 s17, s6;
	[tilespmem:s22+$0x0] =	vst v17;
	v17 =	vld [tilespmem:s21+$0x800];
	v14 =	vadd.f32 v14, v4  }
0x121: {  	s16 =	sor.u32 $0x380, s16;
	[tilespmem:s25+$0x800] =	vst v18;
	v18 =	vadd.f32 v19, v5;
	v19 =	vld [tilespmem:s6+$0x0]  }
0x122: {  	s22 =	sor.u32 s15, s4;
	[tilespmem:s26+$0x0] =	vst v14;
	v14 =	vadd.f32 v16, v10;
	v16 =	vld [tilespmem:s16+$0x800]  }
0x123: {  	s24 =	sor.u32 s5, s4;
	[tilespmem:s28+$0x0] =	vst v18;
	v18 =	vld [tilespmem:s22+$0x0];
	v13 =	vadd.f32 v62, v13  }
0x124: {  	[tilespmem:s18+$0x800] =	vst v14;
	v14 =	vadd.f32 v15, v7;
	v15 =	vld [tilespmem:s24+$0x0];
	s18 =	sor.u32 $0x280, s2  }
0x125: {  	[tilespmem:s0+$0x0] =	vst v13;
	s0 =	sor.u32 s29, s3;
	v13 =	vadd.f32 v17, v8;
	v17 =	vld [tilespmem:s18+$0x800]  }
0x126: {  	s3 =	sor.u32 $0x300, s13;
	[tilespmem:s23+$0x800] =	vst v14;
	v14 =	vadd.f32 v19, v6;
	v19 =	vld [tilespmem:s0+$0x0]  }
0x127: {  	s26 =	sor.u32 $0x300, s20;
	[tilespmem:s21+$0x800] =	vst v13;
	v13 =	vld [tilespmem:s3+$0x800];
	v16 =	vadd.f32 v16, v9  }
0x128: {  	[tilespmem:s6+$0x0] =	vst v14;
	s6 =	sor.u32 s17, s4;
	v14 =	vld [tilespmem:s26+$0x800];
	v18 =	vadd.f32 v18, v4;
	s4 =	sadd.s32 $0x2C00, s7  }
0x129: {  	[tilespmem:s16+$0x800] =	vst v16;
	v15 =	vadd.f32 v15, v5;
	v16 =	vld [tilespmem:s6+$0x0];
	s25 =	sor.u32 s30, s4  }
0x12a: {  	[tilespmem:s22+$0x0] =	vst v18;
	v17 =	vadd.f32 v17, v10;
	v18 =	vld [tilespmem:s25+$0x0];
	s22 =	sor.u32 s15, s11  }
0x12b: {  	s23 =	sor.u32 s5, s11;
	[tilespmem:s24+$0x0] =	vst v15;
	v15 =	vld [tilespmem:s22+$0x0];
	v19 =	vadd.f32 v19, v3  }
0x12c: {  	[tilespmem:s18+$0x800] =	vst v17;
	v13 =	vadd.f32 v13, v7;
	v17 =	vld [tilespmem:s23+$0x0];
	s18 =	sor.u32 $0x300, s2  }
0x12d: {  	s9 =	sor.u32 s9, s1;
	[tilespmem:s0+$0x0] =	vst v19;
	v14 =	vadd.f32 v14, v8;
	v19 =	vld [tilespmem:s18+$0x800]  }
0x12e: {  	s13 =	sor.u32 $0x380, s13;
	[tilespmem:s3+$0x800] =	vst v13;
	v13 =	vadd.f32 v16, v6;
	v16 =	vld [tilespmem:s9+$0x0]  }
0x12f: {  	[tilespmem:s26+$0x800] =	vst v14;
	s26 =	sor.u32 $0x380, s20;
	v14 =	vld [tilespmem:s13+$0x800];
	v18 =	vadd.f32 v18, v9  }
0x130: {  	s24 =	sor.u32 s17, s11;
	s20 =	sadd.s32 $0x2C80, s7;
	[tilespmem:s6+$0x0] =	vst v13;
	v13 =	vld [tilespmem:s26+$0x800];
	v15 =	vadd.f32 v15, v4  }
0x131: {  	[tilespmem:s25+$0x0] =	vst v18;
	v17 =	vadd.f32 v17, v5;
	v18 =	vld [tilespmem:s24+$0x0];
	s25 =	sor.u32 s30, s20  }
0x132: {  	s16 =	sor.u32 s15, s12;
	[tilespmem:s22+$0x0] =	vst v15;
	v15 =	vadd.f32 v19, v10;
	v19 =	vld [tilespmem:s25+$0x0]  }
0x133: {  	s21 =	sor.u32 s5, s12;
	[tilespmem:s23+$0x0] =	vst v17;
	v17 =	vld [tilespmem:s16+$0x0];
	v12 =	vadd.f32 v16, v12  }
0x134: {  	s22 =	sor.u32 $0x380, s2;
	[tilespmem:s18+$0x800] =	vst v15;
	v14 =	vadd.f32 v14, v7;
	v15 =	vld [tilespmem:s21+$0x0]  }
0x135: {  	s8 =	sor.u32 s8, s1;
	[tilespmem:s9+$0x0] =	vst v12;
	v12 =	vadd.f32 v13, v8;
	v16 =	vld [tilespmem:s22+$0x800]  }
0x136: {  	s0 =	sor.u32 s31, s4;
	s3 =	sor.u32 s15, s19;
	s11 =	sor.u32 s10, s20;
	[tilespmem:s13+$0x800] =	vst v14;
	v13 =	vadd.f32 v18, v6  }
0x137: {  	s23 =	sor.u32 s29, s1;
	s9 =	sor.u32 s10, s4;
	v18 =	vld [tilespmem:s8+$0x0];
	s29 =	sld [smem:$0x7F1];
	[tilespmem:s26+$0x800] =	vst v12;
	v12 =	vadd.f32 v19, v9  }
0x138: {  	s6 =	smov.u32 s10;
	s1 =	sadd.s32 $0x2D00, s7;
	s18 =	sor.u32 s17, s12;
	v63 =	vld [tilespmem:s9+$0x0];
	[tilespmem:s24+$0x0] =	vst v13;
	v14 =	vadd.f32 v17, v4  }
0x139: {  	s12 =	smov.u32 s7;
	s2 =	sor.u32 s30, s1;
	s7 =	sor.u32 s17, s14;
	v19 =	vld [tilespmem:s0+$0x0];
	[tilespmem:s25+$0x0] =	vst v12;
	v12 =	vadd.f32 v15, v5  }
0x13a: {  	s13 =	sor.u32 s15, s14;
	s15 =	simm.s32 $0x8;
	s26 =	sor.u32 s5, s19;
	v13 =	vld [tilespmem:s18+$0x0];
	[tilespmem:s16+$0x0] =	vst v14;
	v15 =	vadd.f32 v16, v10  }
0x13b: {  	s24 =	sor.u32 s5, s14;
	s14 =	smov.u32 s30;
	s25 =	sor.u32 s17, s19;
	v14 =	vld [tilespmem:s2+$0x0];
	[tilespmem:s21+$0x0] =	vst v12  }
0x13c: {  	s19 =	sor.u32 s31, s20;
	s17 =	simm.s32 $0x600;
	v12 =	vld [tilespmem:s3+$0x0];
	v16 =	vadd.f32 v18, v11;
	[tilespmem:s22+$0x800] =	vst v15;
	s22 =	smov.u32 s26  }
0x13d: {  	s28 =	sor.u32 s29, s4;
	s20 =	sor.u32 s29, s20;
	s16 =	sor.u32 s31, s1;
	v11 =	vld [tilespmem:s22+$0x0]  }
0x13e: {  	s5 =	sor.u32 s29, s1;
	s21 =	simm.s32 $0xC0;
	s26 =	sor.u32 s10, s1;
	v17 =	vadd.f32 v63, v7;
	[tilespmem:s8+$0x0] =	vst v16;
	v16 =	vadd.f32 v19, v8;
	v15 =	vld [tilespmem:s28+$0x0]  }
.LBB2_3:
0x13f: {  	[smem:$0x7DE] =	sst s16  }
0x140: {  	[smem:$0x7DD] =	sst s26  }
0x141: {  	[smem:$0x7DC] =	sst s20  }
0x142: {  	[dreg:$0x1a] =	wrdreg s5  }
0x143: {  	[dreg:$0xf] =	wrdreg s24  }
0x144: {  	[dreg:$0xd] =	wrdreg s25  }
0x145: {  	[dreg:$0xc] =	wrdreg s13  }
0x146: {  	s1 =	sand.u32 $0x3C00, s17;
	s4 =	rddreg [dreg:$0x5]  }
0x147: {  	s25 =	sand.u32 $0x40, s21;
	[smem:$0x7DF] =	sst s1;
	[tilespmem:s9+$0x0] =	vst v17;
	s4 =	sadd.s32 s21, s4;
	v17 =	vld [tilespmem:s23+$0x0]  }
0x148: {  	s8 =	sadd.s32 $0x800, s1;
	s20 =	sor.u32 $0x30, s25;
	[tilespmem:s0+$0x0] =	vst v16;
	s9 =	smov.u32 s12;
	v18 =	vld [tilespmem:s11+$0x0];
	v14 =	vadd.f32 v14, v9  }
0x149: {  	s12 =	sadd.s32 $0x2D80, s12;
	s13 =	sand.u32 $0xF80, s4;
	s5 =	sor.u32 s20, s8;
	v16 =	vld [tilespmem:s19+$0x0];
	v13 =	vadd.f32 v13, v6  }
0x14a: {  	s0 =	sor.u32 $0x10, s25;
	s4 =	sadd.s32 $0x12800, s13;
	v19 =	vld [tilespmem:s5+$0x0];
	v12 =	vadd.f32 v12, v4;
	[tilespmem:s2+$0x0] =	vst v14;
	s2 =	sor.u32 s14, s12  }
0x14b: {  	s26 =	sor.u32 $0x20, s25;
	s10 =	sor.u32 s31, s12;
	v11 =	vadd.f32 v11, v5;
	s16 =	sor.u32 s20, s4;
	[tilespmem:s18+$0x0] =	vst v13;
	v14 =	vadd.f32 v15, v10;
	v15 =	vld [tilespmem:s2+$0x0]  }
0x14c: {  	[smem:$0x7E2] =	sst s10;
	s24 =	sor.u32 s0, s4;
	s30 =	sor.u32 s26, s4;
	[tilespmem:s3+$0x0] =	vst v12;
	v13 =	vld [tilespmem:s16+$0x0]  }
0x14d: {  	s18 =	sor.u32 s25, s4;
	s4 =	sor.u32 s26, s8;
	[tilespmem:s22+$0x0] =	vst v11;
	s3 =	sor.u32 s25, s8;
	v11 =	vadd.f32 v17, v3;
	v3 =	vmovc v6;
	v6 =	vmov v10;
	v17 =	vld [tilespmem:s5+$0x80];
	v10 =	vadd.f32 v18, v7  }
0x14e: {  	s22 =	smov.u32 s14;
	s14 =	sor.u32 s0, s8;
	s8 =	sor.u32 s6, s12;
	v16 =	vadd.f32 v16, v8;
	[tilespmem:s28+$0x0] =	vst v14;
	v14 =	vld [tilespmem:s5+$0x100]  }
0x14f: {  	p1 =	por !p1, !p1;
	[smem:$0x7E1] =	sst s8;
	v18 =	vld [tilespmem:s5+$0x180];
	[tilespmem:s11+$0x0] =	vst v10;
	s11 =	sor.u32 s29, s12  }
0x150: {  	s1 =	smov.u32 s6;
	s12 =	smov.u32 s7;
	[tilespmem:s19+$0x0] =	vst v16;
	[dreg:$0x1d] =	wrdreg s11;
	v12 =	vld [tilespmem:s18+$0x0];
	v15 =	vadd.f32 v15, v9  }
0x151: {  	[tilespmem:s23+$0x0] =	vst v11;
	s19 =	sadd.s32 $0x2E00, s9;
	[smem:$0x7E0] =	sst s12;
	v11 =	vld [tilespmem:s24+$0x0];
	s12 =	simm.s32 $0x1;
	v16 =	vadd.f32 v19, v13  }
0x152: {  	v10 =	vld [tilespmem:s30+$0x0];
	s23 =	sor.u32 s6, s19;
	s18 =	sor.u32 s22, s19;
	s12 =	simm.s32 @!p1 $0x0;
	v17 =	vadd.f32 v17, v13;
	[tilespmem:s2+$0x0] =	vst v15  }
0x153: {  	s30 =	sor.u32 s31, s19;
	[smem:$0x7E3] =	sst s23;
	s24 =	sshll.u32 s12, $0x6;
	v14 =	vadd.f32 v14, v13;
	[tilespmem:s5+$0x0] =	vst v16;
	v16 =	vld [tilespmem:s3+$0x0]  }
0x154: {  	s7 =	sor.u32 s29, s19;
	[smem:$0x7E4] =	sst s30;
	s30 =	sadd.s32 s24, s17;
	v15 =	vld [tilespmem:s18+$0x0];
	[tilespmem:s5+$0x80] =	vst v17;
	v17 =	vadd.f32 v18, v13  }
0x155: {  	[dreg:$0x13] =	wrdreg s7;
	s23 =	smov.u32 s29;
	s24 =	sadd.s32 $0x30, s30;
	v18 =	vld [tilespmem:s3+$0x80];
	[tilespmem:s5+$0x100] =	vst v14  }
0x156: {  	s29 =	smov.u32 s31;
	s31 =	sadd.s32 $0x10, s30;
	s10 =	sor.u32 $0x200, s24;
	v14 =	vld [tilespmem:s3+$0x100];
	[tilespmem:s5+$0x180] =	vst v17  }
0x157: {  	s7 =	sadd.s32 $0x20, s30;
	s16 =	sor.u32 $0x200, s30;
	s13 =	sor.u32 $0x280, s30;
	v17 =	vld [tilespmem:s10+$0x800]  }
0x158: {  	v19 =	vld [tilespmem:s3+$0x180];
	s2 =	sor.u32 $0x200, s31;
	s12 =	sor.u32 $0x200, s7;
	s28 =	sor.u32 $0x280, s31;
	v16 =	vadd.f32 v16, v12  }
0x159: {  	s19 =	sor.u32 $0x280, s7;
	s11 =	sor.u32 $0x300, s31;
	s8 =	sor.u32 $0x300, s7;
	v15 =	vadd.f32 v15, v9  }
0x15a: {  	v21 =	vld [tilespmem:s14+$0x80];
	s6 =	sor.u32 $0x380, s31;
	s31 =	sor.u32 $0x380, s30;
	[smem:$0x7E5] =	sst s8;
	v18 =	vadd.f32 v18, v12;
	[tilespmem:s3+$0x0] =	vst v16  }
0x15b: {  	v20 =	vld [tilespmem:s14+$0x0];
	s7 =	sor.u32 $0x380, s7;
	[smem:$0x7E6] =	sst s6;
	s6 =	sadd.s32 $0x2E80, s9;
	v14 =	vadd.f32 v14, v12;
	[tilespmem:s18+$0x0] =	vst v15  }
0x15c: {  	s8 =	sor.u32 $0x300, s30;
	[smem:$0x7EA] =	sst s7;
	s7 =	sor.u32 s22, s6;
	v16 =	vld [tilespmem:s14+$0x100];
	[tilespmem:s3+$0x80] =	vst v18;
	v17 =	vadd.f32 v17, v13  }
0x15d: {  	s30 =	sor.u32 s29, s6;
	s18 =	sor.u32 s1, s6;
	s6 =	sor.u32 s23, s6;
	[tilespmem:s3+$0x100] =	vst v14;
	v14 =	vadd.f32 v19, v12;
	v18 =	vld [tilespmem:s14+$0x180]  }
0x15e: {  	[smem:$0x7E8] =	sst s6;
	v15 =	vld [tilespmem:s7+$0x0];
	s6 =	sor.u32 $0x280, s24;
	[tilespmem:s10+$0x800] =	vst v17  }
0x15f: {  	[tilespmem:s3+$0x180] =	vst v14;
	v14 =	vadd.f32 v21, v11;
	v17 =	vld [tilespmem:s6+$0x800]  }
0x160: {  	v54 =	vld [tilespmem:s4+$0x0];
	v19 =	vadd.f32 v20, v11  }
0x161: {  	v55 =	vld [tilespmem:s4+$0x180];
	[tilespmem:s14+$0x80] =	vst v14;
	v14 =	vadd.f32 v16, v11  }
0x162: {  	[tilespmem:s14+$0x0] =	vst v19;
	v19 =	vld [tilespmem:s4+$0x80];
	v18 =	vadd.f32 v18, v11  }
0x163: {  	[smem:$0x7E7] =	sst s18;
	s18 =	sadd.s32 $0x2F00, s9;
	v16 =	vld [tilespmem:s4+$0x100];
	v15 =	vadd.f32 v15, v9;
	[tilespmem:s14+$0x100] =	vst v14  }
0x164: {  	[smem:$0x7E9] =	sst s30;
	s30 =	sor.u32 s29, s18;
	v56 =	vld [tilespmem:s16+$0x800];
	[tilespmem:s14+$0x180] =	vst v18;
	v17 =	vadd.f32 v17, v13  }
0x165: {  	[smem:$0x7EB] =	sst s30;
	v14 =	vadd.f32 v54, v10;
	[tilespmem:s7+$0x0] =	vst v15;
	s7 =	sor.u32 s22, s18;
	v18 =	vld [tilespmem:s2+$0x800]  }
0x166: {  	s5 =	sor.u32 s1, s18;
	v15 =	vld [tilespmem:s7+$0x0];
	[tilespmem:s6+$0x800] =	vst v17;
	s6 =	sld [smem:$0x7DC]  }
0x167: {  	s30 =	sor.u32 s23, s18;
	s10 =	sor.u32 $0x300, s24;
	[tilespmem:s4+$0x0] =	vst v14;
	v14 =	vadd.f32 v19, v10;
	s18 =	sld [smem:$0x7DD]  }
0x168: {  	v16 =	vadd.f32 v16, v10;
	v19 =	vld [tilespmem:s10+$0x800]  }
0x169: {  	v20 =	vadd.f32 v56, v12;
	v17 =	vld [tilespmem:s6+$0x0];
	[tilespmem:s4+$0x80] =	vst v14  }
0x16a: {  	s3 =	sld [smem:$0x7DE];
	v14 =	vadd.f32 v55, v10;
	[tilespmem:s4+$0x100] =	vst v16;
	v16 =	vld [tilespmem:s18+$0x0]  }
0x16b: {  	v18 =	vadd.f32 v18, v11;
	[tilespmem:s16+$0x800] =	vst v20  }
0x16c: {  	v15 =	vadd.f32 v15, v9;
	[tilespmem:s4+$0x180] =	vst v14  }
0x16d: {  	s14 =	sadd.s32 $0x2F80, s9;
	v14 =	vld [tilespmem:s3+$0x0];
	[tilespmem:s2+$0x800] =	vst v18;
	v18 =	vadd.f32 v19, v13  }
0x16e: {  	[tilespmem:s7+$0x0] =	vst v15;
	s7 =	sor.u32 s22, s14;
	v57 =	vld [tilespmem:s12+$0x800];
	v15 =	vadd.f32 v17, v6  }
0x16f: {  	s4 =	sld [smem:$0x7DF];
	v17 =	vld [tilespmem:s7+$0x0];
	v16 =	vadd.f32 v16, v7;
	[tilespmem:s10+$0x800] =	vst v18  }
0x170: {  	v20 =	vld [tilespmem:s13+$0x800];
	s10 =	rddreg [dreg:$0x1a];
	[tilespmem:s6+$0x0] =	vst v15  }
0x171: {  	v19 =	vld [tilespmem:s28+$0x800];
	[tilespmem:s18+$0x0] =	vst v16;
	s18 =	sld [smem:$0x7E1]  }
0x172: {  	s6 =	sor.u32 $0x380, s24;
	v14 =	vadd.f32 v14, v8;
	s24 =	sld [smem:$0x7E2];
	v15 =	vld [tilespmem:s10+$0x0]  }
0x173: {  	v18 =	vadd.f32 v57, v10;
	v58 =	vld [tilespmem:s6+$0x800]  }
0x174: {  	s9 =	smov.u32 s4;
	s4 =	sor.u32 s1, s14;
	s1 =	sor.u32 s29, s14;
	[tilespmem:s3+$0x0] =	vst v14;
	v16 =	vld [tilespmem:s18+$0x0];
	v14 =	vadd.f32 v17, v9  }
0x175: {  	[smem:$0x7EC] =	sst s1;
	v9 =	vmov v13;
	v13 =	vadd.f32 v20, v12;
	[tilespmem:s12+$0x800] =	vst v18;
	v17 =	vld [tilespmem:s24+$0x0]  }
0x176: {  	s1 =	smov.u32 s25;
	s25 =	rddreg [dreg:$0xd];
	v18 =	vadd.f32 v19, v11;
	v19 =	vld [tilespmem:s19+$0x800];
	[tilespmem:s7+$0x0] =	vst v14  }
0x177: {  	[tilespmem:s13+$0x800] =	vst v13;
	v14 =	vld [tilespmem:s25+$0x0];
	v13 =	vadd.f32 v15, v6  }
0x178: {  	s22 =	sor.u32 s23, s14;
	s14 =	smov.u32 s20;
	[tilespmem:s28+$0x800] =	vst v18;
	v15 =	vld [tilespmem:s8+$0x800];
	v18 =	vadd.f32 v58, v9  }
0x179: {  	s3 =	smov.u32 s5;
	s5 =	sadd.s32 $0x2C00, s9;
	v59 =	vld [tilespmem:s11+$0x800];
	v16 =	vadd.f32 v16, v7;
	[tilespmem:s10+$0x0] =	vst v13;
	s10 =	sld [smem:$0x7E3]  }
0x17a: {  	s29 =	smov.u32 s26;
	s26 =	smov.u32 s1;
	s1 =	sor.u32 s14, s5;
	[tilespmem:s6+$0x800] =	vst v18;
	v13 =	vadd.f32 v17, v8  }
0x17b: {  	s13 =	rddreg [dreg:$0x1d];
	v18 =	vadd.f32 v19, v10;
	v19 =	vld [tilespmem:s1+$0x0];
	[tilespmem:s18+$0x0] =	vst v16  }
0x17c: {  	[tilespmem:s24+$0x0] =	vst v13;
	s24 =	sld [smem:$0x7E4];
	v16 =	vld [tilespmem:s10+$0x0]  }
0x17d: {  	s16 =	smov.u32 s0;
	v17 =	vld [tilespmem:s13+$0x0];
	v13 =	vadd.f32 v14, v3;
	s18 =	sld [smem:$0x7E5];
	v14 =	vadd.f32 v15, v12  }
0x17e: {  	s20 =	smov.u32 s11;
	s12 =	smov.u32 s9;
	s9 =	sor.u32 s26, s5;
	[tilespmem:s19+$0x800] =	vst v18;
	v18 =	vadd.f32 v59, v11  }
0x17f: {  	s0 =	sor.u32 s16, s5;
	s28 =	sor.u32 s29, s5;
	s5 =	rddreg [dreg:$0xc];
	v15 =	vld [tilespmem:s24+$0x0];
	[tilespmem:s8+$0x800] =	vst v14  }
0x180: {  	s6 =	sld [smem:$0x7E6];
	v60 =	vld [tilespmem:s18+$0x800];
	[tilespmem:s20+$0x800] =	vst v18;
	v18 =	vadd.f32 v19, v9  }
0x181: {  	[tilespmem:s25+$0x0] =	vst v13;
	v14 =	vld [tilespmem:s5+$0x0];
	v16 =	vadd.f32 v16, v7  }
0x182: {  	s25 =	smov.u32 s30;
	s30 =	sadd.s32 $0x2C80, s12;
	s8 =	rddreg [dreg:$0x13];
	v13 =	vadd.f32 v17, v6;
	v17 =	vld [tilespmem:s31+$0x800];
	[tilespmem:s1+$0x0] =	vst v18  }
0x183: {  	v19 =	vld [tilespmem:s6+$0x800];
	s11 =	sor.u32 s26, s30;
	s7 =	sor.u32 s14, s30;
	[tilespmem:s10+$0x0] =	vst v16;
	s10 =	sld [smem:$0x7E7]  }
0x184: {  	s19 =	sor.u32 s16, s30;
	s20 =	sor.u32 s29, s30;
	s30 =	sld [smem:$0x7E9];
	[tilespmem:s13+$0x0] =	vst v13;
	v61 =	vld [tilespmem:s7+$0x0];
	v13 =	vadd.f32 v15, v8  }
0x185: {  	v15 =	vld [tilespmem:s8+$0x0];
	v18 =	vadd.f32 v60, v10  }
0x186: {  	[tilespmem:s24+$0x0] =	vst v13;
	v13 =	vadd.f32 v14, v4;
	v4 =	vmov v7;
	v7 =	vmov v12;
	s24 =	sld [smem:$0x7EA];
	v16 =	vld [tilespmem:s10+$0x0]  }
0x187: {  	[tilespmem:s18+$0x800] =	vst v18;
	v12 =	vadd.f32 v17, v7;
	v14 =	vld [tilespmem:s30+$0x0]  }
0x188: {  	v17 =	vadd.f32 v19, v11;
	[tilespmem:s5+$0x0] =	vst v13  }
0x189: {  	s1 =	rddreg [dreg:$0xf];
	v13 =	vadd.f32 v61, v9;
	v18 =	vld [tilespmem:s24+$0x800];
	[tilespmem:s31+$0x800] =	vst v12  }
0x18a: {  	s18 =	sld [smem:$0x7E8];
	v12 =	vadd.f32 v15, v6;
	v15 =	vld [tilespmem:s1+$0x0];
	[tilespmem:s6+$0x800] =	vst v17  }
0x18b: {  	s15 =	sadd.s32 $0x4, s15;
	s5 =	sadd.s32 $0x2D00, s12;
	v19 =	vld [tilespmem:s9+$0x0];
	[tilespmem:s7+$0x0] =	vst v13;
	v16 =	vadd.f32 v16, v4  }
0x18c: {  	p2 =	slt.u32 s15, $0x44;
	s2 =	sor.u32 s14, s5;
	v62 =	vld [tilespmem:s0+$0x0];
	[tilespmem:s8+$0x0] =	vst v12;
	v17 =	vadd.f32 v14, v8  }
.Ltmp0:
0x18d: {  	s7 =	smov.u32 s22;
	s22 =	sld [smem:$0x7EB];
	v13 =	vld [tilespmem:s18+$0x0];
	[tilespmem:s10+$0x0] =	vst v16;
	(pc) =	sbr.rel @p2 .LBB2_3-.Ltmp0, $4  }
0x18e: {  	s21 =	sadd.s32 $0x40, s21;
	v14 =	vld [tilespmem:s2+$0x0];
	v18 =	vadd.f32 v18, v10;
	[tilespmem:s30+$0x0] =	vst v17;
	s30 =	sld [smem:$0x7EC]  }
0x18f: {  	s17 =	sadd.s32 $0x200, s17;
	s23 =	sld [smem:$0x7E0];
	s13 =	smov.u32 s4;
	v63 =	vadd.f32 v15, v5;
	v12 =	vld [tilespmem:s3+$0x0]  }
0x190: {  	s31 =	smov.u32 s16;
	s6 =	smov.u32 s26;
	s26 =	sor.u32 s26, s5;
	v5 =	vmov v8;
	v8 =	vmov v11;
	v11 =	vld [tilespmem:s22+$0x0];
	[tilespmem:s24+$0x800] =	vst v18  }
0x191: {  	s16 =	sor.u32 s16, s5;
	s5 =	sor.u32 s29, s5;
	v17 =	vadd.f32 v19, v7;
	v16 =	vadd.f32 v62, v8;
	[tilespmem:s1+$0x0] =	vst v63;
	v15 =	vld [tilespmem:s28+$0x0];
	s24 =	smov.u32 s30  }
0x192: {  	_ =	sdelay $0x3  }
0x193: {  	[tilespmem:s9+$0x0] =	vst v17;
	v15 =	vadd.f32 v15, v10  }
0x194: {  	[tilespmem:s0+$0x0] =	vst v16;
	v17 =	vld [tilespmem:s11+$0x0]  }
0x195: {  	v16 =	vld [tilespmem:s19+$0x0];
	[tilespmem:s28+$0x0] =	vst v15  }
0x196: {  	v15 =	vld [tilespmem:s20+$0x0];
	_ =	sdelay $0x2  }
0x197: {  	v17 =	vadd.f32 v17, v7  }
0x198: {  	v16 =	vadd.f32 v16, v8  }
0x199: {  	[tilespmem:s11+$0x0] =	vst v17;
	v15 =	vadd.f32 v15, v10  }
0x19a: {  	[tilespmem:s19+$0x0] =	vst v16;
	v16 =	vld [tilespmem:s26+$0x0]  }
0x19b: {  	v14 =	vadd.f32 v14, v9;
	v17 =	vld [tilespmem:s16+$0x0];
	[tilespmem:s20+$0x0] =	vst v15  }
0x19c: {  	s17 =	sadd.s32 $0x2D80, s12;
	v15 =	vld [tilespmem:s5+$0x0]  }
0x19d: {  	s1 =	sor.u32 s14, s17;
	[tilespmem:s2+$0x0] =	vst v14  }
0x19e: {  	v14 =	vld [tilespmem:s1+$0x0]  }
0x19f: {  	v16 =	vadd.f32 v16, v7  }
0x1a0: {  	v17 =	vadd.f32 v17, v8  }
0x1a1: {  	s19 =	sor.u32 s6, s17;
	[tilespmem:s26+$0x0] =	vst v16;
	v15 =	vadd.f32 v15, v10  }
0x1a2: {  	s4 =	sor.u32 s31, s17;
	[tilespmem:s16+$0x0] =	vst v17;
	v16 =	vld [tilespmem:s19+$0x0]  }
0x1a3: {  	s0 =	sor.u32 s29, s17;
	v14 =	vadd.f32 v14, v9;
	v17 =	vld [tilespmem:s4+$0x0];
	[tilespmem:s5+$0x0] =	vst v15  }
0x1a4: {  	s20 =	sadd.s32 $0x2E00, s12;
	v15 =	vld [tilespmem:s0+$0x0]  }
0x1a5: {  	[tilespmem:s1+$0x0] =	vst v14;
	s21 =	sor.u32 s14, s20  }
0x1a6: {  	v14 =	vld [tilespmem:s21+$0x0]  }
0x1a7: {  	v16 =	vadd.f32 v16, v7  }
0x1a8: {  	v17 =	vadd.f32 v17, v8  }
0x1a9: {  	s26 =	sor.u32 s6, s20;
	[tilespmem:s19+$0x0] =	vst v16;
	v15 =	vadd.f32 v15, v10  }
0x1aa: {  	s30 =	sor.u32 s31, s20;
	[tilespmem:s4+$0x0] =	vst v17;
	v16 =	vld [tilespmem:s26+$0x0]  }
0x1ab: {  	v14 =	vadd.f32 v14, v9;
	s5 =	sor.u32 s29, s20;
	v17 =	vld [tilespmem:s30+$0x0];
	[tilespmem:s0+$0x0] =	vst v15  }
0x1ac: {  	s9 =	sadd.s32 $0x2E80, s12;
	v15 =	vld [tilespmem:s5+$0x0]  }
0x1ad: {  	s10 =	sor.u32 s14, s9;
	[tilespmem:s21+$0x0] =	vst v14  }
0x1ae: {  	v14 =	vld [tilespmem:s10+$0x0]  }
0x1af: {  	v16 =	vadd.f32 v16, v7  }
0x1b0: {  	s8 =	smov.u32 s6;
	v17 =	vadd.f32 v17, v8  }
0x1b1: {  	s11 =	sor.u32 s8, s9;
	[tilespmem:s26+$0x0] =	vst v16;
	v15 =	vadd.f32 v15, v10  }
0x1b2: {  	s15 =	sor.u32 s31, s9;
	[tilespmem:s30+$0x0] =	vst v17;
	v16 =	vld [tilespmem:s11+$0x0]  }
0x1b3: {  	v14 =	vadd.f32 v14, v9;
	s0 =	sor.u32 s29, s9;
	v17 =	vld [tilespmem:s15+$0x0];
	[tilespmem:s5+$0x0] =	vst v15  }
0x1b4: {  	s16 =	sadd.s32 $0x2F00, s12;
	v15 =	vld [tilespmem:s0+$0x0]  }
0x1b5: {  	s17 =	sor.u32 s14, s16;
	[tilespmem:s10+$0x0] =	vst v14  }
0x1b6: {  	v13 =	vadd.f32 v13, v6;
	v14 =	vld [tilespmem:s17+$0x0]  }
0x1b7: {  	v16 =	vadd.f32 v16, v7  }
0x1b8: {  	[tilespmem:s18+$0x0] =	vst v13;
	v13 =	vadd.f32 v17, v8  }
0x1b9: {  	s18 =	sor.u32 s8, s16;
	v17 =	vld [tilespmem:s25+$0x0];
	[tilespmem:s11+$0x0] =	vst v16;
	v15 =	vadd.f32 v15, v10  }
0x1ba: {  	s19 =	sor.u32 s31, s16;
	[tilespmem:s15+$0x0] =	vst v13;
	v16 =	vld [tilespmem:s18+$0x0]  }
0x1bb: {  	v12 =	vadd.f32 v12, v4;
	s2 =	sor.u32 s29, s16;
	v13 =	vadd.f32 v14, v9;
	v14 =	vld [tilespmem:s19+$0x0];
	[tilespmem:s0+$0x0] =	vst v15  }
0x1bc: {  	v15 =	vld [tilespmem:s2+$0x0]  }
0x1bd: {  	v18 =	vld [tilespmem:s23+$0x0];
	v11 =	vadd.f32 v11, v5;
	[tilespmem:s3+$0x0] =	vst v12  }
0x1be: {  	[tilespmem:s17+$0x0] =	vst v13;
	v13 =	vadd.f32 v17, v6  }
0x1bf: {  	[tilespmem:s22+$0x0] =	vst v11;
	s20 =	sadd.s32 $0x2F80, s12;
	v16 =	vadd.f32 v16, v7  }
0x1c0: {  	s21 =	sor.u32 s14, s20;
	[tilespmem:s25+$0x0] =	vst v13;
	v14 =	vadd.f32 v14, v8  }
0x1c1: {  	v12 =	vld [tilespmem:s21+$0x0];
	[tilespmem:s18+$0x0] =	vst v16;
	v15 =	vadd.f32 v15, v10  }
0x1c2: {  	v11 =	vld [tilespmem:s13+$0x0];
	v3 =	vadd.f32 v18, v3;
	[tilespmem:s19+$0x0] =	vst v14  }
0x1c3: {  	v13 =	vld [tilespmem:s24+$0x0];
	[tilespmem:s2+$0x0] =	vst v15  }
0x1c4: {  	v17 =	vld [tilespmem:s7+$0x0];
	s2 =	sld [smem:$0x7F0];
	[tilespmem:s23+$0x0] =	vst v3  }
0x1c5: {  	s22 =	sor.u32 s8, s20;
	s30 =	sld [smem:$0x7F3]  }
0x1c6: {  	v9 =	vadd.f32 v12, v9;
	v14 =	vld [tilespmem:s22+$0x0]  }
0x1c7: {  	v3 =	vadd.f32 v11, v4;
	s2 =	sshll.u32 s2, $0x5  }
0x1c8: {  	v5 =	vadd.f32 v13, v5;
	s6 =	sld [smem:$0x7ED];
	[tilespmem:s21+$0x0] =	vst v9;
	s2 =	sor.u32 s30, s2  }
0x1c9: {  	s25 =	sor.u32 s31, s20;
	[tilespmem:s13+$0x0] =	vst v3;
	v3 =	vadd.f32 v17, v6;
	s2 =	sshrl.u32 s2, $0x3  }
0x1ca: {  	s0 =	sor.u32 s29, s20;
	s29 =	smov.u32 s7;
	[tilespmem:s24+$0x0] =	vst v5;
	s2 =	smul.u32 $0x2400, s2  }
0x1cb: {  	v12 =	vld [tilespmem:s25+$0x0];
	v5 =	vadd.f32 v14, v7;
	[tilespmem:s29+$0x0] =	vst v3  }
0x1cc: {  	v4 =	vld [tilespmem:s0+$0x0];
	[smem:$0x7D7] =	sst s2  }
0x1cd: {  	s26 =	sand.u32 $0x3C, s6;
	[tilespmem:s22+$0x0] =	vst v5  }
0x1ce: {  	s7 =	smov.u32 s6;
	s6 =	smul.u32 $0x120000, s26;
	s9 =	sld [smem:$0x7F5]  }
0x1cf: {  	_ = 	snop  }
0x1d0: {  	v3 =	vadd.f32 v12, v8;
	s1 =	sadd.s32 s6, s2  }
0x1d1: {  	v4 =	vadd.f32 v4, v10;
	s1 =	sor.u32 s9, s1  }
0x1d2: {  	s4 =	simm.s32 $0x12000;
	s10 =	rddreg [dreg:$0x3];
	[tilespmem:s25+$0x0] =	vst v3;
	s1 =	sshrl.u32 s1, $0x3  }
0x1d3: {  	s11 =	simm.s32 $0x800;
	s2 =	simm.s32 $0x80;
	[tilespmem:s0+$0x0] =	vst v4;
	s0 =	sadd.s32 s10, s1  }
0x1d4: {  	[hbm4b:s0+s2] =	stream.strided.scatter [tilespmem:s11], [sflag:$0x5], $0x400, s4, s2, $0x38;
	[tilespmem:$0x13100] =	vst v63  }
0x1d5: {  	s13 =	simm.s32 $0xC00;
	s12 =	sadd.s32 $0x80, s0  }
0x1d6: {  	[hbm4b:s12+s2] =	stream.strided.scatter [tilespmem:s13], [sflag:$0x5], $0x400, s4, s2, $0x38;
	[tilespmem:$0x13100] =	vst v63  }
0x1d7: {  	s15 =	simm.s32 $0x1000;
	s14 =	sadd.s32 $0x100, s0  }
0x1d8: {  	[hbm4b:s14+s2] =	stream.strided.scatter [tilespmem:s15], [sflag:$0x5], $0x400, s4, s2, $0x38;
	[tilespmem:$0x13100] =	vst v63  }
0x1d9: {  	s17 =	simm.s32 $0x1400;
	s16 =	sadd.s32 $0x180, s0  }
0x1da: {  	[hbm4b:s16+s2] =	stream.strided.scatter [tilespmem:s17], [sflag:$0x5], $0x400, s4, s2, $0x38;
	[tilespmem:$0x13100] =	vst v63  }
0x1db: {  	s19 =	simm.s32 $0x1800;
	s18 =	sadd.s32 $0x200, s0  }
0x1dc: {  	[hbm4b:s18+s2] =	stream.strided.scatter [tilespmem:s19], [sflag:$0x5], $0x400, s4, s2, $0x38;
	[tilespmem:$0x13100] =	vst v63  }
0x1dd: {  	s21 =	simm.s32 $0x1C00;
	s20 =	sadd.s32 $0x280, s0  }
0x1de: {  	[hbm4b:s20+s2] =	stream.strided.scatter [tilespmem:s21], [sflag:$0x5], $0x400, s4, s2, $0x38;
	[tilespmem:$0x13100] =	vst v63  }
0x1df: {  	s23 =	simm.s32 $0x2000;
	s22 =	sadd.s32 $0x300, s0  }
0x1e0: {  	[hbm4b:s22+s2] =	stream.strided.scatter [tilespmem:s23], [sflag:$0x5], $0x400, s4, s2, $0x38;
	[tilespmem:$0x13100] =	vst v63  }
0x1e1: {  	s25 =	simm.s32 $0x2400;
	s24 =	sadd.s32 $0x380, s0  }
0x1e2: {  	[hbm4b:s24+s2] =	stream.strided.scatter [tilespmem:s25], [sflag:$0x5], $0x400, s4, s2, $0x38;
	[tilespmem:$0x13100] =	vst v63  }
0x1e3: {  	s29 =	simm.s32 $0x2800;
	s26 =	sadd.s32 $0x400, s0  }
0x1e4: {  	[hbm4b:s26+s2] =	stream.strided.scatter [tilespmem:s29], [sflag:$0x5], $0x400, s4, s2, $0x38;
	[tilespmem:$0x13100] =	vst v63  }
0x1e5: {  	s30 =	simm.s32 $0x2C00;
	s0 =	sadd.s32 $0x12000, s0  }
0x1e6: {  	[hbm4b:s0+s2] =	stream.strided.scatter [tilespmem:s30], [sflag:$0x5], $0x400, s4, s2, $0x38;
	[tilespmem:$0x13100] =	vst v63  }
0x1e7: {  	s5 =	simm.s32 $0x3000;
	s3 =	sadd.s32 $0x80, s0  }
0x1e8: {  	[hbm4b:s3+s2] =	stream.strided.scatter [tilespmem:s5], [sflag:$0x5], $0x400, s4, s2, $0x38;
	[tilespmem:$0x13100] =	vst v63  }
0x1e9: {  	s8 =	simm.s32 $0x3400;
	s6 =	sadd.s32 $0x100, s0  }
0x1ea: {  	[hbm4b:s6+s2] =	stream.strided.scatter [tilespmem:s8], [sflag:$0x5], $0x400, s4, s2, $0x38;
	[tilespmem:$0x13100] =	vst v63  }
0x1eb: {  	s10 =	simm.s32 $0x3800;
	s9 =	sadd.s32 $0x180, s0  }
0x1ec: {  	[hbm4b:s9+s2] =	stream.strided.scatter [tilespmem:s10], [sflag:$0x5], $0x400, s4, s2, $0x38;
	[tilespmem:$0x13100] =	vst v63  }
0x1ed: {  	s11 =	sadd.s32 $0x200, s0;
	s12 =	simm.s32 $0x3C00  }
0x1ee: {  	[hbm4b:s11+s2] =	stream.strided.scatter [tilespmem:s12], [sflag:$0x5], $0x400, s4, s2, $0x38;
	[tilespmem:$0x13100] =	vst v63  }
0x1ef: {  	s13 =	sadd.s32 $0x280, s0;
	s14 =	simm.s32 $0x4000  }
0x1f0: {  	[hbm4b:s13+s2] =	stream.strided.scatter [tilespmem:s14], [sflag:$0x5], $0x400, s4, s2, $0x38;
	[tilespmem:$0x13100] =	vst v63  }
0x1f1: {  	s15 =	sadd.s32 $0x300, s0;
	s16 =	simm.s32 $0x4400  }
0x1f2: {  	[hbm4b:s15+s2] =	stream.strided.scatter [tilespmem:s16], [sflag:$0x5], $0x400, s4, s2, $0x38;
	[tilespmem:$0x13100] =	vst v63  }
0x1f3: {  	s17 =	sadd.s32 $0x380, s0;
	s18 =	simm.s32 $0x4800  }
0x1f4: {  	[hbm4b:s17+s2] =	stream.strided.scatter [tilespmem:s18], [sflag:$0x5], $0x400, s4, s2, $0x38;
	[tilespmem:$0x13100] =	vst v63  }
0x1f5: {  	s19 =	simm.s32 $0x4C00;
	s20 =	simm.s32 $0x2;
	s0 =	sadd.s32 $0x400, s0  }
0x1f6: {  	[hbm4b:s0+s2] =	stream.strided.scatter [tilespmem:s19], [sflag:$0x5], $0x400, s4, s2, $0x38;
	[tilespmem:$0x13100] =	vst v63  }
0x1f7: {  	_ =	swait.ge [sflag:s20], $0x4800  }
0x1f8: {  	[sflag:s20] =	ssyncset.done $0x0  }
0x1f9: {  	s0 =	simm.s32 @!p0 $0x8;
	[sflag:s20] =	ssyncadd.s32 $0xFFFFB800  }
0x1fa: {  	s21 =	sor.u32 $0x3, s7;
	_ =	swait.ge @!p0 [sflag:s0], $0x4800  }
0x1fb: {  	s1 =	sshll.u32 s21, $0x4;
	[sflag:s0] =	ssyncset.done @!p0 $0x0  }
0x1fc: {  	s22 =	sand.u32 $0x3FFFFFF0, s1;
	[sflag:s0] =	ssyncadd.s32 @!p0 $0xFFFFB800  }
0x1fd: {  	v3 =	vld [tilespmem:s22+$0x0];
	_ =	sdelay $0x4  }
0x1fe: {  	v4 =	vshrl.u32 v3, $0x3  }
0x1ff: {  	v4 =	vmul.u32 $0x48, v4  }
0x200: {  	v3 =	vand.u32 $0x7, v3  }
0x201: {  	v3 =	vor.u32 v3, v4  }
0x202: {  	v4 =	vperm.xlane v3, v0;
	_ =	sdelay $0x1  }
0x203: {  	v4 =	vadd.s32 v1, v4;
	_ =	sdelay $0x2  }
0x204: {  	s26 =	sld [smem:$0x7F9]  }
0x205: {  	s23 =	simm.s32 $0x0;
	s25 =	simm.s32 $0xE000;
	s24 =	rddreg [dreg:$0x1]  }
0x206: {  	[tilespmem:s25], [sflag:$0x4] =	stream.indirect_vreg.gather [hbm4b:s24+s23], $0x80, v4, vm0, $0xb8;
	[tilespmem:$0x13100] =	vst v63  }
0x207: {  	s29 =	simm.s32 $0xE800;
	s30 =	sld [smem:$0x7FA]  }
0x208: {  	[tilespmem:s29], [sflag:$0x4] =	stream.indirect_vreg.gather [hbm4b:s26+s23], $0x80, v4, vm0, $0xb8;
	[tilespmem:$0x13100] =	vst v63  }
0x209: {  	s6 =	simm.s32 $0xF000;
	s7 =	sld [smem:$0x7FB];
	v3 =	vperm.xlane v3, v2  }
0x20a: {  	[tilespmem:s6], [sflag:$0x4] =	stream.indirect_vreg.gather [hbm4b:s30+s23], $0x80, v4, vm0, $0xb8;
	[tilespmem:$0x13100] =	vst v63  }
0x20b: {  	s8 =	simm.s32 $0xF800;
	s9 =	sld [smem:$0x7FC];
	v3 =	vadd.s32 v1, v3  }
0x20c: {  	[tilespmem:s8], [sflag:$0x4] =	stream.indirect_vreg.gather [hbm4b:s7+s23], $0x80, v4, vm0, $0xb8;
	[tilespmem:$0x13100] =	vst v63  }
0x20d: {  	s10 =	simm.s32 $0x10000  }
0x20e: {  	[tilespmem:s10], [sflag:$0x4] =	stream.indirect_vreg.gather [hbm4b:s9+s23], $0x80, v4, vm1, $0xb8;
	[tilespmem:$0x13100] =	vst v63  }
0x20f: {  	s11 =	simm.s32 $0x10400  }
0x210: {  	[tilespmem:s11], [sflag:$0x4] =	stream.indirect_vreg.gather [hbm4b:s24+s23], $0x80, v3, vm0, $0xb8;
	[tilespmem:$0x13100] =	vst v63  }
0x211: {  	s12 =	simm.s32 $0x10C00  }
0x212: {  	[tilespmem:s12], [sflag:$0x4] =	stream.indirect_vreg.gather [hbm4b:s26+s23], $0x80, v3, vm0, $0xb8;
	[tilespmem:$0x13100] =	vst v63  }
0x213: {  	s13 =	simm.s32 $0x11400  }
0x214: {  	[tilespmem:s13], [sflag:$0x4] =	stream.indirect_vreg.gather [hbm4b:s30+s23], $0x80, v3, vm0, $0xb8;
	[tilespmem:$0x13100] =	vst v63  }
0x215: {  	s14 =	simm.s32 $0x11C00  }
0x216: {  	[tilespmem:s14], [sflag:$0x4] =	stream.indirect_vreg.gather [hbm4b:s7+s23], $0x80, v3, vm0, $0xb8;
	[tilespmem:$0x13100] =	vst v63  }
0x217: {  	s15 =	simm.s32 $0x12400;
	[smem:$0x7D8] =	sst s21  }
0x218: {  	[tilespmem:s15], [sflag:$0x4] =	stream.indirect_vreg.gather [hbm4b:s9+s23], $0x80, v3, vm1, $0xb8;
	[tilespmem:$0x13100] =	vst v63  }
0x219: {  	s15 =	rddreg [dreg:$0x5]  }
0x21a: {  	s21 =	sand.u32 $0x3C00, s23;
	s29 =	sand.u32 $0x40, s23;
	s16 =	sadd.s32 $0x0, s15  }
0x21b: {  	s17 =	sadd.s32 $0x5000, s21;
	s8 =	sor.u32 $0x30, s29;
	s0 =	sand.u32 $0xF80, s16  }
0x21c: {  	s18 =	sor.u32 s8, s17;
	s0 =	sadd.s32 $0x12800, s0  }
0x21d: {  	v3 =	vld [tilespmem:s18+$0x0];
	s19 =	sor.u32 s8, s0  }
0x21e: {  	v14 =	vld [tilespmem:s19+$0x0]  }
0x21f: {  	v4 =	vld [tilespmem:s18+$0x80]  }
0x220: {  	v5 =	vld [tilespmem:s18+$0x100]  }
0x221: {  	v6 =	vld [tilespmem:s18+$0x180]  }
0x222: {  	s4 =	simm.s32 $0x1;
	p0 =	por $0x0, $0x0  }
0x223: {  	s4 =	simm.s32 @!p0 $0x0;
	s24 =	sor.u32 s29, s17;
	v3 =	vadd.f32 v3, v14  }
0x224: {  	s10 =	sor.u32 $0x20, s29;
	s30 =	sor.u32 $0x10, s29;
	v7 =	vld [tilespmem:s24+$0x100];
	s20 =	sor.u32 s29, s0;
	v4 =	vadd.f32 v4, v14  }
0x225: {  	s23 =	sshll.u32 s4, $0x6;
	s22 =	sor.u32 s30, s0;
	s0 =	sor.u32 s10, s0;
	v12 =	vld [tilespmem:s20+$0x0];
	v5 =	vadd.f32 v5, v14;
	[tilespmem:s18+$0x0] =	vst v3  }
0x226: {  	v3 =	vld [tilespmem:s0+$0x0];
	s0 =	sadd.s32 $0x0, s23;
	[tilespmem:s18+$0x80] =	vst v4;
	v4 =	vadd.f32 v6, v14  }
0x227: {  	v6 =	vld [tilespmem:s24+$0x0];
	[tilespmem:s18+$0x100] =	vst v5;
	s1 =	sadd.s32 $0x30, s0  }
0x228: {  	v5 =	vld [tilespmem:s24+$0x80];
	[tilespmem:s18+$0x180] =	vst v4;
	s25 =	sor.u32 $0x200, s1  }
0x229: {  	v4 =	vld [tilespmem:s25+$0x5000]  }
0x22a: {  	s26 =	sor.u32 s30, s17;
	v8 =	vld [tilespmem:s24+$0x180]  }
0x22b: {  	v9 =	vld [tilespmem:s26+$0x0]  }
0x22c: {  	v11 =	vld [tilespmem:s22+$0x0];
	v6 =	vadd.f32 v6, v12  }
0x22d: {  	v10 =	vld [tilespmem:s26+$0x80];
	v5 =	vadd.f32 v5, v12  }
0x22e: {  	[tilespmem:s24+$0x0] =	vst v6;
	v6 =	vld [tilespmem:s26+$0x100];
	v4 =	vadd.f32 v4, v14  }
0x22f: {  	s2 =	sor.u32 s10, s17;
	v7 =	vadd.f32 v7, v12;
	[tilespmem:s24+$0x80] =	vst v5;
	v5 =	vld [tilespmem:s26+$0x180]  }
0x230: {  	v13 =	vld [tilespmem:s2+$0x0];
	v8 =	vadd.f32 v8, v12;
	s6 =	sor.u32 $0x280, s1;
	[tilespmem:s25+$0x5000] =	vst v4  }
0x231: {  	[tilespmem:s24+$0x100] =	vst v7;
	v4 =	vadd.f32 v9, v11;
	v7 =	vld [tilespmem:s6+$0x5000]  }
0x232: {  	[tilespmem:s24+$0x180] =	vst v8;
	v8 =	vadd.f32 v10, v11;
	v9 =	vld [tilespmem:s2+$0x80]  }
0x233: {  	[tilespmem:s26+$0x0] =	vst v4;
	v4 =	vadd.f32 v6, v11;
	v6 =	vld [tilespmem:s2+$0x100]  }
0x234: {  	s7 =	sor.u32 $0x200, s0;
	[tilespmem:s26+$0x80] =	vst v8;
	v8 =	vld [tilespmem:s2+$0x180];
	v5 =	vadd.f32 v5, v11  }
0x235: {  	v10 =	vld [tilespmem:s7+$0x5000];
	[tilespmem:s26+$0x100] =	vst v4;
	v4 =	vadd.f32 v13, v3  }
0x236: {  	[tilespmem:s26+$0x180] =	vst v5;
	v5 =	vadd.f32 v7, v14  }
0x237: {  	s9 =	sadd.s32 $0x10, s0;
	[tilespmem:s2+$0x0] =	vst v4;
	v4 =	vadd.f32 v9, v3  }
0x238: {  	s11 =	sor.u32 $0x200, s9;
	v6 =	vadd.f32 v6, v3;
	[tilespmem:s6+$0x5000] =	vst v5  }
0x239: {  	s13 =	sor.u32 $0x300, s1;
	[tilespmem:s2+$0x80] =	vst v4;
	v4 =	vadd.f32 v8, v3;
	v5 =	vld [tilespmem:s11+$0x5000]  }
0x23a: {  	s12 =	sadd.s32 $0x20, s0;
	[tilespmem:s2+$0x100] =	vst v6;
	v6 =	vadd.f32 v10, v12;
	v7 =	vld [tilespmem:s13+$0x5000]  }
0x23b: {  	s14 =	sor.u32 $0x200, s12;
	[tilespmem:s2+$0x180] =	vst v4  }
0x23c: {  	s16 =	sor.u32 $0x280, s0;
	v4 =	vld [tilespmem:s14+$0x5000];
	[tilespmem:s7+$0x5000] =	vst v6  }
0x23d: {  	v6 =	vld [tilespmem:s16+$0x5000]  }
0x23e: {  	v5 =	vadd.f32 v5, v11  }
0x23f: {  	v7 =	vadd.f32 v7, v14  }
0x240: {  	s17 =	sor.u32 $0x280, s9;
	[tilespmem:s11+$0x5000] =	vst v5  }
0x241: {  	s18 =	sor.u32 $0x380, s1;
	v4 =	vadd.f32 v4, v3;
	v5 =	vld [tilespmem:s17+$0x5000];
	[tilespmem:s13+$0x5000] =	vst v7  }
0x242: {  	v6 =	vadd.f32 v6, v12;
	v7 =	vld [tilespmem:s18+$0x5000]  }
0x243: {  	s19 =	sor.u32 $0x280, s12;
	[tilespmem:s14+$0x5000] =	vst v4  }
0x244: {  	s20 =	sor.u32 $0x300, s0;
	v4 =	vld [tilespmem:s19+$0x5000];
	[tilespmem:s16+$0x5000] =	vst v6  }
0x245: {  	v6 =	vld [tilespmem:s20+$0x5000]  }
0x246: {  	v5 =	vadd.f32 v5, v11  }
0x247: {  	v7 =	vadd.f32 v7, v14  }
0x248: {  	s22 =	sor.u32 $0x300, s9;
	s1 =	sadd.s32 $0x7400, s21;
	[tilespmem:s17+$0x5000] =	vst v5  }
0x249: {  	s23 =	sor.u32 s8, s1;
	v4 =	vadd.f32 v4, v3;
	v5 =	vld [tilespmem:s22+$0x5000];
	[tilespmem:s18+$0x5000] =	vst v7  }
0x24a: {  	v6 =	vadd.f32 v6, v12;
	v7 =	vld [tilespmem:s23+$0x0]  }
0x24b: {  	s24 =	sor.u32 $0x300, s12;
	[tilespmem:s19+$0x5000] =	vst v4  }
0x24c: {  	s0 =	sor.u32 $0x380, s0;
	v4 =	vld [tilespmem:s24+$0x5000];
	[tilespmem:s20+$0x5000] =	vst v6  }
0x24d: {  	v6 =	vld [tilespmem:s0+$0x5000]  }
0x24e: {  	s25 =	sor.u32 $0x380, s9;
	v5 =	vadd.f32 v5, v11  }
0x24f: {  	s26 =	sor.u32 $0x380, s12;
	s18 =	simm.s32 $0x200;
	s19 =	simm.s32 $0x40;
	v7 =	vadd.f32 v7, v14  }
0x250: {  	s6 =	sadd.s32 $0x7480, s21;
	s4 =	sand.u32 $0x3C00, s18;
	s12 =	sand.u32 $0x40, s19;
	[tilespmem:s22+$0x5000] =	vst v5  }
0x251: {  	s16 =	sor.u32 s8, s6;
	s13 =	sadd.s32 $0x5000, s4;
	s5 =	sor.u32 $0x30, s12;
	v4 =	vadd.f32 v4, v3;
	v5 =	vld [tilespmem:s25+$0x5000];
	[tilespmem:s23+$0x0] =	vst v7  }
0x252: {  	s20 =	sadd.s32 $0x40, s15;
	s23 =	sor.u32 s5, s13;
	v6 =	vadd.f32 v6, v12;
	v7 =	vld [tilespmem:s16+$0x0]  }
0x253: {  	s22 =	sand.u32 $0xF80, s20;
	v8 =	vld [tilespmem:s23+$0x0];
	[tilespmem:s24+$0x5000] =	vst v4  }
0x254: {  	s9 =	sor.u32 s29, s1;
	s17 =	sadd.s32 $0x12800, s22;
	v4 =	vld [tilespmem:s26+$0x5000];
	[tilespmem:s0+$0x5000] =	vst v6  }
0x255: {  	s0 =	sor.u32 s5, s17;
	v6 =	vld [tilespmem:s9+$0x0]  }
0x256: {  	v13 =	vld [tilespmem:s0+$0x0]  }
0x257: {  	v9 =	vld [tilespmem:s23+$0x80];
	v5 =	vadd.f32 v5, v11  }
0x258: {  	v10 =	vld [tilespmem:s23+$0x100];
	v7 =	vadd.f32 v7, v14  }
0x259: {  	[tilespmem:s25+$0x5000] =	vst v5;
	v5 =	vld [tilespmem:s23+$0x180];
	v4 =	vadd.f32 v4, v3  }
0x25a: {  	s3 =	sadd.s32 $0x7500, s21;
	[tilespmem:s16+$0x0] =	vst v7;
	v6 =	vadd.f32 v6, v12  }
0x25b: {  	p0 =	por !p0, !p0;
	s2 =	simm.s32 $0x1;
	s25 =	sor.u32 s8, s3;
	[tilespmem:s26+$0x5000] =	vst v4;
	v4 =	vadd.f32 v8, v13  }
0x25c: {  	s2 =	simm.s32 @!p0 $0x0;
	s22 =	sor.u32 s12, s13;
	v7 =	vld [tilespmem:s25+$0x0];
	[tilespmem:s9+$0x0] =	vst v6;
	v6 =	vadd.f32 v9, v13  }
0x25d: {  	s2 =	sshll.u32 s2, $0x6;
	v16 =	vld [tilespmem:s22+$0x0];
	s24 =	sor.u32 s30, s1;
	[tilespmem:s23+$0x0] =	vst v4;
	v4 =	vadd.f32 v10, v13  }
0x25e: {  	v15 =	vld [tilespmem:s24+$0x0];
	s26 =	sor.u32 s10, s1;
	s1 =	sadd.s32 $0x200, s2;
	v5 =	vadd.f32 v5, v13;
	[tilespmem:s23+$0x80] =	vst v6  }
0x25f: {  	v17 =	vld [tilespmem:s22+$0x80];
	s7 =	sadd.s32 $0x30, s1;
	[tilespmem:s23+$0x100] =	vst v4  }
0x260: {  	v18 =	vld [tilespmem:s22+$0x100];
	s9 =	sor.u32 $0x200, s7;
	[tilespmem:s23+$0x180] =	vst v5  }
0x261: {  	v4 =	vadd.f32 v7, v14;
	v7 =	vld [tilespmem:s9+$0x5000]  }
0x262: {  	v19 =	vld [tilespmem:s22+$0x180]  }
0x263: {  	s19 =	sor.u32 s29, s6;
	v8 =	vld [tilespmem:s26+$0x0];
	v6 =	vadd.f32 v15, v11  }
0x264: {  	v9 =	vld [tilespmem:s19+$0x0];
	s23 =	sor.u32 s12, s17  }
0x265: {  	s20 =	sor.u32 s30, s6;
	s0 =	sor.u32 $0x10, s12;
	[tilespmem:s24+$0x0] =	vst v6;
	v6 =	vld [tilespmem:s23+$0x0]  }
0x266: {  	s18 =	sor.u32 $0x20, s12;
	s24 =	sor.u32 s0, s17;
	v10 =	vld [tilespmem:s20+$0x0];
	v7 =	vadd.f32 v7, v13  }
0x267: {  	s17 =	sor.u32 s18, s17;
	[tilespmem:s25+$0x0] =	vst v4;
	v5 =	vld [tilespmem:s24+$0x0]  }
0x268: {  	v4 =	vld [tilespmem:s17+$0x0];
	s25 =	sor.u32 $0x280, s7;
	[tilespmem:s9+$0x5000] =	vst v7  }
0x269: {  	s23 =	sor.u32 s0, s13;
	v7 =	vld [tilespmem:s25+$0x5000]  }
0x26a: {  	v20 =	vld [tilespmem:s23+$0x0];
	v9 =	vadd.f32 v9, v12  }
0x26b: {  	s2 =	sadd.s32 $0x7580, s21;
	v8 =	vadd.f32 v8, v3;
	v21 =	vld [tilespmem:s23+$0x80]  }
0x26c: {  	s11 =	sor.u32 s8, s2;
	v22 =	vld [tilespmem:s23+$0x100];
	[tilespmem:s19+$0x0] =	vst v9;
	v9 =	vadd.f32 v16, v6  }
0x26d: {  	s17 =	sor.u32 s18, s13;
	v15 =	vld [tilespmem:s11+$0x0];
	[tilespmem:s26+$0x0] =	vst v8;
	v8 =	vadd.f32 v10, v11  }
0x26e: {  	v43 =	vld [tilespmem:s17+$0x80];
	s26 =	simm.s32 $0x80;
	s9 =	sadd.s32 $0x80, s15;
	[tilespmem:s22+$0x0] =	vst v9;
	v7 =	vadd.f32 v7, v13  }
0x26f: {  	v16 =	vld [tilespmem:s17+$0x0];
	s15 =	sand.u32 $0x40, s26;
	s19 =	sand.u32 $0xF80, s9;
	[tilespmem:s20+$0x0] =	vst v8;
	v8 =	vadd.f32 v18, v6  }
0x270: {  	s24 =	sor.u32 $0x300, s7;
	v10 =	vld [tilespmem:s23+$0x180];
	s31 =	sor.u32 $0x30, s15;
	s13 =	sadd.s32 $0x12800, s19;
	[tilespmem:s25+$0x5000] =	vst v7;
	v7 =	vadd.f32 v17, v6  }
0x271: {  	[tilespmem:s22+$0x100] =	vst v8;
	s25 =	sor.u32 s31, s13;
	v17 =	vld [tilespmem:s24+$0x5000]  }
0x272: {  	v18 =	vadd.f32 v19, v6;
	s28 =	sor.u32 $0x10, s15;
	s26 =	sor.u32 s15, s13;
	v9 =	vld [tilespmem:s25+$0x0];
	[tilespmem:s22+$0x80] =	vst v7  }
0x273: {  	v7 =	vld [tilespmem:s26+$0x0];
	[smem:$0x7D9] =	sst s28  }
0x274: {  	v19 =	vadd.f32 v20, v5;
	s19 =	sor.u32 $0x20, s15;
	s9 =	sor.u32 s28, s13;
	[tilespmem:s22+$0x180] =	vst v18  }
0x275: {  	v18 =	vadd.f32 v21, v5;
	v8 =	vld [tilespmem:s9+$0x0];
	[smem:$0x7DA] =	sst s19  }
0x276: {  	s13 =	sor.u32 s19, s13;
	[tilespmem:s23+$0x0] =	vst v19;
	v19 =	vadd.f32 v22, v5;
	v44 =	vld [tilespmem:s17+$0x100]  }
0x277: {  	[tilespmem:s23+$0x80] =	vst v18;
	v18 =	vadd.f32 v10, v5;
	v10 =	vld [tilespmem:s13+$0x0]  }
0x278: {  	s20 =	sor.u32 $0x200, s1;
	s13 =	sadd.s32 $0x10, s1;
	v17 =	vadd.f32 v17, v13;
	[tilespmem:s23+$0x100] =	vst v19;
	v19 =	vld [tilespmem:s17+$0x180]  }
0x279: {  	v15 =	vadd.f32 v15, v14;
	s22 =	sor.u32 $0x200, s13;
	[tilespmem:s23+$0x180] =	vst v18;
	v18 =	vld [tilespmem:s20+$0x5000]  }
0x27a: {  	s14 =	sadd.s32 $0x7600, s21;
	v16 =	vadd.f32 v16, v4;
	[tilespmem:s24+$0x5000] =	vst v17;
	s23 =	sor.u32 $0x380, s7;
	v17 =	vld [tilespmem:s22+$0x5000]  }
0x27b: {  	s26 =	sor.u32 s8, s14;
	[tilespmem:s11+$0x0] =	vst v15;
	v15 =	vadd.f32 v43, v4;
	v45 =	vld [tilespmem:s23+$0x5000]  }
0x27c: {  	s6 =	sor.u32 s10, s6;
	[tilespmem:s17+$0x0] =	vst v16;
	v16 =	vld [tilespmem:s26+$0x0];
	v21 =	vadd.f32 v44, v4  }
0x27d: {  	[tilespmem:s17+$0x80] =	vst v15;
	v15 =	vld [tilespmem:s6+$0x0];
	s24 =	sor.u32 s29, s3;
	v19 =	vadd.f32 v19, v4  }
0x27e: {  	s16 =	sadd.s32 $0x20, s1;
	s25 =	sor.u32 s30, s3;
	v46 =	vld [tilespmem:s24+$0x0];
	[tilespmem:s17+$0x100] =	vst v21;
	v18 =	vadd.f32 v18, v6  }
0x27f: {  	v17 =	vadd.f32 v17, v5;
	[tilespmem:s17+$0x180] =	vst v19;
	v19 =	vld [tilespmem:s25+$0x0];
	s17 =	sor.u32 $0x200, s16  }
0x280: {  	s19 =	sor.u32 $0x280, s1;
	v20 =	vadd.f32 v45, v13;
	[tilespmem:s20+$0x5000] =	vst v18;
	v18 =	vld [tilespmem:s17+$0x5000]  }
0x281: {  	s7 =	sadd.s32 $0x7400, s4;
	v16 =	vadd.f32 v16, v14;
	s20 =	sor.u32 $0x280, s13;
	[tilespmem:s22+$0x5000] =	vst v17;
	v17 =	vld [tilespmem:s19+$0x5000]  }
0x282: {  	s11 =	sadd.s32 $0x7680, s21;
	s9 =	sor.u32 s5, s7;
	v15 =	vadd.f32 v15, v3;
	[tilespmem:s23+$0x5000] =	vst v20;
	v47 =	vld [tilespmem:s20+$0x5000]  }
0x283: {  	[tilespmem:s26+$0x0] =	vst v16;
	v16 =	vadd.f32 v46, v12;
	s23 =	sor.u32 s8, s11;
	v48 =	vld [tilespmem:s9+$0x0]  }
0x284: {  	s26 =	sor.u32 s10, s3;
	[tilespmem:s6+$0x0] =	vst v15;
	v15 =	vld [tilespmem:s23+$0x0];
	v19 =	vadd.f32 v19, v11  }
0x285: {  	[tilespmem:s24+$0x0] =	vst v16;
	v16 =	vld [tilespmem:s26+$0x0];
	s24 =	sor.u32 s29, s2;
	v18 =	vadd.f32 v18, v4  }
0x286: {  	v17 =	vadd.f32 v17, v6;
	[tilespmem:s25+$0x0] =	vst v19;
	v19 =	vld [tilespmem:s24+$0x0];
	s25 =	sor.u32 s30, s2  }
0x287: {  	v20 =	vadd.f32 v47, v5;
	[tilespmem:s17+$0x5000] =	vst v18;
	v18 =	vld [tilespmem:s25+$0x0];
	s17 =	sor.u32 $0x280, s16  }
0x288: {  	v21 =	vadd.f32 v48, v13;
	[tilespmem:s19+$0x5000] =	vst v17;
	s19 =	sor.u32 $0x300, s1;
	v17 =	vld [tilespmem:s17+$0x5000]  }
0x289: {  	s6 =	sadd.s32 $0x7480, s4;
	v15 =	vadd.f32 v15, v14;
	[tilespmem:s20+$0x5000] =	vst v20;
	v49 =	vld [tilespmem:s19+$0x5000];
	s20 =	sor.u32 $0x300, s13  }
0x28a: {  	s3 =	sadd.s32 $0x7700, s21;
	v16 =	vadd.f32 v16, v3;
	[tilespmem:s9+$0x0] =	vst v21;
	s9 =	sor.u32 s5, s6;
	v50 =	vld [tilespmem:s20+$0x5000]  }
0x28b: {  	[tilespmem:s23+$0x0] =	vst v15;
	s23 =	sor.u32 s8, s3;
	v15 =	vadd.f32 v19, v12;
	v19 =	vld [tilespmem:s9+$0x0]  }
0x28c: {  	s2 =	sor.u32 s10, s2;
	[tilespmem:s26+$0x0] =	vst v16;
	v16 =	vld [tilespmem:s23+$0x0];
	v18 =	vadd.f32 v18, v11  }
0x28d: {  	[tilespmem:s24+$0x0] =	vst v15;
	v15 =	vld [tilespmem:s2+$0x0];
	v17 =	vadd.f32 v17, v4;
	s24 =	sor.u32 s29, s14  }
0x28e: {  	v20 =	vadd.f32 v49, v6;
	[tilespmem:s25+$0x0] =	vst v18;
	v18 =	vld [tilespmem:s24+$0x0];
	s25 =	sor.u32 s30, s14  }
0x28f: {  	s26 =	sor.u32 $0x300, s16;
	v21 =	vadd.f32 v50, v5;
	[tilespmem:s17+$0x5000] =	vst v17;
	v17 =	vld [tilespmem:s25+$0x0]  }
0x290: {  	[tilespmem:s19+$0x5000] =	vst v20;
	s19 =	sor.u32 $0x380, s1;
	v51 =	vld [tilespmem:s26+$0x5000];
	v19 =	vadd.f32 v19, v13  }
0x291: {  	v16 =	vadd.f32 v16, v14;
	s1 =	sor.u32 $0x380, s13;
	s13 =	sadd.s32 $0x7500, s4;
	[tilespmem:s20+$0x5000] =	vst v21;
	v52 =	vld [tilespmem:s19+$0x5000]  }
0x292: {  	[tilespmem:s9+$0x0] =	vst v19;
	s9 =	sadd.s32 $0x7780, s21;
	v15 =	vadd.f32 v15, v3;
	v19 =	vld [tilespmem:s1+$0x5000];
	s21 =	sor.u32 s5, s13  }
0x293: {  	[tilespmem:s23+$0x0] =	vst v16;
	s22 =	sor.u32 s8, s9;
	v16 =	vadd.f32 v18, v12;
	v18 =	vld [tilespmem:s21+$0x0]  }
0x294: {  	s14 =	sor.u32 s10, s14;
	[tilespmem:s2+$0x0] =	vst v15;
	v15 =	vld [tilespmem:s22+$0x0];
	v17 =	vadd.f32 v17, v11  }
0x295: {  	s23 =	sor.u32 s29, s11;
	[tilespmem:s24+$0x0] =	vst v16;
	v16 =	vld [tilespmem:s14+$0x0];
	v20 =	vadd.f32 v51, v4  }
0x296: {  	v21 =	vadd.f32 v52, v6;
	s24 =	sor.u32 s30, s11;
	[tilespmem:s25+$0x0] =	vst v17;
	v17 =	vld [tilespmem:s23+$0x0]  }
0x297: {  	[tilespmem:s26+$0x5000] =	vst v20;
	s26 =	sor.u32 $0x380, s16;
	v53 =	vld [tilespmem:s24+$0x0];
	v19 =	vadd.f32 v19, v5  }
0x298: {  	[tilespmem:s19+$0x5000] =	vst v21;
	s19 =	sor.u32 s12, s7;
	s16 =	simm.s32 $0x400;
	v54 =	vld [tilespmem:s26+$0x5000];
	v18 =	vadd.f32 v18, v13  }
0x299: {  	s20 =	sor.u32 s0, s7;
	s2 =	sadd.s32 $0x7580, s4;
	[tilespmem:s1+$0x5000] =	vst v19;
	v14 =	vadd.f32 v15, v14;
	v15 =	vld [tilespmem:s19+$0x0];
	s1 =	sand.u32 $0x3C00, s16  }
0x29a: {  	s25 =	sor.u32 s5, s2;
	[tilespmem:s21+$0x0] =	vst v18;
	v16 =	vadd.f32 v16, v3;
	v18 =	vld [tilespmem:s20+$0x0];
	s8 =	sadd.s32 $0x5000, s1  }
0x29b: {  	[tilespmem:s22+$0x0] =	vst v14;
	v14 =	vadd.f32 v17, v12;
	v17 =	vld [tilespmem:s25+$0x0];
	s16 =	sor.u32 s31, s8  }
0x29c: {  	[tilespmem:s14+$0x0] =	vst v16;
	v16 =	vadd.f32 v53, v11;
	v19 =	vld [tilespmem:s16+$0x0]  }
0x29d: {  	v55 =	vld [tilespmem:s16+$0x80];
	[tilespmem:s23+$0x0] =	vst v14;
	v14 =	vadd.f32 v54, v4  }
0x29e: {  	[tilespmem:s24+$0x0] =	vst v16;
	v15 =	vadd.f32 v15, v6;
	v16 =	vld [tilespmem:s16+$0x100]  }
0x29f: {  	[tilespmem:s26+$0x5000] =	vst v14;
	s26 =	sor.u32 s10, s11;
	v14 =	vadd.f32 v18, v5;
	v18 =	vld [tilespmem:s16+$0x180]  }
0x2a0: {  	[tilespmem:s19+$0x0] =	vst v15;
	v15 =	vld [tilespmem:s26+$0x0];
	v17 =	vadd.f32 v17, v13;
	s19 =	sor.u32 s29, s3  }
0x2a1: {  	p0 =	por !p0, !p0;
	s11 =	simm.s32 $0x1;
	[tilespmem:s20+$0x0] =	vst v14;
	v14 =	vld [tilespmem:s19+$0x0];
	v19 =	vadd.f32 v19, v9;
	s20 =	sor.u32 s30, s3  }
0x2a2: {  	s21 =	sor.u32 s18, s7;
	s7 =	sadd.s32 $0x7600, s4;
	s11 =	simm.s32 @!p0 $0x0;
	v20 =	vadd.f32 v55, v9;
	[tilespmem:s25+$0x0] =	vst v17;
	v17 =	vld [tilespmem:s20+$0x0]  }
0x2a3: {  	s23 =	sor.u32 s5, s7;
	v56 =	vld [tilespmem:s21+$0x0];
	s11 =	sshll.u32 s11, $0x6;
	[tilespmem:s16+$0x0] =	vst v19;
	v16 =	vadd.f32 v16, v9  }
0x2a4: {  	s24 =	sor.u32 s12, s6;
	s11 =	sadd.s32 $0x400, s11;
	v19 =	vld [tilespmem:s23+$0x0];
	[tilespmem:s16+$0x80] =	vst v20;
	v18 =	vadd.f32 v18, v9  }
0x2a5: {  	v57 =	vld [tilespmem:s24+$0x0];
	s25 =	sor.u32 s0, s6;
	s17 =	sadd.s32 $0x30, s11;
	v15 =	vadd.f32 v15, v3;
	[tilespmem:s16+$0x100] =	vst v16  }
0x2a6: {  	v16 =	vld [tilespmem:s25+$0x0];
	[tilespmem:s16+$0x180] =	vst v18;
	v14 =	vadd.f32 v14, v12;
	s16 =	sor.u32 $0x200, s17  }
0x2a7: {  	[tilespmem:s26+$0x0] =	vst v15;
	v15 =	vadd.f32 v17, v11;
	v17 =	vld [tilespmem:s16+$0x5000];
	s26 =	sor.u32 s15, s8  }
0x2a8: {  	[tilespmem:s19+$0x0] =	vst v14;
	v14 =	vadd.f32 v56, v4;
	v18 =	vld [tilespmem:s26+$0x0]  }
0x2a9: {  	v19 =	vadd.f32 v19, v13;
	[tilespmem:s20+$0x0] =	vst v15;
	v15 =	vld [tilespmem:s26+$0x80]  }
0x2aa: {  	[tilespmem:s21+$0x0] =	vst v14;
	v14 =	vadd.f32 v57, v6  }
0x2ab: {  	[tilespmem:s23+$0x0] =	vst v19;
	v16 =	vadd.f32 v16, v5  }
0x2ac: {  	[tilespmem:s24+$0x0] =	vst v14;
	v17 =	vadd.f32 v17, v9  }
0x2ad: {  	s14 =	sadd.s32 $0x7680, s4;
	v58 =	vld [tilespmem:s26+$0x100];
	[tilespmem:s25+$0x0] =	vst v16;
	v16 =	vadd.f32 v18, v7  }
0x2ae: {  	s20 =	sor.u32 s5, s14;
	v19 =	vld [tilespmem:s26+$0x180];
	[tilespmem:s16+$0x5000] =	vst v17;
	v15 =	vadd.f32 v15, v7  }
0x2af: {  	s21 =	sor.u32 s28, s8;
	v14 =	vld [tilespmem:s20+$0x0];
	[tilespmem:s26+$0x0] =	vst v16  }
0x2b0: {  	v18 =	vld [tilespmem:s21+$0x0];
	[tilespmem:s26+$0x80] =	vst v15  }
0x2b1: {  	v17 =	vld [tilespmem:s21+$0x80];
	s25 =	sld [smem:$0x7DA]  }
0x2b2: {  	v59 =	vld [tilespmem:s21+$0x100];
	v16 =	vadd.f32 v58, v7  }
0x2b3: {  	s22 =	sor.u32 $0x280, s17;
	v15 =	vadd.f32 v19, v7;
	v19 =	vld [tilespmem:s21+$0x180]  }
0x2b4: {  	[tilespmem:s26+$0x100] =	vst v16;
	v16 =	vld [tilespmem:s22+$0x5000];
	v14 =	vadd.f32 v14, v13;
	s8 =	sor.u32 s25, s8  }
0x2b5: {  	[tilespmem:s26+$0x180] =	vst v15;
	v15 =	vadd.f32 v18, v8;
	v18 =	vld [tilespmem:s8+$0x0]  }
0x2b6: {  	[tilespmem:s20+$0x0] =	vst v14;
	v14 =	vadd.f32 v17, v8;
	v17 =	vld [tilespmem:s8+$0x80]  }
0x2b7: {  	s16 =	sadd.s32 $0x7700, s4;
	[tilespmem:s21+$0x0] =	vst v15;
	v15 =	vadd.f32 v59, v8;
	v60 =	vld [tilespmem:s8+$0x100]  }
0x2b8: {  	s23 =	sor.u32 s5, s16;
	[tilespmem:s21+$0x80] =	vst v14;
	v14 =	vadd.f32 v19, v8;
	v19 =	vld [tilespmem:s8+$0x180]  }
0x2b9: {  	s19 =	sadd.s32 $0x10, s11;
	s24 =	sor.u32 $0x200, s11;
	[tilespmem:s21+$0x100] =	vst v15;
	v15 =	vld [tilespmem:s23+$0x0];
	v16 =	vadd.f32 v16, v9  }
0x2ba: {  	s20 =	sor.u32 $0x200, s19;
	[tilespmem:s21+$0x180] =	vst v14;
	v14 =	vadd.f32 v18, v10;
	v18 =	vld [tilespmem:s24+$0x5000]  }
0x2bb: {  	s21 =	sor.u32 s18, s6;
	[tilespmem:s22+$0x5000] =	vst v16;
	v16 =	vld [tilespmem:s20+$0x5000];
	v17 =	vadd.f32 v17, v10  }
0x2bc: {  	s25 =	sor.u32 $0x300, s17;
	v61 =	vld [tilespmem:s21+$0x0];
	[tilespmem:s8+$0x0] =	vst v14;
	v14 =	vadd.f32 v60, v10  }
0x2bd: {  	s26 =	sor.u32 s12, s13;
	[tilespmem:s8+$0x80] =	vst v17;
	v17 =	vadd.f32 v19, v10;
	v19 =	vld [tilespmem:s25+$0x5000]  }
0x2be: {  	s28 =	sor.u32 s0, s13;
	s6 =	sadd.s32 $0x20, s11;
	v15 =	vadd.f32 v15, v13;
	[tilespmem:s8+$0x100] =	vst v14;
	v14 =	vld [tilespmem:s26+$0x0]  }
0x2bf: {  	s4 =	sadd.s32 $0x7780, s4;
	[tilespmem:s8+$0x180] =	vst v17;
	s8 =	sor.u32 $0x200, s6;
	v17 =	vadd.f32 v18, v7;
	v18 =	vld [tilespmem:s28+$0x0]  }
0x2c0: {  	s5 =	sor.u32 s5, s4;
	[tilespmem:s23+$0x0] =	vst v15;
	v15 =	vadd.f32 v16, v8;
	v16 =	vld [tilespmem:s8+$0x5000]  }
0x2c1: {  	s23 =	sor.u32 $0x280, s11;
	v62 =	vld [tilespmem:s5+$0x0];
	[tilespmem:s24+$0x5000] =	vst v17;
	v17 =	vadd.f32 v61, v4  }
0x2c2: {  	[tilespmem:s20+$0x5000] =	vst v15;
	s20 =	sor.u32 $0x280, s19;
	v19 =	vadd.f32 v19, v9;
	v15 =	vld [tilespmem:s23+$0x5000]  }
0x2c3: {  	s13 =	sor.u32 s18, s13;
	[tilespmem:s21+$0x0] =	vst v17;
	v17 =	vld [tilespmem:s20+$0x5000];
	v14 =	vadd.f32 v14, v6  }
0x2c4: {  	s17 =	sor.u32 $0x380, s17;
	[tilespmem:s25+$0x5000] =	vst v19;
	v18 =	vadd.f32 v18, v5;
	v19 =	vld [tilespmem:s13+$0x0]  }
0x2c5: {  	s21 =	sor.u32 s12, s2;
	[tilespmem:s26+$0x0] =	vst v14;
	v14 =	vadd.f32 v16, v10;
	v16 =	vld [tilespmem:s17+$0x5000]  }
0x2c6: {  	s24 =	sor.u32 s0, s2;
	v13 =	vadd.f32 v62, v13;
	[tilespmem:s28+$0x0] =	vst v18;
	v18 =	vld [tilespmem:s21+$0x0]  }
0x2c7: {  	[tilespmem:s8+$0x5000] =	vst v14;
	v14 =	vadd.f32 v15, v7;
	v15 =	vld [tilespmem:s24+$0x0];
	s8 =	sor.u32 $0x280, s6  }
0x2c8: {  	s25 =	sor.u32 s10, s3;
	[tilespmem:s5+$0x0] =	vst v13;
	v13 =	vadd.f32 v17, v8;
	v17 =	vld [tilespmem:s8+$0x5000]  }
0x2c9: {  	[tilespmem:s23+$0x5000] =	vst v14;
	v14 =	vadd.f32 v19, v4;
	v19 =	vld [tilespmem:s25+$0x0];
	s23 =	sor.u32 $0x300, s11  }
0x2ca: {  	[tilespmem:s20+$0x5000] =	vst v13;
	v13 =	vld [tilespmem:s23+$0x5000];
	v16 =	vadd.f32 v16, v9;
	s20 =	sor.u32 $0x300, s19  }
0x2cb: {  	s2 =	sor.u32 s18, s2;
	s3 =	sadd.s32 $0x7400, s1;
	[tilespmem:s13+$0x0] =	vst v14;
	v14 =	vld [tilespmem:s20+$0x5000];
	v18 =	vadd.f32 v18, v6  }
0x2cc: {  	s26 =	sor.u32 s31, s3;
	[tilespmem:s17+$0x5000] =	vst v16;
	v15 =	vadd.f32 v15, v5;
	v16 =	vld [tilespmem:s2+$0x0]  }
0x2cd: {  	s17 =	sor.u32 s12, s7;
	[tilespmem:s21+$0x0] =	vst v18;
	v17 =	vadd.f32 v17, v10;
	v18 =	vld [tilespmem:s26+$0x0]  }
0x2ce: {  	s21 =	sor.u32 s0, s7;
	[tilespmem:s24+$0x0] =	vst v15;
	v15 =	vld [tilespmem:s17+$0x0];
	v19 =	vadd.f32 v19, v3  }
0x2cf: {  	[tilespmem:s8+$0x5000] =	vst v17;
	v13 =	vadd.f32 v13, v7;
	v17 =	vld [tilespmem:s21+$0x0];
	s8 =	sor.u32 $0x300, s6  }
0x2d0: {  	[tilespmem:s25+$0x0] =	vst v19;
	s25 =	sor.u32 s29, s9;
	v14 =	vadd.f32 v14, v8;
	v19 =	vld [tilespmem:s8+$0x5000]  }
0x2d1: {  	s11 =	sor.u32 $0x380, s11;
	[tilespmem:s23+$0x5000] =	vst v13;
	v13 =	vadd.f32 v16, v4;
	v16 =	vld [tilespmem:s25+$0x0]  }
0x2d2: {  	[tilespmem:s20+$0x5000] =	vst v14;
	v14 =	vld [tilespmem:s11+$0x5000];
	v18 =	vadd.f32 v18, v9  }
0x2d3: {  	s24 =	sor.u32 $0x380, s19;
	[tilespmem:s2+$0x0] =	vst v13;
	v15 =	vadd.f32 v15, v6  }
0x2d4: {  	s7 =	sor.u32 s18, s7;
	s19 =	sadd.s32 $0x7480, s1;
	v13 =	vld [tilespmem:s24+$0x5000];
	[tilespmem:s26+$0x0] =	vst v18;
	v17 =	vadd.f32 v17, v5  }
0x2d5: {  	v18 =	vld [tilespmem:s7+$0x0];
	s26 =	sor.u32 s31, s19;
	[tilespmem:s17+$0x0] =	vst v15;
	v15 =	vadd.f32 v19, v10  }
0x2d6: {  	v19 =	vld [tilespmem:s26+$0x0];
	[tilespmem:s21+$0x0] =	vst v17;
	v12 =	vadd.f32 v16, v12  }
0x2d7: {  	s17 =	sor.u32 s12, s14;
	[tilespmem:s8+$0x5000] =	vst v15;
	v14 =	vadd.f32 v14, v7  }
0x2d8: {  	s20 =	sor.u32 s0, s14;
	v17 =	vld [tilespmem:s17+$0x0];
	[tilespmem:s25+$0x0] =	vst v12  }
0x2d9: {  	s6 =	sor.u32 $0x380, s6;
	s23 =	sor.u32 s30, s9;
	v15 =	vld [tilespmem:s20+$0x0];
	v13 =	vadd.f32 v13, v8;
	[tilespmem:s11+$0x5000] =	vst v14  }
0x2da: {  	s8 =	sor.u32 s18, s14;
	s14 =	smov.u32 s1;
	v16 =	vld [tilespmem:s6+$0x5000];
	v12 =	vadd.f32 v18, v4;
	s1 =	sld [smem:$0x7D9]  }
0x2db: {  	s22 =	sor.u32 s10, s9;
	s9 =	sor.u32 s15, s3;
	v18 =	vld [tilespmem:s23+$0x0];
	[tilespmem:s24+$0x5000] =	vst v13;
	v13 =	vadd.f32 v19, v9  }
0x2dc: {  	v63 =	vld [tilespmem:s9+$0x0];
	s24 =	sld [smem:$0x7DA];
	[tilespmem:s7+$0x0] =	vst v12  }
0x2dd: {  	v12 =	vadd.f32 v17, v6;
	[tilespmem:s26+$0x0] =	vst v13;
	v13 =	vld [tilespmem:s8+$0x0];
	s26 =	sor.u32 s18, s4;
	s2 =	sor.u32 s1, s3  }
0x2de: {  	v15 =	vadd.f32 v15, v5;
	v19 =	vld [tilespmem:s2+$0x0];
	[dreg:$0x17] =	wrdreg s26  }
0x2df: {  	s29 =	sor.u32 s12, s16;
	s30 =	sor.u32 s0, s16;
	s21 =	sor.u32 s18, s16;
	v16 =	vadd.f32 v16, v10;
	[tilespmem:s17+$0x0] =	vst v12  }
0x2e0: {  	s16 =	sor.u32 s12, s4;
	s12 =	sor.u32 s0, s4;
	s10 =	sadd.s32 $0x7500, s14;
	[tilespmem:s20+$0x0] =	vst v15  }
0x2e1: {  	s25 =	smov.u32 s15;
	s15 =	smov.u32 s31;
	s5 =	sor.u32 s31, s10;
	[tilespmem:s6+$0x5000] =	vst v16  }
0x2e2: {  	s31 =	smov.u32 s8;
	s18 =	smov.u32 s30;
	v15 =	vadd.f32 v18, v11;
	v11 =	vld [tilespmem:s30+$0x0];
	s30 =	sld [smem:$0x7ED]  }
0x2e3: {  	s11 =	sor.u32 s25, s19;
	s28 =	smov.u32 s25;
	s8 =	smov.u32 s29  }
0x2e4: {  	s7 =	sor.u32 s1, s19;
	s26 =	sor.u32 s24, s3;
	s4 =	sor.u32 s24, s10  }
0x2e5: {  	s3 =	simm.s32 $0xC0;
	v14 =	vld [tilespmem:s5+$0x0];
	s17 =	sor.u32 s24, s19;
	s0 =	sor.u32 $0x1, s30  }
0x2e6: {  	s20 =	sor.u32 s25, s10;
	s6 =	smov.u32 s1;
	v12 =	vld [tilespmem:s29+$0x0];
	[smem:$0x7DB] =	sst s0  }
0x2e7: {  	s19 =	sor.u32 s1, s10;
	v17 =	vadd.f32 v63, v7;
	s1 =	simm.s32 $0x8;
	v16 =	vadd.f32 v19, v8;
	s0 =	simm.s32 $0x600;
	[tilespmem:s23+$0x0] =	vst v15;
	v15 =	vld [tilespmem:s26+$0x0]  }
.LBB2_5:
0x2e8: {  	[smem:$0x7D2] =	sst s16  }
0x2e9: {  	[smem:$0x7D6] =	sst s0  }
0x2ea: {  	[dreg:$0x19] =	wrdreg s4  }
0x2eb: {  	[dreg:$0x7] =	wrdreg s12  }
0x2ec: {  	s25 =	sand.u32 $0x40, s3;
	s12 =	sand.u32 $0x3C00, s0;
	s13 =	rddreg [dreg:$0x5];
	[tilespmem:s9+$0x0] =	vst v17;
	v17 =	vld [tilespmem:s22+$0x0]  }
0x2ed: {  	s0 =	sadd.s32 s3, s13;
	s10 =	sadd.s32 $0x5000, s12;
	s13 =	sor.u32 $0x30, s25;
	[tilespmem:s2+$0x0] =	vst v16;
	v18 =	vld [tilespmem:s11+$0x0];
	v14 =	vadd.f32 v14, v9  }
0x2ee: {  	s16 =	sadd.s32 $0x7580, s14;
	s0 =	sand.u32 $0xF80, s0;
	s4 =	sor.u32 s13, s10;
	v16 =	vld [tilespmem:s7+$0x0];
	v13 =	vadd.f32 v13, v4  }
0x2ef: {  	[smem:$0x7C8] =	sst s19;
	s19 =	sadd.s32 $0x12800, s0;
	v19 =	vld [tilespmem:s4+$0x0];
	v12 =	vadd.f32 v12, v6;
	[tilespmem:s5+$0x0] =	vst v14;
	s5 =	sor.u32 s15, s16  }
0x2f0: {  	[smem:$0x7CA] =	sst s13;
	v11 =	vadd.f32 v11, v5;
	s13 =	sor.u32 s13, s19;
	[tilespmem:s31+$0x0] =	vst v13;
	v14 =	vadd.f32 v15, v10;
	v15 =	vld [tilespmem:s5+$0x0]  }
0x2f1: {  	[smem:$0x7C7] =	sst s20;
	[tilespmem:s8+$0x0] =	vst v12;
	v13 =	vld [tilespmem:s13+$0x0]  }
0x2f2: {  	[smem:$0x7CD] =	sst s21;
	s29 =	smov.u32 s14;
	[tilespmem:s18+$0x0] =	vst v11;
	v11 =	vadd.f32 v17, v3;
	v17 =	vld [tilespmem:s4+$0x80]  }
0x2f3: {  	s23 =	smov.u32 s17;
	[smem:$0x7C9] =	sst s12;
	s2 =	sor.u32 $0x20, s25;
	v3 =	vmov v4;
	v4 =	vmov v10;
	v10 =	vadd.f32 v18, v7;
	[tilespmem:s26+$0x0] =	vst v14;
	v14 =	vld [tilespmem:s4+$0x100]  }
0x2f4: {  	s9 =	sor.u32 $0x10, s25;
	s17 =	sor.u32 s25, s10;
	s12 =	sor.u32 s2, s10;
	v16 =	vadd.f32 v16, v8;
	[tilespmem:s22+$0x0] =	vst v11  }
0x2f5: {  	s20 =	sor.u32 s25, s19;
	s13 =	sor.u32 s9, s10;
	s10 =	sor.u32 s6, s16;
	v18 =	vld [tilespmem:s4+$0x180];
	[tilespmem:s11+$0x0] =	vst v10;
	v15 =	vadd.f32 v15, v9  }
0x2f6: {  	p0 =	por !p0, !p0;
	s21 =	sor.u32 s9, s19;
	[smem:$0x7CC] =	sst s10;
	[tilespmem:s7+$0x0] =	vst v16;
	v12 =	vld [tilespmem:s20+$0x0];
	v16 =	vadd.f32 v19, v13  }
0x2f7: {  	s10 =	simm.s32 $0x1;
	s7 =	sld [smem:$0x7D6];
	v11 =	vld [tilespmem:s21+$0x0];
	s20 =	sadd.s32 $0x7600, s29;
	v17 =	vadd.f32 v17, v13;
	[tilespmem:s5+$0x0] =	vst v15  }
0x2f8: {  	s10 =	simm.s32 @!p0 $0x0;
	s21 =	sor.u32 s15, s20;
	v14 =	vadd.f32 v14, v13;
	[tilespmem:s4+$0x0] =	vst v16;
	v16 =	vld [tilespmem:s17+$0x0]  }
0x2f9: {  	s14 =	sor.u32 s24, s16;
	s26 =	sshll.u32 s10, $0x6;
	v15 =	vld [tilespmem:s21+$0x0];
	[tilespmem:s4+$0x80] =	vst v17  }
0x2fa: {  	[dreg:$0x1e] =	wrdreg s14;
	s10 =	sadd.s32 s26, s7;
	v17 =	vadd.f32 v18, v13;
	[tilespmem:s4+$0x100] =	vst v14;
	v14 =	vld [tilespmem:s17+$0x100]  }
0x2fb: {  	s8 =	sor.u32 s28, s16;
	s16 =	rddreg [dreg:$0x17];
	s14 =	sadd.s32 $0x30, s10;
	v18 =	vld [tilespmem:s17+$0x80]  }
0x2fc: {  	s18 =	smov.u32 s16;
	v19 =	vld [tilespmem:s17+$0x180];
	s16 =	sor.u32 $0x200, s14;
	[tilespmem:s4+$0x180] =	vst v17  }
0x2fd: {  	s1 =	sadd.s32 $0x4, s1;
	v17 =	vld [tilespmem:s16+$0x5000];
	v16 =	vadd.f32 v16, v12  }
0x2fe: {  	[dreg:$0x6] =	wrdreg s1;
	v20 =	vld [tilespmem:s13+$0x0];
	v15 =	vadd.f32 v15, v9  }
0x2ff: {  	p1 =	slt.u32 s1, $0x44;
	s30 =	sor.u32 s2, s19;
	[smem:$0x7CB] =	sst s8;
	v21 =	vld [tilespmem:s13+$0x80];
	v14 =	vadd.f32 v14, v12;
	[tilespmem:s17+$0x0] =	vst v16  }
0x300: {  	s31 =	sadd.s32 $0x7680, s29;
	[dreg:$0xa] =	wrdreg s18;
	v10 =	vld [tilespmem:s30+$0x0];
	s1 =	sor.u32 s24, s20;
	v18 =	vadd.f32 v18, v12;
	[tilespmem:s21+$0x0] =	vst v15  }
0x301: {  	s22 =	sor.u32 s28, s20;
	[dreg:$0x14] =	wrdreg s1;
	s1 =	smov.u32 s15;
	v16 =	vld [tilespmem:s13+$0x100];
	[tilespmem:s17+$0x100] =	vst v14;
	v14 =	vadd.f32 v19, v12  }
0x302: {  	s30 =	sor.u32 s6, s20;
	s5 =	sadd.s32 $0x20, s10;
	s21 =	sor.u32 s1, s31;
	[tilespmem:s17+$0x80] =	vst v18;
	v18 =	vld [tilespmem:s13+$0x180];
	v17 =	vadd.f32 v17, v13  }
0x303: {  	[smem:$0x7D0] =	sst s30;
	s20 =	sor.u32 $0x200, s5;
	s19 =	sor.u32 $0x280, s5;
	v19 =	vadd.f32 v20, v11;
	v15 =	vld [tilespmem:s21+$0x0];
	[tilespmem:s17+$0x180] =	vst v14  }
0x304: {  	v54 =	vld [tilespmem:s12+$0x0];
	s30 =	sor.u32 $0x300, s5;
	s4 =	sor.u32 $0x380, s5;
	s5 =	sor.u32 $0x280, s14;
	v14 =	vadd.f32 v21, v11;
	[tilespmem:s16+$0x5000] =	vst v17  }
0x305: {  	[smem:$0x7CF] =	sst s22;
	s8 =	sadd.s32 $0x10, s10;
	[tilespmem:s13+$0x0] =	vst v19;
	v17 =	vld [tilespmem:s5+$0x5000]  }
0x306: {  	s0 =	sor.u32 $0x200, s10;
	s18 =	sor.u32 $0x200, s8;
	s26 =	sor.u32 $0x280, s8;
	v19 =	vld [tilespmem:s12+$0x80];
	[tilespmem:s13+$0x80] =	vst v14;
	v14 =	vadd.f32 v16, v11  }
0x307: {  	s11 =	sor.u32 $0x300, s8;
	s22 =	sor.u32 $0x380, s8;
	s8 =	sor.u32 s28, s31;
	v16 =	vld [tilespmem:s12+$0x100];
	v18 =	vadd.f32 v18, v11  }
0x308: {  	[smem:$0x7D3] =	sst s8;
	v56 =	vld [tilespmem:s0+$0x5000];
	v15 =	vadd.f32 v15, v9;
	[tilespmem:s13+$0x100] =	vst v14  }
0x309: {  	s8 =	sadd.s32 $0x7700, s29;
	[smem:$0x7D5] =	sst s4;
	s4 =	sor.u32 s24, s31;
	v14 =	vadd.f32 v54, v10;
	[tilespmem:s13+$0x180] =	vst v18  }
0x30a: {  	v55 =	vld [tilespmem:s12+$0x180];
	[dreg:$0x1b] =	wrdreg s4;
	[tilespmem:s21+$0x0] =	vst v15;
	s21 =	sor.u32 s1, s8;
	v17 =	vadd.f32 v17, v13  }
0x30b: {  	s4 =	smov.u32 s3;
	s3 =	sld [smem:$0x7C7];
	[tilespmem:s12+$0x0] =	vst v14;
	v14 =	vadd.f32 v19, v10;
	v15 =	vld [tilespmem:s21+$0x0]  }
0x30c: {  	s15 =	smov.u32 s28;
	[smem:$0x7D1] =	sst s30;
	s30 =	sor.u32 s6, s31;
	v18 =	vld [tilespmem:s18+$0x5000];
	v16 =	vadd.f32 v16, v10;
	[tilespmem:s5+$0x5000] =	vst v17  }
0x30d: {  	[smem:$0x7D4] =	sst s30;
	s30 =	sor.u32 s28, s8;
	s28 =	sor.u32 s6, s8;
	v20 =	vadd.f32 v56, v12;
	v17 =	vld [tilespmem:s23+$0x0];
	[tilespmem:s12+$0x80] =	vst v14  }
0x30e: {  	s17 =	sor.u32 s24, s8;
	s16 =	sor.u32 $0x300, s14;
	s8 =	sld [smem:$0x7C8];
	[tilespmem:s12+$0x100] =	vst v16;
	v16 =	vld [tilespmem:s3+$0x0]  }
0x30f: {  	s7 =	sor.u32 $0x280, s10;
	v14 =	vadd.f32 v55, v10;
	[tilespmem:s0+$0x5000] =	vst v20;
	v19 =	vld [tilespmem:s16+$0x5000]  }
0x310: {  	v20 =	vld [tilespmem:s7+$0x5000];
	v15 =	vadd.f32 v15, v9  }
0x311: {  	s31 =	sadd.s32 $0x7780, s29;
	s13 =	sld [smem:$0x7C9];
	[tilespmem:s12+$0x180] =	vst v14;
	v14 =	vld [tilespmem:s8+$0x0]  }
0x312: {  	v18 =	vadd.f32 v18, v11;
	v57 =	vld [tilespmem:s20+$0x5000];
	[tilespmem:s21+$0x0] =	vst v15;
	s21 =	sor.u32 s1, s31  }
0x313: {  	v15 =	vadd.f32 v17, v4;
	v17 =	vld [tilespmem:s21+$0x0]  }
0x314: {  	s29 =	smov.u32 s13;
	[tilespmem:s18+$0x5000] =	vst v18;
	v16 =	vadd.f32 v16, v7  }
0x315: {  	s13 =	sor.u32 s6, s31;
	s6 =	smov.u32 s9;
	s9 =	rddreg [dreg:$0x19];
	v18 =	vadd.f32 v19, v13;
	[tilespmem:s23+$0x0] =	vst v15  }
0x316: {  	s18 =	sld [smem:$0x7CB];
	v19 =	vld [tilespmem:s26+$0x5000];
	v14 =	vadd.f32 v14, v8;
	[tilespmem:s3+$0x0] =	vst v16  }
0x317: {  	s1 =	sor.u32 $0x380, s14;
	s3 =	smov.u32 s4;
	s4 =	sld [smem:$0x7CC];
	[tilespmem:s16+$0x5000] =	vst v18;
	v15 =	vld [tilespmem:s9+$0x0];
	v18 =	vadd.f32 v57, v10  }
0x318: {  	[smem:$0x7CE] =	sst s11;
	v58 =	vld [tilespmem:s1+$0x5000];
	[tilespmem:s8+$0x0] =	vst v14;
	v14 =	vadd.f32 v17, v9;
	v9 =	vmov v13;
	v13 =	vadd.f32 v20, v12  }
0x319: {  	s5 =	sor.u32 s15, s31;
	s15 =	smov.u32 s25;
	s25 =	sld [smem:$0x7CA];
	v16 =	vld [tilespmem:s18+$0x0];
	[tilespmem:s20+$0x5000] =	vst v18  }
0x31a: {  	v17 =	vld [tilespmem:s4+$0x0];
	[tilespmem:s7+$0x5000] =	vst v13;
	s7 =	sld [smem:$0x7CD]  }
0x31b: {  	s11 =	sor.u32 $0x300, s10;
	s16 =	sld [smem:$0x7CE];
	v18 =	vadd.f32 v19, v11;
	v19 =	vld [tilespmem:s19+$0x5000]  }
0x31c: {  	s24 =	sor.u32 s24, s31;
	[tilespmem:s21+$0x0] =	vst v14;
	v13 =	vadd.f32 v15, v4;
	v15 =	vld [tilespmem:s11+$0x5000]  }
0x31d: {  	[dreg:$0x17] =	wrdreg s24;
	[tilespmem:s26+$0x5000] =	vst v18;
	v18 =	vadd.f32 v58, v9;
	v14 =	vld [tilespmem:s7+$0x0]  }
0x31e: {  	s31 =	smov.u32 s25;
	s25 =	sld [smem:$0x7D0];
	s8 =	sadd.s32 $0x7400, s29;
	v59 =	vld [tilespmem:s16+$0x5000]  }
0x31f: {  	s0 =	sor.u32 s31, s8;
	s20 =	sld [smem:$0x7CF];
	v16 =	vadd.f32 v16, v7;
	[tilespmem:s1+$0x5000] =	vst v18  }
0x320: {  	s24 =	smov.u32 s2;
	s23 =	rddreg [dreg:$0x1e];
	s2 =	sor.u32 s6, s8;
	[tilespmem:s9+$0x0] =	vst v13;
	v13 =	vadd.f32 v17, v8;
	v18 =	vadd.f32 v19, v10;
	v19 =	vld [tilespmem:s0+$0x0]  }
0x321: {  	s26 =	sor.u32 s24, s8;
	[tilespmem:s18+$0x0] =	vst v16;
	s9 =	sor.u32 s15, s8;
	s8 =	sld [smem:$0x7D1];
	v17 =	vld [tilespmem:s23+$0x0]  }
0x322: {  	v16 =	vld [tilespmem:s20+$0x0];
	[tilespmem:s4+$0x0] =	vst v13;
	s4 =	sld [smem:$0x7D2];
	v13 =	vadd.f32 v14, v3;
	v14 =	vadd.f32 v15, v12  }
0x323: {  	[tilespmem:s19+$0x5000] =	vst v18;
	v18 =	vadd.f32 v59, v11;
	v15 =	vld [tilespmem:s25+$0x0]  }
0x324: {  	v60 =	vld [tilespmem:s8+$0x5000];
	[tilespmem:s11+$0x5000] =	vst v14  }
0x325: {  	s10 =	sor.u32 $0x380, s10;
	[tilespmem:s16+$0x5000] =	vst v18;
	v18 =	vadd.f32 v19, v9;
	v14 =	vld [tilespmem:s4+$0x0]  }
0x326: {  	s19 =	sadd.s32 $0x7480, s29;
	[tilespmem:s7+$0x0] =	vst v13;
	v13 =	vadd.f32 v17, v4;
	v17 =	vld [tilespmem:s10+$0x5000]  }
0x327: {  	s18 =	sld [smem:$0x7D3];
	v16 =	vadd.f32 v16, v7;
	v19 =	vld [tilespmem:s22+$0x5000];
	[tilespmem:s0+$0x0] =	vst v18;
	s0 =	sor.u32 s31, s19  }
0x328: {  	[tilespmem:s23+$0x0] =	vst v13;
	s23 =	rddreg [dreg:$0x14];
	v61 =	vld [tilespmem:s0+$0x0];
	v13 =	vadd.f32 v15, v8  }
0x329: {  	s14 =	smov.u32 s29;
	s29 =	sld [smem:$0x7D4];
	v18 =	vadd.f32 v60, v10;
	[tilespmem:s20+$0x0] =	vst v16;
	v15 =	vld [tilespmem:s23+$0x0]  }
0x32a: {  	v16 =	vld [tilespmem:s18+$0x0];
	[tilespmem:s25+$0x0] =	vst v13;
	s25 =	sld [smem:$0x7D5];
	v13 =	vadd.f32 v14, v6;
	v6 =	vmov v7;
	v7 =	vmov v12  }
0x32b: {  	[tilespmem:s8+$0x5000] =	vst v18;
	v12 =	vadd.f32 v17, v7  }
0x32c: {  	v14 =	vld [tilespmem:s29+$0x0];
	[tilespmem:s4+$0x0] =	vst v13  }
0x32d: {  	v17 =	vadd.f32 v19, v11;
	v18 =	vld [tilespmem:s25+$0x5000];
	[tilespmem:s10+$0x5000] =	vst v12;
	s10 =	rddreg [dreg:$0x7]  }
0x32e: {  	s12 =	smov.u32 s28;
	s28 =	smov.u32 s15;
	v13 =	vadd.f32 v61, v9;
	v12 =	vadd.f32 v15, v4;
	v15 =	vld [tilespmem:s10+$0x0]  }
0x32f: {  	s1 =	rddreg [dreg:$0x6];
	s16 =	smov.u32 s5;
	s8 =	sadd.s32 $0x7500, s14;
	v16 =	vadd.f32 v16, v6;
	v19 =	vld [tilespmem:s9+$0x0];
	[tilespmem:s22+$0x5000] =	vst v17  }
0x330: {  	s11 =	sor.u32 s15, s19;
	s20 =	sor.u32 s15, s8;
	s5 =	sor.u32 s31, s8;
	[tilespmem:s0+$0x0] =	vst v13;
	v62 =	vld [tilespmem:s2+$0x0]  }
.Ltmp1:
0x331: {  	s15 =	smov.u32 s31;
	s31 =	rddreg [dreg:$0x1b];
	[tilespmem:s18+$0x0] =	vst v16;
	v17 =	vadd.f32 v14, v8;
	v14 =	vld [tilespmem:s5+$0x0];
	(pc) =	sbr.rel @p1 .LBB2_5-.Ltmp1, $4  }
0x332: {  	s3 =	sadd.s32 $0x40, s3;
	s21 =	smov.u32 s17;
	[tilespmem:s23+$0x0] =	vst v12;
	s23 =	sld [smem:$0x7D6];
	v12 =	vld [tilespmem:s30+$0x0];
	v18 =	vadd.f32 v18, v10  }
0x333: {  	s17 =	sor.u32 s24, s19;
	s7 =	sor.u32 s6, s19;
	s19 =	sor.u32 s6, s8;
	v13 =	vld [tilespmem:s31+$0x0];
	[tilespmem:s29+$0x0] =	vst v17;
	v63 =	vadd.f32 v15, v5  }
0x334: {  	s4 =	sor.u32 s24, s8;
	s8 =	smov.u32 s30;
	s22 =	rddreg [dreg:$0xa];
	v5 =	vmov v8;
	v8 =	vmov v11;
	[tilespmem:s25+$0x5000] =	vst v18;
	v11 =	vld [tilespmem:s12+$0x0]  }
0x335: {  	s18 =	smov.u32 s12;
	s0 =	sadd.s32 $0x200, s23;
	v17 =	vadd.f32 v19, v7;
	s12 =	smov.u32 s13;
	v16 =	vadd.f32 v62, v8;
	v15 =	vld [tilespmem:s26+$0x0];
	[tilespmem:s10+$0x0] =	vst v63  }
0x336: {  	_ =	sdelay $0x3  }
0x337: {  	[tilespmem:s9+$0x0] =	vst v17;
	v15 =	vadd.f32 v15, v10  }
0x338: {  	[tilespmem:s2+$0x0] =	vst v16;
	v17 =	vld [tilespmem:s11+$0x0]  }
0x339: {  	v16 =	vld [tilespmem:s7+$0x0];
	[tilespmem:s26+$0x0] =	vst v15  }
0x33a: {  	v15 =	vld [tilespmem:s17+$0x0];
	_ =	sdelay $0x2  }
0x33b: {  	v17 =	vadd.f32 v17, v7  }
0x33c: {  	v16 =	vadd.f32 v16, v8  }
0x33d: {  	[tilespmem:s11+$0x0] =	vst v17;
	v15 =	vadd.f32 v15, v10  }
0x33e: {  	[tilespmem:s7+$0x0] =	vst v16;
	v16 =	vld [tilespmem:s20+$0x0]  }
0x33f: {  	v14 =	vadd.f32 v14, v9;
	v17 =	vld [tilespmem:s19+$0x0];
	[tilespmem:s17+$0x0] =	vst v15  }
0x340: {  	s0 =	sadd.s32 $0x7580, s14;
	v15 =	vld [tilespmem:s4+$0x0]  }
0x341: {  	s1 =	sor.u32 s15, s0;
	[tilespmem:s5+$0x0] =	vst v14  }
0x342: {  	v14 =	vld [tilespmem:s1+$0x0]  }
0x343: {  	v16 =	vadd.f32 v16, v7  }
0x344: {  	v17 =	vadd.f32 v17, v8  }
0x345: {  	s26 =	sor.u32 s28, s0;
	[tilespmem:s20+$0x0] =	vst v16;
	v15 =	vadd.f32 v15, v10  }
0x346: {  	s3 =	sor.u32 s6, s0;
	[tilespmem:s19+$0x0] =	vst v17;
	v16 =	vld [tilespmem:s26+$0x0]  }
0x347: {  	s0 =	sor.u32 s24, s0;
	v14 =	vadd.f32 v14, v9;
	v17 =	vld [tilespmem:s3+$0x0];
	[tilespmem:s4+$0x0] =	vst v15  }
0x348: {  	s5 =	sadd.s32 $0x7600, s14;
	v15 =	vld [tilespmem:s0+$0x0]  }
0x349: {  	s7 =	sor.u32 s15, s5;
	[tilespmem:s1+$0x0] =	vst v14  }
0x34a: {  	v14 =	vld [tilespmem:s7+$0x0]  }
0x34b: {  	v16 =	vadd.f32 v16, v7  }
0x34c: {  	v17 =	vadd.f32 v17, v8  }
0x34d: {  	s9 =	sor.u32 s28, s5;
	[tilespmem:s26+$0x0] =	vst v16;
	v15 =	vadd.f32 v15, v10  }
0x34e: {  	s10 =	sor.u32 s6, s5;
	[tilespmem:s3+$0x0] =	vst v17;
	v16 =	vld [tilespmem:s9+$0x0]  }
0x34f: {  	s11 =	sor.u32 s24, s5;
	v14 =	vadd.f32 v14, v9;
	v17 =	vld [tilespmem:s10+$0x0];
	[tilespmem:s0+$0x0] =	vst v15  }
0x350: {  	s13 =	sadd.s32 $0x7680, s14;
	v15 =	vld [tilespmem:s11+$0x0]  }
0x351: {  	s17 =	sor.u32 s15, s13;
	[tilespmem:s7+$0x0] =	vst v14  }
0x352: {  	v14 =	vld [tilespmem:s17+$0x0]  }
0x353: {  	v16 =	vadd.f32 v16, v7  }
0x354: {  	v17 =	vadd.f32 v17, v8  }
0x355: {  	s19 =	sor.u32 s28, s13;
	[tilespmem:s9+$0x0] =	vst v16;
	v15 =	vadd.f32 v15, v10  }
0x356: {  	s20 =	sor.u32 s6, s13;
	[tilespmem:s10+$0x0] =	vst v17;
	v16 =	vld [tilespmem:s19+$0x0]  }
0x357: {  	v14 =	vadd.f32 v14, v9;
	s0 =	sor.u32 s24, s13;
	v17 =	vld [tilespmem:s20+$0x0];
	[tilespmem:s11+$0x0] =	vst v15  }
0x358: {  	s23 =	sadd.s32 $0x7700, s14;
	v15 =	vld [tilespmem:s0+$0x0]  }
0x359: {  	s25 =	sor.u32 s15, s23;
	v13 =	vadd.f32 v13, v4;
	[tilespmem:s17+$0x0] =	vst v14  }
0x35a: {  	v14 =	vld [tilespmem:s25+$0x0]  }
0x35b: {  	[tilespmem:s31+$0x0] =	vst v13;
	v16 =	vadd.f32 v16, v7  }
0x35c: {  	v13 =	vadd.f32 v17, v8;
	v17 =	vld [tilespmem:s21+$0x0]  }
0x35d: {  	v18 =	vld [tilespmem:s22+$0x0];
	s26 =	sor.u32 s28, s23;
	[tilespmem:s19+$0x0] =	vst v16;
	v15 =	vadd.f32 v15, v10  }
0x35e: {  	v12 =	vadd.f32 v12, v6;
	s9 =	sor.u32 s6, s23;
	[tilespmem:s20+$0x0] =	vst v13;
	v16 =	vld [tilespmem:s26+$0x0]  }
0x35f: {  	s2 =	sor.u32 s24, s23;
	v13 =	vadd.f32 v14, v9;
	v14 =	vld [tilespmem:s9+$0x0];
	[tilespmem:s0+$0x0] =	vst v15  }
0x360: {  	v11 =	vadd.f32 v11, v5;
	[tilespmem:s8+$0x0] =	vst v12;
	v15 =	vld [tilespmem:s2+$0x0]  }
0x361: {  	[tilespmem:s25+$0x0] =	vst v13;
	v13 =	vadd.f32 v17, v4  }
0x362: {  	[tilespmem:s18+$0x0] =	vst v11;
	v3 =	vadd.f32 v18, v3;
	s10 =	sadd.s32 $0x7780, s14  }
0x363: {  	s11 =	sor.u32 s15, s10;
	[tilespmem:s21+$0x0] =	vst v13;
	v16 =	vadd.f32 v16, v7  }
0x364: {  	v12 =	vld [tilespmem:s11+$0x0];
	v14 =	vadd.f32 v14, v8;
	s7 =	rddreg [dreg:$0x17];
	[tilespmem:s22+$0x0] =	vst v3  }
0x365: {  	[tilespmem:s26+$0x0] =	vst v16;
	v15 =	vadd.f32 v15, v10  }
0x366: {  	v11 =	vld [tilespmem:s16+$0x0];
	[tilespmem:s9+$0x0] =	vst v14  }
0x367: {  	v13 =	vld [tilespmem:s12+$0x0];
	[tilespmem:s2+$0x0] =	vst v15  }
0x368: {  	s13 =	sor.u32 s28, s10;
	v17 =	vld [tilespmem:s7+$0x0];
	s2 =	sld [smem:$0x7ED]  }
0x369: {  	v9 =	vadd.f32 v12, v9;
	v14 =	vld [tilespmem:s13+$0x0]  }
0x36a: {  	s14 =	sor.u32 s6, s10  }
0x36b: {  	s0 =	sor.u32 s24, s10;
	v3 =	vadd.f32 v11, v6;
	v12 =	vld [tilespmem:s14+$0x0];
	[tilespmem:s11+$0x0] =	vst v9;
	s2 =	sand.u32 $0x40, s2  }
0x36c: {  	v5 =	vadd.f32 v13, v5;
	v6 =	vld [tilespmem:s0+$0x0];
	[smem:$0x7C2] =	sst s2  }
0x36d: {  	s1 =	sld [smem:$0x7DB];
	[tilespmem:s16+$0x0] =	vst v3;
	v3 =	vadd.f32 v17, v4  }
0x36e: {  	[tilespmem:s12+$0x0] =	vst v5;
	v4 =	vadd.f32 v14, v7  }
0x36f: {  	[tilespmem:s7+$0x0] =	vst v3  }
0x370: {  	s1 =	ssub.s32 s1, s2;
	s15 =	sld [smem:$0x7D7];
	[tilespmem:s13+$0x0] =	vst v4  }
0x371: {  	s1 =	smul.u32 $0x120000, s1;
	s16 =	sld [smem:$0x7F5]  }
0x372: {  	_ = 	snop  }
0x373: {  	v3 =	vadd.f32 v12, v8;
	s1 =	sadd.s32 s1, s15  }
0x374: {  	v4 =	vadd.f32 v6, v10;
	s1 =	sor.u32 s16, s1  }
0x375: {  	s18 =	simm.s32 $0x5000;
	s17 =	rddreg [dreg:$0x3];
	[tilespmem:s14+$0x0] =	vst v3;
	s1 =	sshrl.u32 s1, $0x3  }
0x376: {  	s4 =	simm.s32 $0x12000;
	s2 =	simm.s32 $0x80;
	[tilespmem:s0+$0x0] =	vst v4;
	s0 =	sadd.s32 s17, s1  }
0x377: {  	[hbm4b:s0+s2] =	stream.strided.scatter [tilespmem:s18], [sflag:$0x6], $0x400, s4, s2, $0x38;
	[tilespmem:$0x13100] =	vst v63  }
0x378: {  	s20 =	simm.s32 $0x5400;
	s19 =	sadd.s32 $0x80, s0  }
0x379: {  	[hbm4b:s19+s2] =	stream.strided.scatter [tilespmem:s20], [sflag:$0x6], $0x400, s4, s2, $0x38;
	[tilespmem:$0x13100] =	vst v63  }
0x37a: {  	s22 =	simm.s32 $0x5800;
	s21 =	sadd.s32 $0x100, s0  }
0x37b: {  	[hbm4b:s21+s2] =	stream.strided.scatter [tilespmem:s22], [sflag:$0x6], $0x400, s4, s2, $0x38;
	[tilespmem:$0x13100] =	vst v63  }
0x37c: {  	s24 =	simm.s32 $0x5C00;
	s23 =	sadd.s32 $0x180, s0  }
0x37d: {  	[hbm4b:s23+s2] =	stream.strided.scatter [tilespmem:s24], [sflag:$0x6], $0x400, s4, s2, $0x38;
	[tilespmem:$0x13100] =	vst v63  }
0x37e: {  	s26 =	simm.s32 $0x6000;
	s25 =	sadd.s32 $0x200, s0  }
0x37f: {  	[hbm4b:s25+s2] =	stream.strided.scatter [tilespmem:s26], [sflag:$0x6], $0x400, s4, s2, $0x38;
	[tilespmem:$0x13100] =	vst v63  }
0x380: {  	s5 =	simm.s32 $0x6400;
	s3 =	sadd.s32 $0x280, s0  }
0x381: {  	[hbm4b:s3+s2] =	stream.strided.scatter [tilespmem:s5], [sflag:$0x6], $0x400, s4, s2, $0x38;
	[tilespmem:$0x13100] =	vst v63  }
0x382: {  	s7 =	simm.s32 $0x6800;
	s6 =	sadd.s32 $0x300, s0  }
0x383: {  	[hbm4b:s6+s2] =	stream.strided.scatter [tilespmem:s7], [sflag:$0x6], $0x400, s4, s2, $0x38;
	[tilespmem:$0x13100] =	vst v63  }
0x384: {  	s9 =	simm.s32 $0x6C00;
	s8 =	sadd.s32 $0x380, s0  }
0x385: {  	[hbm4b:s8+s2] =	stream.strided.scatter [tilespmem:s9], [sflag:$0x6], $0x400, s4, s2, $0x38;
	[tilespmem:$0x13100] =	vst v63  }
0x386: {  	s11 =	simm.s32 $0x7000;
	s10 =	sadd.s32 $0x400, s0  }
0x387: {  	[hbm4b:s10+s2] =	stream.strided.scatter [tilespmem:s11], [sflag:$0x6], $0x400, s4, s2, $0x38;
	[tilespmem:$0x13100] =	vst v63  }
0x388: {  	s12 =	simm.s32 $0x7400;
	s0 =	sadd.s32 $0x12000, s0  }
0x389: {  	[hbm4b:s0+s2] =	stream.strided.scatter [tilespmem:s12], [sflag:$0x6], $0x400, s4, s2, $0x38;
	[tilespmem:$0x13100] =	vst v63  }
0x38a: {  	s14 =	simm.s32 $0x7800;
	s13 =	sadd.s32 $0x80, s0  }
0x38b: {  	[hbm4b:s13+s2] =	stream.strided.scatter [tilespmem:s14], [sflag:$0x6], $0x400, s4, s2, $0x38;
	[tilespmem:$0x13100] =	vst v63  }
0x38c: {  	s16 =	simm.s32 $0x7C00;
	s15 =	sadd.s32 $0x100, s0  }
0x38d: {  	[hbm4b:s15+s2] =	stream.strided.scatter [tilespmem:s16], [sflag:$0x6], $0x400, s4, s2, $0x38;
	[tilespmem:$0x13100] =	vst v63  }
0x38e: {  	s18 =	simm.s32 $0x8000;
	s17 =	sadd.s32 $0x180, s0  }
0x38f: {  	[hbm4b:s17+s2] =	stream.strided.scatter [tilespmem:s18], [sflag:$0x6], $0x400, s4, s2, $0x38;
	[tilespmem:$0x13100] =	vst v63  }
0x390: {  	s19 =	sadd.s32 $0x200, s0;
	s20 =	simm.s32 $0x8400  }
0x391: {  	[hbm4b:s19+s2] =	stream.strided.scatter [tilespmem:s20], [sflag:$0x6], $0x400, s4, s2, $0x38;
	[tilespmem:$0x13100] =	vst v63  }
0x392: {  	s21 =	sadd.s32 $0x280, s0;
	s22 =	simm.s32 $0x8800  }
0x393: {  	[hbm4b:s21+s2] =	stream.strided.scatter [tilespmem:s22], [sflag:$0x6], $0x400, s4, s2, $0x38;
	[tilespmem:$0x13100] =	vst v63  }
0x394: {  	s23 =	sadd.s32 $0x300, s0;
	s24 =	simm.s32 $0x8C00  }
0x395: {  	[hbm4b:s23+s2] =	stream.strided.scatter [tilespmem:s24], [sflag:$0x6], $0x400, s4, s2, $0x38;
	[tilespmem:$0x13100] =	vst v63  }
0x396: {  	s25 =	sadd.s32 $0x380, s0;
	s26 =	simm.s32 $0x9000  }
0x397: {  	[hbm4b:s25+s2] =	stream.strided.scatter [tilespmem:s26], [sflag:$0x6], $0x400, s4, s2, $0x38;
	[tilespmem:$0x13100] =	vst v63  }
0x398: {  	s3 =	simm.s32 $0x9400;
	s0 =	sadd.s32 $0x400, s0  }
0x399: {  	[hbm4b:s0+s2] =	stream.strided.scatter [tilespmem:s3], [sflag:$0x6], $0x400, s4, s2, $0x38;
	[tilespmem:$0x13100] =	vst v63  }
0x39a: {  	s4 =	simm.s32 $0x3  }
0x39b: {  	_ =	swait.ge [sflag:s4], $0x4800  }
0x39c: {  	[sflag:s4] =	ssyncset.done $0x0  }
0x39d: {  	s5 =	simm.s32 $0x5;
	[sflag:s4] =	ssyncadd.s32 $0xFFFFB800  }
0x39e: {  	_ =	swait.ge [sflag:s5], $0x4800  }
0x39f: {  	s0 =	sld [smem:$0x7EF];
	_ =	sdelay $0x2  }
0x3a0: {  	p0 =	seq.s32 s0, $0x1F  }
0x3a1: {  	[sflag:s5] =	ssyncset.done $0x0;
	s0 =	sshll.u32 @!p0 s0, $0x6  }
0x3a2: {  	[sflag:s5] =	ssyncadd.s32 $0xFFFFB800;
	s0 =	sand.u32 @!p0 $0x3FFFFFC0, s0  }
0x3a3: {  	v3 =	vld @!p0 [tilespmem:s0+$0x40];
	_ =	sdelay $0x4  }
0x3a4: {  	v4 =	vshrl.u32 @!p0 v3, $0x3  }
0x3a5: {  	v4 =	vmul.u32 @!p0 $0x48, v4  }
0x3a6: {  	v5 =	vlaneseq.u32 @!p0;
	v3 =	vand.u32 @!p0 $0x7, v3  }
0x3a7: {  	v6 =	vshrl.u32 @!p0 v5, $0x3;
	v3 =	vor.u32 @!p0 v3, v4;
	v4 =	vand.u32 @!p0 $0x7, v5  }
0x3a8: {  	v6 =	vmul.u32 @!p0 $0x8, v6;
	v4 =	vperm.xlane @!p0 v3, v4;
	_ =	sdelay $0x1  }
0x3a9: {  	v4 =	vadd.s32 @!p0 v6, v4;
	_ =	sdelay $0x1  }
0x3aa: {  	s3 =	sld [smem:$0x7F9]  }
0x3ab: {  	s2 =	rddreg [dreg:$0x1]  }
0x3ac: {  	vm2 =	vmmov @!p0 $0xffff;
	s1 =	simm.s32 @!p0 $0x800;
	[smem:$0x7C3] =	sst s0;
	s0 =	simm.s32 @!p0 $0x0  }
0x3ad: {  	[tilespmem:s1], [sflag:$0x1] =	stream.indirect_vreg.gather @!p0 [hbm4b:s2+s0], $0x80, v4, vm2, $0xb8;
	[tilespmem:$0x13100] =	vst v63  }
0x3ae: {  	s4 =	sld [smem:$0x7FA];
	s1 =	simm.s32 @!p0 $0x1000  }
0x3af: {  	v5 =	vor.u32 @!p0 $0x8, v5;
	[tilespmem:s1], [sflag:$0x1] =	stream.indirect_vreg.gather @!p0 [hbm4b:s3+s0], $0x80, v4, vm2, $0xb8;
	[tilespmem:$0x13100] =	vst v63  }
0x3b0: {  	s5 =	sld [smem:$0x7FB];
	v3 =	vperm.xlane @!p0 v3, v5;
	s1 =	simm.s32 @!p0 $0x1800  }
0x3b1: {  	[tilespmem:s1], [sflag:$0x1] =	stream.indirect_vreg.gather @!p0 [hbm4b:s4+s0], $0x80, v4, vm2, $0xb8;
	[tilespmem:$0x13100] =	vst v63  }
0x3b2: {  	s6 =	sld [smem:$0x7FC];
	v3 =	vadd.s32 @!p0 v6, v3;
	s1 =	simm.s32 @!p0 $0x2000  }
0x3b3: {  	[tilespmem:s1], [sflag:$0x1] =	stream.indirect_vreg.gather @!p0 [hbm4b:s5+s0], $0x80, v4, vm2, $0xb8;
	[tilespmem:$0x13100] =	vst v63  }
0x3b4: {  	vm3 =	vmmov @!p0 $0xff;
	s1 =	simm.s32 @!p0 $0x2800  }
0x3b5: {  	[tilespmem:s1], [sflag:$0x1] =	stream.indirect_vreg.gather @!p0 [hbm4b:s6+s0], $0x80, v4, vm3, $0xb8;
	[tilespmem:$0x13100] =	vst v63  }
0x3b6: {  	s1 =	simm.s32 @!p0 $0x2C00  }
0x3b7: {  	[tilespmem:s1], [sflag:$0x1] =	stream.indirect_vreg.gather @!p0 [hbm4b:s2+s0], $0x80, v3, vm2, $0xb8;
	[tilespmem:$0x13100] =	vst v63  }
0x3b8: {  	s1 =	simm.s32 @!p0 $0x3400  }
0x3b9: {  	[tilespmem:s1], [sflag:$0x1] =	stream.indirect_vreg.gather @!p0 [hbm4b:s3+s0], $0x80, v3, vm2, $0xb8;
	[tilespmem:$0x13100] =	vst v63  }
0x3ba: {  	s1 =	simm.s32 @!p0 $0x3C00  }
0x3bb: {  	[tilespmem:s1], [sflag:$0x1] =	stream.indirect_vreg.gather @!p0 [hbm4b:s4+s0], $0x80, v3, vm2, $0xb8;
	[tilespmem:$0x13100] =	vst v63  }
0x3bc: {  	s1 =	simm.s32 @!p0 $0x4400  }
0x3bd: {  	[tilespmem:s1], [sflag:$0x1] =	stream.indirect_vreg.gather @!p0 [hbm4b:s5+s0], $0x80, v3, vm2, $0xb8;
	[tilespmem:$0x13100] =	vst v63  }
0x3be: {  	s1 =	simm.s32 @!p0 $0x4C00  }
0x3bf: {  	[tilespmem:s1], [sflag:$0x1] =	stream.indirect_vreg.gather @!p0 [hbm4b:s6+s0], $0x80, v3, vm3, $0xb8;
	[tilespmem:$0x13100] =	vst v63  }
0x3c0: {  	s23 =	rddreg [dreg:$0x5];
	s6 =	simm.s32 $0x0  }
0x3c1: {  	s7 =	sadd.s32 $0x0, s23;
	s10 =	sand.u32 $0x40, s6;
	s22 =	sand.u32 $0x3C00, s6  }
0x3c2: {  	s0 =	sand.u32 $0xF80, s7;
	s8 =	sadd.s32 $0x9800, s22;
	s9 =	sor.u32 $0x30, s10  }
0x3c3: {  	s0 =	sadd.s32 $0x12800, s0;
	s11 =	sor.u32 s9, s8  }
0x3c4: {  	s12 =	sor.u32 s9, s0;
	v3 =	vld [tilespmem:s11+$0x0]  }
0x3c5: {  	v14 =	vld [tilespmem:s12+$0x0]  }
0x3c6: {  	v4 =	vld [tilespmem:s11+$0x80]  }
0x3c7: {  	v5 =	vld [tilespmem:s11+$0x100]  }
0x3c8: {  	v6 =	vld [tilespmem:s11+$0x180]  }
0x3c9: {  	p1 =	por $0x0, $0x0  }
0x3ca: {  	s4 =	simm.s32 $0x1;
	s15 =	sor.u32 $0x10, s10;
	s13 =	sor.u32 s10, s0;
	v3 =	vadd.f32 v3, v14  }
0x3cb: {  	s4 =	simm.s32 @!p1 $0x0;
	s17 =	sor.u32 $0x20, s10;
	s14 =	sor.u32 s15, s0;
	v12 =	vld [tilespmem:s13+$0x0];
	v4 =	vadd.f32 v4, v14  }
0x3cc: {  	s16 =	sshll.u32 s4, $0x6;
	s0 =	sor.u32 s17, s0;
	v11 =	vld [tilespmem:s14+$0x0];
	v5 =	vadd.f32 v5, v14;
	[tilespmem:s11+$0x0] =	vst v3  }
0x3cd: {  	s18 =	sor.u32 s10, s8;
	v3 =	vld [tilespmem:s0+$0x0];
	s0 =	sadd.s32 $0x0, s16;
	[tilespmem:s11+$0x80] =	vst v4;
	v4 =	vadd.f32 v6, v14  }
0x3ce: {  	v6 =	vld [tilespmem:s18+$0x0];
	[tilespmem:s11+$0x100] =	vst v5;
	s1 =	sadd.s32 $0x30, s0  }
0x3cf: {  	v5 =	vld [tilespmem:s18+$0x80];
	[tilespmem:s11+$0x180] =	vst v4;
	s19 =	sor.u32 $0x200, s1  }
0x3d0: {  	v4 =	vld [tilespmem:s19+$0x9800]  }
0x3d1: {  	v7 =	vld [tilespmem:s18+$0x100]  }
0x3d2: {  	s20 =	sor.u32 s15, s8;
	v8 =	vld [tilespmem:s18+$0x180]  }
0x3d3: {  	v9 =	vld [tilespmem:s20+$0x0];
	v6 =	vadd.f32 v6, v12  }
0x3d4: {  	v10 =	vld [tilespmem:s20+$0x80];
	v5 =	vadd.f32 v5, v12  }
0x3d5: {  	[tilespmem:s18+$0x0] =	vst v6;
	v6 =	vld [tilespmem:s20+$0x100];
	v4 =	vadd.f32 v4, v14  }
0x3d6: {  	s2 =	sor.u32 s17, s8;
	v7 =	vadd.f32 v7, v12;
	[tilespmem:s18+$0x80] =	vst v5;
	v5 =	vld [tilespmem:s20+$0x180]  }
0x3d7: {  	v13 =	vld [tilespmem:s2+$0x0];
	v8 =	vadd.f32 v8, v12;
	s21 =	sor.u32 $0x280, s1;
	[tilespmem:s19+$0x9800] =	vst v4  }
0x3d8: {  	[tilespmem:s18+$0x100] =	vst v7;
	v4 =	vadd.f32 v9, v11;
	v7 =	vld [tilespmem:s21+$0x9800]  }
0x3d9: {  	[tilespmem:s18+$0x180] =	vst v8;
	v8 =	vadd.f32 v10, v11;
	v9 =	vld [tilespmem:s2+$0x80]  }
0x3da: {  	[tilespmem:s20+$0x0] =	vst v4;
	v4 =	vadd.f32 v6, v11;
	v6 =	vld [tilespmem:s2+$0x100]  }
0x3db: {  	[tilespmem:s20+$0x80] =	vst v8;
	v8 =	vld [tilespmem:s2+$0x180];
	v5 =	vadd.f32 v5, v11  }
0x3dc: {  	s24 =	sor.u32 $0x200, s0;
	[tilespmem:s20+$0x100] =	vst v4;
	v4 =	vadd.f32 v13, v3  }
0x3dd: {  	v10 =	vld [tilespmem:s24+$0x9800];
	[tilespmem:s20+$0x180] =	vst v5;
	v5 =	vadd.f32 v7, v14  }
0x3de: {  	[tilespmem:s2+$0x0] =	vst v4;
	v4 =	vadd.f32 v9, v3  }
0x3df: {  	s6 =	sadd.s32 $0x10, s0;
	v6 =	vadd.f32 v6, v3;
	[tilespmem:s21+$0x9800] =	vst v5  }
0x3e0: {  	s25 =	sor.u32 $0x200, s6;
	[tilespmem:s2+$0x80] =	vst v4;
	v4 =	vadd.f32 v8, v3  }
0x3e1: {  	s26 =	sadd.s32 $0x20, s0;
	s11 =	sor.u32 $0x300, s1;
	v5 =	vld [tilespmem:s25+$0x9800];
	[tilespmem:s2+$0x100] =	vst v6  }
0x3e2: {  	s12 =	sor.u32 $0x200, s26;
	v6 =	vadd.f32 v10, v12;
	v7 =	vld [tilespmem:s11+$0x9800];
	[tilespmem:s2+$0x180] =	vst v4  }
0x3e3: {  	v4 =	vld [tilespmem:s12+$0x9800]  }
0x3e4: {  	s13 =	sor.u32 $0x280, s0;
	[tilespmem:s24+$0x9800] =	vst v6  }
0x3e5: {  	v6 =	vld [tilespmem:s13+$0x9800]  }
0x3e6: {  	v5 =	vadd.f32 v5, v11  }
0x3e7: {  	v7 =	vadd.f32 v7, v14  }
0x3e8: {  	s14 =	sor.u32 $0x280, s6;
	[tilespmem:s25+$0x9800] =	vst v5;
	v4 =	vadd.f32 v4, v3  }
0x3e9: {  	s16 =	sor.u32 $0x380, s1;
	v5 =	vld [tilespmem:s14+$0x9800];
	[tilespmem:s11+$0x9800] =	vst v7  }
0x3ea: {  	s18 =	sor.u32 $0x280, s26;
	v6 =	vadd.f32 v6, v12;
	v7 =	vld [tilespmem:s16+$0x9800];
	[tilespmem:s12+$0x9800] =	vst v4  }
0x3eb: {  	v4 =	vld [tilespmem:s18+$0x9800]  }
0x3ec: {  	s19 =	sor.u32 $0x300, s0;
	[tilespmem:s13+$0x9800] =	vst v6  }
0x3ed: {  	v6 =	vld [tilespmem:s19+$0x9800]  }
0x3ee: {  	v5 =	vadd.f32 v5, v11  }
0x3ef: {  	v7 =	vadd.f32 v7, v14  }
0x3f0: {  	s1 =	sadd.s32 $0xBC00, s22;
	s20 =	sor.u32 $0x300, s6;
	[tilespmem:s14+$0x9800] =	vst v5;
	v4 =	vadd.f32 v4, v3  }
0x3f1: {  	s21 =	sor.u32 s9, s1;
	v5 =	vld [tilespmem:s20+$0x9800];
	[tilespmem:s16+$0x9800] =	vst v7  }
0x3f2: {  	s24 =	sor.u32 $0x300, s26;
	v6 =	vadd.f32 v6, v12;
	v7 =	vld [tilespmem:s21+$0x0];
	[tilespmem:s18+$0x9800] =	vst v4  }
0x3f3: {  	v4 =	vld [tilespmem:s24+$0x9800]  }
0x3f4: {  	s0 =	sor.u32 $0x380, s0;
	[tilespmem:s19+$0x9800] =	vst v6  }
0x3f5: {  	v6 =	vld [tilespmem:s0+$0x9800]  }
0x3f6: {  	v5 =	vadd.f32 v5, v11  }
0x3f7: {  	s3 =	sadd.s32 $0xBC80, s22;
	s25 =	sor.u32 $0x380, s6;
	v7 =	vadd.f32 v7, v14  }
0x3f8: {  	s6 =	sor.u32 $0x380, s26;
	s14 =	simm.s32 $0x200;
	s16 =	simm.s32 $0x40;
	[tilespmem:s20+$0x9800] =	vst v5;
	v4 =	vadd.f32 v4, v3  }
0x3f9: {  	s26 =	sor.u32 s9, s3;
	s5 =	sand.u32 $0x40, s16;
	v5 =	vld [tilespmem:s25+$0x9800];
	[tilespmem:s21+$0x0] =	vst v7;
	s21 =	sand.u32 $0x3C00, s14  }
0x3fa: {  	s18 =	sadd.s32 $0x40, s23;
	s4 =	sor.u32 $0x30, s5;
	v6 =	vadd.f32 v6, v12;
	v7 =	vld [tilespmem:s26+$0x0];
	s11 =	sadd.s32 $0x9800, s21;
	[tilespmem:s24+$0x9800] =	vst v4  }
0x3fb: {  	s19 =	sand.u32 $0xF80, s18;
	s13 =	sor.u32 s4, s11;
	v4 =	vld [tilespmem:s6+$0x9800]  }
0x3fc: {  	s8 =	sor.u32 s10, s1;
	s20 =	sadd.s32 $0x12800, s19;
	[tilespmem:s0+$0x9800] =	vst v6;
	v8 =	vld [tilespmem:s13+$0x0]  }
0x3fd: {  	s0 =	sor.u32 s4, s20;
	v6 =	vld [tilespmem:s8+$0x0]  }
0x3fe: {  	v13 =	vld [tilespmem:s0+$0x0]  }
0x3ff: {  	v9 =	vld [tilespmem:s13+$0x80];
	v5 =	vadd.f32 v5, v11  }
0x400: {  	v10 =	vld [tilespmem:s13+$0x100];
	v7 =	vadd.f32 v7, v14  }
0x401: {  	[tilespmem:s25+$0x9800] =	vst v5;
	v5 =	vld [tilespmem:s13+$0x180];
	v4 =	vadd.f32 v4, v3  }
0x402: {  	s2 =	sadd.s32 $0xBD00, s22;
	s24 =	sor.u32 s15, s1;
	[tilespmem:s26+$0x0] =	vst v7;
	v6 =	vadd.f32 v6, v12  }
0x403: {  	p1 =	por !p1, !p1;
	s25 =	sor.u32 s9, s2;
	v15 =	vld [tilespmem:s24+$0x0];
	[tilespmem:s6+$0x9800] =	vst v4;
	v4 =	vadd.f32 v8, v13;
	s6 =	simm.s32 $0x1  }
0x404: {  	s30 =	sor.u32 $0x20, s5;
	v7 =	vld [tilespmem:s25+$0x0];
	[tilespmem:s8+$0x0] =	vst v6;
	s6 =	simm.s32 @!p1 $0x0;
	v6 =	vadd.f32 v9, v13  }
0x405: {  	s14 =	sor.u32 s30, s11;
	s6 =	sshll.u32 s6, $0x6;
	[tilespmem:s13+$0x0] =	vst v4;
	v4 =	vadd.f32 v10, v13  }
0x406: {  	s16 =	sor.u32 s17, s1;
	v43 =	vld [tilespmem:s14+$0x80];
	v5 =	vadd.f32 v5, v13;
	s1 =	sadd.s32 $0x200, s6;
	[tilespmem:s13+$0x80] =	vst v6  }
0x407: {  	s18 =	sor.u32 s10, s3;
	v8 =	vld [tilespmem:s16+$0x0];
	[tilespmem:s13+$0x100] =	vst v4;
	s7 =	sadd.s32 $0x30, s1  }
0x408: {  	v9 =	vld [tilespmem:s18+$0x0];
	v6 =	vadd.f32 v15, v11;
	[tilespmem:s13+$0x180] =	vst v5;
	s13 =	sor.u32 $0x200, s7  }
0x409: {  	s26 =	sor.u32 s5, s20;
	v4 =	vadd.f32 v7, v14;
	v7 =	vld [tilespmem:s13+$0x9800]  }
0x40a: {  	s19 =	sor.u32 s15, s3;
	s6 =	sadd.s32 $0xBD80, s22;
	[tilespmem:s24+$0x0] =	vst v6;
	v6 =	vld [tilespmem:s26+$0x0]  }
0x40b: {  	s8 =	sor.u32 s9, s6;
	s24 =	sor.u32 $0x10, s5;
	v10 =	vld [tilespmem:s19+$0x0];
	[tilespmem:s25+$0x0] =	vst v4  }
0x40c: {  	s0 =	sor.u32 s24, s20;
	v15 =	vld [tilespmem:s8+$0x0]  }
0x40d: {  	s25 =	sor.u32 s30, s20;
	v5 =	vld [tilespmem:s0+$0x0]  }
0x40e: {  	s20 =	sor.u32 s5, s11;
	v4 =	vld [tilespmem:s25+$0x0];
	v7 =	vadd.f32 v7, v13  }
0x40f: {  	v16 =	vld [tilespmem:s20+$0x0]  }
0x410: {  	s26 =	sor.u32 $0x280, s7;
	v17 =	vld [tilespmem:s20+$0x80];
	[tilespmem:s13+$0x9800] =	vst v7  }
0x411: {  	v8 =	vadd.f32 v8, v3;
	v7 =	vld [tilespmem:s26+$0x9800]  }
0x412: {  	v18 =	vld [tilespmem:s20+$0x100];
	v9 =	vadd.f32 v9, v12  }
0x413: {  	v19 =	vld [tilespmem:s20+$0x180];
	[tilespmem:s16+$0x0] =	vst v8  }
0x414: {  	[tilespmem:s18+$0x0] =	vst v9;
	v8 =	vadd.f32 v10, v11;
	v9 =	vadd.f32 v16, v6;
	v16 =	vld [tilespmem:s14+$0x0];
	s13 =	sor.u32 s24, s11  }
0x415: {  	v20 =	vld [tilespmem:s13+$0x0]  }
0x416: {  	s23 =	sadd.s32 $0x80, s23;
	s0 =	simm.s32 $0x80;
	[tilespmem:s19+$0x0] =	vst v8;
	v21 =	vld [tilespmem:s13+$0x80];
	v7 =	vadd.f32 v7, v13  }
0x417: {  	s23 =	sand.u32 $0xF80, s23;
	s31 =	sand.u32 $0x40, s0;
	v8 =	vadd.f32 v18, v6;
	v22 =	vld [tilespmem:s13+$0x100];
	[tilespmem:s20+$0x0] =	vst v9  }
0x418: {  	s25 =	sor.u32 $0x300, s7;
	s0 =	sor.u32 $0x30, s31;
	s11 =	sadd.s32 $0x12800, s23;
	v10 =	vld [tilespmem:s13+$0x180];
	[tilespmem:s26+$0x9800] =	vst v7;
	v7 =	vadd.f32 v17, v6  }
0x419: {  	[tilespmem:s20+$0x100] =	vst v8;
	s26 =	sor.u32 s0, s11;
	v17 =	vld [tilespmem:s25+$0x9800]  }
0x41a: {  	s29 =	sor.u32 $0x10, s31;
	v18 =	vadd.f32 v19, v6;
	s18 =	sor.u32 s31, s11;
	v9 =	vld [tilespmem:s26+$0x0];
	[tilespmem:s20+$0x80] =	vst v7  }
0x41b: {  	v19 =	vadd.f32 v20, v5;
	v7 =	vld [tilespmem:s18+$0x0];
	[smem:$0x7C5] =	sst s29  }
0x41c: {  	s19 =	sor.u32 s29, s11;
	[tilespmem:s20+$0x180] =	vst v18  }
0x41d: {  	s28 =	sor.u32 $0x20, s31;
	v18 =	vadd.f32 v21, v5;
	v8 =	vld [tilespmem:s19+$0x0];
	[tilespmem:s13+$0x0] =	vst v19  }
0x41e: {  	s11 =	sor.u32 s28, s11;
	v19 =	vadd.f32 v22, v5;
	v44 =	vld [tilespmem:s14+$0x100];
	[smem:$0x7C6] =	sst s28  }
0x41f: {  	[tilespmem:s13+$0x80] =	vst v18;
	v18 =	vadd.f32 v10, v5;
	v10 =	vld [tilespmem:s11+$0x0]  }
0x420: {  	s12 =	sadd.s32 $0x10, s1;
	s18 =	sor.u32 $0x200, s1;
	[tilespmem:s13+$0x100] =	vst v19;
	v19 =	vld [tilespmem:s14+$0x180];
	v17 =	vadd.f32 v17, v13  }
0x421: {  	v15 =	vadd.f32 v15, v14;
	s19 =	sor.u32 $0x200, s12;
	[tilespmem:s13+$0x180] =	vst v18;
	v18 =	vld [tilespmem:s18+$0x9800]  }
0x422: {  	v16 =	vadd.f32 v16, v4;
	s20 =	sor.u32 $0x380, s7;
	s11 =	sadd.s32 $0xBE00, s22;
	[tilespmem:s25+$0x9800] =	vst v17;
	v17 =	vld [tilespmem:s19+$0x9800]  }
0x423: {  	[tilespmem:s8+$0x0] =	vst v15;
	v15 =	vadd.f32 v43, v4;
	s26 =	sor.u32 s9, s11;
	v45 =	vld [tilespmem:s20+$0x9800]  }
0x424: {  	s3 =	sor.u32 s17, s3;
	[tilespmem:s14+$0x0] =	vst v16;
	v16 =	vld [tilespmem:s26+$0x0];
	v21 =	vadd.f32 v44, v4  }
0x425: {  	s23 =	sor.u32 s10, s2;
	[tilespmem:s14+$0x80] =	vst v15;
	v15 =	vld [tilespmem:s3+$0x0];
	v19 =	vadd.f32 v19, v4  }
0x426: {  	v46 =	vld [tilespmem:s23+$0x0];
	s25 =	sor.u32 s15, s2;
	s13 =	sadd.s32 $0x20, s1;
	[tilespmem:s14+$0x100] =	vst v21;
	v18 =	vadd.f32 v18, v6  }
0x427: {  	[tilespmem:s14+$0x180] =	vst v19;
	v19 =	vld [tilespmem:s25+$0x0];
	s14 =	sor.u32 $0x200, s13;
	v17 =	vadd.f32 v17, v5  }
0x428: {  	v20 =	vadd.f32 v45, v13;
	[tilespmem:s18+$0x9800] =	vst v18;
	v18 =	vld [tilespmem:s14+$0x9800];
	s18 =	sor.u32 $0x280, s1  }
0x429: {  	s7 =	sadd.s32 $0xBC00, s21;
	v16 =	vadd.f32 v16, v14;
	[tilespmem:s19+$0x9800] =	vst v17;
	v17 =	vld [tilespmem:s18+$0x9800];
	s19 =	sor.u32 $0x280, s12  }
0x42a: {  	s16 =	sor.u32 s4, s7;
	s8 =	sadd.s32 $0xBE80, s22;
	v15 =	vadd.f32 v15, v3;
	[tilespmem:s20+$0x9800] =	vst v20;
	v47 =	vld [tilespmem:s19+$0x9800]  }
0x42b: {  	[tilespmem:s26+$0x0] =	vst v16;
	v16 =	vadd.f32 v46, v12;
	s20 =	sor.u32 s9, s8;
	v48 =	vld [tilespmem:s16+$0x0]  }
0x42c: {  	[tilespmem:s3+$0x0] =	vst v15;
	s26 =	sor.u32 s17, s2;
	v15 =	vld [tilespmem:s20+$0x0];
	v19 =	vadd.f32 v19, v11  }
0x42d: {  	[tilespmem:s23+$0x0] =	vst v16;
	v16 =	vld [tilespmem:s26+$0x0];
	s23 =	sor.u32 s10, s6;
	v18 =	vadd.f32 v18, v4  }
0x42e: {  	[tilespmem:s25+$0x0] =	vst v19;
	v19 =	vld [tilespmem:s23+$0x0];
	s25 =	sor.u32 s15, s6;
	v17 =	vadd.f32 v17, v6  }
0x42f: {  	[tilespmem:s14+$0x9800] =	vst v18;
	v18 =	vld [tilespmem:s25+$0x0];
	v20 =	vadd.f32 v47, v5;
	s14 =	sor.u32 $0x280, s13  }
0x430: {  	v21 =	vadd.f32 v48, v13;
	[tilespmem:s18+$0x9800] =	vst v17;
	v17 =	vld [tilespmem:s14+$0x9800];
	s18 =	sor.u32 $0x300, s1  }
0x431: {  	s2 =	sadd.s32 $0xBC80, s21;
	v15 =	vadd.f32 v15, v14;
	[tilespmem:s19+$0x9800] =	vst v20;
	v49 =	vld [tilespmem:s18+$0x9800];
	s19 =	sor.u32 $0x300, s12  }
0x432: {  	v16 =	vadd.f32 v16, v3;
	[tilespmem:s16+$0x0] =	vst v21;
	s16 =	sor.u32 s4, s2;
	v50 =	vld [tilespmem:s19+$0x9800]  }
0x433: {  	[tilespmem:s20+$0x0] =	vst v15;
	v15 =	vadd.f32 v19, v12;
	v19 =	vld [tilespmem:s16+$0x0]  }
0x434: {  	s3 =	sadd.s32 $0xBF00, s22;
	[tilespmem:s26+$0x0] =	vst v16;
	v18 =	vadd.f32 v18, v11  }
0x435: {  	s20 =	sor.u32 s9, s3;
	[tilespmem:s23+$0x0] =	vst v15;
	v17 =	vadd.f32 v17, v4  }
0x436: {  	s26 =	sor.u32 s17, s6;
	v16 =	vld [tilespmem:s20+$0x0];
	[tilespmem:s25+$0x0] =	vst v18;
	v20 =	vadd.f32 v49, v6  }
0x437: {  	v15 =	vld [tilespmem:s26+$0x0];
	s23 =	sor.u32 s10, s11;
	[tilespmem:s14+$0x9800] =	vst v17;
	v21 =	vadd.f32 v50, v5  }
0x438: {  	v18 =	vld [tilespmem:s23+$0x0];
	s25 =	sor.u32 s15, s11;
	v19 =	vadd.f32 v19, v13;
	[tilespmem:s18+$0x9800] =	vst v20  }
0x439: {  	v17 =	vld [tilespmem:s25+$0x0];
	s14 =	sor.u32 $0x300, s13;
	[tilespmem:s19+$0x9800] =	vst v21  }
0x43a: {  	s22 =	sadd.s32 $0xBF80, s22;
	s18 =	sor.u32 $0x380, s1;
	v51 =	vld [tilespmem:s14+$0x9800];
	[tilespmem:s16+$0x0] =	vst v19  }
0x43b: {  	s12 =	sor.u32 $0x380, s12;
	s6 =	sadd.s32 $0xBD00, s21;
	v16 =	vadd.f32 v16, v14;
	v52 =	vld [tilespmem:s18+$0x9800];
	[smem:$0x7C4] =	sst s22  }
0x43c: {  	v15 =	vadd.f32 v15, v3;
	s16 =	sor.u32 s4, s6;
	v19 =	vld [tilespmem:s12+$0x9800]  }
0x43d: {  	s19 =	sor.u32 s9, s22;
	[tilespmem:s20+$0x0] =	vst v16;
	v16 =	vadd.f32 v18, v12;
	v18 =	vld [tilespmem:s16+$0x0]  }
0x43e: {  	[tilespmem:s26+$0x0] =	vst v15;
	s20 =	sor.u32 s17, s11;
	v15 =	vld [tilespmem:s19+$0x0];
	v17 =	vadd.f32 v17, v11  }
0x43f: {  	s22 =	sor.u32 s10, s8;
	[tilespmem:s23+$0x0] =	vst v16;
	v16 =	vld [tilespmem:s20+$0x0];
	v20 =	vadd.f32 v51, v4  }
0x440: {  	s23 =	sor.u32 s15, s8;
	[tilespmem:s25+$0x0] =	vst v17;
	v17 =	vld [tilespmem:s22+$0x0];
	v21 =	vadd.f32 v52, v6  }
0x441: {  	s13 =	sor.u32 $0x380, s13;
	[tilespmem:s14+$0x9800] =	vst v20;
	v53 =	vld [tilespmem:s23+$0x0];
	v19 =	vadd.f32 v19, v5  }
0x442: {  	s14 =	sor.u32 s5, s7;
	[tilespmem:s18+$0x9800] =	vst v21;
	v54 =	vld [tilespmem:s13+$0x9800];
	v18 =	vadd.f32 v18, v13;
	s18 =	simm.s32 $0x400  }
0x443: {  	s11 =	sadd.s32 $0xBD80, s21;
	s25 =	sor.u32 s24, s7;
	v14 =	vadd.f32 v15, v14;
	v15 =	vld [tilespmem:s14+$0x0];
	s1 =	sand.u32 $0x3C00, s18;
	[tilespmem:s12+$0x9800] =	vst v19  }
0x444: {  	s26 =	sor.u32 s4, s11;
	[tilespmem:s16+$0x0] =	vst v18;
	v16 =	vadd.f32 v16, v3;
	s16 =	sadd.s32 $0x9800, s1;
	v18 =	vld [tilespmem:s25+$0x0]  }
0x445: {  	[tilespmem:s19+$0x0] =	vst v14;
	v14 =	vadd.f32 v17, v12;
	v17 =	vld [tilespmem:s26+$0x0];
	s9 =	sor.u32 s0, s16  }
0x446: {  	[tilespmem:s20+$0x0] =	vst v16;
	v16 =	vadd.f32 v53, v11;
	v19 =	vld [tilespmem:s9+$0x0]  }
0x447: {  	v55 =	vld [tilespmem:s9+$0x80];
	[tilespmem:s22+$0x0] =	vst v14;
	v14 =	vadd.f32 v54, v4  }
0x448: {  	[tilespmem:s23+$0x0] =	vst v16;
	v15 =	vadd.f32 v15, v6;
	v16 =	vld [tilespmem:s9+$0x100]  }
0x449: {  	s8 =	sor.u32 s17, s8;
	[tilespmem:s13+$0x9800] =	vst v14;
	v14 =	vadd.f32 v18, v5;
	v18 =	vld [tilespmem:s9+$0x180]  }
0x44a: {  	s13 =	sor.u32 s10, s3;
	[tilespmem:s14+$0x0] =	vst v15;
	v15 =	vld [tilespmem:s8+$0x0];
	v17 =	vadd.f32 v17, v13  }
0x44b: {  	p1 =	por !p1, !p1;
	s12 =	simm.s32 $0x1;
	s20 =	sor.u32 s15, s3;
	v19 =	vadd.f32 v19, v9;
	[tilespmem:s25+$0x0] =	vst v14;
	v14 =	vld [tilespmem:s13+$0x0]  }
0x44c: {  	s18 =	sor.u32 s30, s7;
	s7 =	sadd.s32 $0xBE00, s21;
	s12 =	simm.s32 @!p1 $0x0;
	v20 =	vadd.f32 v55, v9;
	[tilespmem:s26+$0x0] =	vst v17;
	v17 =	vld [tilespmem:s20+$0x0]  }
0x44d: {  	s12 =	sshll.u32 s12, $0x6;
	s22 =	sor.u32 s4, s7;
	v56 =	vld [tilespmem:s18+$0x0];
	[tilespmem:s9+$0x0] =	vst v19;
	v16 =	vadd.f32 v16, v9  }
0x44e: {  	s23 =	sor.u32 s5, s2;
	s14 =	sadd.s32 $0x400, s12;
	v19 =	vld [tilespmem:s22+$0x0];
	[tilespmem:s9+$0x80] =	vst v20;
	v18 =	vadd.f32 v18, v9  }
0x44f: {  	v57 =	vld [tilespmem:s23+$0x0];
	s12 =	sadd.s32 $0x30, s14;
	s25 =	sor.u32 s24, s2;
	v15 =	vadd.f32 v15, v3;
	[tilespmem:s9+$0x100] =	vst v16  }
0x450: {  	s26 =	sor.u32 $0x200, s12;
	v16 =	vld [tilespmem:s25+$0x0];
	[tilespmem:s9+$0x180] =	vst v18;
	v14 =	vadd.f32 v14, v12  }
0x451: {  	[tilespmem:s8+$0x0] =	vst v15;
	v15 =	vadd.f32 v17, v11;
	s9 =	sor.u32 s31, s16;
	v17 =	vld [tilespmem:s26+$0x9800]  }
0x452: {  	v18 =	vld [tilespmem:s9+$0x0];
	[tilespmem:s13+$0x0] =	vst v14;
	v14 =	vadd.f32 v56, v4  }
0x453: {  	v19 =	vadd.f32 v19, v13;
	[tilespmem:s20+$0x0] =	vst v15;
	v15 =	vld [tilespmem:s9+$0x80]  }
0x454: {  	v58 =	vld [tilespmem:s9+$0x100];
	s13 =	sadd.s32 $0xBE80, s21;
	[tilespmem:s18+$0x0] =	vst v14;
	v14 =	vadd.f32 v57, v6  }
0x455: {  	[tilespmem:s22+$0x0] =	vst v19;
	v16 =	vadd.f32 v16, v5;
	v19 =	vld [tilespmem:s9+$0x180];
	s20 =	sor.u32 s4, s13  }
0x456: {  	s22 =	sor.u32 s29, s16;
	[tilespmem:s23+$0x0] =	vst v14;
	v14 =	vld [tilespmem:s20+$0x0];
	v17 =	vadd.f32 v17, v9  }
0x457: {  	[tilespmem:s25+$0x0] =	vst v16;
	v16 =	vadd.f32 v18, v7;
	v18 =	vld [tilespmem:s22+$0x0]  }
0x458: {  	v15 =	vadd.f32 v15, v7;
	[tilespmem:s26+$0x9800] =	vst v17;
	v17 =	vld [tilespmem:s22+$0x80]  }
0x459: {  	v59 =	vld [tilespmem:s22+$0x100];
	[tilespmem:s9+$0x0] =	vst v16;
	v16 =	vadd.f32 v58, v7  }
0x45a: {  	s26 =	sor.u32 $0x280, s12;
	[tilespmem:s9+$0x80] =	vst v15;
	v15 =	vadd.f32 v19, v7;
	v19 =	vld [tilespmem:s22+$0x180]  }
0x45b: {  	s23 =	sor.u32 s28, s16;
	[tilespmem:s9+$0x100] =	vst v16;
	v16 =	vld [tilespmem:s26+$0x9800];
	v14 =	vadd.f32 v14, v13  }
0x45c: {  	[tilespmem:s9+$0x180] =	vst v15;
	v15 =	vadd.f32 v18, v8;
	v18 =	vld [tilespmem:s23+$0x0]  }
0x45d: {  	[tilespmem:s20+$0x0] =	vst v14;
	v14 =	vadd.f32 v17, v8;
	v17 =	vld [tilespmem:s23+$0x80]  }
0x45e: {  	v60 =	vld [tilespmem:s23+$0x100];
	[tilespmem:s22+$0x0] =	vst v15;
	v15 =	vadd.f32 v59, v8;
	s20 =	sadd.s32 $0xBF00, s21  }
0x45f: {  	s25 =	sor.u32 s4, s20;
	[tilespmem:s22+$0x80] =	vst v14;
	v14 =	vadd.f32 v19, v8;
	v19 =	vld [tilespmem:s23+$0x180]  }
0x460: {  	s16 =	sadd.s32 $0x10, s14;
	s9 =	sor.u32 $0x200, s14;
	[tilespmem:s22+$0x100] =	vst v15;
	v15 =	vld [tilespmem:s25+$0x0];
	v16 =	vadd.f32 v16, v9  }
0x461: {  	[tilespmem:s22+$0x180] =	vst v14;
	v14 =	vadd.f32 v18, v10;
	v18 =	vld [tilespmem:s9+$0x9800];
	s22 =	sor.u32 $0x200, s16  }
0x462: {  	s19 =	sor.u32 s30, s2;
	[tilespmem:s26+$0x9800] =	vst v16;
	v16 =	vld [tilespmem:s22+$0x9800];
	v17 =	vadd.f32 v17, v10  }
0x463: {  	v61 =	vld [tilespmem:s19+$0x0];
	s26 =	sor.u32 $0x300, s12;
	[tilespmem:s23+$0x0] =	vst v14;
	v14 =	vadd.f32 v60, v10  }
0x464: {  	s28 =	sor.u32 s5, s6;
	[tilespmem:s23+$0x80] =	vst v17;
	v17 =	vadd.f32 v19, v10;
	v19 =	vld [tilespmem:s26+$0x9800]  }
0x465: {  	s2 =	sadd.s32 $0x20, s14;
	s29 =	sor.u32 s24, s6;
	v15 =	vadd.f32 v15, v13;
	[tilespmem:s23+$0x100] =	vst v14;
	v14 =	vld [tilespmem:s28+$0x0]  }
0x466: {  	s8 =	sadd.s32 $0xBF80, s21;
	s21 =	sor.u32 $0x200, s2;
	[tilespmem:s23+$0x180] =	vst v17;
	v17 =	vadd.f32 v18, v7;
	v18 =	vld [tilespmem:s29+$0x0]  }
0x467: {  	s4 =	sor.u32 s4, s8;
	[tilespmem:s25+$0x0] =	vst v15;
	v15 =	vadd.f32 v16, v8;
	v16 =	vld [tilespmem:s21+$0x9800]  }
0x468: {  	v62 =	vld [tilespmem:s4+$0x0];
	[tilespmem:s9+$0x9800] =	vst v17;
	v17 =	vadd.f32 v61, v4;
	s9 =	sor.u32 $0x280, s14  }
0x469: {  	s25 =	sor.u32 $0x280, s16;
	[tilespmem:s22+$0x9800] =	vst v15;
	v15 =	vld [tilespmem:s9+$0x9800];
	v19 =	vadd.f32 v19, v9  }
0x46a: {  	s6 =	sor.u32 s30, s6;
	[tilespmem:s19+$0x0] =	vst v17;
	v17 =	vld [tilespmem:s25+$0x9800];
	v14 =	vadd.f32 v14, v6  }
0x46b: {  	s12 =	sor.u32 $0x380, s12;
	[tilespmem:s26+$0x9800] =	vst v19;
	v18 =	vadd.f32 v18, v5;
	v19 =	vld [tilespmem:s6+$0x0]  }
0x46c: {  	s19 =	sor.u32 s5, s11;
	[tilespmem:s28+$0x0] =	vst v14;
	v14 =	vadd.f32 v16, v10;
	v16 =	vld [tilespmem:s12+$0x9800]  }
0x46d: {  	s23 =	sor.u32 s24, s11;
	v13 =	vadd.f32 v62, v13;
	[tilespmem:s29+$0x0] =	vst v18;
	v18 =	vld [tilespmem:s19+$0x0]  }
0x46e: {  	[tilespmem:s21+$0x9800] =	vst v14;
	v14 =	vadd.f32 v15, v7;
	v15 =	vld [tilespmem:s23+$0x0];
	s21 =	sor.u32 $0x280, s2  }
0x46f: {  	[tilespmem:s4+$0x0] =	vst v13;
	s4 =	sor.u32 s17, s3;
	v13 =	vadd.f32 v17, v8;
	v17 =	vld [tilespmem:s21+$0x9800]  }
0x470: {  	[tilespmem:s9+$0x9800] =	vst v14;
	v14 =	vadd.f32 v19, v4;
	v19 =	vld [tilespmem:s4+$0x0]  }
0x471: {  	[tilespmem:s25+$0x9800] =	vst v13;
	v16 =	vadd.f32 v16, v9  }
0x472: {  	s18 =	sor.u32 $0x300, s14;
	[tilespmem:s6+$0x0] =	vst v14;
	v18 =	vadd.f32 v18, v6  }
0x473: {  	s9 =	sor.u32 $0x300, s16;
	v13 =	vld [tilespmem:s18+$0x9800];
	[tilespmem:s12+$0x9800] =	vst v16;
	v15 =	vadd.f32 v15, v5  }
0x474: {  	v14 =	vld [tilespmem:s9+$0x9800];
	[tilespmem:s19+$0x0] =	vst v18;
	v17 =	vadd.f32 v17, v10  }
0x475: {  	s3 =	sadd.s32 $0xBC00, s1;
	s25 =	sor.u32 s30, s11;
	[tilespmem:s23+$0x0] =	vst v15;
	v19 =	vadd.f32 v19, v3  }
0x476: {  	s26 =	sor.u32 s0, s3;
	v16 =	vld [tilespmem:s25+$0x0];
	[tilespmem:s21+$0x9800] =	vst v17  }
0x477: {  	s12 =	sor.u32 s5, s7;
	v18 =	vld [tilespmem:s26+$0x0];
	[tilespmem:s4+$0x0] =	vst v19  }
0x478: {  	s19 =	sor.u32 s24, s7;
	v15 =	vld [tilespmem:s12+$0x0];
	v13 =	vadd.f32 v13, v7;
	s23 =	sld [smem:$0x7C4]  }
0x479: {  	v17 =	vld [tilespmem:s19+$0x0];
	s21 =	sor.u32 $0x300, s2;
	v14 =	vadd.f32 v14, v8  }
0x47a: {  	s14 =	sor.u32 $0x380, s14;
	v19 =	vld [tilespmem:s21+$0x9800];
	[tilespmem:s18+$0x9800] =	vst v13  }
0x47b: {  	v13 =	vadd.f32 v16, v4;
	[tilespmem:s9+$0x9800] =	vst v14;
	v14 =	vld [tilespmem:s14+$0x9800];
	s10 =	sor.u32 s10, s23  }
0x47c: {  	v18 =	vadd.f32 v18, v9;
	v16 =	vld [tilespmem:s10+$0x0]  }
0x47d: {  	[tilespmem:s25+$0x0] =	vst v13;
	v15 =	vadd.f32 v15, v6  }
0x47e: {  	s9 =	sor.u32 $0x380, s16;
	[tilespmem:s26+$0x0] =	vst v18;
	v17 =	vadd.f32 v17, v5  }
0x47f: {  	s7 =	sor.u32 s30, s7;
	v13 =	vld [tilespmem:s9+$0x9800];
	s25 =	sadd.s32 $0xBC80, s1;
	[tilespmem:s12+$0x0] =	vst v15;
	v15 =	vadd.f32 v19, v10  }
0x480: {  	v18 =	vld [tilespmem:s7+$0x0];
	s26 =	sor.u32 s0, s25;
	[tilespmem:s19+$0x0] =	vst v17;
	v14 =	vadd.f32 v14, v7  }
0x481: {  	v19 =	vld [tilespmem:s26+$0x0];
	[tilespmem:s21+$0x9800] =	vst v15;
	v12 =	vadd.f32 v16, v12  }
0x482: {  	s12 =	sor.u32 s5, s13;
	[tilespmem:s14+$0x9800] =	vst v14  }
0x483: {  	s22 =	sor.u32 s24, s13;
	s28 =	sor.u32 s24, s20;
	s29 =	sor.u32 s30, s8;
	v17 =	vld [tilespmem:s12+$0x0];
	[tilespmem:s10+$0x0] =	vst v12  }
0x484: {  	s11 =	smov.u32 s0;
	s0 =	sor.u32 $0x380, s2;
	v15 =	vld [tilespmem:s22+$0x0];
	v13 =	vadd.f32 v13, v8;
	s10 =	sld [smem:$0x7C5]  }
0x485: {  	s4 =	smov.u32 s31;
	s18 =	sor.u32 s31, s3;
	s15 =	sor.u32 s15, s23;
	v16 =	vld [tilespmem:s0+$0x9800];
	v12 =	vadd.f32 v18, v4  }
0x486: {  	s31 =	sor.u32 s30, s20;
	s16 =	sor.u32 s17, s23;
	s23 =	sor.u32 s5, s20;
	v18 =	vld [tilespmem:s15+$0x0];
	[tilespmem:s9+$0x9800] =	vst v13;
	v13 =	vadd.f32 v19, v9  }
0x487: {  	s17 =	smov.u32 s11;
	s20 =	sor.u32 s4, s25;
	v63 =	vld [tilespmem:s18+$0x0];
	[tilespmem:s7+$0x0] =	vst v12;
	s19 =	sor.u32 s10, s3  }
0x488: {  	s21 =	sor.u32 s30, s13;
	s13 =	sadd.s32 $0xBD00, s1;
	s30 =	smov.u32 s4;
	v12 =	vadd.f32 v17, v6;
	[tilespmem:s26+$0x0] =	vst v13;
	v19 =	vld [tilespmem:s19+$0x0]  }
0x489: {  	s2 =	sor.u32 s11, s13;
	s14 =	sor.u32 s24, s8;
	v15 =	vadd.f32 v15, v5;
	v13 =	vld [tilespmem:s21+$0x0];
	s24 =	sld [smem:$0x7C6]  }
0x48a: {  	s9 =	smov.u32 s1;
	s26 =	simm.s32 $0x8;
	v16 =	vadd.f32 v16, v10;
	s6 =	smov.u32 s10;
	v14 =	vld [tilespmem:s2+$0x0];
	[tilespmem:s12+$0x0] =	vst v12  }
0x48b: {  	s10 =	sor.u32 s5, s8;
	[tilespmem:s22+$0x0] =	vst v15;
	s5 =	simm.s32 $0x600;
	s7 =	sor.u32 s6, s25;
	v12 =	vld [tilespmem:s23+$0x0];
	v15 =	vadd.f32 v18, v11  }
0x48c: {  	[tilespmem:s0+$0x9800] =	vst v16;
	s0 =	sor.u32 s4, s13;
	v11 =	vld [tilespmem:s28+$0x0];
	s8 =	sor.u32 s6, s13;
	s11 =	sor.u32 s24, s3  }
0x48d: {  	v17 =	vadd.f32 v63, v7;
	s12 =	sor.u32 s24, s25;
	[tilespmem:s15+$0x0] =	vst v15;
	s4 =	sor.u32 s24, s13;
	s3 =	simm.s32 $0xC0;
	v15 =	vld [tilespmem:s11+$0x0];
	v16 =	vadd.f32 v19, v8  }
.LBB2_7:
0x48e: {  	[smem:$0x7AF] =	sst s12  }
0x48f: {  	[dreg:$0x12] =	wrdreg s4  }
0x490: {  	[dreg:$0x10] =	wrdreg s5  }
0x491: {  	[dreg:$0x9] =	wrdreg s10  }
0x492: {  	s25 =	sand.u32 $0x40, s3;
	s22 =	sand.u32 $0x3C00, s5;
	s1 =	rddreg [dreg:$0x5];
	[tilespmem:s18+$0x0] =	vst v17;
	v17 =	vld [tilespmem:s16+$0x0]  }
0x493: {  	s4 =	sadd.s32 s3, s1;
	s5 =	sadd.s32 $0x9800, s22;
	s15 =	sor.u32 $0x30, s25;
	[tilespmem:s19+$0x0] =	vst v16;
	v18 =	vld [tilespmem:s20+$0x0];
	v14 =	vadd.f32 v14, v9  }
0x494: {  	s12 =	sadd.s32 $0xBD80, s9;
	s19 =	sand.u32 $0xF80, s4;
	s4 =	sor.u32 s15, s5;
	v16 =	vld [tilespmem:s7+$0x0];
	v13 =	vadd.f32 v13, v4  }
0x495: {  	[dreg:$0x8] =	wrdreg s14;
	s14 =	sor.u32 s17, s12;
	s10 =	sadd.s32 $0x12800, s19;
	v19 =	vld [tilespmem:s4+$0x0];
	v12 =	vadd.f32 v12, v6;
	[tilespmem:s2+$0x0] =	vst v14  }
0x496: {  	[smem:$0x7B2] =	sst s22;
	v11 =	vadd.f32 v11, v5;
	s22 =	sor.u32 s15, s10;
	[tilespmem:s21+$0x0] =	vst v13;
	v14 =	vadd.f32 v15, v10;
	v15 =	vld [tilespmem:s14+$0x0]  }
0x497: {  	[smem:$0x7B7] =	sst s31;
	[tilespmem:s23+$0x0] =	vst v12;
	v13 =	vld [tilespmem:s22+$0x0]  }
0x498: {  	[smem:$0x7B1] =	sst s8;
	[tilespmem:s28+$0x0] =	vst v11;
	v11 =	vadd.f32 v17, v3;
	v3 =	vmovc v4;
	v4 =	vmov v10;
	v17 =	vld [tilespmem:s4+$0x80];
	v10 =	vadd.f32 v18, v7  }
0x499: {  	[smem:$0x7B0] =	sst s0;
	p1 =	por !p1, !p1;
	s18 =	sor.u32 $0x10, s25;
	v16 =	vadd.f32 v16, v8;
	[tilespmem:s11+$0x0] =	vst v14;
	v14 =	vld [tilespmem:s4+$0x100]  }
0x49a: {  	s1 =	sor.u32 s30, s12;
	[smem:$0x7B3] =	sst s15;
	s15 =	sor.u32 s25, s10;
	v18 =	vld [tilespmem:s4+$0x180];
	[tilespmem:s20+$0x0] =	vst v10  }
0x49b: {  	s0 =	rddreg [dreg:$0x10];
	s19 =	sor.u32 $0x20, s25;
	s23 =	sor.u32 s18, s10;
	[tilespmem:s7+$0x0] =	vst v16;
	v12 =	vld [tilespmem:s15+$0x0];
	v15 =	vadd.f32 v15, v9  }
0x49c: {  	s2 =	sor.u32 s25, s5;
	s10 =	sor.u32 s19, s10;
	s11 =	sor.u32 s24, s12;
	[tilespmem:s16+$0x0] =	vst v11;
	v11 =	vld [tilespmem:s23+$0x0];
	v16 =	vadd.f32 v19, v13  }
0x49d: {  	[dreg:$0x1f] =	wrdreg s11;
	s11 =	simm.s32 $0x1;
	s15 =	sadd.s32 $0xBE00, s9;
	v10 =	vld [tilespmem:s10+$0x0];
	v17 =	vadd.f32 v17, v13;
	[tilespmem:s14+$0x0] =	vst v15  }
0x49e: {  	s13 =	sor.u32 s18, s5;
	s11 =	simm.s32 @!p1 $0x0;
	s16 =	sor.u32 s17, s15;
	v14 =	vadd.f32 v14, v13;
	[tilespmem:s4+$0x0] =	vst v16;
	v16 =	vld [tilespmem:s2+$0x0]  }
0x49f: {  	[smem:$0x7B4] =	sst s1;
	s20 =	sor.u32 s30, s15;
	s21 =	sshll.u32 s11, $0x6;
	v15 =	vld [tilespmem:s16+$0x0];
	[tilespmem:s4+$0x80] =	vst v17  }
0x4a0: {  	s23 =	sor.u32 s6, s15;
	s1 =	sor.u32 s24, s15;
	s15 =	sadd.s32 s21, s0;
	v17 =	vadd.f32 v18, v13;
	[tilespmem:s4+$0x100] =	vst v14;
	v14 =	vld [tilespmem:s2+$0x100]  }
0x4a1: {  	s8 =	sor.u32 s19, s5;
	s5 =	sor.u32 s6, s12;
	s14 =	sadd.s32 $0x30, s15;
	v18 =	vld [tilespmem:s2+$0x80]  }
0x4a2: {  	s28 =	smov.u32 s9;
	[smem:$0x7B5] =	sst s5;
	v19 =	vld [tilespmem:s2+$0x180];
	s9 =	sor.u32 $0x200, s14;
	[tilespmem:s4+$0x180] =	vst v17  }
0x4a3: {  	s12 =	smov.u32 s29;
	[dreg:$0x15] =	wrdreg s1;
	s1 =	sadd.s32 $0x10, s15;
	v17 =	vld [tilespmem:s9+$0x9800];
	v16 =	vadd.f32 v16, v12  }
0x4a4: {  	[smem:$0x7B6] =	sst s12;
	v20 =	vld [tilespmem:s13+$0x0];
	s5 =	sor.u32 $0x200, s1;
	v15 =	vadd.f32 v15, v9  }
0x4a5: {  	v21 =	vld [tilespmem:s13+$0x80];
	s11 =	sor.u32 $0x280, s1;
	s10 =	sor.u32 $0x300, s1;
	s1 =	sor.u32 $0x380, s1;
	v14 =	vadd.f32 v14, v12;
	[tilespmem:s2+$0x0] =	vst v16  }
0x4a6: {  	s31 =	sadd.s32 $0xBE80, s28;
	[smem:$0x7BB] =	sst s1;
	s1 =	smov.u32 s17;
	v18 =	vadd.f32 v18, v12;
	[tilespmem:s16+$0x0] =	vst v15  }
0x4a7: {  	[smem:$0x7B8] =	sst s20;
	v16 =	vld [tilespmem:s13+$0x100];
	s16 =	sor.u32 s1, s31;
	[tilespmem:s2+$0x100] =	vst v14;
	v14 =	vadd.f32 v19, v12  }
0x4a8: {  	s22 =	smov.u32 s30;
	[smem:$0x7B9] =	sst s23;
	s23 =	sadd.s32 $0x20, s15;
	[tilespmem:s2+$0x80] =	vst v18;
	v15 =	vld [tilespmem:s16+$0x0];
	v17 =	vadd.f32 v17, v13  }
0x4a9: {  	s30 =	sor.u32 $0x200, s15;
	s21 =	sor.u32 $0x380, s15;
	s7 =	sor.u32 $0x300, s23;
	v18 =	vld [tilespmem:s13+$0x180];
	v19 =	vadd.f32 v20, v11;
	[tilespmem:s2+$0x180] =	vst v14  }
0x4aa: {  	v54 =	vld [tilespmem:s8+$0x0];
	s12 =	sor.u32 $0x200, s23;
	[smem:$0x7BA] =	sst s7;
	v14 =	vadd.f32 v21, v11;
	[tilespmem:s9+$0x9800] =	vst v17;
	s9 =	sor.u32 $0x280, s14  }
0x4ab: {  	s7 =	sor.u32 $0x300, s15;
	s4 =	sor.u32 $0x280, s15;
	s15 =	sor.u32 $0x380, s23;
	[tilespmem:s13+$0x0] =	vst v19;
	v17 =	vld [tilespmem:s9+$0x9800]  }
0x4ac: {  	s20 =	sor.u32 $0x280, s23;
	s23 =	sor.u32 s22, s31;
	[smem:$0x7BE] =	sst s15;
	v19 =	vld [tilespmem:s8+$0x80];
	[tilespmem:s13+$0x80] =	vst v14;
	v14 =	vadd.f32 v16, v11  }
0x4ad: {  	s26 =	sadd.s32 $0x4, s26;
	[smem:$0x7BC] =	sst s23;
	s15 =	sor.u32 s6, s31;
	v16 =	vld [tilespmem:s8+$0x100];
	v15 =	vadd.f32 v15, v9  }
0x4ae: {  	s0 =	sadd.s32 $0xBF00, s28;
	s23 =	sor.u32 s24, s31;
	[smem:$0x7BD] =	sst s15;
	v18 =	vadd.f32 v18, v11;
	[tilespmem:s13+$0x100] =	vst v14  }
0x4af: {  	v55 =	vld [tilespmem:s8+$0x180];
	s29 =	sor.u32 s22, s0;
	[smem:$0x7BF] =	sst s23;
	v14 =	vadd.f32 v54, v10;
	[tilespmem:s16+$0x0] =	vst v15;
	s16 =	sor.u32 s1, s0  }
0x4b0: {  	s23 =	sor.u32 s6, s0;
	s15 =	sor.u32 s24, s0;
	[tilespmem:s13+$0x180] =	vst v18;
	s0 =	sld [smem:$0x7AF];
	v15 =	vld [tilespmem:s16+$0x0];
	v17 =	vadd.f32 v17, v13  }
0x4b1: {  	p2 =	slt.u32 s26, $0x44;
	s2 =	smov.u32 s26;
	s26 =	sld [smem:$0x7B0];
	v56 =	vld [tilespmem:s30+$0x9800];
	[tilespmem:s8+$0x0] =	vst v14;
	v14 =	vadd.f32 v19, v10  }
0x4b2: {  	v18 =	vld [tilespmem:s5+$0x9800];
	v16 =	vadd.f32 v16, v10;
	[tilespmem:s9+$0x9800] =	vst v17  }
0x4b3: {  	s17 =	smov.u32 s22;
	s22 =	sld [smem:$0x7B1];
	v17 =	vld [tilespmem:s0+$0x0];
	[tilespmem:s8+$0x80] =	vst v14  }
0x4b4: {  	s31 =	sadd.s32 $0xBF80, s28;
	s9 =	sor.u32 $0x300, s14;
	v14 =	vadd.f32 v55, v10;
	[tilespmem:s8+$0x100] =	vst v16;
	v16 =	vld [tilespmem:s26+$0x0]  }
0x4b5: {  	s24 =	sor.u32 s24, s31;
	v19 =	vld [tilespmem:s9+$0x9800];
	v15 =	vadd.f32 v15, v9  }
0x4b6: {  	[smem:$0x7C0] =	sst s24;
	v20 =	vadd.f32 v56, v12;
	[tilespmem:s8+$0x180] =	vst v14;
	v14 =	vld [tilespmem:s22+$0x0]  }
0x4b7: {  	v18 =	vadd.f32 v18, v11;
	s8 =	sor.u32 s17, s31;
	s17 =	sor.u32 s6, s31;
	v57 =	vld [tilespmem:s12+$0x9800];
	[tilespmem:s16+$0x0] =	vst v15;
	s16 =	sor.u32 s1, s31  }
0x4b8: {  	[tilespmem:s30+$0x9800] =	vst v20;
	[smem:$0x7C1] =	sst s17;
	v15 =	vadd.f32 v17, v4;
	v17 =	vld [tilespmem:s16+$0x0]  }
0x4b9: {  	v20 =	vld [tilespmem:s4+$0x9800];
	s17 =	smov.u32 s25;
	s25 =	sld [smem:$0x7B4];
	[tilespmem:s5+$0x9800] =	vst v18;
	v16 =	vadd.f32 v16, v7  }
0x4ba: {  	s24 =	smov.u32 s19;
	s19 =	rddreg [dreg:$0x12];
	v18 =	vadd.f32 v19, v13;
	v19 =	vld [tilespmem:s11+$0x9800];
	[tilespmem:s0+$0x0] =	vst v15  }
0x4bb: {  	v14 =	vadd.f32 v14, v8;
	[tilespmem:s26+$0x0] =	vst v16;
	s0 =	sld [smem:$0x7B5];
	v15 =	vld [tilespmem:s19+$0x0]  }
0x4bc: {  	s14 =	sor.u32 $0x380, s14;
	[tilespmem:s9+$0x9800] =	vst v18;
	v18 =	vadd.f32 v57, v10;
	v16 =	vld [tilespmem:s25+$0x0]  }
0x4bd: {  	s13 =	sld [smem:$0x7B2];
	v58 =	vld [tilespmem:s14+$0x9800];
	[tilespmem:s22+$0x0] =	vst v14;
	v14 =	vadd.f32 v17, v9  }
0x4be: {  	s22 =	sld [smem:$0x7B7];
	[tilespmem:s12+$0x9800] =	vst v18;
	v9 =	vmov v13;
	v13 =	vadd.f32 v20, v12;
	v17 =	vld [tilespmem:s0+$0x0]  }
0x4bf: {  	s6 =	sld [smem:$0x7B3];
	v18 =	vadd.f32 v19, v11;
	[tilespmem:s16+$0x0] =	vst v14  }
0x4c0: {  	v19 =	vld [tilespmem:s20+$0x9800];
	[tilespmem:s4+$0x9800] =	vst v13;
	v13 =	vadd.f32 v15, v4  }
0x4c1: {  	s28 =	smov.u32 s13;
	s13 =	smov.u32 s3;
	v14 =	vld [tilespmem:s22+$0x0];
	[tilespmem:s11+$0x9800] =	vst v18;
	v16 =	vadd.f32 v16, v7  }
0x4c2: {  	s3 =	smov.u32 s6;
	s9 =	smov.u32 s28;
	s12 =	rddreg [dreg:$0x1f];
	v15 =	vld [tilespmem:s7+$0x9800];
	v18 =	vadd.f32 v58, v9;
	[tilespmem:s19+$0x0] =	vst v13  }
0x4c3: {  	s28 =	smov.u32 s23;
	s11 =	sadd.s32 $0xBC00, s9;
	v59 =	vld [tilespmem:s10+$0x9800];
	[tilespmem:s25+$0x0] =	vst v16;
	s25 =	sld [smem:$0x7B8];
	v13 =	vadd.f32 v17, v8  }
0x4c4: {  	s23 =	smov.u32 s29;
	s29 =	sld [smem:$0x7B9];
	s1 =	sor.u32 s3, s11;
	[tilespmem:s14+$0x9800] =	vst v18;
	v17 =	vld [tilespmem:s12+$0x0]  }
0x4c5: {  	v18 =	vadd.f32 v19, v10;
	v19 =	vld [tilespmem:s1+$0x0];
	[tilespmem:s0+$0x0] =	vst v13;
	s0 =	sld [smem:$0x7BA]  }
0x4c6: {  	v16 =	vld [tilespmem:s25+$0x0];
	v13 =	vadd.f32 v14, v3  }
0x4c7: {  	[tilespmem:s20+$0x9800] =	vst v18;
	v14 =	vadd.f32 v15, v12;
	v15 =	vld [tilespmem:s29+$0x0]  }
0x4c8: {  	s30 =	sld [smem:$0x7BB];
	v18 =	vadd.f32 v59, v11;
	v60 =	vld [tilespmem:s0+$0x9800];
	[tilespmem:s22+$0x0] =	vst v13  }
0x4c9: {  	s5 =	rddreg [dreg:$0x9];
	[tilespmem:s7+$0x9800] =	vst v14;
	v13 =	vadd.f32 v17, v4  }
0x4ca: {  	s6 =	smov.u32 s18;
	[tilespmem:s10+$0x9800] =	vst v18;
	s22 =	sadd.s32 $0xBC80, s9;
	v14 =	vld [tilespmem:s5+$0x0];
	v18 =	vadd.f32 v19, v9  }
0x4cb: {  	s14 =	rddreg [dreg:$0x15];
	v17 =	vld [tilespmem:s21+$0x9800];
	s20 =	sor.u32 s17, s22;
	s7 =	sor.u32 s6, s22;
	v16 =	vadd.f32 v16, v7;
	[tilespmem:s12+$0x0] =	vst v13  }
0x4cc: {  	v19 =	vld [tilespmem:s30+$0x9800];
	s4 =	sor.u32 s3, s22;
	s12 =	sor.u32 s24, s22;
	s22 =	sld [smem:$0x7BC];
	[tilespmem:s1+$0x0] =	vst v18;
	v13 =	vadd.f32 v15, v8  }
0x4cd: {  	s31 =	smov.u32 s15;
	s15 =	sld [smem:$0x7BD];
	v15 =	vld [tilespmem:s14+$0x0];
	[tilespmem:s25+$0x0] =	vst v16  }
0x4ce: {  	v61 =	vld [tilespmem:s4+$0x0];
	v18 =	vadd.f32 v60, v10;
	[tilespmem:s29+$0x0] =	vst v13;
	s29 =	sld [smem:$0x7BE]  }
0x4cf: {  	v16 =	vld [tilespmem:s22+$0x0];
	v13 =	vadd.f32 v14, v6;
	v6 =	vmov v7;
	v7 =	vmov v12  }
0x4d0: {  	v14 =	vld [tilespmem:s15+$0x0];
	v12 =	vadd.f32 v17, v7;
	[tilespmem:s0+$0x9800] =	vst v18  }
0x4d1: {  	s1 =	rddreg [dreg:$0x8];
	v17 =	vadd.f32 v19, v11;
	v18 =	vld [tilespmem:s29+$0x9800];
	[tilespmem:s5+$0x0] =	vst v13  }
0x4d2: {  	s18 =	sor.u32 s17, s11;
	[tilespmem:s21+$0x9800] =	vst v12;
	v12 =	vadd.f32 v15, v4;
	v15 =	vld [tilespmem:s1+$0x0];
	s21 =	sld [smem:$0x7BF]  }
0x4d3: {  	s19 =	sor.u32 s6, s11;
	[tilespmem:s30+$0x9800] =	vst v17;
	v13 =	vadd.f32 v61, v9;
	v19 =	vld [tilespmem:s18+$0x0]  }
0x4d4: {  	s26 =	smov.u32 s2;
	s10 =	smov.u32 s8;
	s25 =	sadd.s32 $0xBD00, s9;
	v62 =	vld [tilespmem:s19+$0x0];
	v16 =	vadd.f32 v16, v6;
	[tilespmem:s14+$0x0] =	vst v12  }
.Ltmp2:
0x4d5: {  	s8 =	sor.u32 s6, s25;
	s2 =	sor.u32 s3, s25;
	[tilespmem:s4+$0x0] =	vst v13;
	v17 =	vadd.f32 v14, v8;
	v13 =	vld [tilespmem:s21+$0x0];
	(pc) =	sbr.rel @p2 .LBB2_7-.Ltmp2, $4  }
0x4d6: {  	s0 =	sor.u32 s17, s25;
	s4 =	sor.u32 s24, s25;
	s25 =	sld [smem:$0x7C1];
	v14 =	vld [tilespmem:s2+$0x0];
	[tilespmem:s22+$0x0] =	vst v16;
	v18 =	vadd.f32 v18, v10  }
0x4d7: {  	s16 =	sld [smem:$0x7B6];
	s11 =	sor.u32 s24, s11;
	s30 =	smov.u32 s17;
	v12 =	vld [tilespmem:s23+$0x0];
	[tilespmem:s15+$0x0] =	vst v17;
	v63 =	vadd.f32 v15, v5  }
0x4d8: {  	s17 =	smov.u32 s3;
	s3 =	sadd.s32 $0x40, s13;
	s14 =	rddreg [dreg:$0x10];
	v5 =	vmov v8;
	v8 =	vmov v11;
	v11 =	vld [tilespmem:s28+$0x0];
	[tilespmem:s29+$0x9800] =	vst v18  }
0x4d9: {  	s5 =	sadd.s32 $0x200, s14;
	s14 =	smov.u32 s25;
	v17 =	vadd.f32 v19, v7;
	s29 =	sld [smem:$0x7C0];
	v16 =	vadd.f32 v62, v8;
	v15 =	vld [tilespmem:s11+$0x0];
	[tilespmem:s1+$0x0] =	vst v63  }
0x4da: {  	_ =	sdelay $0x1  }
0x4db: {  	[tilespmem:s18+$0x0] =	vst v17  }
0x4dc: {  	[tilespmem:s19+$0x0] =	vst v16;
	v17 =	vld [tilespmem:s20+$0x0]  }
0x4dd: {  	v16 =	vld [tilespmem:s7+$0x0];
	v15 =	vadd.f32 v15, v10;
	_ =	sdelay $0x1  }
0x4de: {  	[tilespmem:s11+$0x0] =	vst v15  }
0x4df: {  	v15 =	vld [tilespmem:s12+$0x0]  }
0x4e0: {  	v17 =	vadd.f32 v17, v7  }
0x4e1: {  	v16 =	vadd.f32 v16, v8  }
0x4e2: {  	[tilespmem:s20+$0x0] =	vst v17  }
0x4e3: {  	v14 =	vadd.f32 v14, v9;
	[tilespmem:s7+$0x0] =	vst v16;
	v16 =	vld [tilespmem:s0+$0x0]  }
0x4e4: {  	s5 =	sadd.s32 $0xBD80, s9;
	v17 =	vld [tilespmem:s8+$0x0];
	v15 =	vadd.f32 v15, v10  }
0x4e5: {  	s1 =	sor.u32 s17, s5;
	[tilespmem:s2+$0x0] =	vst v14  }
0x4e6: {  	v14 =	vld [tilespmem:s1+$0x0];
	[tilespmem:s12+$0x0] =	vst v15  }
0x4e7: {  	v15 =	vld [tilespmem:s4+$0x0]  }
0x4e8: {  	v16 =	vadd.f32 v16, v7  }
0x4e9: {  	v17 =	vadd.f32 v17, v8  }
0x4ea: {  	s20 =	sor.u32 s30, s5;
	[tilespmem:s0+$0x0] =	vst v16  }
0x4eb: {  	s3 =	sor.u32 s6, s5;
	v14 =	vadd.f32 v14, v9;
	[tilespmem:s8+$0x0] =	vst v17;
	v16 =	vld [tilespmem:s20+$0x0]  }
0x4ec: {  	s25 =	sadd.s32 $0xBE00, s9;
	v17 =	vld [tilespmem:s3+$0x0];
	v15 =	vadd.f32 v15, v10  }
0x4ed: {  	s26 =	sor.u32 s17, s25;
	[tilespmem:s1+$0x0] =	vst v14  }
0x4ee: {  	s22 =	sor.u32 s24, s5;
	v14 =	vld [tilespmem:s26+$0x0];
	[tilespmem:s4+$0x0] =	vst v15  }
0x4ef: {  	v15 =	vld [tilespmem:s22+$0x0]  }
0x4f0: {  	v16 =	vadd.f32 v16, v7  }
0x4f1: {  	v17 =	vadd.f32 v17, v8  }
0x4f2: {  	s0 =	sor.u32 s30, s25;
	[tilespmem:s20+$0x0] =	vst v16  }
0x4f3: {  	s8 =	sor.u32 s6, s25;
	v14 =	vadd.f32 v14, v9;
	[tilespmem:s3+$0x0] =	vst v17;
	v16 =	vld [tilespmem:s0+$0x0]  }
0x4f4: {  	s12 =	sadd.s32 $0xBE80, s9;
	v17 =	vld [tilespmem:s8+$0x0];
	v15 =	vadd.f32 v15, v10  }
0x4f5: {  	s13 =	sor.u32 s17, s12;
	[tilespmem:s26+$0x0] =	vst v14  }
0x4f6: {  	s11 =	sor.u32 s24, s25;
	v14 =	vld [tilespmem:s13+$0x0];
	[tilespmem:s22+$0x0] =	vst v15  }
0x4f7: {  	v15 =	vld [tilespmem:s11+$0x0]  }
0x4f8: {  	v16 =	vadd.f32 v16, v7  }
0x4f9: {  	v17 =	vadd.f32 v17, v8  }
0x4fa: {  	s15 =	sor.u32 s30, s12;
	[tilespmem:s0+$0x0] =	vst v16  }
0x4fb: {  	s18 =	sor.u32 s6, s12;
	v14 =	vadd.f32 v14, v9;
	[tilespmem:s8+$0x0] =	vst v17;
	v16 =	vld [tilespmem:s15+$0x0]  }
0x4fc: {  	s19 =	sadd.s32 $0xBF00, s9;
	v17 =	vld [tilespmem:s18+$0x0];
	v15 =	vadd.f32 v15, v10  }
0x4fd: {  	s20 =	sor.u32 s17, s19;
	[tilespmem:s13+$0x0] =	vst v14  }
0x4fe: {  	s7 =	sor.u32 s24, s12;
	v14 =	vld [tilespmem:s20+$0x0];
	[tilespmem:s11+$0x0] =	vst v15  }
0x4ff: {  	v13 =	vadd.f32 v13, v4;
	v15 =	vld [tilespmem:s7+$0x0]  }
0x500: {  	v16 =	vadd.f32 v16, v7  }
0x501: {  	[tilespmem:s21+$0x0] =	vst v13;
	v13 =	vadd.f32 v17, v8  }
0x502: {  	v18 =	vld [tilespmem:s16+$0x0];
	v12 =	vadd.f32 v12, v6;
	[tilespmem:s15+$0x0] =	vst v16  }
0x503: {  	s21 =	sor.u32 s30, s19;
	v17 =	vld [tilespmem:s31+$0x0];
	[tilespmem:s18+$0x0] =	vst v13;
	v13 =	vadd.f32 v14, v9  }
0x504: {  	[tilespmem:s23+$0x0] =	vst v12;
	s25 =	sadd.s32 $0xBF80, s9;
	s22 =	sor.u32 s6, s19;
	v16 =	vld [tilespmem:s21+$0x0];
	v15 =	vadd.f32 v15, v10  }
0x505: {  	s26 =	sor.u32 s17, s25;
	v14 =	vld [tilespmem:s22+$0x0];
	[tilespmem:s20+$0x0] =	vst v13  }
0x506: {  	s2 =	sor.u32 s24, s19;
	v11 =	vadd.f32 v11, v5;
	v12 =	vld [tilespmem:s26+$0x0];
	[tilespmem:s7+$0x0] =	vst v15  }
0x507: {  	v3 =	vadd.f32 v18, v3;
	v15 =	vld [tilespmem:s2+$0x0]  }
0x508: {  	[tilespmem:s28+$0x0] =	vst v11;
	v13 =	vadd.f32 v17, v4  }
0x509: {  	v11 =	vld [tilespmem:s10+$0x0];
	[tilespmem:s16+$0x0] =	vst v3;
	v16 =	vadd.f32 v16, v7  }
0x50a: {  	[tilespmem:s31+$0x0] =	vst v13;
	v13 =	vld [tilespmem:s14+$0x0];
	v14 =	vadd.f32 v14, v8  }
0x50b: {  	s28 =	sor.u32 s30, s25;
	v17 =	vld [tilespmem:s29+$0x0];
	[tilespmem:s21+$0x0] =	vst v16;
	v9 =	vadd.f32 v12, v9  }
0x50c: {  	[tilespmem:s22+$0x0] =	vst v14;
	v14 =	vld [tilespmem:s28+$0x0];
	v15 =	vadd.f32 v15, v10  }
0x50d: {  	[tilespmem:s26+$0x0] =	vst v9  }
0x50e: {  	v3 =	vadd.f32 v11, v6;
	[tilespmem:s2+$0x0] =	vst v15  }
0x50f: {  	v5 =	vadd.f32 v13, v5;
	s1 =	sld [smem:$0x7EE]  }
0x510: {  	s0 =	sor.u32 s6, s25;
	s2 =	sld [smem:$0x7C2];
	[tilespmem:s10+$0x0] =	vst v3;
	v3 =	vadd.f32 v17, v4  }
0x511: {  	s6 =	sor.u32 s24, s25;
	v12 =	vld [tilespmem:s0+$0x0];
	[tilespmem:s14+$0x0] =	vst v5;
	v4 =	vadd.f32 v14, v7  }
0x512: {  	v6 =	vld [tilespmem:s6+$0x0];
	[tilespmem:s29+$0x0] =	vst v3  }
0x513: {  	s1 =	ssub.s32 s1, s2;
	s7 =	sld [smem:$0x7D7];
	[tilespmem:s28+$0x0] =	vst v4  }
0x514: {  	s1 =	smul.u32 $0x120000, s1;
	s8 =	sld [smem:$0x7F5]  }
0x515: {  	_ = 	snop  }
0x516: {  	v3 =	vadd.f32 v12, v8;
	s1 =	sadd.s32 s1, s7  }
0x517: {  	v4 =	vadd.f32 v6, v10;
	s1 =	sor.u32 s8, s1  }
0x518: {  	s9 =	rddreg [dreg:$0x3];
	s4 =	simm.s32 $0x12000;
	[tilespmem:s0+$0x0] =	vst v3;
	s1 =	sshrl.u32 s1, $0x3  }
0x519: {  	s10 =	simm.s32 $0x9800;
	s2 =	simm.s32 $0x80;
	[tilespmem:s6+$0x0] =	vst v4;
	s0 =	sadd.s32 s9, s1  }
0x51a: {  	[hbm4b:s0+s2] =	stream.strided.scatter [tilespmem:s10], [sflag:$0x7], $0x400, s4, s2, $0x38;
	[tilespmem:$0x13100] =	vst v63  }
0x51b: {  	s12 =	simm.s32 $0x9C00;
	s11 =	sadd.s32 $0x80, s0  }
0x51c: {  	[hbm4b:s11+s2] =	stream.strided.scatter [tilespmem:s12], [sflag:$0x7], $0x400, s4, s2, $0x38;
	[tilespmem:$0x13100] =	vst v63  }
0x51d: {  	s14 =	simm.s32 $0xA000;
	s13 =	sadd.s32 $0x100, s0  }
0x51e: {  	[hbm4b:s13+s2] =	stream.strided.scatter [tilespmem:s14], [sflag:$0x7], $0x400, s4, s2, $0x38;
	[tilespmem:$0x13100] =	vst v63  }
0x51f: {  	s16 =	simm.s32 $0xA400;
	s15 =	sadd.s32 $0x180, s0  }
0x520: {  	[hbm4b:s15+s2] =	stream.strided.scatter [tilespmem:s16], [sflag:$0x7], $0x400, s4, s2, $0x38;
	[tilespmem:$0x13100] =	vst v63  }
0x521: {  	s18 =	simm.s32 $0xA800;
	s17 =	sadd.s32 $0x200, s0  }
0x522: {  	[hbm4b:s17+s2] =	stream.strided.scatter [tilespmem:s18], [sflag:$0x7], $0x400, s4, s2, $0x38;
	[tilespmem:$0x13100] =	vst v63  }
0x523: {  	s20 =	simm.s32 $0xAC00;
	s19 =	sadd.s32 $0x280, s0  }
0x524: {  	[hbm4b:s19+s2] =	stream.strided.scatter [tilespmem:s20], [sflag:$0x7], $0x400, s4, s2, $0x38;
	[tilespmem:$0x13100] =	vst v63  }
0x525: {  	s22 =	simm.s32 $0xB000;
	s21 =	sadd.s32 $0x300, s0  }
0x526: {  	[hbm4b:s21+s2] =	stream.strided.scatter [tilespmem:s22], [sflag:$0x7], $0x400, s4, s2, $0x38;
	[tilespmem:$0x13100] =	vst v63  }
0x527: {  	s24 =	simm.s32 $0xB400;
	s23 =	sadd.s32 $0x380, s0  }
0x528: {  	[hbm4b:s23+s2] =	stream.strided.scatter [tilespmem:s24], [sflag:$0x7], $0x400, s4, s2, $0x38;
	[tilespmem:$0x13100] =	vst v63  }
0x529: {  	s26 =	simm.s32 $0xB800;
	s25 =	sadd.s32 $0x400, s0  }
0x52a: {  	[hbm4b:s25+s2] =	stream.strided.scatter [tilespmem:s26], [sflag:$0x7], $0x400, s4, s2, $0x38;
	[tilespmem:$0x13100] =	vst v63  }
0x52b: {  	s28 =	simm.s32 $0xBC00;
	s0 =	sadd.s32 $0x12000, s0  }
0x52c: {  	[hbm4b:s0+s2] =	stream.strided.scatter [tilespmem:s28], [sflag:$0x7], $0x400, s4, s2, $0x38;
	[tilespmem:$0x13100] =	vst v63  }
0x52d: {  	s5 =	simm.s32 $0xC000;
	s3 =	sadd.s32 $0x80, s0  }
0x52e: {  	[hbm4b:s3+s2] =	stream.strided.scatter [tilespmem:s5], [sflag:$0x7], $0x400, s4, s2, $0x38;
	[tilespmem:$0x13100] =	vst v63  }
0x52f: {  	s7 =	simm.s32 $0xC400;
	s6 =	sadd.s32 $0x100, s0  }
0x530: {  	[hbm4b:s6+s2] =	stream.strided.scatter [tilespmem:s7], [sflag:$0x7], $0x400, s4, s2, $0x38;
	[tilespmem:$0x13100] =	vst v63  }
0x531: {  	s9 =	simm.s32 $0xC800;
	s8 =	sadd.s32 $0x180, s0  }
0x532: {  	[hbm4b:s8+s2] =	stream.strided.scatter [tilespmem:s9], [sflag:$0x7], $0x400, s4, s2, $0x38;
	[tilespmem:$0x13100] =	vst v63  }
0x533: {  	s10 =	sadd.s32 $0x200, s0;
	s11 =	simm.s32 $0xCC00  }
0x534: {  	[hbm4b:s10+s2] =	stream.strided.scatter [tilespmem:s11], [sflag:$0x7], $0x400, s4, s2, $0x38;
	[tilespmem:$0x13100] =	vst v63  }
0x535: {  	s12 =	sadd.s32 $0x280, s0;
	s13 =	simm.s32 $0xD000  }
0x536: {  	[hbm4b:s12+s2] =	stream.strided.scatter [tilespmem:s13], [sflag:$0x7], $0x400, s4, s2, $0x38;
	[tilespmem:$0x13100] =	vst v63  }
0x537: {  	s14 =	sadd.s32 $0x300, s0;
	s15 =	simm.s32 $0xD400  }
0x538: {  	[hbm4b:s14+s2] =	stream.strided.scatter [tilespmem:s15], [sflag:$0x7], $0x400, s4, s2, $0x38;
	[tilespmem:$0x13100] =	vst v63  }
0x539: {  	s16 =	sadd.s32 $0x380, s0;
	s17 =	simm.s32 $0xD800  }
0x53a: {  	[hbm4b:s16+s2] =	stream.strided.scatter [tilespmem:s17], [sflag:$0x7], $0x400, s4, s2, $0x38;
	[tilespmem:$0x13100] =	vst v63  }
0x53b: {  	s18 =	simm.s32 $0xDC00;
	s19 =	simm.s32 $0x4;
	s0 =	sadd.s32 $0x400, s0  }
0x53c: {  	[hbm4b:s0+s2] =	stream.strided.scatter [tilespmem:s18], [sflag:$0x7], $0x400, s4, s2, $0x38;
	[tilespmem:$0x13100] =	vst v63  }
0x53d: {  	_ =	swait.ge [sflag:s19], $0x4800  }
0x53e: {  	[sflag:s19] =	ssyncset.done $0x0  }
0x53f: {  	s20 =	simm.s32 $0x6;
	[sflag:s19] =	ssyncadd.s32 $0xFFFFB800  }
0x540: {  	_ =	swait.ge [sflag:s20], $0x4800  }
0x541: {  	s0 =	sld [smem:$0x7C3]  }
0x542: {  	[sflag:s20] =	ssyncset.done $0x0  }
0x543: {  	[sflag:s20] =	ssyncadd.s32 $0xFFFFB800  }
0x544: {  	v3 =	vld @!p0 [tilespmem:s0+$0x50];
	_ =	sdelay $0x4  }
0x545: {  	v4 =	vshrl.u32 @!p0 v3, $0x3  }
0x546: {  	v4 =	vmul.u32 @!p0 $0x48, v4  }
0x547: {  	v5 =	vlaneseq.u32 @!p0;
	v3 =	vand.u32 @!p0 $0x7, v3  }
0x548: {  	v6 =	vshrl.u32 @!p0 v5, $0x3;
	v3 =	vor.u32 @!p0 v3, v4;
	v4 =	vand.u32 @!p0 $0x7, v5  }
0x549: {  	v6 =	vmul.u32 @!p0 $0x8, v6;
	v4 =	vperm.xlane @!p0 v3, v4;
	_ =	sdelay $0x1  }
0x54a: {  	v4 =	vadd.s32 @!p0 v6, v4;
	_ =	sdelay $0x2  }
0x54b: {  	s3 =	sld [smem:$0x7F9]  }
0x54c: {  	s1 =	simm.s32 @!p0 $0x5000;
	s2 =	rddreg [dreg:$0x1];
	s0 =	simm.s32 @!p0 $0x0  }
0x54d: {  	[tilespmem:s1], [sflag:$0x2] =	stream.indirect_vreg.gather @!p0 [hbm4b:s2+s0], $0x80, v4, vm2, $0xb8;
	[tilespmem:$0x13100] =	vst v63  }
0x54e: {  	s4 =	sld [smem:$0x7FA];
	s1 =	simm.s32 @!p0 $0x5800  }
0x54f: {  	v5 =	vor.u32 @!p0 $0x8, v5;
	[tilespmem:s1], [sflag:$0x2] =	stream.indirect_vreg.gather @!p0 [hbm4b:s3+s0], $0x80, v4, vm2, $0xb8;
	[tilespmem:$0x13100] =	vst v63  }
0x550: {  	s5 =	sld [smem:$0x7FB];
	v3 =	vperm.xlane @!p0 v3, v5;
	s1 =	simm.s32 @!p0 $0x6000  }
0x551: {  	[tilespmem:s1], [sflag:$0x2] =	stream.indirect_vreg.gather @!p0 [hbm4b:s4+s0], $0x80, v4, vm2, $0xb8;
	[tilespmem:$0x13100] =	vst v63  }
0x552: {  	s6 =	sld [smem:$0x7FC];
	v3 =	vadd.s32 @!p0 v6, v3;
	s1 =	simm.s32 @!p0 $0x6800  }
0x553: {  	[tilespmem:s1], [sflag:$0x2] =	stream.indirect_vreg.gather @!p0 [hbm4b:s5+s0], $0x80, v4, vm2, $0xb8;
	[tilespmem:$0x13100] =	vst v63  }
0x554: {  	s1 =	simm.s32 @!p0 $0x7000  }
0x555: {  	[tilespmem:s1], [sflag:$0x2] =	stream.indirect_vreg.gather @!p0 [hbm4b:s6+s0], $0x80, v4, vm3, $0xb8;
	[tilespmem:$0x13100] =	vst v63  }
0x556: {  	s1 =	simm.s32 @!p0 $0x7400  }
0x557: {  	[tilespmem:s1], [sflag:$0x2] =	stream.indirect_vreg.gather @!p0 [hbm4b:s2+s0], $0x80, v3, vm2, $0xb8;
	[tilespmem:$0x13100] =	vst v63  }
0x558: {  	s1 =	simm.s32 @!p0 $0x7C00  }
0x559: {  	[tilespmem:s1], [sflag:$0x2] =	stream.indirect_vreg.gather @!p0 [hbm4b:s3+s0], $0x80, v3, vm2, $0xb8;
	[tilespmem:$0x13100] =	vst v63  }
0x55a: {  	s21 =	simm.s32 $0x0;
	s1 =	simm.s32 @!p0 $0x8400  }
0x55b: {  	[tilespmem:s1], [sflag:$0x2] =	stream.indirect_vreg.gather @!p0 [hbm4b:s4+s0], $0x80, v3, vm2, $0xb8;
	[tilespmem:$0x13100] =	vst v63  }
0x55c: {  	s31 =	sand.u32 $0x40, s21;
	s17 =	rddreg [dreg:$0x5];
	s1 =	simm.s32 @!p0 $0x8C00  }
0x55d: {  	[tilespmem:s1], [sflag:$0x2] =	stream.indirect_vreg.gather @!p0 [hbm4b:s5+s0], $0x80, v3, vm2, $0xb8;
	[tilespmem:$0x13100] =	vst v63  }
0x55e: {  	s9 =	sand.u32 $0x3C00, s21;
	s22 =	sadd.s32 $0x0, s17;
	s1 =	simm.s32 @!p0 $0x9400  }
0x55f: {  	[tilespmem:s1], [sflag:$0x2] =	stream.indirect_vreg.gather @!p0 [hbm4b:s6+s0], $0x80, v3, vm3, $0xb8;
	[tilespmem:$0x13100] =	vst v63  }
0x560: {  	s23 =	sadd.s32 $0xE000, s9;
	s4 =	sor.u32 $0x30, s31;
	s0 =	sand.u32 $0xF80, s22  }
0x561: {  	s24 =	sor.u32 s4, s23;
	s0 =	sadd.s32 $0x12800, s0  }
0x562: {  	v3 =	vld [tilespmem:s24+$0x0];
	s25 =	sor.u32 s4, s0  }
0x563: {  	v10 =	vld [tilespmem:s25+$0x0]  }
0x564: {  	v4 =	vld [tilespmem:s24+$0x80]  }
0x565: {  	v5 =	vld [tilespmem:s24+$0x100]  }
0x566: {  	v6 =	vld [tilespmem:s24+$0x180];
	_ =	sdelay $0x1  }
0x567: {  	s5 =	simm.s32 $0x1;
	p0 =	por $0x0, $0x0;
	s6 =	sor.u32 s31, s23;
	v3 =	vadd.f32 v3, v10  }
0x568: {  	s5 =	simm.s32 @!p0 $0x0;
	v7 =	vld [tilespmem:s6+$0x100];
	v4 =	vadd.f32 v4, v10  }
0x569: {  	v8 =	vld [tilespmem:s6+$0x180];
	s26 =	sor.u32 s31, s0;
	s5 =	sshll.u32 s5, $0x6;
	v5 =	vadd.f32 v5, v10;
	[tilespmem:s24+$0x0] =	vst v3  }
0x56a: {  	v12 =	vld [tilespmem:s26+$0x0];
	s8 =	sadd.s32 $0x0, s5;
	[tilespmem:s24+$0x80] =	vst v4;
	v4 =	vadd.f32 v6, v10  }
0x56b: {  	s1 =	sadd.s32 $0x30, s8;
	v6 =	vld [tilespmem:s6+$0x0];
	[tilespmem:s24+$0x100] =	vst v5  }
0x56c: {  	s15 =	sor.u32 $0x10, s31;
	s10 =	sor.u32 $0x200, s1;
	v5 =	vld [tilespmem:s6+$0x80];
	[tilespmem:s24+$0x180] =	vst v4  }
0x56d: {  	s11 =	sor.u32 s15, s23;
	v4 =	vld [tilespmem:s10+$0xE000]  }
0x56e: {  	v9 =	vld [tilespmem:s11+$0x0]  }
0x56f: {  	s7 =	sor.u32 $0x20, s31;
	v13 =	vld [tilespmem:s11+$0x80];
	s28 =	sor.u32 s15, s0  }
0x570: {  	s2 =	sor.u32 s7, s23;
	v11 =	vld [tilespmem:s28+$0x0];
	v6 =	vadd.f32 v6, v12  }
0x571: {  	v14 =	vld [tilespmem:s2+$0x0];
	v5 =	vadd.f32 v5, v12  }
0x572: {  	[tilespmem:s6+$0x0] =	vst v6;
	v6 =	vld [tilespmem:s11+$0x100];
	v4 =	vadd.f32 v4, v10  }
0x573: {  	s0 =	sor.u32 s7, s0;
	v7 =	vadd.f32 v7, v12;
	[tilespmem:s6+$0x80] =	vst v5;
	v5 =	vld [tilespmem:s11+$0x180]  }
0x574: {  	s12 =	sor.u32 $0x280, s1;
	v8 =	vadd.f32 v8, v12;
	v3 =	vld [tilespmem:s0+$0x0];
	[tilespmem:s10+$0xE000] =	vst v4  }
0x575: {  	[tilespmem:s6+$0x100] =	vst v7;
	v4 =	vadd.f32 v9, v11;
	v7 =	vld [tilespmem:s12+$0xE000]  }
0x576: {  	[tilespmem:s6+$0x180] =	vst v8;
	v8 =	vadd.f32 v13, v11;
	v9 =	vld [tilespmem:s2+$0x80]  }
0x577: {  	[tilespmem:s11+$0x0] =	vst v4;
	v4 =	vadd.f32 v6, v11;
	v6 =	vld [tilespmem:s2+$0x100]  }
0x578: {  	[tilespmem:s11+$0x80] =	vst v8;
	v8 =	vld [tilespmem:s2+$0x180];
	v5 =	vadd.f32 v5, v11  }
0x579: {  	[tilespmem:s11+$0x100] =	vst v4;
	v4 =	vadd.f32 v14, v3  }
0x57a: {  	[tilespmem:s11+$0x180] =	vst v5;
	v5 =	vadd.f32 v7, v10  }
0x57b: {  	[tilespmem:s2+$0x0] =	vst v4;
	v4 =	vadd.f32 v9, v3  }
0x57c: {  	s13 =	sadd.s32 $0x10, s8;
	s14 =	sor.u32 $0x200, s8;
	v6 =	vadd.f32 v6, v3;
	[tilespmem:s12+$0xE000] =	vst v5  }
0x57d: {  	s16 =	sor.u32 $0x200, s13;
	v5 =	vld [tilespmem:s14+$0xE000];
	[tilespmem:s2+$0x80] =	vst v4;
	v4 =	vadd.f32 v8, v3  }
0x57e: {  	s18 =	sadd.s32 $0x20, s8;
	s19 =	sor.u32 $0x300, s1;
	v7 =	vld [tilespmem:s16+$0xE000];
	[tilespmem:s2+$0x100] =	vst v6  }
0x57f: {  	s20 =	sor.u32 $0x200, s18;
	v6 =	vld [tilespmem:s19+$0xE000];
	[tilespmem:s2+$0x180] =	vst v4  }
0x580: {  	v4 =	vld [tilespmem:s20+$0xE000];
	_ =	sdelay $0x1  }
0x581: {  	v5 =	vadd.f32 v5, v12  }
0x582: {  	v7 =	vadd.f32 v7, v11  }
0x583: {  	s21 =	sor.u32 $0x280, s8;
	[tilespmem:s14+$0xE000] =	vst v5;
	v5 =	vadd.f32 v6, v10  }
0x584: {  	s22 =	sor.u32 $0x280, s13;
	[tilespmem:s16+$0xE000] =	vst v7;
	v6 =	vld [tilespmem:s21+$0xE000];
	v4 =	vadd.f32 v4, v3  }
0x585: {  	s1 =	sor.u32 $0x380, s1;
	v7 =	vld [tilespmem:s22+$0xE000];
	[tilespmem:s19+$0xE000] =	vst v5  }
0x586: {  	s23 =	sor.u32 $0x280, s18;
	v5 =	vld [tilespmem:s1+$0xE000];
	[tilespmem:s20+$0xE000] =	vst v4  }
0x587: {  	v4 =	vld [tilespmem:s23+$0xE000];
	_ =	sdelay $0x1  }
0x588: {  	v6 =	vadd.f32 v6, v12  }
0x589: {  	v7 =	vadd.f32 v7, v11  }
0x58a: {  	s24 =	sor.u32 $0x300, s8;
	[tilespmem:s21+$0xE000] =	vst v6;
	v5 =	vadd.f32 v5, v10  }
0x58b: {  	s25 =	sor.u32 $0x300, s13;
	s2 =	sadd.s32 $0x10400, s9;
	[tilespmem:s22+$0xE000] =	vst v7;
	v6 =	vld [tilespmem:s24+$0xE000];
	v4 =	vadd.f32 v4, v3  }
0x58c: {  	s26 =	sor.u32 s4, s2;
	v7 =	vld [tilespmem:s25+$0xE000];
	[tilespmem:s1+$0xE000] =	vst v5  }
0x58d: {  	s28 =	sor.u32 $0x300, s18;
	v5 =	vld [tilespmem:s26+$0x0];
	[tilespmem:s23+$0xE000] =	vst v4  }
0x58e: {  	s14 =	sor.u32 $0x380, s13;
	s19 =	simm.s32 $0x200;
	s21 =	simm.s32 $0x40;
	v4 =	vld [tilespmem:s28+$0xE000]  }
0x58f: {  	s13 =	sor.u32 $0x380, s18;
	s18 =	sand.u32 $0x3C00, s19;
	s20 =	sand.u32 $0x40, s21  }
0x590: {  	s0 =	sor.u32 $0x380, s8;
	s8 =	sadd.s32 $0xE000, s18;
	s5 =	sor.u32 $0x30, s20;
	v6 =	vadd.f32 v6, v12  }
0x591: {  	s23 =	sor.u32 s5, s8;
	v7 =	vadd.f32 v7, v11  }
0x592: {  	v8 =	vld [tilespmem:s23+$0x0];
	[tilespmem:s24+$0xE000] =	vst v6;
	v5 =	vadd.f32 v5, v10  }
0x593: {  	s6 =	sadd.s32 $0x10480, s9;
	s22 =	sadd.s32 $0x40, s17;
	[tilespmem:s25+$0xE000] =	vst v7;
	v6 =	vld [tilespmem:s0+$0xE000];
	v4 =	vadd.f32 v4, v3  }
0x594: {  	s16 =	sor.u32 s4, s6;
	s1 =	sand.u32 $0xF80, s22;
	v7 =	vld [tilespmem:s14+$0xE000];
	[tilespmem:s26+$0x0] =	vst v5  }
0x595: {  	s10 =	sadd.s32 $0x12800, s1;
	v5 =	vld [tilespmem:s16+$0x0];
	[tilespmem:s28+$0xE000] =	vst v4  }
0x596: {  	s1 =	sor.u32 s5, s10;
	v4 =	vld [tilespmem:s13+$0xE000]  }
0x597: {  	v13 =	vld [tilespmem:s1+$0x0]  }
0x598: {  	v9 =	vld [tilespmem:s23+$0x80];
	v6 =	vadd.f32 v6, v12  }
0x599: {  	v14 =	vld [tilespmem:s23+$0x100];
	v7 =	vadd.f32 v7, v11  }
0x59a: {  	s24 =	sor.u32 s31, s2;
	[tilespmem:s0+$0xE000] =	vst v6;
	v5 =	vadd.f32 v5, v10;
	v6 =	vld [tilespmem:s23+$0x180]  }
0x59b: {  	s25 =	sor.u32 s15, s2;
	[tilespmem:s14+$0xE000] =	vst v7;
	v15 =	vld [tilespmem:s24+$0x0];
	v4 =	vadd.f32 v4, v3  }
0x59c: {  	p0 =	por !p0, !p0;
	s1 =	simm.s32 $0x1;
	v7 =	vld [tilespmem:s25+$0x0];
	[tilespmem:s16+$0x0] =	vst v5;
	v5 =	vadd.f32 v8, v13  }
0x59d: {  	s3 =	sadd.s32 $0x10500, s9;
	s1 =	simm.s32 @!p0 $0x0;
	[tilespmem:s13+$0xE000] =	vst v4;
	v4 =	vadd.f32 v9, v13  }
0x59e: {  	s1 =	sshll.u32 s1, $0x6;
	s26 =	sor.u32 s4, s3;
	[tilespmem:s23+$0x0] =	vst v5;
	v5 =	vadd.f32 v14, v13  }
0x59f: {  	s1 =	sadd.s32 $0x200, s1;
	v8 =	vld [tilespmem:s26+$0x0];
	[tilespmem:s23+$0x80] =	vst v4;
	v4 =	vadd.f32 v6, v13  }
0x5a0: {  	s12 =	sor.u32 s7, s2;
	s11 =	sadd.s32 $0x30, s1;
	v6 =	vadd.f32 v15, v12;
	[tilespmem:s23+$0x100] =	vst v5  }
0x5a1: {  	s28 =	sor.u32 $0x200, s11;
	v5 =	vadd.f32 v7, v11;
	v7 =	vld [tilespmem:s12+$0x0];
	[tilespmem:s23+$0x180] =	vst v4  }
0x5a2: {  	s23 =	sor.u32 s20, s10;
	[tilespmem:s24+$0x0] =	vst v6;
	v6 =	vld [tilespmem:s28+$0xE000]  }
0x5a3: {  	s13 =	sor.u32 s31, s6;
	[tilespmem:s25+$0x0] =	vst v5;
	v5 =	vld [tilespmem:s23+$0x0]  }
0x5a4: {  	s16 =	sor.u32 s15, s6;
	v4 =	vadd.f32 v8, v10;
	v8 =	vld [tilespmem:s13+$0x0]  }
0x5a5: {  	s24 =	sor.u32 s20, s8;
	v9 =	vld [tilespmem:s16+$0x0]  }
0x5a6: {  	v15 =	vld [tilespmem:s24+$0x0]  }
0x5a7: {  	v16 =	vld [tilespmem:s24+$0x80]  }
0x5a8: {  	s14 =	sor.u32 $0x10, s20;
	v17 =	vld [tilespmem:s24+$0x100]  }
0x5a9: {  	s22 =	sor.u32 s14, s10;
	v18 =	vld [tilespmem:s24+$0x180];
	v6 =	vadd.f32 v6, v13  }
0x5aa: {  	[tilespmem:s26+$0x0] =	vst v4;
	v4 =	vld [tilespmem:s22+$0x0];
	s26 =	sor.u32 s14, s8  }
0x5ab: {  	s2 =	sadd.s32 $0x10580, s9;
	s25 =	sor.u32 $0x280, s11;
	v19 =	vld [tilespmem:s26+$0x0];
	[tilespmem:s28+$0xE000] =	vst v6  }
0x5ac: {  	s19 =	sor.u32 s4, s2;
	v15 =	vadd.f32 v15, v5;
	v6 =	vld [tilespmem:s25+$0xE000]  }
0x5ad: {  	v14 =	vld [tilespmem:s19+$0x0];
	v16 =	vadd.f32 v16, v5  }
0x5ae: {  	v20 =	vld [tilespmem:s26+$0x80];
	v17 =	vadd.f32 v17, v5;
	[tilespmem:s24+$0x0] =	vst v15  }
0x5af: {  	s0 =	sor.u32 $0x20, s20;
	v18 =	vadd.f32 v18, v5;
	v15 =	vld [tilespmem:s26+$0x100];
	[tilespmem:s24+$0x80] =	vst v16  }
0x5b0: {  	s8 =	sor.u32 s0, s8;
	v16 =	vld [tilespmem:s26+$0x180];
	[tilespmem:s24+$0x100] =	vst v17;
	v17 =	vadd.f32 v19, v4  }
0x5b1: {  	v46 =	vld [tilespmem:s8+$0x0];
	[tilespmem:s24+$0x180] =	vst v18;
	v21 =	vadd.f32 v6, v13  }
0x5b2: {  	v7 =	vadd.f32 v7, v3;
	v47 =	vld [tilespmem:s8+$0x180];
	[tilespmem:s26+$0x0] =	vst v17  }
0x5b3: {  	s21 =	sor.u32 $0x300, s11;
	v18 =	vadd.f32 v20, v4;
	v17 =	vld [tilespmem:s8+$0x80];
	[tilespmem:s25+$0xE000] =	vst v21  }
0x5b4: {  	[tilespmem:s12+$0x0] =	vst v7;
	v15 =	vadd.f32 v15, v4;
	v19 =	vld [tilespmem:s21+$0xE000]  }
0x5b5: {  	s10 =	sor.u32 s0, s10;
	s28 =	simm.s32 $0x80;
	[tilespmem:s26+$0x80] =	vst v18;
	v18 =	vld [tilespmem:s8+$0x100];
	v16 =	vadd.f32 v16, v4;
	s25 =	sadd.s32 $0x80, s17  }
0x5b6: {  	s23 =	sor.u32 $0x200, s1;
	s29 =	sand.u32 $0x40, s28;
	v6 =	vld [tilespmem:s10+$0x0];
	[tilespmem:s26+$0x100] =	vst v15;
	s17 =	sand.u32 $0xF80, s25  }
0x5b7: {  	v8 =	vadd.f32 v8, v12;
	s28 =	sor.u32 $0x30, s29;
	v15 =	vld [tilespmem:s23+$0xE000];
	[tilespmem:s26+$0x180] =	vst v16;
	s26 =	sor.u32 s7, s6;
	s12 =	sadd.s32 $0x12800, s17  }
0x5b8: {  	v7 =	vadd.f32 v9, v11;
	v22 =	vld [tilespmem:s26+$0x0];
	s6 =	sor.u32 s28, s12  }
0x5b9: {  	[tilespmem:s13+$0x0] =	vst v8;
	s10 =	sadd.s32 $0x10, s1;
	s22 =	sor.u32 s29, s12;
	v9 =	vld [tilespmem:s6+$0x0];
	v16 =	vadd.f32 v19, v13  }
0x5ba: {  	v8 =	vadd.f32 v14, v10;
	[tilespmem:s16+$0x0] =	vst v7;
	s24 =	sor.u32 $0x200, s10;
	s17 =	sor.u32 $0x10, s29;
	v7 =	vld [tilespmem:s22+$0x0]  }
0x5bb: {  	s25 =	sor.u32 s17, s12;
	v19 =	vld [tilespmem:s24+$0xE000];
	[tilespmem:s21+$0xE000] =	vst v16;
	v16 =	vadd.f32 v46, v6  }
0x5bc: {  	[tilespmem:s19+$0x0] =	vst v8;
	v17 =	vadd.f32 v17, v6;
	s6 =	sadd.s32 $0x10600, s9;
	v8 =	vld [tilespmem:s25+$0x0];
	s21 =	sor.u32 $0x380, s11  }
0x5bd: {  	s16 =	sor.u32 s4, s6;
	v14 =	vld [tilespmem:s21+$0xE000];
	[tilespmem:s8+$0x0] =	vst v16;
	v16 =	vadd.f32 v18, v6  }
0x5be: {  	s19 =	sor.u32 s31, s3;
	[tilespmem:s8+$0x80] =	vst v17;
	v17 =	vadd.f32 v47, v6;
	v18 =	vld [tilespmem:s16+$0x0]  }
0x5bf: {  	s22 =	sor.u32 s15, s3;
	v15 =	vadd.f32 v15, v5;
	s11 =	sadd.s32 $0x20, s1;
	[tilespmem:s8+$0x100] =	vst v16;
	v16 =	vld [tilespmem:s19+$0x0]  }
0x5c0: {  	[tilespmem:s8+$0x180] =	vst v17;
	v17 =	vld [tilespmem:s22+$0x0];
	s25 =	sor.u32 $0x200, s11;
	v19 =	vadd.f32 v19, v4  }
0x5c1: {  	v48 =	vadd.f32 v22, v3;
	[tilespmem:s23+$0xE000] =	vst v15;
	s23 =	sor.u32 $0x280, s1;
	v15 =	vld [tilespmem:s25+$0xE000]  }
0x5c2: {  	[tilespmem:s24+$0xE000] =	vst v19;
	v19 =	vld [tilespmem:s23+$0xE000];
	s24 =	sor.u32 $0x280, s10;
	v14 =	vadd.f32 v14, v13  }
0x5c3: {  	s3 =	sor.u32 s7, s3;
	[tilespmem:s26+$0x0] =	vst v48;
	s8 =	sadd.s32 $0x10400, s18;
	v49 =	vld [tilespmem:s24+$0xE000];
	v18 =	vadd.f32 v18, v10  }
0x5c4: {  	s13 =	sadd.s32 $0x10680, s9;
	[tilespmem:s21+$0xE000] =	vst v14;
	s21 =	sor.u32 s5, s8;
	v14 =	vadd.f32 v16, v12;
	v16 =	vld [tilespmem:s3+$0x0]  }
0x5c5: {  	v17 =	vadd.f32 v17, v11;
	[tilespmem:s16+$0x0] =	vst v18;
	v18 =	vld [tilespmem:s21+$0x0];
	s16 =	sor.u32 s4, s13  }
0x5c6: {  	v15 =	vadd.f32 v15, v6;
	[tilespmem:s19+$0x0] =	vst v14;
	v14 =	vld [tilespmem:s16+$0x0];
	s19 =	sor.u32 s31, s2  }
0x5c7: {  	[tilespmem:s22+$0x0] =	vst v17;
	s22 =	sor.u32 s15, s2;
	v19 =	vadd.f32 v19, v5;
	v17 =	vld [tilespmem:s19+$0x0]  }
0x5c8: {  	v20 =	vadd.f32 v49, v4;
	[tilespmem:s25+$0xE000] =	vst v15;
	v15 =	vld [tilespmem:s22+$0x0];
	s25 =	sor.u32 $0x280, s11  }
0x5c9: {  	[tilespmem:s23+$0xE000] =	vst v19;
	s23 =	sor.u32 $0x300, s1;
	v19 =	vld [tilespmem:s25+$0xE000];
	v16 =	vadd.f32 v16, v3  }
0x5ca: {  	[tilespmem:s24+$0xE000] =	vst v20;
	v50 =	vld [tilespmem:s23+$0xE000];
	s24 =	sor.u32 $0x300, s10;
	v18 =	vadd.f32 v18, v13  }
0x5cb: {  	s26 =	sor.u32 s7, s2;
	s2 =	sadd.s32 $0x10480, s18;
	[tilespmem:s3+$0x0] =	vst v16;
	v14 =	vadd.f32 v14, v10;
	v16 =	vld [tilespmem:s24+$0xE000]  }
0x5cc: {  	[tilespmem:s21+$0x0] =	vst v18;
	s21 =	sor.u32 s5, s2;
	v17 =	vadd.f32 v17, v12;
	v18 =	vld [tilespmem:s26+$0x0]  }
0x5cd: {  	[tilespmem:s16+$0x0] =	vst v14;
	v14 =	vadd.f32 v15, v11;
	v15 =	vld [tilespmem:s21+$0x0]  }
0x5ce: {  	s3 =	sadd.s32 $0x10700, s9;
	v19 =	vadd.f32 v19, v6;
	[tilespmem:s19+$0x0] =	vst v17  }
0x5cf: {  	s16 =	sor.u32 s4, s3;
	v20 =	vadd.f32 v50, v5;
	[tilespmem:s22+$0x0] =	vst v14  }
0x5d0: {  	v17 =	vld [tilespmem:s16+$0x0];
	s19 =	sor.u32 s31, s6;
	[tilespmem:s25+$0xE000] =	vst v19;
	v16 =	vadd.f32 v16, v4  }
0x5d1: {  	v14 =	vld [tilespmem:s19+$0x0];
	s22 =	sor.u32 s15, s6;
	[tilespmem:s23+$0xE000] =	vst v20;
	v18 =	vadd.f32 v18, v3  }
0x5d2: {  	s25 =	sor.u32 $0x300, s11;
	v19 =	vld [tilespmem:s22+$0x0];
	[tilespmem:s24+$0xE000] =	vst v16;
	v15 =	vadd.f32 v15, v13  }
0x5d3: {  	s23 =	sor.u32 $0x380, s1;
	v51 =	vld [tilespmem:s25+$0xE000];
	[tilespmem:s26+$0x0] =	vst v18  }
0x5d4: {  	s10 =	sor.u32 $0x380, s10;
	v16 =	vld [tilespmem:s23+$0xE000];
	s26 =	sadd.s32 $0x10780, s9;
	[tilespmem:s21+$0x0] =	vst v15  }
0x5d5: {  	s24 =	sor.u32 s7, s6;
	s6 =	sadd.s32 $0x10500, s18;
	v17 =	vadd.f32 v17, v10;
	v18 =	vld [tilespmem:s10+$0xE000];
	[smem:$0x7AD] =	sst s26  }
0x5d6: {  	v14 =	vadd.f32 v14, v12;
	s21 =	sor.u32 s5, s6;
	v15 =	vld [tilespmem:s24+$0x0]  }
0x5d7: {  	s26 =	sor.u32 s4, s26;
	[tilespmem:s16+$0x0] =	vst v17;
	v17 =	vadd.f32 v19, v11;
	v19 =	vld [tilespmem:s21+$0x0]  }
0x5d8: {  	v20 =	vadd.f32 v51, v6;
	[tilespmem:s19+$0x0] =	vst v14;
	s19 =	sor.u32 s31, s13;
	v14 =	vld [tilespmem:s26+$0x0]  }
0x5d9: {  	s9 =	sor.u32 s15, s13;
	v16 =	vadd.f32 v16, v5;
	[tilespmem:s22+$0x0] =	vst v17;
	v17 =	vld [tilespmem:s19+$0x0]  }
0x5da: {  	s11 =	sor.u32 $0x380, s11;
	[tilespmem:s25+$0xE000] =	vst v20;
	v18 =	vadd.f32 v18, v4;
	v52 =	vld [tilespmem:s9+$0x0]  }
0x5db: {  	[tilespmem:s23+$0xE000] =	vst v16;
	s23 =	sor.u32 s20, s8;
	v16 =	vld [tilespmem:s11+$0xE000];
	v15 =	vadd.f32 v15, v3  }
0x5dc: {  	s16 =	simm.s32 $0x400;
	[tilespmem:s10+$0xE000] =	vst v18;
	s10 =	sor.u32 s14, s8;
	v18 =	vld [tilespmem:s23+$0x0];
	v19 =	vadd.f32 v19, v13  }
0x5dd: {  	s4 =	sadd.s32 $0x10580, s18;
	s1 =	sand.u32 $0x3C00, s16;
	v10 =	vadd.f32 v14, v10;
	[tilespmem:s24+$0x0] =	vst v15;
	s24 =	sor.u32 s7, s13;
	v15 =	vld [tilespmem:s10+$0x0]  }
0x5de: {  	s25 =	sor.u32 s5, s4;
	s16 =	sadd.s32 $0xE000, s1;
	[tilespmem:s21+$0x0] =	vst v19;
	v17 =	vadd.f32 v17, v12;
	v14 =	vld [tilespmem:s24+$0x0]  }
0x5df: {  	s21 =	sor.u32 s28, s16;
	v19 =	vld [tilespmem:s25+$0x0];
	[tilespmem:s26+$0x0] =	vst v10;
	v10 =	vadd.f32 v52, v11  }
0x5e0: {  	v53 =	vld [tilespmem:s21+$0x0];
	v16 =	vadd.f32 v16, v6;
	[tilespmem:s19+$0x0] =	vst v17  }
0x5e1: {  	v17 =	vld [tilespmem:s21+$0x80];
	[tilespmem:s9+$0x0] =	vst v10  }
0x5e2: {  	v10 =	vadd.f32 v18, v5;
	[tilespmem:s11+$0xE000] =	vst v16;
	v16 =	vld [tilespmem:s21+$0x180]  }
0x5e3: {  	s22 =	sor.u32 s31, s3;
	v18 =	vld [tilespmem:s21+$0x100];
	s9 =	sor.u32 $0x20, s29;
	[smem:$0x7AE] =	sst s29;
	v15 =	vadd.f32 v15, v4  }
0x5e4: {  	s26 =	sor.u32 s9, s12;
	[tilespmem:s23+$0x0] =	vst v10;
	v54 =	vld [tilespmem:s22+$0x0];
	v19 =	vadd.f32 v19, v13  }
0x5e5: {  	p0 =	por !p0, !p0;
	s12 =	sor.u32 s15, s3;
	v10 =	vld [tilespmem:s26+$0x0];
	[tilespmem:s10+$0x0] =	vst v15;
	v15 =	vadd.f32 v53, v9;
	s10 =	simm.s32 $0x1  }
0x5e6: {  	s8 =	sor.u32 s0, s8;
	v55 =	vld [tilespmem:s12+$0x0];
	v17 =	vadd.f32 v17, v9;
	s10 =	simm.s32 @!p0 $0x0;
	[tilespmem:s25+$0x0] =	vst v19  }
0x5e7: {  	s11 =	sadd.s32 $0x10600, s18;
	s23 =	sor.u32 s20, s2;
	v19 =	vld [tilespmem:s8+$0x0];
	v16 =	vadd.f32 v16, v9;
	s10 =	sshll.u32 s10, $0x6;
	[tilespmem:s21+$0x0] =	vst v15  }
0x5e8: {  	s25 =	sor.u32 s5, s11;
	v15 =	vadd.f32 v18, v9;
	v18 =	vld [tilespmem:s23+$0x0];
	[tilespmem:s21+$0x80] =	vst v17;
	s13 =	sadd.s32 $0x400, s10  }
0x5e9: {  	s26 =	sor.u32 s14, s2;
	v14 =	vadd.f32 v14, v3;
	v17 =	vld [tilespmem:s25+$0x0];
	[tilespmem:s21+$0x180] =	vst v16;
	s10 =	sadd.s32 $0x30, s13  }
0x5ea: {  	s19 =	smov.u32 s28;
	v16 =	vadd.f32 v54, v12;
	[tilespmem:s21+$0x100] =	vst v15;
	v15 =	vld [tilespmem:s26+$0x0];
	s28 =	sor.u32 $0x200, s10  }
0x5eb: {  	[tilespmem:s24+$0x0] =	vst v14;
	s24 =	sor.u32 s29, s16;
	v14 =	vadd.f32 v55, v11;
	v56 =	vld [tilespmem:s28+$0xE000]  }
0x5ec: {  	[tilespmem:s22+$0x0] =	vst v16;
	v16 =	vadd.f32 v19, v6;
	v19 =	vld [tilespmem:s24+$0x0]  }
0x5ed: {  	[tilespmem:s12+$0x0] =	vst v14;
	v14 =	vadd.f32 v18, v5;
	v18 =	vld [tilespmem:s24+$0x80]  }
0x5ee: {  	v17 =	vadd.f32 v17, v13;
	[tilespmem:s8+$0x0] =	vst v16;
	v16 =	vld [tilespmem:s24+$0x100]  }
0x5ef: {  	s12 =	sadd.s32 $0x10680, s18;
	s8 =	sor.u32 s17, s16;
	[tilespmem:s23+$0x0] =	vst v14;
	v14 =	vadd.f32 v15, v4;
	v15 =	vld [tilespmem:s24+$0x180]  }
0x5f0: {  	[tilespmem:s25+$0x0] =	vst v17;
	v17 =	vld [tilespmem:s8+$0x0];
	s23 =	sor.u32 s5, s12;
	v20 =	vadd.f32 v56, v9  }
0x5f1: {  	[tilespmem:s26+$0x0] =	vst v14;
	v14 =	vadd.f32 v19, v7;
	v19 =	vld [tilespmem:s23+$0x0]  }
0x5f2: {  	v57 =	vld [tilespmem:s8+$0x80];
	v18 =	vadd.f32 v18, v7;
	[tilespmem:s28+$0xE000] =	vst v20  }
0x5f3: {  	[tilespmem:s24+$0x0] =	vst v14;
	v14 =	vadd.f32 v16, v7;
	v16 =	vld [tilespmem:s8+$0x100]  }
0x5f4: {  	s28 =	sor.u32 $0x280, s10;
	[tilespmem:s24+$0x80] =	vst v18;
	v15 =	vadd.f32 v15, v7;
	v18 =	vld [tilespmem:s8+$0x180]  }
0x5f5: {  	s25 =	sor.u32 s9, s16;
	[tilespmem:s24+$0x100] =	vst v14;
	v14 =	vadd.f32 v17, v8;
	v17 =	vld [tilespmem:s28+$0xE000]  }
0x5f6: {  	[tilespmem:s24+$0x180] =	vst v15;
	v15 =	vld [tilespmem:s25+$0x0];
	v19 =	vadd.f32 v19, v13  }
0x5f7: {  	v20 =	vadd.f32 v57, v8;
	[tilespmem:s8+$0x0] =	vst v14;
	v14 =	vld [tilespmem:s25+$0x80]  }
0x5f8: {  	v58 =	vld [tilespmem:s25+$0x100];
	v16 =	vadd.f32 v16, v8;
	[tilespmem:s23+$0x0] =	vst v19;
	s23 =	sadd.s32 $0x10700, s18  }
0x5f9: {  	[tilespmem:s8+$0x80] =	vst v20;
	v19 =	vld [tilespmem:s25+$0x180];
	v18 =	vadd.f32 v18, v8;
	s22 =	sor.u32 s5, s23  }
0x5fa: {  	s16 =	sadd.s32 $0x10, s13;
	s24 =	sor.u32 $0x200, s13;
	[tilespmem:s8+$0x100] =	vst v16;
	v16 =	vld [tilespmem:s22+$0x0];
	v17 =	vadd.f32 v17, v9  }
0x5fb: {  	s26 =	sor.u32 $0x200, s16;
	[tilespmem:s8+$0x180] =	vst v18;
	v15 =	vadd.f32 v15, v10;
	v18 =	vld [tilespmem:s24+$0xE000]  }
0x5fc: {  	s21 =	sor.u32 s0, s2;
	[tilespmem:s28+$0xE000] =	vst v17;
	v17 =	vld [tilespmem:s26+$0xE000];
	v14 =	vadd.f32 v14, v10  }
0x5fd: {  	v59 =	vld [tilespmem:s21+$0x0];
	s28 =	sor.u32 $0x300, s10;
	[tilespmem:s25+$0x0] =	vst v15;
	v15 =	vadd.f32 v58, v10  }
0x5fe: {  	s29 =	sor.u32 s20, s6;
	[tilespmem:s25+$0x80] =	vst v14;
	v14 =	vadd.f32 v19, v10;
	v19 =	vld [tilespmem:s28+$0xE000]  }
0x5ff: {  	s30 =	sor.u32 s14, s6;
	s2 =	sadd.s32 $0x20, s13;
	[tilespmem:s25+$0x100] =	vst v15;
	v15 =	vld [tilespmem:s29+$0x0];
	v16 =	vadd.f32 v16, v13  }
0x600: {  	s8 =	sadd.s32 $0x10780, s18;
	s18 =	sor.u32 $0x200, s2;
	[tilespmem:s25+$0x180] =	vst v14;
	v14 =	vadd.f32 v18, v7;
	v18 =	vld [tilespmem:s30+$0x0]  }
0x601: {  	s5 =	sor.u32 s5, s8;
	[tilespmem:s22+$0x0] =	vst v16;
	v16 =	vadd.f32 v17, v8;
	v17 =	vld [tilespmem:s18+$0xE000]  }
0x602: {  	s22 =	sor.u32 $0x280, s13;
	[tilespmem:s24+$0xE000] =	vst v14;
	v14 =	vadd.f32 v59, v6;
	v60 =	vld [tilespmem:s5+$0x0]  }
0x603: {  	s24 =	sor.u32 $0x280, s16;
	[tilespmem:s26+$0xE000] =	vst v16;
	v16 =	vld [tilespmem:s22+$0xE000];
	v19 =	vadd.f32 v19, v9  }
0x604: {  	s6 =	sor.u32 s0, s6;
	[tilespmem:s21+$0x0] =	vst v14;
	v14 =	vld [tilespmem:s24+$0xE000];
	v15 =	vadd.f32 v15, v5  }
0x605: {  	s10 =	sor.u32 $0x380, s10;
	[tilespmem:s28+$0xE000] =	vst v19;
	v18 =	vadd.f32 v18, v4;
	v19 =	vld [tilespmem:s6+$0x0]  }
0x606: {  	s21 =	sor.u32 s20, s4;
	[tilespmem:s29+$0x0] =	vst v15;
	v15 =	vadd.f32 v17, v10;
	v17 =	vld [tilespmem:s10+$0xE000]  }
0x607: {  	s25 =	sor.u32 s14, s4;
	[tilespmem:s30+$0x0] =	vst v18;
	v18 =	vld [tilespmem:s21+$0x0];
	v13 =	vadd.f32 v60, v13  }
0x608: {  	s26 =	sor.u32 $0x280, s2;
	[tilespmem:s18+$0xE000] =	vst v15;
	v15 =	vadd.f32 v16, v7;
	v16 =	vld [tilespmem:s25+$0x0]  }
0x609: {  	s28 =	sor.u32 s7, s3;
	[tilespmem:s5+$0x0] =	vst v13;
	v13 =	vadd.f32 v14, v8;
	v14 =	vld [tilespmem:s26+$0xE000]  }
0x60a: {  	[tilespmem:s22+$0xE000] =	vst v15;
	v15 =	vadd.f32 v19, v6;
	v19 =	vld [tilespmem:s28+$0x0]  }
0x60b: {  	[tilespmem:s24+$0xE000] =	vst v13;
	v17 =	vadd.f32 v17, v9  }
0x60c: {  	[tilespmem:s6+$0x0] =	vst v15;
	v18 =	vadd.f32 v18, v5  }
0x60d: {  	[tilespmem:s10+$0xE000] =	vst v17;
	v16 =	vadd.f32 v16, v4  }
0x60e: {  	s22 =	sor.u32 $0x300, s13;
	[tilespmem:s21+$0x0] =	vst v18;
	v14 =	vadd.f32 v14, v10  }
0x60f: {  	s29 =	smov.u32 s9;
	s9 =	sor.u32 $0x300, s16;
	v13 =	vld [tilespmem:s22+$0xE000];
	[tilespmem:s25+$0x0] =	vst v16;
	v19 =	vadd.f32 v19, v3  }
0x610: {  	s4 =	sor.u32 s0, s4;
	s3 =	sadd.s32 $0x10400, s1;
	v15 =	vld [tilespmem:s9+$0xE000];
	[tilespmem:s26+$0xE000] =	vst v14  }
0x611: {  	s6 =	sor.u32 s19, s3;
	v17 =	vld [tilespmem:s4+$0x0];
	[tilespmem:s28+$0x0] =	vst v19  }
0x612: {  	s10 =	sor.u32 s20, s11;
	v18 =	vld [tilespmem:s6+$0x0];
	s26 =	sld [smem:$0x7AD]  }
0x613: {  	s21 =	sor.u32 s14, s11;
	v16 =	vld [tilespmem:s10+$0x0]  }
0x614: {  	s18 =	sor.u32 $0x300, s2;
	v13 =	vadd.f32 v13, v7;
	v14 =	vld [tilespmem:s21+$0x0]  }
0x615: {  	v15 =	vadd.f32 v15, v8;
	v19 =	vld [tilespmem:s18+$0xE000];
	s28 =	sor.u32 s31, s26  }
0x616: {  	[tilespmem:s22+$0xE000] =	vst v13;
	v13 =	vadd.f32 v17, v6;
	v17 =	vld [tilespmem:s28+$0x0]  }
0x617: {  	s13 =	sor.u32 $0x380, s13;
	[tilespmem:s9+$0xE000] =	vst v15;
	v15 =	vadd.f32 v18, v9  }
0x618: {  	s16 =	sor.u32 $0x380, s16;
	v61 =	vld [tilespmem:s13+$0xE000];
	v16 =	vadd.f32 v16, v5;
	[tilespmem:s4+$0x0] =	vst v13  }
0x619: {  	s11 =	sor.u32 s0, s11;
	s9 =	sadd.s32 $0x10480, s1;
	v18 =	vld [tilespmem:s16+$0xE000];
	[tilespmem:s6+$0x0] =	vst v15;
	v13 =	vadd.f32 v14, v4  }
0x61a: {  	s6 =	sor.u32 s19, s9;
	v14 =	vld [tilespmem:s11+$0x0];
	v15 =	vadd.f32 v19, v10;
	[tilespmem:s10+$0x0] =	vst v16  }
0x61b: {  	v19 =	vld [tilespmem:s6+$0x0];
	[tilespmem:s21+$0x0] =	vst v13;
	v12 =	vadd.f32 v17, v12  }
0x61c: {  	s24 =	sor.u32 s20, s12;
	[tilespmem:s18+$0xE000] =	vst v15  }
0x61d: {  	s30 =	sor.u32 s14, s23;
	s25 =	sor.u32 s14, s12;
	v16 =	vld [tilespmem:s24+$0x0];
	v13 =	vadd.f32 v61, v7;
	[tilespmem:s28+$0x0] =	vst v12  }
0x61e: {  	s22 =	sor.u32 s0, s23;
	s21 =	sor.u32 $0x380, s2;
	v15 =	vld [tilespmem:s25+$0x0];
	v17 =	vadd.f32 v18, v8;
	s18 =	sld [smem:$0x7AE]  }
0x61f: {  	s4 =	simm.s32 $0x8;
	s15 =	sor.u32 s15, s26;
	s26 =	sor.u32 s7, s26;
	v18 =	vld [tilespmem:s21+$0xE000];
	v12 =	vadd.f32 v14, v6;
	[tilespmem:s13+$0xE000] =	vst v13  }
0x620: {  	s7 =	sor.u32 s20, s23;
	s20 =	sor.u32 s20, s8;
	v62 =	vld [tilespmem:s15+$0x0];
	s2 =	sor.u32 s17, s3;
	[tilespmem:s16+$0xE000] =	vst v17;
	v13 =	vadd.f32 v19, v9  }
0x621: {  	s16 =	smov.u32 s1;
	s1 =	sor.u32 s0, s12;
	v19 =	vld [tilespmem:s2+$0x0];
	[tilespmem:s11+$0x0] =	vst v12;
	s10 =	sor.u32 s18, s3  }
0x622: {  	v16 =	vadd.f32 v16, v5;
	s0 =	sor.u32 s0, s8;
	s28 =	sadd.s32 $0x10500, s16;
	s23 =	smov.u32 s1;
	[tilespmem:s6+$0x0] =	vst v13;
	v63 =	vld [tilespmem:s10+$0x0]  }
0x623: {  	s31 =	smov.u32 s17;
	v15 =	vadd.f32 v15, v4;
	s5 =	sor.u32 s19, s28;
	v13 =	vld [tilespmem:s23+$0x0];
	[dreg:$0x1c] =	wrdreg s0  }
0x624: {  	s12 =	sor.u32 s29, s3;
	s11 =	sor.u32 s17, s9;
	s1 =	sor.u32 s29, s9;
	v17 =	vadd.f32 v18, v10;
	v14 =	vld [tilespmem:s5+$0x0];
	[tilespmem:s24+$0x0] =	vst v16  }
0x625: {  	s6 =	sor.u32 s14, s8;
	v18 =	vadd.f32 v62, v11;
	s14 =	sor.u32 s17, s28;
	s13 =	sor.u32 s18, s9;
	[tilespmem:s25+$0x0] =	vst v15;
	v12 =	vld [tilespmem:s7+$0x0]  }
0x626: {  	s9 =	smov.u32 s18;
	s3 =	simm.s32 $0xC0;
	s0 =	simm.s32 $0x600;
	[tilespmem:s21+$0xE000] =	vst v17;
	v11 =	vld [tilespmem:s30+$0x0]  }
0x627: {  	s24 =	smov.u32 s7;
	s25 =	sor.u32 s18, s28;
	[tilespmem:s15+$0x0] =	vst v18;
	s7 =	sor.u32 s29, s28;
	v16 =	vadd.f32 v19, v8;
	v15 =	vld [tilespmem:s12+$0x0];
	v17 =	vadd.f32 v63, v7  }
.LBB2_9:
0x628: {  	[smem:$0x79B] =	sst s25  }
0x629: {  	[smem:$0x79C] =	sst s14  }
0x62a: {  	[dreg:$0x18] =	wrdreg s22  }
0x62b: {  	[dreg:$0x11] =	wrdreg s7  }
0x62c: {  	s25 =	sand.u32 $0x40, s3;
	s14 =	sand.u32 $0x3C00, s0;
	s15 =	rddreg [dreg:$0x5];
	[tilespmem:s10+$0x0] =	vst v17;
	v17 =	vld [tilespmem:s26+$0x0]  }
0x62d: {  	s7 =	sadd.s32 s3, s15;
	s17 =	sadd.s32 $0xE000, s14;
	s21 =	sor.u32 $0x30, s25;
	[tilespmem:s2+$0x0] =	vst v16;
	v18 =	vld [tilespmem:s13+$0x0];
	v14 =	vadd.f32 v14, v9  }
0x62e: {  	s15 =	sadd.s32 $0x10580, s16;
	s22 =	sand.u32 $0xF80, s7;
	s8 =	sor.u32 s21, s17;
	v16 =	vld [tilespmem:s11+$0x0];
	v13 =	vadd.f32 v13, v6  }
0x62f: {  	s7 =	sadd.s32 $0x12800, s22;
	v19 =	vld [tilespmem:s8+$0x0];
	v12 =	vadd.f32 v12, v5;
	[tilespmem:s5+$0x0] =	vst v14;
	s5 =	sor.u32 s19, s15  }
0x630: {  	v11 =	vadd.f32 v11, v4;
	s18 =	sor.u32 s21, s7;
	[tilespmem:s23+$0x0] =	vst v13;
	v14 =	vadd.f32 v15, v10;
	v15 =	vld [tilespmem:s5+$0x0]  }
0x631: {  	[tilespmem:s24+$0x0] =	vst v12;
	v13 =	vld [tilespmem:s18+$0x0]  }
0x632: {  	[dreg:$0xb] =	wrdreg s20;
	s28 =	smov.u32 s1;
	[tilespmem:s30+$0x0] =	vst v11;
	v11 =	vadd.f32 v17, v3;
	v3 =	vmovc v6;
	v6 =	vmov v10;
	v17 =	vld [tilespmem:s8+$0x80];
	v10 =	vadd.f32 v18, v7  }
0x633: {  	s1 =	smov.u32 s16;
	p0 =	por !p0, !p0;
	[smem:$0x79D] =	sst s14;
	v16 =	vadd.f32 v16, v8;
	[tilespmem:s12+$0x0] =	vst v14;
	v14 =	vld [tilespmem:s8+$0x100]  }
0x634: {  	s20 =	sor.u32 $0x10, s25;
	[smem:$0x79E] =	sst s21;
	s21 =	sor.u32 s25, s7;
	v18 =	vld [tilespmem:s8+$0x180];
	[tilespmem:s13+$0x0] =	vst v10  }
0x635: {  	s10 =	sor.u32 $0x20, s25;
	s16 =	sor.u32 s25, s17;
	s24 =	sor.u32 s20, s7;
	[tilespmem:s11+$0x0] =	vst v16;
	v12 =	vld [tilespmem:s21+$0x0];
	v15 =	vadd.f32 v15, v9  }
0x636: {  	s2 =	sor.u32 s9, s15;
	s23 =	sor.u32 s10, s7;
	s12 =	sor.u32 s31, s15;
	[tilespmem:s26+$0x0] =	vst v11;
	v11 =	vld [tilespmem:s24+$0x0];
	v16 =	vadd.f32 v19, v13  }
0x637: {  	[smem:$0x7A1] =	sst s12;
	s12 =	simm.s32 $0x1;
	s21 =	sadd.s32 $0x10600, s1;
	v10 =	vld [tilespmem:s23+$0x0];
	v17 =	vadd.f32 v17, v13;
	[tilespmem:s5+$0x0] =	vst v15  }
0x638: {  	s14 =	sor.u32 s29, s15;
	s12 =	simm.s32 @!p0 $0x0;
	s22 =	sor.u32 s19, s21;
	v14 =	vadd.f32 v14, v13;
	[tilespmem:s8+$0x0] =	vst v16;
	v16 =	vld [tilespmem:s16+$0x0]  }
0x639: {  	s7 =	sor.u32 s10, s17;
	s15 =	rddreg [dreg:$0x1c];
	s24 =	sshll.u32 s12, $0x6;
	v15 =	vld [tilespmem:s22+$0x0];
	[tilespmem:s8+$0x80] =	vst v17  }
0x63a: {  	s18 =	sor.u32 s20, s17;
	s17 =	smov.u32 s15;
	s15 =	sadd.s32 s24, s0;
	v17 =	vadd.f32 v18, v13;
	[tilespmem:s8+$0x100] =	vst v14;
	v14 =	vld [tilespmem:s16+$0x100]  }
0x63b: {  	[dreg:$0xe] =	wrdreg s6;
	s6 =	smov.u32 s19;
	s24 =	sadd.s32 $0x30, s15;
	v18 =	vld [tilespmem:s16+$0x80]  }
0x63c: {  	s26 =	sor.u32 s31, s21;
	s19 =	smov.u32 s31;
	v19 =	vld [tilespmem:s16+$0x180];
	s31 =	sor.u32 $0x200, s24;
	[tilespmem:s8+$0x180] =	vst v17  }
0x63d: {  	v17 =	vld [tilespmem:s31+$0xE000];
	v16 =	vadd.f32 v16, v12  }
0x63e: {  	[smem:$0x7A0] =	sst s2;
	v20 =	vld [tilespmem:s18+$0x0];
	s23 =	sor.u32 s9, s21;
	v15 =	vadd.f32 v15, v9  }
0x63f: {  	v21 =	vld [tilespmem:s18+$0x80];
	[smem:$0x7A4] =	sst s23;
	s30 =	sadd.s32 $0x10, s15;
	v14 =	vadd.f32 v14, v12;
	[tilespmem:s16+$0x0] =	vst v16  }
0x640: {  	[smem:$0x7A5] =	sst s26;
	s26 =	sor.u32 $0x200, s30;
	s12 =	sor.u32 $0x280, s30;
	v18 =	vadd.f32 v18, v12;
	[tilespmem:s22+$0x0] =	vst v15  }
0x641: {  	s5 =	sor.u32 $0x300, s30;
	s23 =	sor.u32 $0x380, s30;
	s30 =	sadd.s32 $0x10680, s1;
	v16 =	vld [tilespmem:s18+$0x100];
	[tilespmem:s16+$0x100] =	vst v14;
	v14 =	vadd.f32 v19, v12  }
0x642: {  	s4 =	sadd.s32 $0x4, s4;
	[smem:$0x7A3] =	sst s14;
	s22 =	sor.u32 s6, s30;
	[tilespmem:s16+$0x80] =	vst v18;
	v18 =	vld [tilespmem:s18+$0x180];
	v17 =	vadd.f32 v17, v13  }
0x643: {  	[smem:$0x79F] =	sst s17;
	s17 =	smov.u32 s9;
	s2 =	sor.u32 s29, s21;
	v19 =	vadd.f32 v20, v11;
	v15 =	vld [tilespmem:s22+$0x0];
	[tilespmem:s16+$0x180] =	vst v14  }
0x644: {  	v54 =	vld [tilespmem:s7+$0x0];
	[dreg:$0x16] =	wrdreg s2;
	s9 =	sadd.s32 $0x20, s15;
	v14 =	vadd.f32 v21, v11;
	[tilespmem:s31+$0xE000] =	vst v17;
	s31 =	sor.u32 $0x280, s24  }
0x645: {  	p1 =	slt.u32 s4, $0x44;
	s13 =	sor.u32 $0x300, s9;
	[smem:$0x7A2] =	sst s5;
	[tilespmem:s18+$0x0] =	vst v19;
	v17 =	vld [tilespmem:s31+$0xE000]  }
0x646: {  	s21 =	sor.u32 $0x200, s15;
	s14 =	sor.u32 $0x200, s9;
	[smem:$0x7A6] =	sst s13;
	v19 =	vld [tilespmem:s7+$0x80];
	[tilespmem:s18+$0x80] =	vst v14;
	v14 =	vadd.f32 v16, v11  }
0x647: {  	s11 =	sor.u32 $0x280, s9;
	s13 =	sor.u32 $0x300, s15;
	[smem:$0x7A8] =	sst s23;
	v16 =	vld [tilespmem:s7+$0x100];
	v18 =	vadd.f32 v18, v11  }
0x648: {  	s5 =	sor.u32 $0x380, s15;
	s23 =	sor.u32 s17, s30;
	s2 =	sor.u32 s19, s30;
	v15 =	vadd.f32 v15, v9;
	[tilespmem:s18+$0x100] =	vst v14  }
0x649: {  	v55 =	vld [tilespmem:s7+$0x180];
	[smem:$0x7A7] =	sst s5;
	s5 =	sor.u32 s29, s30;
	s30 =	sadd.s32 $0x10700, s1;
	v14 =	vadd.f32 v54, v10;
	[tilespmem:s18+$0x180] =	vst v18  }
0x64a: {  	s8 =	sor.u32 $0x280, s15;
	s15 =	sor.u32 $0x380, s9;
	s9 =	sor.u32 s6, s30;
	v56 =	vld [tilespmem:s21+$0xE000];
	[tilespmem:s22+$0x0] =	vst v15;
	v17 =	vadd.f32 v17, v13  }
0x64b: {  	s18 =	smov.u32 s0;
	s0 =	smov.u32 s4;
	s4 =	sld [smem:$0x79B];
	[tilespmem:s7+$0x0] =	vst v14;
	v14 =	vadd.f32 v19, v10;
	v15 =	vld [tilespmem:s9+$0x0]  }
0x64c: {  	[smem:$0x7A9] =	sst s23;
	v18 =	vld [tilespmem:s26+$0xE000];
	v16 =	vadd.f32 v16, v10;
	[tilespmem:s31+$0xE000] =	vst v17  }
0x64d: {  	[smem:$0x7AA] =	sst s2;
	s2 =	smov.u32 s3;
	v17 =	vld [tilespmem:s28+$0x0];
	[tilespmem:s7+$0x80] =	vst v14  }
0x64e: {  	s3 =	smov.u32 s28;
	s31 =	sor.u32 $0x300, s24;
	v14 =	vadd.f32 v55, v10;
	[tilespmem:s7+$0x100] =	vst v16;
	v16 =	vld [tilespmem:s4+$0x0];
	s28 =	sld [smem:$0x79C]  }
0x64f: {  	[smem:$0x7AB] =	sst s15;
	s16 =	sadd.s32 $0x10780, s1;
	v20 =	vadd.f32 v56, v12;
	v19 =	vld [tilespmem:s31+$0xE000]  }
0x650: {  	s15 =	sor.u32 s19, s30;
	s19 =	sor.u32 s19, s16;
	[tilespmem:s7+$0x180] =	vst v14;
	s7 =	sld [smem:$0x79D];
	v15 =	vadd.f32 v15, v9  }
0x651: {  	[smem:$0x7AC] =	sst s19;
	[tilespmem:s21+$0xE000] =	vst v20;
	v18 =	vadd.f32 v18, v11;
	v14 =	vld [tilespmem:s28+$0x0]  }
0x652: {  	s23 =	sor.u32 s17, s30;
	s21 =	rddreg [dreg:$0x11];
	v57 =	vld [tilespmem:s14+$0xE000];
	[tilespmem:s9+$0x0] =	vst v15;
	s9 =	sor.u32 s6, s16;
	v15 =	vadd.f32 v17, v6  }
0x653: {  	[tilespmem:s26+$0xE000] =	vst v18;
	s22 =	smov.u32 s7;
	s7 =	sor.u32 s17, s16;
	s17 =	sld [smem:$0x79E];
	v16 =	vadd.f32 v16, v7;
	v17 =	vld [tilespmem:s9+$0x0]  }
0x654: {  	v20 =	vld [tilespmem:s8+$0xE000];
	s6 =	sld [smem:$0x7A1];
	v18 =	vadd.f32 v19, v13;
	[tilespmem:s3+$0x0] =	vst v15  }
0x655: {  	v19 =	vld [tilespmem:s12+$0xE000];
	[tilespmem:s4+$0x0] =	vst v16;
	s4 =	smov.u32 s0;
	s0 =	sld [smem:$0x7A0]  }
0x656: {  	s19 =	smov.u32 s17;
	s17 =	smov.u32 s20;
	[tilespmem:s31+$0xE000] =	vst v18;
	s20 =	sor.u32 $0x380, s24;
	v14 =	vadd.f32 v14, v8;
	v15 =	vld [tilespmem:s21+$0x0]  }
0x657: {  	v18 =	vadd.f32 v57, v10;
	v58 =	vld [tilespmem:s20+$0xE000]  }
0x658: {  	v16 =	vld [tilespmem:s0+$0x0];
	[tilespmem:s28+$0x0] =	vst v14;
	v14 =	vadd.f32 v17, v9  }
0x659: {  	[tilespmem:s14+$0xE000] =	vst v18;
	v9 =	vmov v13;
	v13 =	vadd.f32 v20, v12;
	v17 =	vld [tilespmem:s6+$0x0]  }
0x65a: {  	s14 =	rddreg [dreg:$0x18];
	v18 =	vadd.f32 v19, v11;
	v19 =	vld [tilespmem:s11+$0xE000];
	[tilespmem:s9+$0x0] =	vst v14  }
0x65b: {  	s16 =	sor.u32 s29, s16;
	s28 =	sld [smem:$0x7A2];
	[tilespmem:s8+$0xE000] =	vst v13;
	v13 =	vadd.f32 v15, v6  }
0x65c: {  	[dreg:$0x1c] =	wrdreg s16;
	v14 =	vld [tilespmem:s14+$0x0];
	[tilespmem:s12+$0xE000] =	vst v18;
	v18 =	vadd.f32 v58, v9  }
0x65d: {  	s16 =	smov.u32 s25;
	s25 =	sadd.s32 $0x10400, s22;
	v15 =	vld [tilespmem:s13+$0xE000];
	v16 =	vadd.f32 v16, v7;
	[tilespmem:s21+$0x0] =	vst v13;
	s21 =	sld [smem:$0x7A4]  }
0x65e: {  	s1 =	sor.u32 s19, s25;
	v59 =	vld [tilespmem:s28+$0xE000];
	[tilespmem:s20+$0xE000] =	vst v18;
	s20 =	sld [smem:$0x7A3]  }
0x65f: {  	s30 =	sor.u32 s29, s30;
	v13 =	vadd.f32 v17, v8;
	v18 =	vadd.f32 v19, v10;
	v19 =	vld [tilespmem:s1+$0x0];
	[tilespmem:s0+$0x0] =	vst v16;
	s0 =	sld [smem:$0x7A5]  }
0x660: {  	s29 =	smov.u32 s10;
	s3 =	smov.u32 s2;
	s31 =	sld [smem:$0x7A6];
	v16 =	vld [tilespmem:s21+$0x0]  }
0x661: {  	s2 =	sor.u32 s17, s25;
	s9 =	smov.u32 s16;
	s16 =	smov.u32 s22;
	[tilespmem:s6+$0x0] =	vst v13;
	v13 =	vadd.f32 v14, v3;
	v17 =	vld [tilespmem:s20+$0x0]  }
0x662: {  	s22 =	smov.u32 s30;
	s30 =	smov.u32 s15;
	s15 =	sld [smem:$0x7A7];
	v14 =	vadd.f32 v15, v12;
	[tilespmem:s11+$0xE000] =	vst v18;
	v15 =	vld [tilespmem:s0+$0x0]  }
0x663: {  	s12 =	sor.u32 s29, s25;
	s10 =	sor.u32 s9, s25;
	s25 =	sld [smem:$0x7A8];
	v18 =	vadd.f32 v59, v11;
	v60 =	vld [tilespmem:s31+$0xE000];
	[tilespmem:s14+$0x0] =	vst v13  }
0x664: {  	s14 =	rddreg [dreg:$0xb];
	[tilespmem:s13+$0xE000] =	vst v14  }
0x665: {  	[tilespmem:s28+$0xE000] =	vst v18;
	s28 =	sadd.s32 $0x10480, s16;
	v14 =	vld [tilespmem:s14+$0x0];
	v18 =	vadd.f32 v19, v9  }
0x666: {  	s13 =	sor.u32 s9, s28;
	s11 =	sor.u32 s17, s28;
	v13 =	vadd.f32 v17, v6;
	v17 =	vld [tilespmem:s15+$0xE000]  }
0x667: {  	v19 =	vld [tilespmem:s25+$0xE000];
	s8 =	sor.u32 s19, s28;
	v16 =	vadd.f32 v16, v7;
	[tilespmem:s1+$0x0] =	vst v18;
	s1 =	sor.u32 s29, s28;
	s28 =	sld [smem:$0x7A9]  }
0x668: {  	s24 =	smov.u32 s23;
	s23 =	smov.u32 s5;
	s5 =	rddreg [dreg:$0x16];
	v61 =	vld [tilespmem:s8+$0x0];
	[tilespmem:s20+$0x0] =	vst v13;
	v13 =	vadd.f32 v15, v8  }
0x669: {  	v18 =	vadd.f32 v60, v10;
	[tilespmem:s21+$0x0] =	vst v16;
	s21 =	sld [smem:$0x7AB];
	v15 =	vld [tilespmem:s5+$0x0]  }
0x66a: {  	v16 =	vld [tilespmem:s28+$0x0];
	[tilespmem:s0+$0x0] =	vst v13;
	s0 =	smov.u32 s18;
	v13 =	vadd.f32 v14, v5;
	v5 =	vmov v7;
	v7 =	vmov v12;
	s18 =	sld [smem:$0x7AA]  }
0x66b: {  	[tilespmem:s31+$0xE000] =	vst v18;
	v12 =	vadd.f32 v17, v7  }
0x66c: {  	v18 =	vld [tilespmem:s21+$0xE000];
	v17 =	vadd.f32 v19, v11;
	[tilespmem:s14+$0x0] =	vst v13  }
0x66d: {  	v13 =	vadd.f32 v61, v9;
	v14 =	vld [tilespmem:s18+$0x0];
	[tilespmem:s15+$0xE000] =	vst v12;
	s15 =	rddreg [dreg:$0xe]  }
0x66e: {  	v12 =	vadd.f32 v15, v6;
	v15 =	vld [tilespmem:s15+$0x0];
	[tilespmem:s25+$0xE000] =	vst v17  }
0x66f: {  	v19 =	vld [tilespmem:s10+$0x0];
	v16 =	vadd.f32 v16, v5;
	[tilespmem:s8+$0x0] =	vst v13  }
0x670: {  	v62 =	vld [tilespmem:s2+$0x0];
	[tilespmem:s5+$0x0] =	vst v12  }
.Ltmp3:
0x671: {  	s20 =	smov.u32 s7;
	s7 =	sadd.s32 $0x10500, s16;
	v18 =	vadd.f32 v18, v10;
	[tilespmem:s28+$0x0] =	vst v16;
	v13 =	vld [tilespmem:s23+$0x0];
	(pc) =	sbr.rel @p1 .LBB2_9-.Ltmp3, $4  }
0x672: {  	s5 =	sor.u32 s19, s7;
	s28 =	sld [smem:$0x7AC];
	v12 =	vld [tilespmem:s24+$0x0];
	v17 =	vadd.f32 v14, v8  }
0x673: {  	s26 =	sld [smem:$0x79F];
	s3 =	sadd.s32 $0x40, s3;
	[tilespmem:s21+$0xE000] =	vst v18;
	v14 =	vld [tilespmem:s5+$0x0];
	v63 =	vadd.f32 v15, v4  }
0x674: {  	s31 =	smov.u32 s17;
	s0 =	sadd.s32 $0x200, s0;
	s14 =	sor.u32 s17, s7;
	v4 =	vmov v8;
	v8 =	vmov v11;
	v15 =	vld [tilespmem:s12+$0x0];
	[tilespmem:s18+$0x0] =	vst v17  }
0x675: {  	s25 =	sor.u32 s9, s7;
	s7 =	sor.u32 s29, s7;
	s6 =	smov.u32 s28;
	v17 =	vadd.f32 v19, v7;
	v16 =	vadd.f32 v62, v8;
	v11 =	vld [tilespmem:s30+$0x0];
	[tilespmem:s15+$0x0] =	vst v63  }
0x676: {  	_ = 	snop  }
0x677: {  	[tilespmem:s10+$0x0] =	vst v17  }
0x678: {  	v39 =	vld [tilespmem:s13+$0x0]  }
0x679: {  	[tilespmem:s2+$0x0] =	vst v16  }
0x67a: {  	v40 =	vld [tilespmem:s11+$0x0];
	v15 =	vadd.f32 v15, v10;
	_ =	sdelay $0x1  }
0x67b: {  	[tilespmem:s12+$0x0] =	vst v15  }
0x67c: {  	v41 =	vld [tilespmem:s1+$0x0];
	v16 =	vadd.f32 v39, v7;
	_ =	sdelay $0x1  }
0x67d: {  	v15 =	vadd.f32 v40, v8;
	[tilespmem:s13+$0x0] =	vst v16  }
0x67e: {  	v43 =	vld [tilespmem:s25+$0x0]  }
0x67f: {  	v14 =	vadd.f32 v14, v9;
	[tilespmem:s11+$0x0] =	vst v15  }
0x680: {  	s0 =	sadd.s32 $0x10580, s16;
	v44 =	vld [tilespmem:s14+$0x0];
	v42 =	vadd.f32 v41, v10  }
0x681: {  	s18 =	sor.u32 s19, s0;
	[tilespmem:s5+$0x0] =	vst v14  }
0x682: {  	v14 =	vld [tilespmem:s18+$0x0];
	[tilespmem:s1+$0x0] =	vst v42  }
0x683: {  	v16 =	vld [tilespmem:s7+$0x0];
	v15 =	vadd.f32 v43, v7;
	_ =	sdelay $0x1  }
0x684: {  	s21 =	sor.u32 s9, s0;
	v17 =	vadd.f32 v44, v8;
	[tilespmem:s25+$0x0] =	vst v15  }
0x685: {  	v46 =	vld [tilespmem:s21+$0x0]  }
0x686: {  	s3 =	sor.u32 s31, s0;
	v14 =	vadd.f32 v14, v9;
	[tilespmem:s14+$0x0] =	vst v17  }
0x687: {  	s4 =	sadd.s32 $0x10600, s16;
	v17 =	vld [tilespmem:s3+$0x0];
	v45 =	vadd.f32 v16, v10  }
0x688: {  	[tilespmem:s18+$0x0] =	vst v14;
	s25 =	sor.u32 s19, s4  }
0x689: {  	s0 =	sor.u32 s29, s0;
	v14 =	vld [tilespmem:s25+$0x0];
	[tilespmem:s7+$0x0] =	vst v45  }
0x68a: {  	v15 =	vld [tilespmem:s0+$0x0];
	v16 =	vadd.f32 v46, v7;
	_ =	sdelay $0x1  }
0x68b: {  	s28 =	sor.u32 s9, s4;
	v17 =	vadd.f32 v17, v8;
	[tilespmem:s21+$0x0] =	vst v16  }
0x68c: {  	v16 =	vld [tilespmem:s28+$0x0]  }
0x68d: {  	s5 =	sor.u32 s31, s4;
	v14 =	vadd.f32 v14, v9;
	[tilespmem:s3+$0x0] =	vst v17  }
0x68e: {  	s7 =	sadd.s32 $0x10680, s16;
	v17 =	vld [tilespmem:s5+$0x0];
	v15 =	vadd.f32 v15, v10  }
0x68f: {  	s8 =	sor.u32 s19, s7;
	[tilespmem:s25+$0x0] =	vst v14  }
0x690: {  	s4 =	sor.u32 s29, s4;
	v14 =	vld [tilespmem:s8+$0x0];
	[tilespmem:s0+$0x0] =	vst v15  }
0x691: {  	v15 =	vld [tilespmem:s4+$0x0];
	v16 =	vadd.f32 v16, v7;
	_ =	sdelay $0x1  }
0x692: {  	s10 =	sor.u32 s9, s7;
	v17 =	vadd.f32 v17, v8;
	[tilespmem:s28+$0x0] =	vst v16  }
0x693: {  	v16 =	vld [tilespmem:s10+$0x0]  }
0x694: {  	s11 =	sor.u32 s31, s7;
	v14 =	vadd.f32 v14, v9;
	[tilespmem:s5+$0x0] =	vst v17  }
0x695: {  	s12 =	sadd.s32 $0x10700, s16;
	v17 =	vld [tilespmem:s11+$0x0];
	v15 =	vadd.f32 v15, v10  }
0x696: {  	s13 =	sor.u32 s19, s12;
	[tilespmem:s8+$0x0] =	vst v14  }
0x697: {  	v13 =	vadd.f32 v13, v6;
	s0 =	sor.u32 s29, s7;
	v14 =	vld [tilespmem:s13+$0x0];
	[tilespmem:s4+$0x0] =	vst v15  }
0x698: {  	v15 =	vld [tilespmem:s0+$0x0];
	v16 =	vadd.f32 v16, v7  }
0x699: {  	[tilespmem:s23+$0x0] =	vst v13  }
0x69a: {  	v48 =	vld [tilespmem:s22+$0x0];
	s14 =	sor.u32 s9, s12;
	v47 =	vadd.f32 v17, v8;
	[tilespmem:s10+$0x0] =	vst v16  }
0x69b: {  	v12 =	vadd.f32 v12, v5;
	v49 =	vld [tilespmem:s14+$0x0]  }
0x69c: {  	s15 =	sor.u32 s31, s12;
	v14 =	vadd.f32 v14, v9;
	[tilespmem:s11+$0x0] =	vst v47  }
0x69d: {  	[tilespmem:s24+$0x0] =	vst v12;
	s18 =	sadd.s32 $0x10780, s16;
	v50 =	vld [tilespmem:s15+$0x0];
	v15 =	vadd.f32 v15, v10  }
0x69e: {  	v52 =	vld [tilespmem:s26+$0x0];
	v11 =	vadd.f32 v11, v4;
	s19 =	sor.u32 s19, s18;
	[tilespmem:s13+$0x0] =	vst v14  }
0x69f: {  	s17 =	sor.u32 s29, s12;
	v16 =	vadd.f32 v48, v6;
	v53 =	vld [tilespmem:s19+$0x0];
	[tilespmem:s0+$0x0] =	vst v15  }
0x6a0: {  	[tilespmem:s30+$0x0] =	vst v11;
	v51 =	vld [tilespmem:s17+$0x0];
	v13 =	vadd.f32 v49, v7  }
0x6a1: {  	[tilespmem:s22+$0x0] =	vst v16  }
0x6a2: {  	v54 =	vld [tilespmem:s20+$0x0];
	v15 =	vadd.f32 v50, v8;
	[tilespmem:s14+$0x0] =	vst v13  }
0x6a3: {  	v3 =	vadd.f32 v52, v3;
	v55 =	vld [tilespmem:s6+$0x0];
	s5 =	rddreg [dreg:$0x1c]  }
0x6a4: {  	s21 =	sor.u32 s9, s18;
	v58 =	vadd.f32 v53, v9;
	[tilespmem:s15+$0x0] =	vst v15;
	v56 =	vld [tilespmem:s5+$0x0]  }
0x6a5: {  	v57 =	vld [tilespmem:s21+$0x0];
	[tilespmem:s26+$0x0] =	vst v3;
	v17 =	vadd.f32 v51, v10  }
0x6a6: {  	[tilespmem:s19+$0x0] =	vst v58  }
0x6a7: {  	v3 =	vadd.f32 v54, v5;
	[tilespmem:s17+$0x0] =	vst v17  }
0x6a8: {  	v61 =	vadd.f32 v55, v4;
	s0 =	sld [smem:$0x7D8]  }
0x6a9: {  	s22 =	sor.u32 s31, s18;
	s1 =	sld [smem:$0x7C2];
	[tilespmem:s20+$0x0] =	vst v3;
	v3 =	vadd.f32 v56, v6  }
0x6aa: {  	s4 =	sor.u32 s29, s18;
	v59 =	vld [tilespmem:s22+$0x0];
	[tilespmem:s6+$0x0] =	vst v61;
	v62 =	vadd.f32 v57, v7  }
0x6ab: {  	v60 =	vld [tilespmem:s4+$0x0];
	[tilespmem:s5+$0x0] =	vst v3  }
0x6ac: {  	s0 =	ssub.s32 s0, s1;
	s23 =	sld [smem:$0x7D7];
	[tilespmem:s21+$0x0] =	vst v62  }
0x6ad: {  	s0 =	smul.u32 $0x120000, s0;
	s24 =	sld [smem:$0x7F5]  }
0x6ae: {  	_ = 	snop  }
0x6af: {  	v3 =	vadd.f32 v59, v8;
	s0 =	sadd.s32 s0, s23  }
0x6b0: {  	v63 =	vadd.f32 v60, v10;
	s0 =	sor.u32 s24, s0  }
0x6b1: {  	s2 =	simm.s32 $0x80;
	s25 =	rddreg [dreg:$0x3];
	[tilespmem:s22+$0x0] =	vst v3;
	s0 =	sshrl.u32 s0, $0x3  }
0x6b2: {  	s3 =	simm.s32 $0x12000;
	s26 =	simm.s32 $0xE000;
	[tilespmem:s4+$0x0] =	vst v63;
	s0 =	sadd.s32 s25, s0  }
0x6b3: {  	[hbm4b:s0+s2] =	stream.strided.scatter [tilespmem:s26], [sflag:$0x8], $0x400, s3, s2, $0x38;
	[tilespmem:$0x13100] =	vst v63  }
0x6b4: {  	s29 =	simm.s32 $0xE400;
	s28 =	sadd.s32 $0x80, s0  }
0x6b5: {  	[hbm4b:s28+s2] =	stream.strided.scatter [tilespmem:s29], [sflag:$0x8], $0x400, s3, s2, $0x38;
	[tilespmem:$0x13100] =	vst v63  }
0x6b6: {  	s31 =	simm.s32 $0xE800;
	s30 =	sadd.s32 $0x100, s0  }
0x6b7: {  	[hbm4b:s30+s2] =	stream.strided.scatter [tilespmem:s31], [sflag:$0x8], $0x400, s3, s2, $0x38;
	[tilespmem:$0x13100] =	vst v63  }
0x6b8: {  	s5 =	simm.s32 $0xEC00;
	s4 =	sadd.s32 $0x180, s0  }
0x6b9: {  	[hbm4b:s4+s2] =	stream.strided.scatter [tilespmem:s5], [sflag:$0x8], $0x400, s3, s2, $0x38;
	[tilespmem:$0x13100] =	vst v63  }
0x6ba: {  	s7 =	simm.s32 $0xF000;
	s6 =	sadd.s32 $0x200, s0  }
0x6bb: {  	[hbm4b:s6+s2] =	stream.strided.scatter [tilespmem:s7], [sflag:$0x8], $0x400, s3, s2, $0x38;
	[tilespmem:$0x13100] =	vst v63  }
0x6bc: {  	s9 =	simm.s32 $0xF400;
	s8 =	sadd.s32 $0x280, s0  }
0x6bd: {  	[hbm4b:s8+s2] =	stream.strided.scatter [tilespmem:s9], [sflag:$0x8], $0x400, s3, s2, $0x38;
	[tilespmem:$0x13100] =	vst v63  }
0x6be: {  	s11 =	simm.s32 $0xF800;
	s10 =	sadd.s32 $0x300, s0  }
0x6bf: {  	[hbm4b:s10+s2] =	stream.strided.scatter [tilespmem:s11], [sflag:$0x8], $0x400, s3, s2, $0x38;
	[tilespmem:$0x13100] =	vst v63  }
0x6c0: {  	s13 =	simm.s32 $0xFC00;
	s12 =	sadd.s32 $0x380, s0  }
0x6c1: {  	[hbm4b:s12+s2] =	stream.strided.scatter [tilespmem:s13], [sflag:$0x8], $0x400, s3, s2, $0x38;
	[tilespmem:$0x13100] =	vst v63  }
0x6c2: {  	s15 =	simm.s32 $0x10000;
	s14 =	sadd.s32 $0x400, s0  }
0x6c3: {  	[hbm4b:s14+s2] =	stream.strided.scatter [tilespmem:s15], [sflag:$0x8], $0x400, s3, s2, $0x38;
	[tilespmem:$0x13100] =	vst v63  }
0x6c4: {  	s16 =	simm.s32 $0x10400;
	s0 =	sadd.s32 $0x12000, s0  }
0x6c5: {  	[hbm4b:s0+s2] =	stream.strided.scatter [tilespmem:s16], [sflag:$0x8], $0x400, s3, s2, $0x38;
	[tilespmem:$0x13100] =	vst v63  }
0x6c6: {  	s18 =	simm.s32 $0x10800;
	s17 =	sadd.s32 $0x80, s0  }
0x6c7: {  	[hbm4b:s17+s2] =	stream.strided.scatter [tilespmem:s18], [sflag:$0x8], $0x400, s3, s2, $0x38;
	[tilespmem:$0x13100] =	vst v63  }
0x6c8: {  	s20 =	simm.s32 $0x10C00;
	s19 =	sadd.s32 $0x100, s0  }
0x6c9: {  	[hbm4b:s19+s2] =	stream.strided.scatter [tilespmem:s20], [sflag:$0x8], $0x400, s3, s2, $0x38;
	[tilespmem:$0x13100] =	vst v63  }
0x6ca: {  	s22 =	simm.s32 $0x11000;
	s21 =	sadd.s32 $0x180, s0;
	s7 =	sld [smem:$0x7EF]  }
0x6cb: {  	[hbm4b:s21+s2] =	stream.strided.scatter [tilespmem:s22], [sflag:$0x8], $0x400, s3, s2, $0x38;
	[tilespmem:$0x13100] =	vst v63  }
0x6cc: {  	s24 =	simm.s32 $0x11400;
	s23 =	sadd.s32 $0x200, s0  }
0x6cd: {  	[hbm4b:s23+s2] =	stream.strided.scatter [tilespmem:s24], [sflag:$0x8], $0x400, s3, s2, $0x38;
	[tilespmem:$0x13100] =	vst v63  }
0x6ce: {  	s26 =	simm.s32 $0x11800;
	s25 =	sadd.s32 $0x280, s0;
	s7 =	sadd.s32 $0x1, s7  }
0x6cf: {  	[hbm4b:s25+s2] =	stream.strided.scatter [tilespmem:s26], [sflag:$0x8], $0x400, s3, s2, $0x38;
	[tilespmem:$0x13100] =	vst v63  }
0x6d0: {  	s28 =	sadd.s32 $0x300, s0;
	s29 =	simm.s32 $0x11C00;
	p0 =	sne.s32 s7, $0x20  }
0x6d1: {  	[hbm4b:s28+s2] =	stream.strided.scatter [tilespmem:s29], [sflag:$0x8], $0x400, s3, s2, $0x38;
	[tilespmem:$0x13100] =	vst v63  }
.Ltmp4:
0x6d2: {  	_ = 	snop;
	(pc) =	sbr.rel @p0 .LBB2_2-.Ltmp4, $4  }
0x6d3: {  	s30 =	sadd.s32 $0x380, s0  }
0x6d4: {  	[hbm4b:s30+s2] =	stream.strided.scatter [tilespmem:s3], [sflag:$0x8], $0x400, s3, s2, $0x38;
	[tilespmem:$0x13100] =	vst v63  }
0x6d5: {  	s31 =	simm.s32 $0x12400;
	s0 =	sadd.s32 $0x400, s0  }
0x6d6: {  	[hbm4b:s0+s2] =	stream.strided.scatter [tilespmem:s31], [sflag:$0x8], $0x400, s3, s2, $0x38;
	[tilespmem:$0x13100] =	vst v63  }
0x6d7: {  	s0 =	simm.s32 $0x7  }
0x6d8: {  	_ =	swait.ge [sflag:s0], $0x4800  }
0x6d9: {  	[sflag:s0] =	ssyncset.done $0x0  }
0x6da: {  	s1 =	simm.s32 $0x8;
	[sflag:s0] =	ssyncadd.s32 $0xFFFFB800  }
0x6db: {  	_ =	swait.ge [sflag:s1], $0x4800  }
0x6dc: {  	s2 =	sld [smem:$0x7F2]  }
0x6dd: {  	s31 =	sld [smem:$0x7FD];
	_ =	sdelay $0x1  }
0x6de: {  	s2 =	sadd.s32 $0x1, s2  }
0x6df: {  	p0 =	sne.s32 s2, s31  }
.Ltmp5:
0x6e0: {  	_ = 	snop;
	(pc) =	sbr.rel @p0 .LBB2_1-.Ltmp5, $3  }
0x6e1: {  	_ =	sdelay $0x1  }
0x6e2: {  	[sflag:s1] =	ssyncset.done $0x0  }
0x6e3: {  	[sflag:s1] =	ssyncadd.s32 $0xFFFFB800  }
0x6e4: {  	_ =	sfence.sel $0x180000  }
0x6e5: {  	[bflag:$0x0] =	sbarrier.arrive $0xFFFF  }
0x6e6: {  	_ =	strace $0x90000047  }
0x6e7: {  	s0 =	stileid.u32;
	[bflag:$0x2] =	sbarrier.arrive $0xFFFF  }
0x6e8: {  	p0 =	sne.s32 s0, $0x0;
	s0 =	rddreg [dreg:$0x4]  }
0x6e9: {  	s0 =	sadd.s32 @!p0 $0x100000, s0  }
0x6ea: {  	[sflag:s0] =	ssyncadd.tile.s32 @!p0 $0x1;
	_ =	shalt  }
.Lfunc_end2:
_tile_overlayer_lowered:
.L_overlay_start_2:
0x6eb: {  	(tag) =	ssettag $0x2  }
0x6ec: {  	s0 =	rddreg [dreg:$0x0];
	s2 =	stileid.u32  }
0x6ed: {  	s1 =	rddreg [dreg:$0x1];
	p0 =	sne.s32 s2, $0x0  }
0x6ee: {  	s3 =	rddreg [dreg:$0x2];
	[bflag:$0x3] =	sbarrier.arrive $0xFFFF;
	s2 =	simm.s32 @!p0 $0x1C09  }
0x6ef: {  	[timem:s3], [sflag:s2] =	dma.local @!p0 [hbm:s0], s1  }
0x6f0: {  	s0 =	simm.s32 @!p0 $0x9  }
0x6f1: {  	_ =	swait.ge @!p0 [sflag:s0], s1  }
0x6f2: {  	s1 =	ssub.s32 @!p0 $0x0, s1;
	[sflag:s0] =	ssyncset.done @!p0 $0x0  }
0x6f3: {  	[sflag:s0] =	ssyncadd.s32 @!p0 s1  }
0x6f4: {  	[bflag:$0x3] =	sbarrier.arrive $0xFFFF  }
0x6f5: {  	_ =	shalt  }

</sc_bundles>
